<compile_context>
chip_gen: v7x
topology: tpu7x:2x2x1
jax: 0.10.2.dev20260603
libtpu: 0.0.44.dev20260713+nightly
codegen_flags: <defaults>
</compile_context>

<pallas_src>
import jax
import jax.numpy as jnp
from jax import lax
from jax.experimental import pallas as pl
from jax.experimental.pallas import tpu as pltpu
from jax.experimental.pallas import tpu_sc as plsc

BLOCK = 64
EPS = 1e-06
K = 128
KF = float(K)
NCELL_PAD = 272
CHUNK = 16384
LANES = 16


def _build_sc_call(n_total):
    info = plsc.get_sparse_core_info()
    nworkers = info.num_cores * info.num_subcores
    wpw = n_total // nworkers
    assert n_total % (nworkers * BLOCK) == 0
    nchunk = wpw // CHUNK
    assert wpw % CHUNK == 0

    def body(w_hbm, ls_hbm, cb_hbm, out_hbm,
             in_v, out_v, thr_v, lo_v, hi_v, cb_v, mid_v, ev_v):
        wid = lax.axis_index("s") * info.num_cores + lax.axis_index("c")
        pltpu.sync_copy(cb_hbm, cb_v)
        pltpu.sync_copy(ls_hbm, ev_v)
        iota = lax.broadcasted_iota(jnp.int32, (LANES,), 0)
        c = cb_v[...]
        cnext = plsc.load_gather(cb_v, [jnp.minimum(iota + 1, 15)])
        mid = jnp.where(iota < 15, 0.5 * (c + cnext), jnp.float32(1e30))
        mid_v[...] = mid
        ev = jnp.exp(ev_v[...])
        ev_v[...] = ev

        for t in range(NCELL_PAD // LANES):
            u = t * LANES + iota
            eu = (u.astype(jnp.float32) - KF) * (1.0 / KF)
            n = jnp.zeros((LANES,), jnp.int32)
            for i in range(15):
                n = n + jnp.where(mid[i] < eu, 1, 0)
            sl = pl.ds(t * LANES, LANES)
            thr_v[sl] = plsc.load_gather(mid_v, [n]) * KF
            lo_v[sl] = plsc.load_gather(cb_v, [n])
            hi_v[sl] = plsc.load_gather(cb_v, [jnp.minimum(n + 1, 15)])

        for ch in range(nchunk):
            off = wid * wpw + ch * CHUNK
            pltpu.sync_copy(w_hbm.at[pl.ds(off, CHUNK)], in_v)

            def blk(b, carry):
                base = b * BLOCK
                x0 = in_v[pl.ds(base, LANES)]
                x1 = in_v[pl.ds(base + 16, LANES)]
                x2 = in_v[pl.ds(base + 32, LANES)]
                x3 = in_v[pl.ds(base + 48, LANES)]
                a = jnp.maximum(jnp.maximum(jnp.abs(x0), jnp.abs(x1)),
                                jnp.maximum(jnp.abs(x2), jnp.abs(x3)))
                m = jnp.max(a)
                sv = jnp.maximum(jnp.broadcast_to(m, (LANES,)) * ev,
                                 jnp.float32(EPS))
                inv_k = KF / sv
                for j, x in enumerate((x0, x1, x2, x3)):
                    uf = jnp.clip(x * inv_k, -KF, KF)
                    ui = (uf + KF).astype(jnp.int32)
                    thr = plsc.load_gather(thr_v, [ui])
                    lov = plsc.load_gather(lo_v, [ui])
                    hiv = plsc.load_gather(hi_v, [ui])
                    out_v[pl.ds(base + j * LANES, LANES)] = (
                        jnp.where(uf > thr, hiv, lov) * sv)
                return carry

            lax.fori_loop(0, CHUNK // BLOCK, blk, 0)
            pltpu.sync_copy(out_v, out_hbm.at[pl.ds(off, CHUNK)])

    return pl.kernel(
        body,
        out_type=jax.ShapeDtypeStruct((n_total,), jnp.float32),
        mesh=plsc.VectorSubcoreMesh(core_axis_name="c", subcore_axis_name="s"),
        compiler_params=pltpu.CompilerParams(needs_layout_passes=False),
        scratch_types=[
            pltpu.VMEM((CHUNK,), jnp.float32),
            pltpu.VMEM((CHUNK,), jnp.float32),
            pltpu.VMEM((NCELL_PAD,), jnp.float32),
            pltpu.VMEM((NCELL_PAD,), jnp.float32),
            pltpu.VMEM((NCELL_PAD,), jnp.float32),
            pltpu.VMEM((LANES,), jnp.float32),
            pltpu.VMEM((LANES,), jnp.float32),
            pltpu.VMEM((LANES,), jnp.float32),
        ],
    )


def kernel(w, log_scale, nf4_codebook):
    out_f, in_f = w.shape
    wf = w.reshape(-1)
    ls16 = jnp.broadcast_to(log_scale.astype(jnp.float32), (LANES,))
    cb = nf4_codebook.astype(jnp.float32)
    out = _build_sc_call(wf.shape[0])(wf, ls16, cb)
    return out.reshape(out_f, in_f)

# --- scband reference (transcript-rebuilt; emitter-appended) ---
"""Pipeline reference for scband-nf4-weight-quantizer-72249939853554 (READ-ONLY COPY).

The authoritative reference and input builder live on the scoring server;
editing this copy changes nothing except your own understanding.
"""

import jax, jax.numpy as jnp
import numpy as np

BLOCK_SIZE = 64
EPS = 1e-06

NF4_VALUES = [-1.0, -0.6961928, -0.52507305, -0.39491749, -0.28444138, -0.18477343, -0.09105004, 0.0, 0.0795803, 0.1609302, 0.2461123, 0.33791524, 0.44070983, 0.562617, 0.72295684, 1.0]


def setup_inputs(seed: int = 0) -> dict:
    key = jax.random.key(seed)
    k1, = jax.random.split(key, 1)
    w = jax.random.normal(k1, (2048, 2048), dtype=jnp.float32)
    log_scale = jnp.zeros((1,), dtype=jnp.float32)
    nf4_codebook = jnp.asarray(NF4_VALUES, dtype=jnp.float32)
    return {"w": w, "log_scale": log_scale, "nf4_codebook": nf4_codebook}


def reference(w, log_scale, nf4_codebook):
    block_size = BLOCK_SIZE
    eps = EPS
    out_f, in_f = w.shape
    pad = (block_size - in_f % block_size) % block_size
    if pad:
        w = jnp.pad(w, ((0, 0), (0, pad)))
    w_blk = w.reshape(out_f, -1, block_size)
    w_flat = w_blk.reshape(-1, block_size)
    absmax = jnp.max(jnp.abs(w_flat), axis=1, keepdims=True)
    scale = absmax * jnp.exp(log_scale)
    scale = jnp.maximum(scale, eps)
    w_norm = jnp.clip(w_flat / scale, -1.0, 1.0)
    dist = jnp.abs(w_norm[:, :, None] - nf4_codebook[None, None, :])
    idx = jnp.argmin(dist, axis=-1)
    w_q_norm_hard = jnp.take(nf4_codebook, idx, axis=0)
    w_q_norm = w_norm + jax.lax.stop_gradient(w_q_norm_hard - w_norm)
    w_q = (w_q_norm * scale).reshape(out_f, -1)
    if pad:
        w_q = w_q[:, :-pad]
    return w_q

if __name__ == "__main__":
    import jax
    _d = setup_inputs()
    print(jax.jit(kernel)(*tuple(_d.values())))

</pallas_src>

<mosaic_0001>
#map = affine_map<(d0, d1) -> (0)>
module attributes {stable_mosaic.version = 14 : i64} {
  func.func @body(%arg0: i32, %arg1: i32, %arg2: memref<4194304xf32, #tpu.memory_space<hbm>>, %arg3: memref<16xf32, #tpu.memory_space<hbm>>, %arg4: memref<16xf32, #tpu.memory_space<hbm>>, %arg5: memref<4194304xf32, #tpu.memory_space<hbm>>, %arg6: memref<16384xf32, #tpu.memory_space<vmem>>, %arg7: memref<16384xf32, #tpu.memory_space<vmem>>, %arg8: memref<272xf32, #tpu.memory_space<vmem>>, %arg9: memref<272xf32, #tpu.memory_space<vmem>>, %arg10: memref<272xf32, #tpu.memory_space<vmem>>, %arg11: memref<16xf32, #tpu.memory_space<vmem>>, %arg12: memref<16xf32, #tpu.memory_space<vmem>>, %arg13: memref<16xf32, #tpu.memory_space<vmem>>) attributes {dimension_semantics = [#tpu.dimension_semantics<core_parallel>, #tpu.dimension_semantics<subcore_parallel>], iteration_bounds = array<i64: 2, 16>, scalar_prefetch = 0 : i64, scratch_operands = 8 : i64, tpu.core_type = #tpu.core_type<sc_vector_subcore>, window_params = [{transform_indices = #map}, {transform_indices = #map}, {transform_indices = #map}, {transform_indices = #map}]} {
    %mul3A = arith.constant 2 : i32
    %mul3A_0 = arith.muli %arg1, %mul3A : i32
    %add3A = arith.addi %mul3A_0, %arg0 : i32
    "tpu.region"() ({
      %run_scoped3A = tpu.sem_alloc : memref<!tpu.dma_semaphore, #tpu.memory_space<semaphore_mem>>
      tpu.enqueue_dma source(%arg4 : memref<16xf32, #tpu.memory_space<hbm>>) target(%arg11 : memref<16xf32, #tpu.memory_space<vmem>>) target_semaphore(%run_scoped3A : memref<!tpu.dma_semaphore, #tpu.memory_space<semaphore_mem>>)
      tpu.wait_dma2 semaphore(%run_scoped3A : memref<!tpu.dma_semaphore, #tpu.memory_space<semaphore_mem>>) src(%arg4 : memref<16xf32, #tpu.memory_space<hbm>>) dst(%arg11 : memref<16xf32, #tpu.memory_space<vmem>>)
      tpu.yield
    }) : () -> ()
    "tpu.region"() ({
      %run_scoped3A = tpu.sem_alloc : memref<!tpu.dma_semaphore, #tpu.memory_space<semaphore_mem>>
      tpu.enqueue_dma source(%arg3 : memref<16xf32, #tpu.memory_space<hbm>>) target(%arg13 : memref<16xf32, #tpu.memory_space<vmem>>) target_semaphore(%run_scoped3A : memref<!tpu.dma_semaphore, #tpu.memory_space<semaphore_mem>>)
      tpu.wait_dma2 semaphore(%run_scoped3A : memref<!tpu.dma_semaphore, #tpu.memory_space<semaphore_mem>>) src(%arg3 : memref<16xf32, #tpu.memory_space<hbm>>) dst(%arg13 : memref<16xf32, #tpu.memory_space<vmem>>)
      tpu.yield
    }) : () -> ()
    %iota3A = tpu.iota {dimensions = array<i32: 0>} : vector<16xi32>
    %get3A = arith.constant 0 : index
    %get3A_1 = tpu.vector_load %arg11[%get3A] {strides = array<i32>} : memref<16xf32, #tpu.memory_space<vmem>>, vector<16xf32>,
    %add3A_2 = arith.constant 1 : i32
    %add3A_3 = vector.broadcast %add3A_2 : i32 to vector<16xi32>
    %add3A_4 = arith.addi %iota3A, %add3A_3 : vector<16xi32>
    %min3A = arith.constant 15 : i32
    %min3A_5 = vector.broadcast %min3A : i32 to vector<16xi32>
    %min3A_6 = arith.minsi %add3A_4, %min3A_5 : vector<16xi32>
    %gather3A = tpu.vector_load_idx %arg11[%min3A_6] : memref<16xf32, #tpu.memory_space<vmem>>[vector<16xi32>], vector<16xf32>,
    %lt3A = arith.constant 15 : i32
    %lt3A_7 = vector.broadcast %lt3A : i32 to vector<16xi32>
    %lt3A_8 = arith.cmpi slt, %iota3A, %lt3A_7 : vector<16xi32>
    %add3A_9 = arith.addf %get3A_1, %gather3A : vector<16xf32>
    %mul3A_10 = arith.constant 5.000000e-01 : f32
    %mul3A_11 = vector.broadcast %mul3A_10 : f32 to vector<16xf32>
    %mul3A_12 = arith.mulf %mul3A_11, %add3A_9 : vector<16xf32>
    %jit3A = arith.constant 1.000000e+30 : f32
    %broadcast_in_dim3A = vector.broadcast %jit3A : f32 to vector<16xf32>
    %select_n3A = arith.select %lt3A_8, %mul3A_12, %broadcast_in_dim3A : vector<16xi1>, vector<16xf32>
    %swap3A = arith.constant 0 : index
    %swap3A_13 = tpu.vector_load %arg12[%swap3A] {strides = array<i32>} : memref<16xf32, #tpu.memory_space<vmem>>, vector<16xf32>,
    tpu.vector_store %arg12[%swap3A], %select_n3A {strides = array<i32>} : memref<16xf32, #tpu.memory_space<vmem>>, vector<16xf32>,
    %get3A_14 = arith.constant 0 : index
    %get3A_15 = tpu.vector_load %arg13[%get3A_14] {strides = array<i32>} : memref<16xf32, #tpu.memory_space<vmem>>, vector<16xf32>,
    %exp3A = math.exp %get3A_15 : vector<16xf32>
    %swap3A_16 = arith.constant 0 : index
    %swap3A_17 = tpu.vector_load %arg13[%swap3A_16] {strides = array<i32>} : memref<16xf32, #tpu.memory_space<vmem>>, vector<16xf32>,
    tpu.vector_store %arg13[%swap3A_16], %exp3A {strides = array<i32>} : memref<16xf32, #tpu.memory_space<vmem>>, vector<16xf32>,
    %add3A_18 = arith.constant 0 : i32
    %add3A_19 = vector.broadcast %add3A_18 : i32 to vector<16xi32>
    %add3A_20 = arith.addi %add3A_19, %iota3A : vector<16xi32>
    %convert_element_type3A = arith.sitofp %add3A_20 : vector<16xi32> to vector<16xf32>
    %sub3A = arith.constant 1.280000e+02 : f32
    %sub3A_21 = vector.broadcast %sub3A : f32 to vector<16xf32>
    %sub3A_22 = arith.subf %convert_element_type3A, %sub3A_21 : vector<16xf32>
    %mul3A_23 = arith.constant 7.812500e-03 : f32
    %mul3A_24 = vector.broadcast %mul3A_23 : f32 to vector<16xf32>
    %mul3A_25 = arith.mulf %sub3A_22, %mul3A_24 : vector<16xf32>
    %broadcast_in_dim3A_26 = arith.constant 0 : i32
    %broadcast_in_dim3A_27 = vector.broadcast %broadcast_in_dim3A_26 : i32 to vector<16xi32>
    %slice3A = vector.extract_strided_slice %select_n3A {offsets = [0], sizes = [1], strides = [1]} : vector<16xf32> to vector<1xf32>
    %squeeze3A = vector.extract %slice3A[0] : f32 from vector<1xf32>
    %lt3A_28 = vector.broadcast %squeeze3A : f32 to vector<16xf32>
    %lt3A_29 = arith.cmpf olt, %lt3A_28, %mul3A_25 : vector<16xf32>
    %jit3A_30 = arith.constant 1 : i32
    %jit3A_31 = arith.constant 0 : i32
    %broadcast_in_dim3A_32 = vector.broadcast %jit3A_30 : i32 to vector<16xi32>
    %broadcast_in_dim3A_33 = vector.broadcast %jit3A_31 : i32 to vector<16xi32>
    %select_n3A_34 = arith.select %lt3A_29, %broadcast_in_dim3A_32, %broadcast_in_dim3A_33 : vector<16xi1>, vector<16xi32>
    %add3A_35 = arith.addi %broadcast_in_dim3A_27, %select_n3A_34 : vector<16xi32>
    %slice3A_36 = vector.extract_strided_slice %select_n3A {offsets = [1], sizes = [1], strides = [1]} : vector<16xf32> to vector<1xf32>
    %squeeze3A_37 = vector.extract %slice3A_36[0] : f32 from vector<1xf32>
    %lt3A_38 = vector.broadcast %squeeze3A_37 : f32 to vector<16xf32>
    %lt3A_39 = arith.cmpf olt, %lt3A_38, %mul3A_25 : vector<16xf32>
    %jit3A_40 = arith.constant 1 : i32
    %jit3A_41 = arith.constant 0 : i32
    %broadcast_in_dim3A_42 = vector.broadcast %jit3A_40 : i32 to vector<16xi32>
    %broadcast_in_dim3A_43 = vector.broadcast %jit3A_41 : i32 to vector<16xi32>
    %select_n3A_44 = arith.select %lt3A_39, %broadcast_in_dim3A_42, %broadcast_in_dim3A_43 : vector<16xi1>, vector<16xi32>
    %add3A_45 = arith.addi %add3A_35, %select_n3A_44 : vector<16xi32>
    %slice3A_46 = vector.extract_strided_slice %select_n3A {offsets = [2], sizes = [1], strides = [1]} : vector<16xf32> to vector<1xf32>
    %squeeze3A_47 = vector.extract %slice3A_46[0] : f32 from vector<1xf32>
    %lt3A_48 = vector.broadcast %squeeze3A_47 : f32 to vector<16xf32>
    %lt3A_49 = arith.cmpf olt, %lt3A_48, %mul3A_25 : vector<16xf32>
    %jit3A_50 = arith.constant 1 : i32
    %jit3A_51 = arith.constant 0 : i32
    %broadcast_in_dim3A_52 = vector.broadcast %jit3A_50 : i32 to vector<16xi32>
    %broadcast_in_dim3A_53 = vector.broadcast %jit3A_51 : i32 to vector<16xi32>
    %select_n3A_54 = arith.select %lt3A_49, %broadcast_in_dim3A_52, %broadcast_in_dim3A_53 : vector<16xi1>, vector<16xi32>
    %add3A_55 = arith.addi %add3A_45, %select_n3A_54 : vector<16xi32>
    %slice3A_56 = vector.extract_strided_slice %select_n3A {offsets = [3], sizes = [1], strides = [1]} : vector<16xf32> to vector<1xf32>
    %squeeze3A_57 = vector.extract %slice3A_56[0] : f32 from vector<1xf32>
    %lt3A_58 = vector.broadcast %squeeze3A_57 : f32 to vector<16xf32>
    %lt3A_59 = arith.cmpf olt, %lt3A_58, %mul3A_25 : vector<16xf32>
    %jit3A_60 = arith.constant 1 : i32
    %jit3A_61 = arith.constant 0 : i32
    %broadcast_in_dim3A_62 = vector.broadcast %jit3A_60 : i32 to vector<16xi32>
    %broadcast_in_dim3A_63 = vector.broadcast %jit3A_61 : i32 to vector<16xi32>
    %select_n3A_64 = arith.select %lt3A_59, %broadcast_in_dim3A_62, %broadcast_in_dim3A_63 : vector<16xi1>, vector<16xi32>
    %add3A_65 = arith.addi %add3A_55, %select_n3A_64 : vector<16xi32>
    %slice3A_66 = vector.extract_strided_slice %select_n3A {offsets = [4], sizes = [1], strides = [1]} : vector<16xf32> to vector<1xf32>
    %squeeze3A_67 = vector.extract %slice3A_66[0] : f32 from vector<1xf32>
    %lt3A_68 = vector.broadcast %squeeze3A_67 : f32 to vector<16xf32>
    %lt3A_69 = arith.cmpf olt, %lt3A_68, %mul3A_25 : vector<16xf32>
    %jit3A_70 = arith.constant 1 : i32
    %jit3A_71 = arith.constant 0 : i32
    %broadcast_in_dim3A_72 = vector.broadcast %jit3A_70 : i32 to vector<16xi32>
    %broadcast_in_dim3A_73 = vector.broadcast %jit3A_71 : i32 to vector<16xi32>
    %select_n3A_74 = arith.select %lt3A_69, %broadcast_in_dim3A_72, %broadcast_in_dim3A_73 : vector<16xi1>, vector<16xi32>
    %add3A_75 = arith.addi %add3A_65, %select_n3A_74 : vector<16xi32>
    %slice3A_76 = vector.extract_strided_slice %select_n3A {offsets = [5], sizes = [1], strides = [1]} : vector<16xf32> to vector<1xf32>
    %squeeze3A_77 = vector.extract %slice3A_76[0] : f32 from vector<1xf32>
    %lt3A_78 = vector.broadcast %squeeze3A_77 : f32 to vector<16xf32>
    %lt3A_79 = arith.cmpf olt, %lt3A_78, %mul3A_25 : vector<16xf32>
    %jit3A_80 = arith.constant 1 : i32
    %jit3A_81 = arith.constant 0 : i32
    %broadcast_in_dim3A_82 = vector.broadcast %jit3A_80 : i32 to vector<16xi32>
    %broadcast_in_dim3A_83 = vector.broadcast %jit3A_81 : i32 to vector<16xi32>
    %select_n3A_84 = arith.select %lt3A_79, %broadcast_in_dim3A_82, %broadcast_in_dim3A_83 : vector<16xi1>, vector<16xi32>
    %add3A_85 = arith.addi %add3A_75, %select_n3A_84 : vector<16xi32>
    %slice3A_86 = vector.extract_strided_slice %select_n3A {offsets = [6], sizes = [1], strides = [1]} : vector<16xf32> to vector<1xf32>
    %squeeze3A_87 = vector.extract %slice3A_86[0] : f32 from vector<1xf32>
    %lt3A_88 = vector.broadcast %squeeze3A_87 : f32 to vector<16xf32>
    %lt3A_89 = arith.cmpf olt, %lt3A_88, %mul3A_25 : vector<16xf32>
    %jit3A_90 = arith.constant 1 : i32
    %jit3A_91 = arith.constant 0 : i32
    %broadcast_in_dim3A_92 = vector.broadcast %jit3A_90 : i32 to vector<16xi32>
    %broadcast_in_dim3A_93 = vector.broadcast %jit3A_91 : i32 to vector<16xi32>
    %select_n3A_94 = arith.select %lt3A_89, %broadcast_in_dim3A_92, %broadcast_in_dim3A_93 : vector<16xi1>, vector<16xi32>
    %add3A_95 = arith.addi %add3A_85, %select_n3A_94 : vector<16xi32>
    %slice3A_96 = vector.extract_strided_slice %select_n3A {offsets = [7], sizes = [1], strides = [1]} : vector<16xf32> to vector<1xf32>
    %squeeze3A_97 = vector.extract %slice3A_96[0] : f32 from vector<1xf32>
    %lt3A_98 = vector.broadcast %squeeze3A_97 : f32 to vector<16xf32>
    %lt3A_99 = arith.cmpf olt, %lt3A_98, %mul3A_25 : vector<16xf32>
    %jit3A_100 = arith.constant 1 : i32
    %jit3A_101 = arith.constant 0 : i32
    %broadcast_in_dim3A_102 = vector.broadcast %jit3A_100 : i32 to vector<16xi32>
    %broadcast_in_dim3A_103 = vector.broadcast %jit3A_101 : i32 to vector<16xi32>
    %select_n3A_104 = arith.select %lt3A_99, %broadcast_in_dim3A_102, %broadcast_in_dim3A_103 : vector<16xi1>, vector<16xi32>
    %add3A_105 = arith.addi %add3A_95, %select_n3A_104 : vector<16xi32>
    %slice3A_106 = vector.extract_strided_slice %select_n3A {offsets = [8], sizes = [1], strides = [1]} : vector<16xf32> to vector<1xf32>
    %squeeze3A_107 = vector.extract %slice3A_106[0] : f32 from vector<1xf32>
    %lt3A_108 = vector.broadcast %squeeze3A_107 : f32 to vector<16xf32>
    %lt3A_109 = arith.cmpf olt, %lt3A_108, %mul3A_25 : vector<16xf32>
    %jit3A_110 = arith.constant 1 : i32
    %jit3A_111 = arith.constant 0 : i32
    %broadcast_in_dim3A_112 = vector.broadcast %jit3A_110 : i32 to vector<16xi32>
    %broadcast_in_dim3A_113 = vector.broadcast %jit3A_111 : i32 to vector<16xi32>
    %select_n3A_114 = arith.select %lt3A_109, %broadcast_in_dim3A_112, %broadcast_in_dim3A_113 : vector<16xi1>, vector<16xi32>
    %add3A_115 = arith.addi %add3A_105, %select_n3A_114 : vector<16xi32>
    %slice3A_116 = vector.extract_strided_slice %select_n3A {offsets = [9], sizes = [1], strides = [1]} : vector<16xf32> to vector<1xf32>
    %squeeze3A_117 = vector.extract %slice3A_116[0] : f32 from vector<1xf32>
    %lt3A_118 = vector.broadcast %squeeze3A_117 : f32 to vector<16xf32>
    %lt3A_119 = arith.cmpf olt, %lt3A_118, %mul3A_25 : vector<16xf32>
    %jit3A_120 = arith.constant 1 : i32
    %jit3A_121 = arith.constant 0 : i32
    %broadcast_in_dim3A_122 = vector.broadcast %jit3A_120 : i32 to vector<16xi32>
    %broadcast_in_dim3A_123 = vector.broadcast %jit3A_121 : i32 to vector<16xi32>
    %select_n3A_124 = arith.select %lt3A_119, %broadcast_in_dim3A_122, %broadcast_in_dim3A_123 : vector<16xi1>, vector<16xi32>
    %add3A_125 = arith.addi %add3A_115, %select_n3A_124 : vector<16xi32>
    %slice3A_126 = vector.extract_strided_slice %select_n3A {offsets = [10], sizes = [1], strides = [1]} : vector<16xf32> to vector<1xf32>
    %squeeze3A_127 = vector.extract %slice3A_126[0] : f32 from vector<1xf32>
    %lt3A_128 = vector.broadcast %squeeze3A_127 : f32 to vector<16xf32>
    %lt3A_129 = arith.cmpf olt, %lt3A_128, %mul3A_25 : vector<16xf32>
    %jit3A_130 = arith.constant 1 : i32
    %jit3A_131 = arith.constant 0 : i32
    %broadcast_in_dim3A_132 = vector.broadcast %jit3A_130 : i32 to vector<16xi32>
    %broadcast_in_dim3A_133 = vector.broadcast %jit3A_131 : i32 to vector<16xi32>
    %select_n3A_134 = arith.select %lt3A_129, %broadcast_in_dim3A_132, %broadcast_in_dim3A_133 : vector<16xi1>, vector<16xi32>
    %add3A_135 = arith.addi %add3A_125, %select_n3A_134 : vector<16xi32>
    %slice3A_136 = vector.extract_strided_slice %select_n3A {offsets = [11], sizes = [1], strides = [1]} : vector<16xf32> to vector<1xf32>
    %squeeze3A_137 = vector.extract %slice3A_136[0] : f32 from vector<1xf32>
    %lt3A_138 = vector.broadcast %squeeze3A_137 : f32 to vector<16xf32>
    %lt3A_139 = arith.cmpf olt, %lt3A_138, %mul3A_25 : vector<16xf32>
    %jit3A_140 = arith.constant 1 : i32
    %jit3A_141 = arith.constant 0 : i32
    %broadcast_in_dim3A_142 = vector.broadcast %jit3A_140 : i32 to vector<16xi32>
    %broadcast_in_dim3A_143 = vector.broadcast %jit3A_141 : i32 to vector<16xi32>
    %select_n3A_144 = arith.select %lt3A_139, %broadcast_in_dim3A_142, %broadcast_in_dim3A_143 : vector<16xi1>, vector<16xi32>
    %add3A_145 = arith.addi %add3A_135, %select_n3A_144 : vector<16xi32>
    %slice3A_146 = vector.extract_strided_slice %select_n3A {offsets = [12], sizes = [1], strides = [1]} : vector<16xf32> to vector<1xf32>
    %squeeze3A_147 = vector.extract %slice3A_146[0] : f32 from vector<1xf32>
    %lt3A_148 = vector.broadcast %squeeze3A_147 : f32 to vector<16xf32>
    %lt3A_149 = arith.cmpf olt, %lt3A_148, %mul3A_25 : vector<16xf32>
    %jit3A_150 = arith.constant 1 : i32
    %jit3A_151 = arith.constant 0 : i32
    %broadcast_in_dim3A_152 = vector.broadcast %jit3A_150 : i32 to vector<16xi32>
    %broadcast_in_dim3A_153 = vector.broadcast %jit3A_151 : i32 to vector<16xi32>
    %select_n3A_154 = arith.select %lt3A_149, %broadcast_in_dim3A_152, %broadcast_in_dim3A_153 : vector<16xi1>, vector<16xi32>
    %add3A_155 = arith.addi %add3A_145, %select_n3A_154 : vector<16xi32>
    %slice3A_156 = vector.extract_strided_slice %select_n3A {offsets = [13], sizes = [1], strides = [1]} : vector<16xf32> to vector<1xf32>
    %squeeze3A_157 = vector.extract %slice3A_156[0] : f32 from vector<1xf32>
    %lt3A_158 = vector.broadcast %squeeze3A_157 : f32 to vector<16xf32>
    %lt3A_159 = arith.cmpf olt, %lt3A_158, %mul3A_25 : vector<16xf32>
    %jit3A_160 = arith.constant 1 : i32
    %jit3A_161 = arith.constant 0 : i32
    %broadcast_in_dim3A_162 = vector.broadcast %jit3A_160 : i32 to vector<16xi32>
    %broadcast_in_dim3A_163 = vector.broadcast %jit3A_161 : i32 to vector<16xi32>
    %select_n3A_164 = arith.select %lt3A_159, %broadcast_in_dim3A_162, %broadcast_in_dim3A_163 : vector<16xi1>, vector<16xi32>
    %add3A_165 = arith.addi %add3A_155, %select_n3A_164 : vector<16xi32>
    %slice3A_166 = vector.extract_strided_slice %select_n3A {offsets = [14], sizes = [1], strides = [1]} : vector<16xf32> to vector<1xf32>
    %squeeze3A_167 = vector.extract %slice3A_166[0] : f32 from vector<1xf32>
    %lt3A_168 = vector.broadcast %squeeze3A_167 : f32 to vector<16xf32>
    %lt3A_169 = arith.cmpf olt, %lt3A_168, %mul3A_25 : vector<16xf32>
    %jit3A_170 = arith.constant 1 : i32
    %jit3A_171 = arith.constant 0 : i32
    %broadcast_in_dim3A_172 = vector.broadcast %jit3A_170 : i32 to vector<16xi32>
    %broadcast_in_dim3A_173 = vector.broadcast %jit3A_171 : i32 to vector<16xi32>
    %select_n3A_174 = arith.select %lt3A_169, %broadcast_in_dim3A_172, %broadcast_in_dim3A_173 : vector<16xi1>, vector<16xi32>
    %add3A_175 = arith.addi %add3A_165, %select_n3A_174 : vector<16xi32>
    %gather3A_176 = tpu.vector_load_idx %arg12[%add3A_175] : memref<16xf32, #tpu.memory_space<vmem>>[vector<16xi32>], vector<16xf32>,
    %mul3A_177 = arith.constant 1.280000e+02 : f32
    %mul3A_178 = vector.broadcast %mul3A_177 : f32 to vector<16xf32>
    %mul3A_179 = arith.mulf %gather3A_176, %mul3A_178 : vector<16xf32>
    %swap3A_180 = arith.constant 0 : index
    %swap3A_181 = tpu.vector_load %arg8[%swap3A_180] {strides = array<i32>} : memref<272xf32, #tpu.memory_space<vmem>>, vector<16xf32>,
    tpu.vector_store %arg8[%swap3A_180], %mul3A_179 {strides = array<i32>} : memref<272xf32, #tpu.memory_space<vmem>>, vector<16xf32>,
    %gather3A_182 = tpu.vector_load_idx %arg11[%add3A_175] : memref<16xf32, #tpu.memory_space<vmem>>[vector<16xi32>], vector<16xf32>,
    %swap3A_183 = arith.constant 0 : index
    %swap3A_184 = tpu.vector_load %arg9[%swap3A_183] {strides = array<i32>} : memref<272xf32, #tpu.memory_space<vmem>>, vector<16xf32>,
    tpu.vector_store %arg9[%swap3A_183], %gather3A_182 {strides = array<i32>} : memref<272xf32, #tpu.memory_space<vmem>>, vector<16xf32>,
    %add3A_185 = arith.constant 1 : i32
    %add3A_186 = vector.broadcast %add3A_185 : i32 to vector<16xi32>
    %add3A_187 = arith.addi %add3A_175, %add3A_186 : vector<16xi32>
    %min3A_188 = arith.constant 15 : i32
    %min3A_189 = vector.broadcast %min3A_188 : i32 to vector<16xi32>
    %min3A_190 = arith.minsi %add3A_187, %min3A_189 : vector<16xi32>
    %gather3A_191 = tpu.vector_load_idx %arg11[%min3A_190] : memref<16xf32, #tpu.memory_space<vmem>>[vector<16xi32>], vector<16xf32>,
    %swap3A_192 = arith.constant 0 : index
    %swap3A_193 = tpu.vector_load %arg10[%swap3A_192] {strides = array<i32>} : memref<272xf32, #tpu.memory_space<vmem>>, vector<16xf32>,
    tpu.vector_store %arg10[%swap3A_192], %gather3A_191 {strides = array<i32>} : memref<272xf32, #tpu.memory_space<vmem>>, vector<16xf32>,
    %add3A_194 = arith.constant 16 : i32
    %add3A_195 = vector.broadcast %add3A_194 : i32 to vector<16xi32>
    %add3A_196 = arith.addi %add3A_195, %iota3A : vector<16xi32>
    %convert_element_type3A_197 = arith.sitofp %add3A_196 : vector<16xi32> to vector<16xf32>
    %sub3A_198 = arith.constant 1.280000e+02 : f32
    %sub3A_199 = vector.broadcast %sub3A_198 : f32 to vector<16xf32>
    %sub3A_200 = arith.subf %convert_element_type3A_197, %sub3A_199 : vector<16xf32>
    %mul3A_201 = arith.constant 7.812500e-03 : f32
    %mul3A_202 = vector.broadcast %mul3A_201 : f32 to vector<16xf32>
    %mul3A_203 = arith.mulf %sub3A_200, %mul3A_202 : vector<16xf32>
    %broadcast_in_dim3A_204 = arith.constant 0 : i32
    %broadcast_in_dim3A_205 = vector.broadcast %broadcast_in_dim3A_204 : i32 to vector<16xi32>
    %slice3A_206 = vector.extract_strided_slice %select_n3A {offsets = [0], sizes = [1], strides = [1]} : vector<16xf32> to vector<1xf32>
    %squeeze3A_207 = vector.extract %slice3A_206[0] : f32 from vector<1xf32>
    %lt3A_208 = vector.broadcast %squeeze3A_207 : f32 to vector<16xf32>
    %lt3A_209 = arith.cmpf olt, %lt3A_208, %mul3A_203 : vector<16xf32>
    %jit3A_210 = arith.constant 1 : i32
    %jit3A_211 = arith.constant 0 : i32
    %broadcast_in_dim3A_212 = vector.broadcast %jit3A_210 : i32 to vector<16xi32>
    %broadcast_in_dim3A_213 = vector.broadcast %jit3A_211 : i32 to vector<16xi32>
    %select_n3A_214 = arith.select %lt3A_209, %broadcast_in_dim3A_212, %broadcast_in_dim3A_213 : vector<16xi1>, vector<16xi32>
    %add3A_215 = arith.addi %broadcast_in_dim3A_205, %select_n3A_214 : vector<16xi32>
    %slice3A_216 = vector.extract_strided_slice %select_n3A {offsets = [1], sizes = [1], strides = [1]} : vector<16xf32> to vector<1xf32>
    %squeeze3A_217 = vector.extract %slice3A_216[0] : f32 from vector<1xf32>
    %lt3A_218 = vector.broadcast %squeeze3A_217 : f32 to vector<16xf32>
    %lt3A_219 = arith.cmpf olt, %lt3A_218, %mul3A_203 : vector<16xf32>
    %jit3A_220 = arith.constant 1 : i32
    %jit3A_221 = arith.constant 0 : i32
    %broadcast_in_dim3A_222 = vector.broadcast %jit3A_220 : i32 to vector<16xi32>
    %broadcast_in_dim3A_223 = vector.broadcast %jit3A_221 : i32 to vector<16xi32>
    %select_n3A_224 = arith.select %lt3A_219, %broadcast_in_dim3A_222, %broadcast_in_dim3A_223 : vector<16xi1>, vector<16xi32>
    %add3A_225 = arith.addi %add3A_215, %select_n3A_224 : vector<16xi32>
    %slice3A_226 = vector.extract_strided_slice %select_n3A {offsets = [2], sizes = [1], strides = [1]} : vector<16xf32> to vector<1xf32>
    %squeeze3A_227 = vector.extract %slice3A_226[0] : f32 from vector<1xf32>
    %lt3A_228 = vector.broadcast %squeeze3A_227 : f32 to vector<16xf32>
    %lt3A_229 = arith.cmpf olt, %lt3A_228, %mul3A_203 : vector<16xf32>
    %jit3A_230 = arith.constant 1 : i32
    %jit3A_231 = arith.constant 0 : i32
    %broadcast_in_dim3A_232 = vector.broadcast %jit3A_230 : i32 to vector<16xi32>
    %broadcast_in_dim3A_233 = vector.broadcast %jit3A_231 : i32 to vector<16xi32>
    %select_n3A_234 = arith.select %lt3A_229, %broadcast_in_dim3A_232, %broadcast_in_dim3A_233 : vector<16xi1>, vector<16xi32>
    %add3A_235 = arith.addi %add3A_225, %select_n3A_234 : vector<16xi32>
    %slice3A_236 = vector.extract_strided_slice %select_n3A {offsets = [3], sizes = [1], strides = [1]} : vector<16xf32> to vector<1xf32>
    %squeeze3A_237 = vector.extract %slice3A_236[0] : f32 from vector<1xf32>
    %lt3A_238 = vector.broadcast %squeeze3A_237 : f32 to vector<16xf32>
    %lt3A_239 = arith.cmpf olt, %lt3A_238, %mul3A_203 : vector<16xf32>
    %jit3A_240 = arith.constant 1 : i32
    %jit3A_241 = arith.constant 0 : i32
    %broadcast_in_dim3A_242 = vector.broadcast %jit3A_240 : i32 to vector<16xi32>
    %broadcast_in_dim3A_243 = vector.broadcast %jit3A_241 : i32 to vector<16xi32>
    %select_n3A_244 = arith.select %lt3A_239, %broadcast_in_dim3A_242, %broadcast_in_dim3A_243 : vector<16xi1>, vector<16xi32>
    %add3A_245 = arith.addi %add3A_235, %select_n3A_244 : vector<16xi32>
    %slice3A_246 = vector.extract_strided_slice %select_n3A {offsets = [4], sizes = [1], strides = [1]} : vector<16xf32> to vector<1xf32>
    %squeeze3A_247 = vector.extract %slice3A_246[0] : f32 from vector<1xf32>
    %lt3A_248 = vector.broadcast %squeeze3A_247 : f32 to vector<16xf32>
    %lt3A_249 = arith.cmpf olt, %lt3A_248, %mul3A_203 : vector<16xf32>
    %jit3A_250 = arith.constant 1 : i32
    %jit3A_251 = arith.constant 0 : i32
    %broadcast_in_dim3A_252 = vector.broadcast %jit3A_250 : i32 to vector<16xi32>
    %broadcast_in_dim3A_253 = vector.broadcast %jit3A_251 : i32 to vector<16xi32>
    %select_n3A_254 = arith.select %lt3A_249, %broadcast_in_dim3A_252, %broadcast_in_dim3A_253 : vector<16xi1>, vector<16xi32>
    %add3A_255 = arith.addi %add3A_245, %select_n3A_254 : vector<16xi32>
    %slice3A_256 = vector.extract_strided_slice %select_n3A {offsets = [5], sizes = [1], strides = [1]} : vector<16xf32> to vector<1xf32>
    %squeeze3A_257 = vector.extract %slice3A_256[0] : f32 from vector<1xf32>
    %lt3A_258 = vector.broadcast %squeeze3A_257 : f32 to vector<16xf32>
    %lt3A_259 = arith.cmpf olt, %lt3A_258, %mul3A_203 : vector<16xf32>
    %jit3A_260 = arith.constant 1 : i32
    %jit3A_261 = arith.constant 0 : i32
    %broadcast_in_dim3A_262 = vector.broadcast %jit3A_260 : i32 to vector<16xi32>
    %broadcast_in_dim3A_263 = vector.broadcast %jit3A_261 : i32 to vector<16xi32>
    %select_n3A_264 = arith.select %lt3A_259, %broadcast_in_dim3A_262, %broadcast_in_dim3A_263 : vector<16xi1>, vector<16xi32>
    %add3A_265 = arith.addi %add3A_255, %select_n3A_264 : vector<16xi32>
    %slice3A_266 = vector.extract_strided_slice %select_n3A {offsets = [6], sizes = [1], strides = [1]} : vector<16xf32> to vector<1xf32>
    %squeeze3A_267 = vector.extract %slice3A_266[0] : f32 from vector<1xf32>
    %lt3A_268 = vector.broadcast %squeeze3A_267 : f32 to vector<16xf32>
    %lt3A_269 = arith.cmpf olt, %lt3A_268, %mul3A_203 : vector<16xf32>
    %jit3A_270 = arith.constant 1 : i32
    %jit3A_271 = arith.constant 0 : i32
    %broadcast_in_dim3A_272 = vector.broadcast %jit3A_270 : i32 to vector<16xi32>
    %broadcast_in_dim3A_273 = vector.broadcast %jit3A_271 : i32 to vector<16xi32>
    %select_n3A_274 = arith.select %lt3A_269, %broadcast_in_dim3A_272, %broadcast_in_dim3A_273 : vector<16xi1>, vector<16xi32>
    %add3A_275 = arith.addi %add3A_265, %select_n3A_274 : vector<16xi32>
    %slice3A_276 = vector.extract_strided_slice %select_n3A {offsets = [7], sizes = [1], strides = [1]} : vector<16xf32> to vector<1xf32>
    %squeeze3A_277 = vector.extract %slice3A_276[0] : f32 from vector<1xf32>
    %lt3A_278 = vector.broadcast %squeeze3A_277 : f32 to vector<16xf32>
    %lt3A_279 = arith.cmpf olt, %lt3A_278, %mul3A_203 : vector<16xf32>
    %jit3A_280 = arith.constant 1 : i32
    %jit3A_281 = arith.constant 0 : i32
    %broadcast_in_dim3A_282 = vector.broadcast %jit3A_280 : i32 to vector<16xi32>
    %broadcast_in_dim3A_283 = vector.broadcast %jit3A_281 : i32 to vector<16xi32>
    %select_n3A_284 = arith.select %lt3A_279, %broadcast_in_dim3A_282, %broadcast_in_dim3A_283 : vector<16xi1>, vector<16xi32>
    %add3A_285 = arith.addi %add3A_275, %select_n3A_284 : vector<16xi32>
    %slice3A_286 = vector.extract_strided_slice %select_n3A {offsets = [8], sizes = [1], strides = [1]} : vector<16xf32> to vector<1xf32>
    %squeeze3A_287 = vector.extract %slice3A_286[0] : f32 from vector<1xf32>
    %lt3A_288 = vector.broadcast %squeeze3A_287 : f32 to vector<16xf32>
    %lt3A_289 = arith.cmpf olt, %lt3A_288, %mul3A_203 : vector<16xf32>
    %jit3A_290 = arith.constant 1 : i32
    %jit3A_291 = arith.constant 0 : i32
    %broadcast_in_dim3A_292 = vector.broadcast %jit3A_290 : i32 to vector<16xi32>
    %broadcast_in_dim3A_293 = vector.broadcast %jit3A_291 : i32 to vector<16xi32>
    %select_n3A_294 = arith.select %lt3A_289, %broadcast_in_dim3A_292, %broadcast_in_dim3A_293 : vector<16xi1>, vector<16xi32>
    %add3A_295 = arith.addi %add3A_285, %select_n3A_294 : vector<16xi32>
    %slice3A_296 = vector.extract_strided_slice %select_n3A {offsets = [9], sizes = [1], strides = [1]} : vector<16xf32> to vector<1xf32>
    %squeeze3A_297 = vector.extract %slice3A_296[0] : f32 from vector<1xf32>
    %lt3A_298 = vector.broadcast %squeeze3A_297 : f32 to vector<16xf32>
    %lt3A_299 = arith.cmpf olt, %lt3A_298, %mul3A_203 : vector<16xf32>
    %jit3A_300 = arith.constant 1 : i32
    %jit3A_301 = arith.constant 0 : i32
    %broadcast_in_dim3A_302 = vector.broadcast %jit3A_300 : i32 to vector<16xi32>
    %broadcast_in_dim3A_303 = vector.broadcast %jit3A_301 : i32 to vector<16xi32>
    %select_n3A_304 = arith.select %lt3A_299, %broadcast_in_dim3A_302, %broadcast_in_dim3A_303 : vector<16xi1>, vector<16xi32>
    %add3A_305 = arith.addi %add3A_295, %select_n3A_304 : vector<16xi32>
    %slice3A_306 = vector.extract_strided_slice %select_n3A {offsets = [10], sizes = [1], strides = [1]} : vector<16xf32> to vector<1xf32>
    %squeeze3A_307 = vector.extract %slice3A_306[0] : f32 from vector<1xf32>
    %lt3A_308 = vector.broadcast %squeeze3A_307 : f32 to vector<16xf32>
    %lt3A_309 = arith.cmpf olt, %lt3A_308, %mul3A_203 : vector<16xf32>
    %jit3A_310 = arith.constant 1 : i32
    %jit3A_311 = arith.constant 0 : i32
    %broadcast_in_dim3A_312 = vector.broadcast %jit3A_310 : i32 to vector<16xi32>
    %broadcast_in_dim3A_313 = vector.broadcast %jit3A_311 : i32 to vector<16xi32>
    %select_n3A_314 = arith.select %lt3A_309, %broadcast_in_dim3A_312, %broadcast_in_dim3A_313 : vector<16xi1>, vector<16xi32>
    %add3A_315 = arith.addi %add3A_305, %select_n3A_314 : vector<16xi32>
    %slice3A_316 = vector.extract_strided_slice %select_n3A {offsets = [11], sizes = [1], strides = [1]} : vector<16xf32> to vector<1xf32>
    %squeeze3A_317 = vector.extract %slice3A_316[0] : f32 from vector<1xf32>
    %lt3A_318 = vector.broadcast %squeeze3A_317 : f32 to vector<16xf32>
    %lt3A_319 = arith.cmpf olt, %lt3A_318, %mul3A_203 : vector<16xf32>
    %jit3A_320 = arith.constant 1 : i32
    %jit3A_321 = arith.constant 0 : i32
    %broadcast_in_dim3A_322 = vector.broadcast %jit3A_320 : i32 to vector<16xi32>
    %broadcast_in_dim3A_323 = vector.broadcast %jit3A_321 : i32 to vector<16xi32>
    %select_n3A_324 = arith.select %lt3A_319, %broadcast_in_dim3A_322, %broadcast_in_dim3A_323 : vector<16xi1>, vector<16xi32>
    %add3A_325 = arith.addi %add3A_315, %select_n3A_324 : vector<16xi32>
    %slice3A_326 = vector.extract_strided_slice %select_n3A {offsets = [12], sizes = [1], strides = [1]} : vector<16xf32> to vector<1xf32>
    %squeeze3A_327 = vector.extract %slice3A_326[0] : f32 from vector<1xf32>
    %lt3A_328 = vector.broadcast %squeeze3A_327 : f32 to vector<16xf32>
    %lt3A_329 = arith.cmpf olt, %lt3A_328, %mul3A_203 : vector<16xf32>
    %jit3A_330 = arith.constant 1 : i32
    %jit3A_331 = arith.constant 0 : i32
    %broadcast_in_dim3A_332 = vector.broadcast %jit3A_330 : i32 to vector<16xi32>
    %broadcast_in_dim3A_333 = vector.broadcast %jit3A_331 : i32 to vector<16xi32>
    %select_n3A_334 = arith.select %lt3A_329, %broadcast_in_dim3A_332, %broadcast_in_dim3A_333 : vector<16xi1>, vector<16xi32>
    %add3A_335 = arith.addi %add3A_325, %select_n3A_334 : vector<16xi32>
    %slice3A_336 = vector.extract_strided_slice %select_n3A {offsets = [13], sizes = [1], strides = [1]} : vector<16xf32> to vector<1xf32>
    %squeeze3A_337 = vector.extract %slice3A_336[0] : f32 from vector<1xf32>
    %lt3A_338 = vector.broadcast %squeeze3A_337 : f32 to vector<16xf32>
    %lt3A_339 = arith.cmpf olt, %lt3A_338, %mul3A_203 : vector<16xf32>
    %jit3A_340 = arith.constant 1 : i32
    %jit3A_341 = arith.constant 0 : i32
    %broadcast_in_dim3A_342 = vector.broadcast %jit3A_340 : i32 to vector<16xi32>
    %broadcast_in_dim3A_343 = vector.broadcast %jit3A_341 : i32 to vector<16xi32>
    %select_n3A_344 = arith.select %lt3A_339, %broadcast_in_dim3A_342, %broadcast_in_dim3A_343 : vector<16xi1>, vector<16xi32>
    %add3A_345 = arith.addi %add3A_335, %select_n3A_344 : vector<16xi32>
    %slice3A_346 = vector.extract_strided_slice %select_n3A {offsets = [14], sizes = [1], strides = [1]} : vector<16xf32> to vector<1xf32>
    %squeeze3A_347 = vector.extract %slice3A_346[0] : f32 from vector<1xf32>
    %lt3A_348 = vector.broadcast %squeeze3A_347 : f32 to vector<16xf32>
    %lt3A_349 = arith.cmpf olt, %lt3A_348, %mul3A_203 : vector<16xf32>
    %jit3A_350 = arith.constant 1 : i32
    %jit3A_351 = arith.constant 0 : i32
    %broadcast_in_dim3A_352 = vector.broadcast %jit3A_350 : i32 to vector<16xi32>
    %broadcast_in_dim3A_353 = vector.broadcast %jit3A_351 : i32 to vector<16xi32>
    %select_n3A_354 = arith.select %lt3A_349, %broadcast_in_dim3A_352, %broadcast_in_dim3A_353 : vector<16xi1>, vector<16xi32>
    %add3A_355 = arith.addi %add3A_345, %select_n3A_354 : vector<16xi32>
    %gather3A_356 = tpu.vector_load_idx %arg12[%add3A_355] : memref<16xf32, #tpu.memory_space<vmem>>[vector<16xi32>], vector<16xf32>,
    %mul3A_357 = arith.constant 1.280000e+02 : f32
    %mul3A_358 = vector.broadcast %mul3A_357 : f32 to vector<16xf32>
    %mul3A_359 = arith.mulf %gather3A_356, %mul3A_358 : vector<16xf32>
    %swap3A_360 = arith.constant 16 : index
    %swap3A_361 = tpu.vector_load %arg8[%swap3A_360] {strides = array<i32>} : memref<272xf32, #tpu.memory_space<vmem>>, vector<16xf32>,
    tpu.vector_store %arg8[%swap3A_360], %mul3A_359 {strides = array<i32>} : memref<272xf32, #tpu.memory_space<vmem>>, vector<16xf32>,
    %gather3A_362 = tpu.vector_load_idx %arg11[%add3A_355] : memref<16xf32, #tpu.memory_space<vmem>>[vector<16xi32>], vector<16xf32>,
    %swap3A_363 = arith.constant 16 : index
    %swap3A_364 = tpu.vector_load %arg9[%swap3A_363] {strides = array<i32>} : memref<272xf32, #tpu.memory_space<vmem>>, vector<16xf32>,
    tpu.vector_store %arg9[%swap3A_363], %gather3A_362 {strides = array<i32>} : memref<272xf32, #tpu.memory_space<vmem>>, vector<16xf32>,
    %add3A_365 = arith.constant 1 : i32
    %add3A_366 = vector.broadcast %add3A_365 : i32 to vector<16xi32>
    %add3A_367 = arith.addi %add3A_355, %add3A_366 : vector<16xi32>
    %min3A_368 = arith.constant 15 : i32
    %min3A_369 = vector.broadcast %min3A_368 : i32 to vector<16xi32>
    %min3A_370 = arith.minsi %add3A_367, %min3A_369 : vector<16xi32>
    %gather3A_371 = tpu.vector_load_idx %arg11[%min3A_370] : memref<16xf32, #tpu.memory_space<vmem>>[vector<16xi32>], vector<16xf32>,
    %swap3A_372 = arith.constant 16 : index
    %swap3A_373 = tpu.vector_load %arg10[%swap3A_372] {strides = array<i32>} : memref<272xf32, #tpu.memory_space<vmem>>, vector<16xf32>,
    tpu.vector_store %arg10[%swap3A_372], %gather3A_371 {strides = array<i32>} : memref<272xf32, #tpu.memory_space<vmem>>, vector<16xf32>,
    %add3A_374 = arith.constant 32 : i32
    %add3A_375 = vector.broadcast %add3A_374 : i32 to vector<16xi32>
    %add3A_376 = arith.addi %add3A_375, %iota3A : vector<16xi32>
    %convert_element_type3A_377 = arith.sitofp %add3A_376 : vector<16xi32> to vector<16xf32>
    %sub3A_378 = arith.constant 1.280000e+02 : f32
    %sub3A_379 = vector.broadcast %sub3A_378 : f32 to vector<16xf32>
    %sub3A_380 = arith.subf %convert_element_type3A_377, %sub3A_379 : vector<16xf32>
    %mul3A_381 = arith.constant 7.812500e-03 : f32
    %mul3A_382 = vector.broadcast %mul3A_381 : f32 to vector<16xf32>
    %mul3A_383 = arith.mulf %sub3A_380, %mul3A_382 : vector<16xf32>
    %broadcast_in_dim3A_384 = arith.constant 0 : i32
    %broadcast_in_dim3A_385 = vector.broadcast %broadcast_in_dim3A_384 : i32 to vector<16xi32>
    %slice3A_386 = vector.extract_strided_slice %select_n3A {offsets = [0], sizes = [1], strides = [1]} : vector<16xf32> to vector<1xf32>
    %squeeze3A_387 = vector.extract %slice3A_386[0] : f32 from vector<1xf32>
    %lt3A_388 = vector.broadcast %squeeze3A_387 : f32 to vector<16xf32>
    %lt3A_389 = arith.cmpf olt, %lt3A_388, %mul3A_383 : vector<16xf32>
    %jit3A_390 = arith.constant 1 : i32
    %jit3A_391 = arith.constant 0 : i32
    %broadcast_in_dim3A_392 = vector.broadcast %jit3A_390 : i32 to vector<16xi32>
    %broadcast_in_dim3A_393 = vector.broadcast %jit3A_391 : i32 to vector<16xi32>
    %select_n3A_394 = arith.select %lt3A_389, %broadcast_in_dim3A_392, %broadcast_in_dim3A_393 : vector<16xi1>, vector<16xi32>
    %add3A_395 = arith.addi %broadcast_in_dim3A_385, %select_n3A_394 : vector<16xi32>
    %slice3A_396 = vector.extract_strided_slice %select_n3A {offsets = [1], sizes = [1], strides = [1]} : vector<16xf32> to vector<1xf32>
    %squeeze3A_397 = vector.extract %slice3A_396[0] : f32 from vector<1xf32>
    %lt3A_398 = vector.broadcast %squeeze3A_397 : f32 to vector<16xf32>
    %lt3A_399 = arith.cmpf olt, %lt3A_398, %mul3A_383 : vector<16xf32>
    %jit3A_400 = arith.constant 1 : i32
    %jit3A_401 = arith.constant 0 : i32
    %broadcast_in_dim3A_402 = vector.broadcast %jit3A_400 : i32 to vector<16xi32>
    %broadcast_in_dim3A_403 = vector.broadcast %jit3A_401 : i32 to vector<16xi32>
    %select_n3A_404 = arith.select %lt3A_399, %broadcast_in_dim3A_402, %broadcast_in_dim3A_403 : vector<16xi1>, vector<16xi32>
    %add3A_405 = arith.addi %add3A_395, %select_n3A_404 : vector<16xi32>
    %slice3A_406 = vector.extract_strided_slice %select_n3A {offsets = [2], sizes = [1], strides = [1]} : vector<16xf32> to vector<1xf32>
    %squeeze3A_407 = vector.extract %slice3A_406[0] : f32 from vector<1xf32>
    %lt3A_408 = vector.broadcast %squeeze3A_407 : f32 to vector<16xf32>
    %lt3A_409 = arith.cmpf olt, %lt3A_408, %mul3A_383 : vector<16xf32>
    %jit3A_410 = arith.constant 1 : i32
    %jit3A_411 = arith.constant 0 : i32
    %broadcast_in_dim3A_412 = vector.broadcast %jit3A_410 : i32 to vector<16xi32>
    %broadcast_in_dim3A_413 = vector.broadcast %jit3A_411 : i32 to vector<16xi32>
    %select_n3A_414 = arith.select %lt3A_409, %broadcast_in_dim3A_412, %broadcast_in_dim3A_413 : vector<16xi1>, vector<16xi32>
    %add3A_415 = arith.addi %add3A_405, %select_n3A_414 : vector<16xi32>
    %slice3A_416 = vector.extract_strided_slice %select_n3A {offsets = [3], sizes = [1], strides = [1]} : vector<16xf32> to vector<1xf32>
    %squeeze3A_417 = vector.extract %slice3A_416[0] : f32 from vector<1xf32>
    %lt3A_418 = vector.broadcast %squeeze3A_417 : f32 to vector<16xf32>
    %lt3A_419 = arith.cmpf olt, %lt3A_418, %mul3A_383 : vector<16xf32>
    %jit3A_420 = arith.constant 1 : i32
    %jit3A_421 = arith.constant 0 : i32
    %broadcast_in_dim3A_422 = vector.broadcast %jit3A_420 : i32 to vector<16xi32>
    %broadcast_in_dim3A_423 = vector.broadcast %jit3A_421 : i32 to vector<16xi32>
    %select_n3A_424 = arith.select %lt3A_419, %broadcast_in_dim3A_422, %broadcast_in_dim3A_423 : vector<16xi1>, vector<16xi32>
    %add3A_425 = arith.addi %add3A_415, %select_n3A_424 : vector<16xi32>
    %slice3A_426 = vector.extract_strided_slice %select_n3A {offsets = [4], sizes = [1], strides = [1]} : vector<16xf32> to vector<1xf32>
    %squeeze3A_427 = vector.extract %slice3A_426[0] : f32 from vector<1xf32>
    %lt3A_428 = vector.broadcast %squeeze3A_427 : f32 to vector<16xf32>
    %lt3A_429 = arith.cmpf olt, %lt3A_428, %mul3A_383 : vector<16xf32>
    %jit3A_430 = arith.constant 1 : i32
    %jit3A_431 = arith.constant 0 : i32
    %broadcast_in_dim3A_432 = vector.broadcast %jit3A_430 : i32 to vector<16xi32>
    %broadcast_in_dim3A_433 = vector.broadcast %jit3A_431 : i32 to vector<16xi32>
    %select_n3A_434 = arith.select %lt3A_429, %broadcast_in_dim3A_432, %broadcast_in_dim3A_433 : vector<16xi1>, vector<16xi32>
    %add3A_435 = arith.addi %add3A_425, %select_n3A_434 : vector<16xi32>
    %slice3A_436 = vector.extract_strided_slice %select_n3A {offsets = [5], sizes = [1], strides = [1]} : vector<16xf32> to vector<1xf32>
    %squeeze3A_437 = vector.extract %slice3A_436[0] : f32 from vector<1xf32>
    %lt3A_438 = vector.broadcast %squeeze3A_437 : f32 to vector<16xf32>
    %lt3A_439 = arith.cmpf olt, %lt3A_438, %mul3A_383 : vector<16xf32>
    %jit3A_440 = arith.constant 1 : i32
    %jit3A_441 = arith.constant 0 : i32
    %broadcast_in_dim3A_442 = vector.broadcast %jit3A_440 : i32 to vector<16xi32>
    %broadcast_in_dim3A_443 = vector.broadcast %jit3A_441 : i32 to vector<16xi32>
    %select_n3A_444 = arith.select %lt3A_439, %broadcast_in_dim3A_442, %broadcast_in_dim3A_443 : vector<16xi1>, vector<16xi32>
    %add3A_445 = arith.addi %add3A_435, %select_n3A_444 : vector<16xi32>
    %slice3A_446 = vector.extract_strided_slice %select_n3A {offsets = [6], sizes = [1], strides = [1]} : vector<16xf32> to vector<1xf32>
    %squeeze3A_447 = vector.extract %slice3A_446[0] : f32 from vector<1xf32>
    %lt3A_448 = vector.broadcast %squeeze3A_447 : f32 to vector<16xf32>
    %lt3A_449 = arith.cmpf olt, %lt3A_448, %mul3A_383 : vector<16xf32>
    %jit3A_450 = arith.constant 1 : i32
    %jit3A_451 = arith.constant 0 : i32
    %broadcast_in_dim3A_452 = vector.broadcast %jit3A_450 : i32 to vector<16xi32>
    %broadcast_in_dim3A_453 = vector.broadcast %jit3A_451 : i32 to vector<16xi32>
    %select_n3A_454 = arith.select %lt3A_449, %broadcast_in_dim3A_452, %broadcast_in_dim3A_453 : vector<16xi1>, vector<16xi32>
    %add3A_455 = arith.addi %add3A_445, %select_n3A_454 : vector<16xi32>
    %slice3A_456 = vector.extract_strided_slice %select_n3A {offsets = [7], sizes = [1], strides = [1]} : vector<16xf32> to vector<1xf32>
    %squeeze3A_457 = vector.extract %slice3A_456[0] : f32 from vector<1xf32>
    %lt3A_458 = vector.broadcast %squeeze3A_457 : f32 to vector<16xf32>
    %lt3A_459 = arith.cmpf olt, %lt3A_458, %mul3A_383 : vector<16xf32>
    %jit3A_460 = arith.constant 1 : i32
    %jit3A_461 = arith.constant 0 : i32
    %broadcast_in_dim3A_462 = vector.broadcast %jit3A_460 : i32 to vector<16xi32>
    %broadcast_in_dim3A_463 = vector.broadcast %jit3A_461 : i32 to vector<16xi32>
    %select_n3A_464 = arith.select %lt3A_459, %broadcast_in_dim3A_462, %broadcast_in_dim3A_463 : vector<16xi1>, vector<16xi32>
    %add3A_465 = arith.addi %add3A_455, %select_n3A_464 : vector<16xi32>
    %slice3A_466 = vector.extract_strided_slice %select_n3A {offsets = [8], sizes = [1], strides = [1]} : vector<16xf32> to vector<1xf32>
    %squeeze3A_467 = vector.extract %slice3A_466[0] : f32 from vector<1xf32>
    %lt3A_468 = vector.broadcast %squeeze3A_467 : f32 to vector<16xf32>
    %lt3A_469 = arith.cmpf olt, %lt3A_468, %mul3A_383 : vector<16xf32>
    %jit3A_470 = arith.constant 1 : i32
    %jit3A_471 = arith.constant 0 : i32
    %broadcast_in_dim3A_472 = vector.broadcast %jit3A_470 : i32 to vector<16xi32>
    %broadcast_in_dim3A_473 = vector.broadcast %jit3A_471 : i32 to vector<16xi32>
    %select_n3A_474 = arith.select %lt3A_469, %broadcast_in_dim3A_472, %broadcast_in_dim3A_473 : vector<16xi1>, vector<16xi32>
    %add3A_475 = arith.addi %add3A_465, %select_n3A_474 : vector<16xi32>
    %slice3A_476 = vector.extract_strided_slice %select_n3A {offsets = [9], sizes = [1], strides = [1]} : vector<16xf32> to vector<1xf32>
    %squeeze3A_477 = vector.extract %slice3A_476[0] : f32 from vector<1xf32>
    %lt3A_478 = vector.broadcast %squeeze3A_477 : f32 to vector<16xf32>
    %lt3A_479 = arith.cmpf olt, %lt3A_478, %mul3A_383 : vector<16xf32>
    %jit3A_480 = arith.constant 1 : i32
    %jit3A_481 = arith.constant 0 : i32
    %broadcast_in_dim3A_482 = vector.broadcast %jit3A_480 : i32 to vector<16xi32>
    %broadcast_in_dim3A_483 = vector.broadcast %jit3A_481 : i32 to vector<16xi32>
    %select_n3A_484 = arith.select %lt3A_479, %broadcast_in_dim3A_482, %broadcast_in_dim3A_483 : vector<16xi1>, vector<16xi32>
    %add3A_485 = arith.addi %add3A_475, %select_n3A_484 : vector<16xi32>
    %slice3A_486 = vector.extract_strided_slice %select_n3A {offsets = [10], sizes = [1], strides = [1]} : vector<16xf32> to vector<1xf32>
    %squeeze3A_487 = vector.extract %slice3A_486[0] : f32 from vector<1xf32>
    %lt3A_488 = vector.broadcast %squeeze3A_487 : f32 to vector<16xf32>
    %lt3A_489 = arith.cmpf olt, %lt3A_488, %mul3A_383 : vector<16xf32>
    %jit3A_490 = arith.constant 1 : i32
    %jit3A_491 = arith.constant 0 : i32
    %broadcast_in_dim3A_492 = vector.broadcast %jit3A_490 : i32 to vector<16xi32>
    %broadcast_in_dim3A_493 = vector.broadcast %jit3A_491 : i32 to vector<16xi32>
    %select_n3A_494 = arith.select %lt3A_489, %broadcast_in_dim3A_492, %broadcast_in_dim3A_493 : vector<16xi1>, vector<16xi32>
    %add3A_495 = arith.addi %add3A_485, %select_n3A_494 : vector<16xi32>
    %slice3A_496 = vector.extract_strided_slice %select_n3A {offsets = [11], sizes = [1], strides = [1]} : vector<16xf32> to vector<1xf32>
    %squeeze3A_497 = vector.extract %slice3A_496[0] : f32 from vector<1xf32>
    %lt3A_498 = vector.broadcast %squeeze3A_497 : f32 to vector<16xf32>
    %lt3A_499 = arith.cmpf olt, %lt3A_498, %mul3A_383 : vector<16xf32>
    %jit3A_500 = arith.constant 1 : i32
    %jit3A_501 = arith.constant 0 : i32
    %broadcast_in_dim3A_502 = vector.broadcast %jit3A_500 : i32 to vector<16xi32>
    %broadcast_in_dim3A_503 = vector.broadcast %jit3A_501 : i32 to vector<16xi32>
    %select_n3A_504 = arith.select %lt3A_499, %broadcast_in_dim3A_502, %broadcast_in_dim3A_503 : vector<16xi1>, vector<16xi32>
    %add3A_505 = arith.addi %add3A_495, %select_n3A_504 : vector<16xi32>
    %slice3A_506 = vector.extract_strided_slice %select_n3A {offsets = [12], sizes = [1], strides = [1]} : vector<16xf32> to vector<1xf32>
    %squeeze3A_507 = vector.extract %slice3A_506[0] : f32 from vector<1xf32>
    %lt3A_508 = vector.broadcast %squeeze3A_507 : f32 to vector<16xf32>
    %lt3A_509 = arith.cmpf olt, %lt3A_508, %mul3A_383 : vector<16xf32>
    %jit3A_510 = arith.constant 1 : i32
    %jit3A_511 = arith.constant 0 : i32
    %broadcast_in_dim3A_512 = vector.broadcast %jit3A_510 : i32 to vector<16xi32>
    %broadcast_in_dim3A_513 = vector.broadcast %jit3A_511 : i32 to vector<16xi32>
    %select_n3A_514 = arith.select %lt3A_509, %broadcast_in_dim3A_512, %broadcast_in_dim3A_513 : vector<16xi1>, vector<16xi32>
    %add3A_515 = arith.addi %add3A_505, %select_n3A_514 : vector<16xi32>
    %slice3A_516 = vector.extract_strided_slice %select_n3A {offsets = [13], sizes = [1], strides = [1]} : vector<16xf32> to vector<1xf32>
    %squeeze3A_517 = vector.extract %slice3A_516[0] : f32 from vector<1xf32>
    %lt3A_518 = vector.broadcast %squeeze3A_517 : f32 to vector<16xf32>
    %lt3A_519 = arith.cmpf olt, %lt3A_518, %mul3A_383 : vector<16xf32>
    %jit3A_520 = arith.constant 1 : i32
    %jit3A_521 = arith.constant 0 : i32
    %broadcast_in_dim3A_522 = vector.broadcast %jit3A_520 : i32 to vector<16xi32>
    %broadcast_in_dim3A_523 = vector.broadcast %jit3A_521 : i32 to vector<16xi32>
    %select_n3A_524 = arith.select %lt3A_519, %broadcast_in_dim3A_522, %broadcast_in_dim3A_523 : vector<16xi1>, vector<16xi32>
    %add3A_525 = arith.addi %add3A_515, %select_n3A_524 : vector<16xi32>
    %slice3A_526 = vector.extract_strided_slice %select_n3A {offsets = [14], sizes = [1], strides = [1]} : vector<16xf32> to vector<1xf32>
    %squeeze3A_527 = vector.extract %slice3A_526[0] : f32 from vector<1xf32>
    %lt3A_528 = vector.broadcast %squeeze3A_527 : f32 to vector<16xf32>
    %lt3A_529 = arith.cmpf olt, %lt3A_528, %mul3A_383 : vector<16xf32>
    %jit3A_530 = arith.constant 1 : i32
    %jit3A_531 = arith.constant 0 : i32
    %broadcast_in_dim3A_532 = vector.broadcast %jit3A_530 : i32 to vector<16xi32>
    %broadcast_in_dim3A_533 = vector.broadcast %jit3A_531 : i32 to vector<16xi32>
    %select_n3A_534 = arith.select %lt3A_529, %broadcast_in_dim3A_532, %broadcast_in_dim3A_533 : vector<16xi1>, vector<16xi32>
    %add3A_535 = arith.addi %add3A_525, %select_n3A_534 : vector<16xi32>
    %gather3A_536 = tpu.vector_load_idx %arg12[%add3A_535] : memref<16xf32, #tpu.memory_space<vmem>>[vector<16xi32>], vector<16xf32>,
    %mul3A_537 = arith.constant 1.280000e+02 : f32
    %mul3A_538 = vector.broadcast %mul3A_537 : f32 to vector<16xf32>
    %mul3A_539 = arith.mulf %gather3A_536, %mul3A_538 : vector<16xf32>
    %swap3A_540 = arith.constant 32 : index
    %swap3A_541 = tpu.vector_load %arg8[%swap3A_540] {strides = array<i32>} : memref<272xf32, #tpu.memory_space<vmem>>, vector<16xf32>,
    tpu.vector_store %arg8[%swap3A_540], %mul3A_539 {strides = array<i32>} : memref<272xf32, #tpu.memory_space<vmem>>, vector<16xf32>,
    %gather3A_542 = tpu.vector_load_idx %arg11[%add3A_535] : memref<16xf32, #tpu.memory_space<vmem>>[vector<16xi32>], vector<16xf32>,
    %swap3A_543 = arith.constant 32 : index
    %swap3A_544 = tpu.vector_load %arg9[%swap3A_543] {strides = array<i32>} : memref<272xf32, #tpu.memory_space<vmem>>, vector<16xf32>,
    tpu.vector_store %arg9[%swap3A_543], %gather3A_542 {strides = array<i32>} : memref<272xf32, #tpu.memory_space<vmem>>, vector<16xf32>,
    %add3A_545 = arith.constant 1 : i32
    %add3A_546 = vector.broadcast %add3A_545 : i32 to vector<16xi32>
    %add3A_547 = arith.addi %add3A_535, %add3A_546 : vector<16xi32>
    %min3A_548 = arith.constant 15 : i32
    %min3A_549 = vector.broadcast %min3A_548 : i32 to vector<16xi32>
    %min3A_550 = arith.minsi %add3A_547, %min3A_549 : vector<16xi32>
    %gather3A_551 = tpu.vector_load_idx %arg11[%min3A_550] : memref<16xf32, #tpu.memory_space<vmem>>[vector<16xi32>], vector<16xf32>,
    %swap3A_552 = arith.constant 32 : index
    %swap3A_553 = tpu.vector_load %arg10[%swap3A_552] {strides = array<i32>} : memref<272xf32, #tpu.memory_space<vmem>>, vector<16xf32>,
    tpu.vector_store %arg10[%swap3A_552], %gather3A_551 {strides = array<i32>} : memref<272xf32, #tpu.memory_space<vmem>>, vector<16xf32>,
    %add3A_554 = arith.constant 48 : i32
    %add3A_555 = vector.broadcast %add3A_554 : i32 to vector<16xi32>
    %add3A_556 = arith.addi %add3A_555, %iota3A : vector<16xi32>
    %convert_element_type3A_557 = arith.sitofp %add3A_556 : vector<16xi32> to vector<16xf32>
    %sub3A_558 = arith.constant 1.280000e+02 : f32
    %sub3A_559 = vector.broadcast %sub3A_558 : f32 to vector<16xf32>
    %sub3A_560 = arith.subf %convert_element_type3A_557, %sub3A_559 : vector<16xf32>
    %mul3A_561 = arith.constant 7.812500e-03 : f32
    %mul3A_562 = vector.broadcast %mul3A_561 : f32 to vector<16xf32>
    %mul3A_563 = arith.mulf %sub3A_560, %mul3A_562 : vector<16xf32>
    %broadcast_in_dim3A_564 = arith.constant 0 : i32
    %broadcast_in_dim3A_565 = vector.broadcast %broadcast_in_dim3A_564 : i32 to vector<16xi32>
    %slice3A_566 = vector.extract_strided_slice %select_n3A {offsets = [0], sizes = [1], strides = [1]} : vector<16xf32> to vector<1xf32>
    %squeeze3A_567 = vector.extract %slice3A_566[0] : f32 from vector<1xf32>
    %lt3A_568 = vector.broadcast %squeeze3A_567 : f32 to vector<16xf32>
    %lt3A_569 = arith.cmpf olt, %lt3A_568, %mul3A_563 : vector<16xf32>
    %jit3A_570 = arith.constant 1 : i32
    %jit3A_571 = arith.constant 0 : i32
    %broadcast_in_dim3A_572 = vector.broadcast %jit3A_570 : i32 to vector<16xi32>
    %broadcast_in_dim3A_573 = vector.broadcast %jit3A_571 : i32 to vector<16xi32>
    %select_n3A_574 = arith.select %lt3A_569, %broadcast_in_dim3A_572, %broadcast_in_dim3A_573 : vector<16xi1>, vector<16xi32>
    %add3A_575 = arith.addi %broadcast_in_dim3A_565, %select_n3A_574 : vector<16xi32>
    %slice3A_576 = vector.extract_strided_slice %select_n3A {offsets = [1], sizes = [1], strides = [1]} : vector<16xf32> to vector<1xf32>
    %squeeze3A_577 = vector.extract %slice3A_576[0] : f32 from vector<1xf32>
    %lt3A_578 = vector.broadcast %squeeze3A_577 : f32 to vector<16xf32>
    %lt3A_579 = arith.cmpf olt, %lt3A_578, %mul3A_563 : vector<16xf32>
    %jit3A_580 = arith.constant 1 : i32
    %jit3A_581 = arith.constant 0 : i32
    %broadcast_in_dim3A_582 = vector.broadcast %jit3A_580 : i32 to vector<16xi32>
    %broadcast_in_dim3A_583 = vector.broadcast %jit3A_581 : i32 to vector<16xi32>
    %select_n3A_584 = arith.select %lt3A_579, %broadcast_in_dim3A_582, %broadcast_in_dim3A_583 : vector<16xi1>, vector<16xi32>
    %add3A_585 = arith.addi %add3A_575, %select_n3A_584 : vector<16xi32>
    %slice3A_586 = vector.extract_strided_slice %select_n3A {offsets = [2], sizes = [1], strides = [1]} : vector<16xf32> to vector<1xf32>
    %squeeze3A_587 = vector.extract %slice3A_586[0] : f32 from vector<1xf32>
    %lt3A_588 = vector.broadcast %squeeze3A_587 : f32 to vector<16xf32>
    %lt3A_589 = arith.cmpf olt, %lt3A_588, %mul3A_563 : vector<16xf32>
    %jit3A_590 = arith.constant 1 : i32
    %jit3A_591 = arith.constant 0 : i32
    %broadcast_in_dim3A_592 = vector.broadcast %jit3A_590 : i32 to vector<16xi32>
    %broadcast_in_dim3A_593 = vector.broadcast %jit3A_591 : i32 to vector<16xi32>
    %select_n3A_594 = arith.select %lt3A_589, %broadcast_in_dim3A_592, %broadcast_in_dim3A_593 : vector<16xi1>, vector<16xi32>
    %add3A_595 = arith.addi %add3A_585, %select_n3A_594 : vector<16xi32>
    %slice3A_596 = vector.extract_strided_slice %select_n3A {offsets = [3], sizes = [1], strides = [1]} : vector<16xf32> to vector<1xf32>
    %squeeze3A_597 = vector.extract %slice3A_596[0] : f32 from vector<1xf32>
    %lt3A_598 = vector.broadcast %squeeze3A_597 : f32 to vector<16xf32>
    %lt3A_599 = arith.cmpf olt, %lt3A_598, %mul3A_563 : vector<16xf32>
    %jit3A_600 = arith.constant 1 : i32
    %jit3A_601 = arith.constant 0 : i32
    %broadcast_in_dim3A_602 = vector.broadcast %jit3A_600 : i32 to vector<16xi32>
    %broadcast_in_dim3A_603 = vector.broadcast %jit3A_601 : i32 to vector<16xi32>
    %select_n3A_604 = arith.select %lt3A_599, %broadcast_in_dim3A_602, %broadcast_in_dim3A_603 : vector<16xi1>, vector<16xi32>
    %add3A_605 = arith.addi %add3A_595, %select_n3A_604 : vector<16xi32>
    %slice3A_606 = vector.extract_strided_slice %select_n3A {offsets = [4], sizes = [1], strides = [1]} : vector<16xf32> to vector<1xf32>
    %squeeze3A_607 = vector.extract %slice3A_606[0] : f32 from vector<1xf32>
    %lt3A_608 = vector.broadcast %squeeze3A_607 : f32 to vector<16xf32>
    %lt3A_609 = arith.cmpf olt, %lt3A_608, %mul3A_563 : vector<16xf32>
    %jit3A_610 = arith.constant 1 : i32
    %jit3A_611 = arith.constant 0 : i32
    %broadcast_in_dim3A_612 = vector.broadcast %jit3A_610 : i32 to vector<16xi32>
    %broadcast_in_dim3A_613 = vector.broadcast %jit3A_611 : i32 to vector<16xi32>
    %select_n3A_614 = arith.select %lt3A_609, %broadcast_in_dim3A_612, %broadcast_in_dim3A_613 : vector<16xi1>, vector<16xi32>
    %add3A_615 = arith.addi %add3A_605, %select_n3A_614 : vector<16xi32>
    %slice3A_616 = vector.extract_strided_slice %select_n3A {offsets = [5], sizes = [1], strides = [1]} : vector<16xf32> to vector<1xf32>
    %squeeze3A_617 = vector.extract %slice3A_616[0] : f32 from vector<1xf32>
    %lt3A_618 = vector.broadcast %squeeze3A_617 : f32 to vector<16xf32>
    %lt3A_619 = arith.cmpf olt, %lt3A_618, %mul3A_563 : vector<16xf32>
    %jit3A_620 = arith.constant 1 : i32
    %jit3A_621 = arith.constant 0 : i32
    %broadcast_in_dim3A_622 = vector.broadcast %jit3A_620 : i32 to vector<16xi32>
    %broadcast_in_dim3A_623 = vector.broadcast %jit3A_621 : i32 to vector<16xi32>
    %select_n3A_624 = arith.select %lt3A_619, %broadcast_in_dim3A_622, %broadcast_in_dim3A_623 : vector<16xi1>, vector<16xi32>
    %add3A_625 = arith.addi %add3A_615, %select_n3A_624 : vector<16xi32>
    %slice3A_626 = vector.extract_strided_slice %select_n3A {offsets = [6], sizes = [1], strides = [1]} : vector<16xf32> to vector<1xf32>
    %squeeze3A_627 = vector.extract %slice3A_626[0] : f32 from vector<1xf32>
    %lt3A_628 = vector.broadcast %squeeze3A_627 : f32 to vector<16xf32>
    %lt3A_629 = arith.cmpf olt, %lt3A_628, %mul3A_563 : vector<16xf32>
    %jit3A_630 = arith.constant 1 : i32
    %jit3A_631 = arith.constant 0 : i32
    %broadcast_in_dim3A_632 = vector.broadcast %jit3A_630 : i32 to vector<16xi32>
    %broadcast_in_dim3A_633 = vector.broadcast %jit3A_631 : i32 to vector<16xi32>
    %select_n3A_634 = arith.select %lt3A_629, %broadcast_in_dim3A_632, %broadcast_in_dim3A_633 : vector<16xi1>, vector<16xi32>
    %add3A_635 = arith.addi %add3A_625, %select_n3A_634 : vector<16xi32>
    %slice3A_636 = vector.extract_strided_slice %select_n3A {offsets = [7], sizes = [1], strides = [1]} : vector<16xf32> to vector<1xf32>
    %squeeze3A_637 = vector.extract %slice3A_636[0] : f32 from vector<1xf32>
    %lt3A_638 = vector.broadcast %squeeze3A_637 : f32 to vector<16xf32>
    %lt3A_639 = arith.cmpf olt, %lt3A_638, %mul3A_563 : vector<16xf32>
    %jit3A_640 = arith.constant 1 : i32
    %jit3A_641 = arith.constant 0 : i32
    %broadcast_in_dim3A_642 = vector.broadcast %jit3A_640 : i32 to vector<16xi32>
    %broadcast_in_dim3A_643 = vector.broadcast %jit3A_641 : i32 to vector<16xi32>
    %select_n3A_644 = arith.select %lt3A_639, %broadcast_in_dim3A_642, %broadcast_in_dim3A_643 : vector<16xi1>, vector<16xi32>
    %add3A_645 = arith.addi %add3A_635, %select_n3A_644 : vector<16xi32>
    %slice3A_646 = vector.extract_strided_slice %select_n3A {offsets = [8], sizes = [1], strides = [1]} : vector<16xf32> to vector<1xf32>
    %squeeze3A_647 = vector.extract %slice3A_646[0] : f32 from vector<1xf32>
    %lt3A_648 = vector.broadcast %squeeze3A_647 : f32 to vector<16xf32>
    %lt3A_649 = arith.cmpf olt, %lt3A_648, %mul3A_563 : vector<16xf32>
    %jit3A_650 = arith.constant 1 : i32
    %jit3A_651 = arith.constant 0 : i32
    %broadcast_in_dim3A_652 = vector.broadcast %jit3A_650 : i32 to vector<16xi32>
    %broadcast_in_dim3A_653 = vector.broadcast %jit3A_651 : i32 to vector<16xi32>
    %select_n3A_654 = arith.select %lt3A_649, %broadcast_in_dim3A_652, %broadcast_in_dim3A_653 : vector<16xi1>, vector<16xi32>
    %add3A_655 = arith.addi %add3A_645, %select_n3A_654 : vector<16xi32>
    %slice3A_656 = vector.extract_strided_slice %select_n3A {offsets = [9], sizes = [1], strides = [1]} : vector<16xf32> to vector<1xf32>
    %squeeze3A_657 = vector.extract %slice3A_656[0] : f32 from vector<1xf32>
    %lt3A_658 = vector.broadcast %squeeze3A_657 : f32 to vector<16xf32>
    %lt3A_659 = arith.cmpf olt, %lt3A_658, %mul3A_563 : vector<16xf32>
    %jit3A_660 = arith.constant 1 : i32
    %jit3A_661 = arith.constant 0 : i32
    %broadcast_in_dim3A_662 = vector.broadcast %jit3A_660 : i32 to vector<16xi32>
    %broadcast_in_dim3A_663 = vector.broadcast %jit3A_661 : i32 to vector<16xi32>
    %select_n3A_664 = arith.select %lt3A_659, %broadcast_in_dim3A_662, %broadcast_in_dim3A_663 : vector<16xi1>, vector<16xi32>
    %add3A_665 = arith.addi %add3A_655, %select_n3A_664 : vector<16xi32>
    %slice3A_666 = vector.extract_strided_slice %select_n3A {offsets = [10], sizes = [1], strides = [1]} : vector<16xf32> to vector<1xf32>
    %squeeze3A_667 = vector.extract %slice3A_666[0] : f32 from vector<1xf32>
    %lt3A_668 = vector.broadcast %squeeze3A_667 : f32 to vector<16xf32>
    %lt3A_669 = arith.cmpf olt, %lt3A_668, %mul3A_563 : vector<16xf32>
    %jit3A_670 = arith.constant 1 : i32
    %jit3A_671 = arith.constant 0 : i32
    %broadcast_in_dim3A_672 = vector.broadcast %jit3A_670 : i32 to vector<16xi32>
    %broadcast_in_dim3A_673 = vector.broadcast %jit3A_671 : i32 to vector<16xi32>
    %select_n3A_674 = arith.select %lt3A_669, %broadcast_in_dim3A_672, %broadcast_in_dim3A_673 : vector<16xi1>, vector<16xi32>
    %add3A_675 = arith.addi %add3A_665, %select_n3A_674 : vector<16xi32>
    %slice3A_676 = vector.extract_strided_slice %select_n3A {offsets = [11], sizes = [1], strides = [1]} : vector<16xf32> to vector<1xf32>
    %squeeze3A_677 = vector.extract %slice3A_676[0] : f32 from vector<1xf32>
    %lt3A_678 = vector.broadcast %squeeze3A_677 : f32 to vector<16xf32>
    %lt3A_679 = arith.cmpf olt, %lt3A_678, %mul3A_563 : vector<16xf32>
    %jit3A_680 = arith.constant 1 : i32
    %jit3A_681 = arith.constant 0 : i32
    %broadcast_in_dim3A_682 = vector.broadcast %jit3A_680 : i32 to vector<16xi32>
    %broadcast_in_dim3A_683 = vector.broadcast %jit3A_681 : i32 to vector<16xi32>
    %select_n3A_684 = arith.select %lt3A_679, %broadcast_in_dim3A_682, %broadcast_in_dim3A_683 : vector<16xi1>, vector<16xi32>
    %add3A_685 = arith.addi %add3A_675, %select_n3A_684 : vector<16xi32>
    %slice3A_686 = vector.extract_strided_slice %select_n3A {offsets = [12], sizes = [1], strides = [1]} : vector<16xf32> to vector<1xf32>
    %squeeze3A_687 = vector.extract %slice3A_686[0] : f32 from vector<1xf32>
    %lt3A_688 = vector.broadcast %squeeze3A_687 : f32 to vector<16xf32>
    %lt3A_689 = arith.cmpf olt, %lt3A_688, %mul3A_563 : vector<16xf32>
    %jit3A_690 = arith.constant 1 : i32
    %jit3A_691 = arith.constant 0 : i32
    %broadcast_in_dim3A_692 = vector.broadcast %jit3A_690 : i32 to vector<16xi32>
    %broadcast_in_dim3A_693 = vector.broadcast %jit3A_691 : i32 to vector<16xi32>
    %select_n3A_694 = arith.select %lt3A_689, %broadcast_in_dim3A_692, %broadcast_in_dim3A_693 : vector<16xi1>, vector<16xi32>
    %add3A_695 = arith.addi %add3A_685, %select_n3A_694 : vector<16xi32>
    %slice3A_696 = vector.extract_strided_slice %select_n3A {offsets = [13], sizes = [1], strides = [1]} : vector<16xf32> to vector<1xf32>
    %squeeze3A_697 = vector.extract %slice3A_696[0] : f32 from vector<1xf32>
    %lt3A_698 = vector.broadcast %squeeze3A_697 : f32 to vector<16xf32>
    %lt3A_699 = arith.cmpf olt, %lt3A_698, %mul3A_563 : vector<16xf32>
    %jit3A_700 = arith.constant 1 : i32
    %jit3A_701 = arith.constant 0 : i32
    %broadcast_in_dim3A_702 = vector.broadcast %jit3A_700 : i32 to vector<16xi32>
    %broadcast_in_dim3A_703 = vector.broadcast %jit3A_701 : i32 to vector<16xi32>
    %select_n3A_704 = arith.select %lt3A_699, %broadcast_in_dim3A_702, %broadcast_in_dim3A_703 : vector<16xi1>, vector<16xi32>
    %add3A_705 = arith.addi %add3A_695, %select_n3A_704 : vector<16xi32>
    %slice3A_706 = vector.extract_strided_slice %select_n3A {offsets = [14], sizes = [1], strides = [1]} : vector<16xf32> to vector<1xf32>
    %squeeze3A_707 = vector.extract %slice3A_706[0] : f32 from vector<1xf32>
    %lt3A_708 = vector.broadcast %squeeze3A_707 : f32 to vector<16xf32>
    %lt3A_709 = arith.cmpf olt, %lt3A_708, %mul3A_563 : vector<16xf32>
    %jit3A_710 = arith.constant 1 : i32
    %jit3A_711 = arith.constant 0 : i32
    %broadcast_in_dim3A_712 = vector.broadcast %jit3A_710 : i32 to vector<16xi32>
    %broadcast_in_dim3A_713 = vector.broadcast %jit3A_711 : i32 to vector<16xi32>
    %select_n3A_714 = arith.select %lt3A_709, %broadcast_in_dim3A_712, %broadcast_in_dim3A_713 : vector<16xi1>, vector<16xi32>
    %add3A_715 = arith.addi %add3A_705, %select_n3A_714 : vector<16xi32>
    %gather3A_716 = tpu.vector_load_idx %arg12[%add3A_715] : memref<16xf32, #tpu.memory_space<vmem>>[vector<16xi32>], vector<16xf32>,
    %mul3A_717 = arith.constant 1.280000e+02 : f32
    %mul3A_718 = vector.broadcast %mul3A_717 : f32 to vector<16xf32>
    %mul3A_719 = arith.mulf %gather3A_716, %mul3A_718 : vector<16xf32>
    %swap3A_720 = arith.constant 48 : index
    %swap3A_721 = tpu.vector_load %arg8[%swap3A_720] {strides = array<i32>} : memref<272xf32, #tpu.memory_space<vmem>>, vector<16xf32>,
    tpu.vector_store %arg8[%swap3A_720], %mul3A_719 {strides = array<i32>} : memref<272xf32, #tpu.memory_space<vmem>>, vector<16xf32>,
    %gather3A_722 = tpu.vector_load_idx %arg11[%add3A_715] : memref<16xf32, #tpu.memory_space<vmem>>[vector<16xi32>], vector<16xf32>,
    %swap3A_723 = arith.constant 48 : index
    %swap3A_724 = tpu.vector_load %arg9[%swap3A_723] {strides = array<i32>} : memref<272xf32, #tpu.memory_space<vmem>>, vector<16xf32>,
    tpu.vector_store %arg9[%swap3A_723], %gather3A_722 {strides = array<i32>} : memref<272xf32, #tpu.memory_space<vmem>>, vector<16xf32>,
    %add3A_725 = arith.constant 1 : i32
    %add3A_726 = vector.broadcast %add3A_725 : i32 to vector<16xi32>
    %add3A_727 = arith.addi %add3A_715, %add3A_726 : vector<16xi32>
    %min3A_728 = arith.constant 15 : i32
    %min3A_729 = vector.broadcast %min3A_728 : i32 to vector<16xi32>
    %min3A_730 = arith.minsi %add3A_727, %min3A_729 : vector<16xi32>
    %gather3A_731 = tpu.vector_load_idx %arg11[%min3A_730] : memref<16xf32, #tpu.memory_space<vmem>>[vector<16xi32>], vector<16xf32>,
    %swap3A_732 = arith.constant 48 : index
    %swap3A_733 = tpu.vector_load %arg10[%swap3A_732] {strides = array<i32>} : memref<272xf32, #tpu.memory_space<vmem>>, vector<16xf32>,
    tpu.vector_store %arg10[%swap3A_732], %gather3A_731 {strides = array<i32>} : memref<272xf32, #tpu.memory_space<vmem>>, vector<16xf32>,
    %add3A_734 = arith.constant 64 : i32
    %add3A_735 = vector.broadcast %add3A_734 : i32 to vector<16xi32>
    %add3A_736 = arith.addi %add3A_735, %iota3A : vector<16xi32>
    %convert_element_type3A_737 = arith.sitofp %add3A_736 : vector<16xi32> to vector<16xf32>
    %sub3A_738 = arith.constant 1.280000e+02 : f32
    %sub3A_739 = vector.broadcast %sub3A_738 : f32 to vector<16xf32>
    %sub3A_740 = arith.subf %convert_element_type3A_737, %sub3A_739 : vector<16xf32>
    %mul3A_741 = arith.constant 7.812500e-03 : f32
    %mul3A_742 = vector.broadcast %mul3A_741 : f32 to vector<16xf32>
    %mul3A_743 = arith.mulf %sub3A_740, %mul3A_742 : vector<16xf32>
    %broadcast_in_dim3A_744 = arith.constant 0 : i32
    %broadcast_in_dim3A_745 = vector.broadcast %broadcast_in_dim3A_744 : i32 to vector<16xi32>
    %slice3A_746 = vector.extract_strided_slice %select_n3A {offsets = [0], sizes = [1], strides = [1]} : vector<16xf32> to vector<1xf32>
    %squeeze3A_747 = vector.extract %slice3A_746[0] : f32 from vector<1xf32>
    %lt3A_748 = vector.broadcast %squeeze3A_747 : f32 to vector<16xf32>
    %lt3A_749 = arith.cmpf olt, %lt3A_748, %mul3A_743 : vector<16xf32>
    %jit3A_750 = arith.constant 1 : i32
    %jit3A_751 = arith.constant 0 : i32
    %broadcast_in_dim3A_752 = vector.broadcast %jit3A_750 : i32 to vector<16xi32>
    %broadcast_in_dim3A_753 = vector.broadcast %jit3A_751 : i32 to vector<16xi32>
    %select_n3A_754 = arith.select %lt3A_749, %broadcast_in_dim3A_752, %broadcast_in_dim3A_753 : vector<16xi1>, vector<16xi32>
    %add3A_755 = arith.addi %broadcast_in_dim3A_745, %select_n3A_754 : vector<16xi32>
    %slice3A_756 = vector.extract_strided_slice %select_n3A {offsets = [1], sizes = [1], strides = [1]} : vector<16xf32> to vector<1xf32>
    %squeeze3A_757 = vector.extract %slice3A_756[0] : f32 from vector<1xf32>
    %lt3A_758 = vector.broadcast %squeeze3A_757 : f32 to vector<16xf32>
    %lt3A_759 = arith.cmpf olt, %lt3A_758, %mul3A_743 : vector<16xf32>
    %jit3A_760 = arith.constant 1 : i32
    %jit3A_761 = arith.constant 0 : i32
    %broadcast_in_dim3A_762 = vector.broadcast %jit3A_760 : i32 to vector<16xi32>
    %broadcast_in_dim3A_763 = vector.broadcast %jit3A_761 : i32 to vector<16xi32>
    %select_n3A_764 = arith.select %lt3A_759, %broadcast_in_dim3A_762, %broadcast_in_dim3A_763 : vector<16xi1>, vector<16xi32>
    %add3A_765 = arith.addi %add3A_755, %select_n3A_764 : vector<16xi32>
    %slice3A_766 = vector.extract_strided_slice %select_n3A {offsets = [2], sizes = [1], strides = [1]} : vector<16xf32> to vector<1xf32>
    %squeeze3A_767 = vector.extract %slice3A_766[0] : f32 from vector<1xf32>
    %lt3A_768 = vector.broadcast %squeeze3A_767 : f32 to vector<16xf32>
    %lt3A_769 = arith.cmpf olt, %lt3A_768, %mul3A_743 : vector<16xf32>
    %jit3A_770 = arith.constant 1 : i32
    %jit3A_771 = arith.constant 0 : i32
    %broadcast_in_dim3A_772 = vector.broadcast %jit3A_770 : i32 to vector<16xi32>
    %broadcast_in_dim3A_773 = vector.broadcast %jit3A_771 : i32 to vector<16xi32>
    %select_n3A_774 = arith.select %lt3A_769, %broadcast_in_dim3A_772, %broadcast_in_dim3A_773 : vector<16xi1>, vector<16xi32>
    %add3A_775 = arith.addi %add3A_765, %select_n3A_774 : vector<16xi32>
    %slice3A_776 = vector.extract_strided_slice %select_n3A {offsets = [3], sizes = [1], strides = [1]} : vector<16xf32> to vector<1xf32>
    %squeeze3A_777 = vector.extract %slice3A_776[0] : f32 from vector<1xf32>
    %lt3A_778 = vector.broadcast %squeeze3A_777 : f32 to vector<16xf32>
    %lt3A_779 = arith.cmpf olt, %lt3A_778, %mul3A_743 : vector<16xf32>
    %jit3A_780 = arith.constant 1 : i32
    %jit3A_781 = arith.constant 0 : i32
    %broadcast_in_dim3A_782 = vector.broadcast %jit3A_780 : i32 to vector<16xi32>
    %broadcast_in_dim3A_783 = vector.broadcast %jit3A_781 : i32 to vector<16xi32>
    %select_n3A_784 = arith.select %lt3A_779, %broadcast_in_dim3A_782, %broadcast_in_dim3A_783 : vector<16xi1>, vector<16xi32>
    %add3A_785 = arith.addi %add3A_775, %select_n3A_784 : vector<16xi32>
    %slice3A_786 = vector.extract_strided_slice %select_n3A {offsets = [4], sizes = [1], strides = [1]} : vector<16xf32> to vector<1xf32>
    %squeeze3A_787 = vector.extract %slice3A_786[0] : f32 from vector<1xf32>
    %lt3A_788 = vector.broadcast %squeeze3A_787 : f32 to vector<16xf32>
    %lt3A_789 = arith.cmpf olt, %lt3A_788, %mul3A_743 : vector<16xf32>
    %jit3A_790 = arith.constant 1 : i32
    %jit3A_791 = arith.constant 0 : i32
    %broadcast_in_dim3A_792 = vector.broadcast %jit3A_790 : i32 to vector<16xi32>
    %broadcast_in_dim3A_793 = vector.broadcast %jit3A_791 : i32 to vector<16xi32>
    %select_n3A_794 = arith.select %lt3A_789, %broadcast_in_dim3A_792, %broadcast_in_dim3A_793 : vector<16xi1>, vector<16xi32>
    %add3A_795 = arith.addi %add3A_785, %select_n3A_794 : vector<16xi32>
    %slice3A_796 = vector.extract_strided_slice %select_n3A {offsets = [5], sizes = [1], strides = [1]} : vector<16xf32> to vector<1xf32>
    %squeeze3A_797 = vector.extract %slice3A_796[0] : f32 from vector<1xf32>
    %lt3A_798 = vector.broadcast %squeeze3A_797 : f32 to vector<16xf32>
    %lt3A_799 = arith.cmpf olt, %lt3A_798, %mul3A_743 : vector<16xf32>
    %jit3A_800 = arith.constant 1 : i32
    %jit3A_801 = arith.constant 0 : i32
    %broadcast_in_dim3A_802 = vector.broadcast %jit3A_800 : i32 to vector<16xi32>
    %broadcast_in_dim3A_803 = vector.broadcast %jit3A_801 : i32 to vector<16xi32>
    %select_n3A_804 = arith.select %lt3A_799, %broadcast_in_dim3A_802, %broadcast_in_dim3A_803 : vector<16xi1>, vector<16xi32>
    %add3A_805 = arith.addi %add3A_795, %select_n3A_804 : vector<16xi32>
    %slice3A_806 = vector.extract_strided_slice %select_n3A {offsets = [6], sizes = [1], strides = [1]} : vector<16xf32> to vector<1xf32>
    %squeeze3A_807 = vector.extract %slice3A_806[0] : f32 from vector<1xf32>
    %lt3A_808 = vector.broadcast %squeeze3A_807 : f32 to vector<16xf32>
    %lt3A_809 = arith.cmpf olt, %lt3A_808, %mul3A_743 : vector<16xf32>
    %jit3A_810 = arith.constant 1 : i32
    %jit3A_811 = arith.constant 0 : i32
    %broadcast_in_dim3A_812 = vector.broadcast %jit3A_810 : i32 to vector<16xi32>
    %broadcast_in_dim3A_813 = vector.broadcast %jit3A_811 : i32 to vector<16xi32>
    %select_n3A_814 = arith.select %lt3A_809, %broadcast_in_dim3A_812, %broadcast_in_dim3A_813 : vector<16xi1>, vector<16xi32>
    %add3A_815 = arith.addi %add3A_805, %select_n3A_814 : vector<16xi32>
    %slice3A_816 = vector.extract_strided_slice %select_n3A {offsets = [7], sizes = [1], strides = [1]} : vector<16xf32> to vector<1xf32>
    %squeeze3A_817 = vector.extract %slice3A_816[0] : f32 from vector<1xf32>
    %lt3A_818 = vector.broadcast %squeeze3A_817 : f32 to vector<16xf32>
    %lt3A_819 = arith.cmpf olt, %lt3A_818, %mul3A_743 : vector<16xf32>
    %jit3A_820 = arith.constant 1 : i32
    %jit3A_821 = arith.constant 0 : i32
    %broadcast_in_dim3A_822 = vector.broadcast %jit3A_820 : i32 to vector<16xi32>
    %broadcast_in_dim3A_823 = vector.broadcast %jit3A_821 : i32 to vector<16xi32>
    %select_n3A_824 = arith.select %lt3A_819, %broadcast_in_dim3A_822, %broadcast_in_dim3A_823 : vector<16xi1>, vector<16xi32>
    %add3A_825 = arith.addi %add3A_815, %select_n3A_824 : vector<16xi32>
    %slice3A_826 = vector.extract_strided_slice %select_n3A {offsets = [8], sizes = [1], strides = [1]} : vector<16xf32> to vector<1xf32>
    %squeeze3A_827 = vector.extract %slice3A_826[0] : f32 from vector<1xf32>
    %lt3A_828 = vector.broadcast %squeeze3A_827 : f32 to vector<16xf32>
    %lt3A_829 = arith.cmpf olt, %lt3A_828, %mul3A_743 : vector<16xf32>
    %jit3A_830 = arith.constant 1 : i32
    %jit3A_831 = arith.constant 0 : i32
    %broadcast_in_dim3A_832 = vector.broadcast %jit3A_830 : i32 to vector<16xi32>
    %broadcast_in_dim3A_833 = vector.broadcast %jit3A_831 : i32 to vector<16xi32>
    %select_n3A_834 = arith.select %lt3A_829, %broadcast_in_dim3A_832, %broadcast_in_dim3A_833 : vector<16xi1>, vector<16xi32>
    %add3A_835 = arith.addi %add3A_825, %select_n3A_834 : vector<16xi32>
    %slice3A_836 = vector.extract_strided_slice %select_n3A {offsets = [9], sizes = [1], strides = [1]} : vector<16xf32> to vector<1xf32>
    %squeeze3A_837 = vector.extract %slice3A_836[0] : f32 from vector<1xf32>
    %lt3A_838 = vector.broadcast %squeeze3A_837 : f32 to vector<16xf32>
    %lt3A_839 = arith.cmpf olt, %lt3A_838, %mul3A_743 : vector<16xf32>
    %jit3A_840 = arith.constant 1 : i32
    %jit3A_841 = arith.constant 0 : i32
    %broadcast_in_dim3A_842 = vector.broadcast %jit3A_840 : i32 to vector<16xi32>
    %broadcast_in_dim3A_843 = vector.broadcast %jit3A_841 : i32 to vector<16xi32>
    %select_n3A_844 = arith.select %lt3A_839, %broadcast_in_dim3A_842, %broadcast_in_dim3A_843 : vector<16xi1>, vector<16xi32>
    %add3A_845 = arith.addi %add3A_835, %select_n3A_844 : vector<16xi32>
    %slice3A_846 = vector.extract_strided_slice %select_n3A {offsets = [10], sizes = [1], strides = [1]} : vector<16xf32> to vector<1xf32>
    %squeeze3A_847 = vector.extract %slice3A_846[0] : f32 from vector<1xf32>
    %lt3A_848 = vector.broadcast %squeeze3A_847 : f32 to vector<16xf32>
    %lt3A_849 = arith.cmpf olt, %lt3A_848, %mul3A_743 : vector<16xf32>
    %jit3A_850 = arith.constant 1 : i32
    %jit3A_851 = arith.constant 0 : i32
    %broadcast_in_dim3A_852 = vector.broadcast %jit3A_850 : i32 to vector<16xi32>
    %broadcast_in_dim3A_853 = vector.broadcast %jit3A_851 : i32 to vector<16xi32>
    %select_n3A_854 = arith.select %lt3A_849, %broadcast_in_dim3A_852, %broadcast_in_dim3A_853 : vector<16xi1>, vector<16xi32>
    %add3A_855 = arith.addi %add3A_845, %select_n3A_854 : vector<16xi32>
    %slice3A_856 = vector.extract_strided_slice %select_n3A {offsets = [11], sizes = [1], strides = [1]} : vector<16xf32> to vector<1xf32>
    %squeeze3A_857 = vector.extract %slice3A_856[0] : f32 from vector<1xf32>
    %lt3A_858 = vector.broadcast %squeeze3A_857 : f32 to vector<16xf32>
    %lt3A_859 = arith.cmpf olt, %lt3A_858, %mul3A_743 : vector<16xf32>
    %jit3A_860 = arith.constant 1 : i32
    %jit3A_861 = arith.constant 0 : i32
    %broadcast_in_dim3A_862 = vector.broadcast %jit3A_860 : i32 to vector<16xi32>
    %broadcast_in_dim3A_863 = vector.broadcast %jit3A_861 : i32 to vector<16xi32>
    %select_n3A_864 = arith.select %lt3A_859, %broadcast_in_dim3A_862, %broadcast_in_dim3A_863 : vector<16xi1>, vector<16xi32>
    %add3A_865 = arith.addi %add3A_855, %select_n3A_864 : vector<16xi32>
    %slice3A_866 = vector.extract_strided_slice %select_n3A {offsets = [12], sizes = [1], strides = [1]} : vector<16xf32> to vector<1xf32>
    %squeeze3A_867 = vector.extract %slice3A_866[0] : f32 from vector<1xf32>
    %lt3A_868 = vector.broadcast %squeeze3A_867 : f32 to vector<16xf32>
    %lt3A_869 = arith.cmpf olt, %lt3A_868, %mul3A_743 : vector<16xf32>
    %jit3A_870 = arith.constant 1 : i32
    %jit3A_871 = arith.constant 0 : i32
    %broadcast_in_dim3A_872 = vector.broadcast %jit3A_870 : i32 to vector<16xi32>
    %broadcast_in_dim3A_873 = vector.broadcast %jit3A_871 : i32 to vector<16xi32>
    %select_n3A_874 = arith.select %lt3A_869, %broadcast_in_dim3A_872, %broadcast_in_dim3A_873 : vector<16xi1>, vector<16xi32>
    %add3A_875 = arith.addi %add3A_865, %select_n3A_874 : vector<16xi32>
    %slice3A_876 = vector.extract_strided_slice %select_n3A {offsets = [13], sizes = [1], strides = [1]} : vector<16xf32> to vector<1xf32>
    %squeeze3A_877 = vector.extract %slice3A_876[0] : f32 from vector<1xf32>
    %lt3A_878 = vector.broadcast %squeeze3A_877 : f32 to vector<16xf32>
    %lt3A_879 = arith.cmpf olt, %lt3A_878, %mul3A_743 : vector<16xf32>
    %jit3A_880 = arith.constant 1 : i32
    %jit3A_881 = arith.constant 0 : i32
    %broadcast_in_dim3A_882 = vector.broadcast %jit3A_880 : i32 to vector<16xi32>
    %broadcast_in_dim3A_883 = vector.broadcast %jit3A_881 : i32 to vector<16xi32>
    %select_n3A_884 = arith.select %lt3A_879, %broadcast_in_dim3A_882, %broadcast_in_dim3A_883 : vector<16xi1>, vector<16xi32>
    %add3A_885 = arith.addi %add3A_875, %select_n3A_884 : vector<16xi32>
    %slice3A_886 = vector.extract_strided_slice %select_n3A {offsets = [14], sizes = [1], strides = [1]} : vector<16xf32> to vector<1xf32>
    %squeeze3A_887 = vector.extract %slice3A_886[0] : f32 from vector<1xf32>
    %lt3A_888 = vector.broadcast %squeeze3A_887 : f32 to vector<16xf32>
    %lt3A_889 = arith.cmpf olt, %lt3A_888, %mul3A_743 : vector<16xf32>
    %jit3A_890 = arith.constant 1 : i32
    %jit3A_891 = arith.constant 0 : i32
    %broadcast_in_dim3A_892 = vector.broadcast %jit3A_890 : i32 to vector<16xi32>
    %broadcast_in_dim3A_893 = vector.broadcast %jit3A_891 : i32 to vector<16xi32>
    %select_n3A_894 = arith.select %lt3A_889, %broadcast_in_dim3A_892, %broadcast_in_dim3A_893 : vector<16xi1>, vector<16xi32>
    %add3A_895 = arith.addi %add3A_885, %select_n3A_894 : vector<16xi32>
    %gather3A_896 = tpu.vector_load_idx %arg12[%add3A_895] : memref<16xf32, #tpu.memory_space<vmem>>[vector<16xi32>], vector<16xf32>,
    %mul3A_897 = arith.constant 1.280000e+02 : f32
    %mul3A_898 = vector.broadcast %mul3A_897 : f32 to vector<16xf32>
    %mul3A_899 = arith.mulf %gather3A_896, %mul3A_898 : vector<16xf32>
    %swap3A_900 = arith.constant 64 : index
    %swap3A_901 = tpu.vector_load %arg8[%swap3A_900] {strides = array<i32>} : memref<272xf32, #tpu.memory_space<vmem>>, vector<16xf32>,
    tpu.vector_store %arg8[%swap3A_900], %mul3A_899 {strides = array<i32>} : memref<272xf32, #tpu.memory_space<vmem>>, vector<16xf32>,
    %gather3A_902 = tpu.vector_load_idx %arg11[%add3A_895] : memref<16xf32, #tpu.memory_space<vmem>>[vector<16xi32>], vector<16xf32>,
    %swap3A_903 = arith.constant 64 : index
    %swap3A_904 = tpu.vector_load %arg9[%swap3A_903] {strides = array<i32>} : memref<272xf32, #tpu.memory_space<vmem>>, vector<16xf32>,
    tpu.vector_store %arg9[%swap3A_903], %gather3A_902 {strides = array<i32>} : memref<272xf32, #tpu.memory_space<vmem>>, vector<16xf32>,
    %add3A_905 = arith.constant 1 : i32
    %add3A_906 = vector.broadcast %add3A_905 : i32 to vector<16xi32>
    %add3A_907 = arith.addi %add3A_895, %add3A_906 : vector<16xi32>
    %min3A_908 = arith.constant 15 : i32
    %min3A_909 = vector.broadcast %min3A_908 : i32 to vector<16xi32>
    %min3A_910 = arith.minsi %add3A_907, %min3A_909 : vector<16xi32>
    %gather3A_911 = tpu.vector_load_idx %arg11[%min3A_910] : memref<16xf32, #tpu.memory_space<vmem>>[vector<16xi32>], vector<16xf32>,
    %swap3A_912 = arith.constant 64 : index
    %swap3A_913 = tpu.vector_load %arg10[%swap3A_912] {strides = array<i32>} : memref<272xf32, #tpu.memory_space<vmem>>, vector<16xf32>,
    tpu.vector_store %arg10[%swap3A_912], %gather3A_911 {strides = array<i32>} : memref<272xf32, #tpu.memory_space<vmem>>, vector<16xf32>,
    %add3A_914 = arith.constant 80 : i32
    %add3A_915 = vector.broadcast %add3A_914 : i32 to vector<16xi32>
    %add3A_916 = arith.addi %add3A_915, %iota3A : vector<16xi32>
    %convert_element_type3A_917 = arith.sitofp %add3A_916 : vector<16xi32> to vector<16xf32>
    %sub3A_918 = arith.constant 1.280000e+02 : f32
    %sub3A_919 = vector.broadcast %sub3A_918 : f32 to vector<16xf32>
    %sub3A_920 = arith.subf %convert_element_type3A_917, %sub3A_919 : vector<16xf32>
    %mul3A_921 = arith.constant 7.812500e-03 : f32
    %mul3A_922 = vector.broadcast %mul3A_921 : f32 to vector<16xf32>
    %mul3A_923 = arith.mulf %sub3A_920, %mul3A_922 : vector<16xf32>
    %broadcast_in_dim3A_924 = arith.constant 0 : i32
    %broadcast_in_dim3A_925 = vector.broadcast %broadcast_in_dim3A_924 : i32 to vector<16xi32>
    %slice3A_926 = vector.extract_strided_slice %select_n3A {offsets = [0], sizes = [1], strides = [1]} : vector<16xf32> to vector<1xf32>
    %squeeze3A_927 = vector.extract %slice3A_926[0] : f32 from vector<1xf32>
    %lt3A_928 = vector.broadcast %squeeze3A_927 : f32 to vector<16xf32>
    %lt3A_929 = arith.cmpf olt, %lt3A_928, %mul3A_923 : vector<16xf32>
    %jit3A_930 = arith.constant 1 : i32
    %jit3A_931 = arith.constant 0 : i32
    %broadcast_in_dim3A_932 = vector.broadcast %jit3A_930 : i32 to vector<16xi32>
    %broadcast_in_dim3A_933 = vector.broadcast %jit3A_931 : i32 to vector<16xi32>
    %select_n3A_934 = arith.select %lt3A_929, %broadcast_in_dim3A_932, %broadcast_in_dim3A_933 : vector<16xi1>, vector<16xi32>
    %add3A_935 = arith.addi %broadcast_in_dim3A_925, %select_n3A_934 : vector<16xi32>
    %slice3A_936 = vector.extract_strided_slice %select_n3A {offsets = [1], sizes = [1], strides = [1]} : vector<16xf32> to vector<1xf32>
    %squeeze3A_937 = vector.extract %slice3A_936[0] : f32 from vector<1xf32>
    %lt3A_938 = vector.broadcast %squeeze3A_937 : f32 to vector<16xf32>
    %lt3A_939 = arith.cmpf olt, %lt3A_938, %mul3A_923 : vector<16xf32>
    %jit3A_940 = arith.constant 1 : i32
    %jit3A_941 = arith.constant 0 : i32
    %broadcast_in_dim3A_942 = vector.broadcast %jit3A_940 : i32 to vector<16xi32>
    %broadcast_in_dim3A_943 = vector.broadcast %jit3A_941 : i32 to vector<16xi32>
    %select_n3A_944 = arith.select %lt3A_939, %broadcast_in_dim3A_942, %broadcast_in_dim3A_943 : vector<16xi1>, vector<16xi32>
    %add3A_945 = arith.addi %add3A_935, %select_n3A_944 : vector<16xi32>
    %slice3A_946 = vector.extract_strided_slice %select_n3A {offsets = [2], sizes = [1], strides = [1]} : vector<16xf32> to vector<1xf32>
    %squeeze3A_947 = vector.extract %slice3A_946[0] : f32 from vector<1xf32>
    %lt3A_948 = vector.broadcast %squeeze3A_947 : f32 to vector<16xf32>
    %lt3A_949 = arith.cmpf olt, %lt3A_948, %mul3A_923 : vector<16xf32>
    %jit3A_950 = arith.constant 1 : i32
    %jit3A_951 = arith.constant 0 : i32
    %broadcast_in_dim3A_952 = vector.broadcast %jit3A_950 : i32 to vector<16xi32>
    %broadcast_in_dim3A_953 = vector.broadcast %jit3A_951 : i32 to vector<16xi32>
    %select_n3A_954 = arith.select %lt3A_949, %broadcast_in_dim3A_952, %broadcast_in_dim3A_953 : vector<16xi1>, vector<16xi32>
    %add3A_955 = arith.addi %add3A_945, %select_n3A_954 : vector<16xi32>
    %slice3A_956 = vector.extract_strided_slice %select_n3A {offsets = [3], sizes = [1], strides = [1]} : vector<16xf32> to vector<1xf32>
    %squeeze3A_957 = vector.extract %slice3A_956[0] : f32 from vector<1xf32>
    %lt3A_958 = vector.broadcast %squeeze3A_957 : f32 to vector<16xf32>
    %lt3A_959 = arith.cmpf olt, %lt3A_958, %mul3A_923 : vector<16xf32>
    %jit3A_960 = arith.constant 1 : i32
    %jit3A_961 = arith.constant 0 : i32
    %broadcast_in_dim3A_962 = vector.broadcast %jit3A_960 : i32 to vector<16xi32>
    %broadcast_in_dim3A_963 = vector.broadcast %jit3A_961 : i32 to vector<16xi32>
    %select_n3A_964 = arith.select %lt3A_959, %broadcast_in_dim3A_962, %broadcast_in_dim3A_963 : vector<16xi1>, vector<16xi32>
    %add3A_965 = arith.addi %add3A_955, %select_n3A_964 : vector<16xi32>
    %slice3A_966 = vector.extract_strided_slice %select_n3A {offsets = [4], sizes = [1], strides = [1]} : vector<16xf32> to vector<1xf32>
    %squeeze3A_967 = vector.extract %slice3A_966[0] : f32 from vector<1xf32>
    %lt3A_968 = vector.broadcast %squeeze3A_967 : f32 to vector<16xf32>
    %lt3A_969 = arith.cmpf olt, %lt3A_968, %mul3A_923 : vector<16xf32>
    %jit3A_970 = arith.constant 1 : i32
    %jit3A_971 = arith.constant 0 : i32
    %broadcast_in_dim3A_972 = vector.broadcast %jit3A_970 : i32 to vector<16xi32>
    %broadcast_in_dim3A_973 = vector.broadcast %jit3A_971 : i32 to vector<16xi32>
    %select_n3A_974 = arith.select %lt3A_969, %broadcast_in_dim3A_972, %broadcast_in_dim3A_973 : vector<16xi1>, vector<16xi32>
    %add3A_975 = arith.addi %add3A_965, %select_n3A_974 : vector<16xi32>
    %slice3A_976 = vector.extract_strided_slice %select_n3A {offsets = [5], sizes = [1], strides = [1]} : vector<16xf32> to vector<1xf32>
    %squeeze3A_977 = vector.extract %slice3A_976[0] : f32 from vector<1xf32>
    %lt3A_978 = vector.broadcast %squeeze3A_977 : f32 to vector<16xf32>
    %lt3A_979 = arith.cmpf olt, %lt3A_978, %mul3A_923 : vector<16xf32>
    %jit3A_980 = arith.constant 1 : i32
    %jit3A_981 = arith.constant 0 : i32
    %broadcast_in_dim3A_982 = vector.broadcast %jit3A_980 : i32 to vector<16xi32>
    %broadcast_in_dim3A_983 = vector.broadcast %jit3A_981 : i32 to vector<16xi32>
    %select_n3A_984 = arith.select %lt3A_979, %broadcast_in_dim3A_982, %broadcast_in_dim3A_983 : vector<16xi1>, vector<16xi32>
    %add3A_985 = arith.addi %add3A_975, %select_n3A_984 : vector<16xi32>
    %slice3A_986 = vector.extract_strided_slice %select_n3A {offsets = [6], sizes = [1], strides = [1]} : vector<16xf32> to vector<1xf32>
    %squeeze3A_987 = vector.extract %slice3A_986[0] : f32 from vector<1xf32>
    %lt3A_988 = vector.broadcast %squeeze3A_987 : f32 to vector<16xf32>
    %lt3A_989 = arith.cmpf olt, %lt3A_988, %mul3A_923 : vector<16xf32>
    %jit3A_990 = arith.constant 1 : i32
    %jit3A_991 = arith.constant 0 : i32
    %broadcast_in_dim3A_992 = vector.broadcast %jit3A_990 : i32 to vector<16xi32>
    %broadcast_in_dim3A_993 = vector.broadcast %jit3A_991 : i32 to vector<16xi32>
    %select_n3A_994 = arith.select %lt3A_989, %broadcast_in_dim3A_992, %broadcast_in_dim3A_993 : vector<16xi1>, vector<16xi32>
    %add3A_995 = arith.addi %add3A_985, %select_n3A_994 : vector<16xi32>
    %slice3A_996 = vector.extract_strided_slice %select_n3A {offsets = [7], sizes = [1], strides = [1]} : vector<16xf32> to vector<1xf32>
    %squeeze3A_997 = vector.extract %slice3A_996[0] : f32 from vector<1xf32>
    %lt3A_998 = vector.broadcast %squeeze3A_997 : f32 to vector<16xf32>
    %lt3A_999 = arith.cmpf olt, %lt3A_998, %mul3A_923 : vector<16xf32>
    %jit3A_1000 = arith.constant 1 : i32
    %jit3A_1001 = arith.constant 0 : i32
    %broadcast_in_dim3A_1002 = vector.broadcast %jit3A_1000 : i32 to vector<16xi32>
    %broadcast_in_dim3A_1003 = vector.broadcast %jit3A_1001 : i32 to vector<16xi32>
    %select_n3A_1004 = arith.select %lt3A_999, %broadcast_in_dim3A_1002, %broadcast_in_dim3A_1003 : vector<16xi1>, vector<16xi32>
    %add3A_1005 = arith.addi %add3A_995, %select_n3A_1004 : vector<16xi32>
    %slice3A_1006 = vector.extract_strided_slice %select_n3A {offsets = [8], sizes = [1], strides = [1]} : vector<16xf32> to vector<1xf32>
    %squeeze3A_1007 = vector.extract %slice3A_1006[0] : f32 from vector<1xf32>
    %lt3A_1008 = vector.broadcast %squeeze3A_1007 : f32 to vector<16xf32>
    %lt3A_1009 = arith.cmpf olt, %lt3A_1008, %mul3A_923 : vector<16xf32>
    %jit3A_1010 = arith.constant 1 : i32
    %jit3A_1011 = arith.constant 0 : i32
    %broadcast_in_dim3A_1012 = vector.broadcast %jit3A_1010 : i32 to vector<16xi32>
    %broadcast_in_dim3A_1013 = vector.broadcast %jit3A_1011 : i32 to vector<16xi32>
    %select_n3A_1014 = arith.select %lt3A_1009, %broadcast_in_dim3A_1012, %broadcast_in_dim3A_1013 : vector<16xi1>, vector<16xi32>
    %add3A_1015 = arith.addi %add3A_1005, %select_n3A_1014 : vector<16xi32>
    %slice3A_1016 = vector.extract_strided_slice %select_n3A {offsets = [9], sizes = [1], strides = [1]} : vector<16xf32> to vector<1xf32>
    %squeeze3A_1017 = vector.extract %slice3A_1016[0] : f32 from vector<1xf32>
    %lt3A_1018 = vector.broadcast %squeeze3A_1017 : f32 to vector<16xf32>
    %lt3A_1019 = arith.cmpf olt, %lt3A_1018, %mul3A_923 : vector<16xf32>
    %jit3A_1020 = arith.constant 1 : i32
    %jit3A_1021 = arith.constant 0 : i32
    %broadcast_in_dim3A_1022 = vector.broadcast %jit3A_1020 : i32 to vector<16xi32>
    %broadcast_in_dim3A_1023 = vector.broadcast %jit3A_1021 : i32 to vector<16xi32>
    %select_n3A_1024 = arith.select %lt3A_1019, %broadcast_in_dim3A_1022, %broadcast_in_dim3A_1023 : vector<16xi1>, vector<16xi32>
    %add3A_1025 = arith.addi %add3A_1015, %select_n3A_1024 : vector<16xi32>
    %slice3A_1026 = vector.extract_strided_slice %select_n3A {offsets = [10], sizes = [1], strides = [1]} : vector<16xf32> to vector<1xf32>
    %squeeze3A_1027 = vector.extract %slice3A_1026[0] : f32 from vector<1xf32>
    %lt3A_1028 = vector.broadcast %squeeze3A_1027 : f32 to vector<16xf32>
    %lt3A_1029 = arith.cmpf olt, %lt3A_1028, %mul3A_923 : vector<16xf32>
    %jit3A_1030 = arith.constant 1 : i32
    %jit3A_1031 = arith.constant 0 : i32
    %broadcast_in_dim3A_1032 = vector.broadcast %jit3A_1030 : i32 to vector<16xi32>
    %broadcast_in_dim3A_1033 = vector.broadcast %jit3A_1031 : i32 to vector<16xi32>
    %select_n3A_1034 = arith.select %lt3A_1029, %broadcast_in_dim3A_1032, %broadcast_in_dim3A_1033 : vector<16xi1>, vector<16xi32>
    %add3A_1035 = arith.addi %add3A_1025, %select_n3A_1034 : vector<16xi32>
    %slice3A_1036 = vector.extract_strided_slice %select_n3A {offsets = [11], sizes = [1], strides = [1]} : vector<16xf32> to vector<1xf32>
    %squeeze3A_1037 = vector.extract %slice3A_1036[0] : f32 from vector<1xf32>
    %lt3A_1038 = vector.broadcast %squeeze3A_1037 : f32 to vector<16xf32>
    %lt3A_1039 = arith.cmpf olt, %lt3A_1038, %mul3A_923 : vector<16xf32>
    %jit3A_1040 = arith.constant 1 : i32
    %jit3A_1041 = arith.constant 0 : i32
    %broadcast_in_dim3A_1042 = vector.broadcast %jit3A_1040 : i32 to vector<16xi32>
    %broadcast_in_dim3A_1043 = vector.broadcast %jit3A_1041 : i32 to vector<16xi32>
    %select_n3A_1044 = arith.select %lt3A_1039, %broadcast_in_dim3A_1042, %broadcast_in_dim3A_1043 : vector<16xi1>, vector<16xi32>
    %add3A_1045 = arith.addi %add3A_1035, %select_n3A_1044 : vector<16xi32>
    %slice3A_1046 = vector.extract_strided_slice %select_n3A {offsets = [12], sizes = [1], strides = [1]} : vector<16xf32> to vector<1xf32>
    %squeeze3A_1047 = vector.extract %slice3A_1046[0] : f32 from vector<1xf32>
    %lt3A_1048 = vector.broadcast %squeeze3A_1047 : f32 to vector<16xf32>
    %lt3A_1049 = arith.cmpf olt, %lt3A_1048, %mul3A_923 : vector<16xf32>
    %jit3A_1050 = arith.constant 1 : i32
    %jit3A_1051 = arith.constant 0 : i32
    %broadcast_in_dim3A_1052 = vector.broadcast %jit3A_1050 : i32 to vector<16xi32>
    %broadcast_in_dim3A_1053 = vector.broadcast %jit3A_1051 : i32 to vector<16xi32>
    %select_n3A_1054 = arith.select %lt3A_1049, %broadcast_in_dim3A_1052, %broadcast_in_dim3A_1053 : vector<16xi1>, vector<16xi32>
    %add3A_1055 = arith.addi %add3A_1045, %select_n3A_1054 : vector<16xi32>
    %slice3A_1056 = vector.extract_strided_slice %select_n3A {offsets = [13], sizes = [1], strides = [1]} : vector<16xf32> to vector<1xf32>
    %squeeze3A_1057 = vector.extract %slice3A_1056[0] : f32 from vector<1xf32>
    %lt3A_1058 = vector.broadcast %squeeze3A_1057 : f32 to vector<16xf32>
    %lt3A_1059 = arith.cmpf olt, %lt3A_1058, %mul3A_923 : vector<16xf32>
    %jit3A_1060 = arith.constant 1 : i32
    %jit3A_1061 = arith.constant 0 : i32
    %broadcast_in_dim3A_1062 = vector.broadcast %jit3A_1060 : i32 to vector<16xi32>
    %broadcast_in_dim3A_1063 = vector.broadcast %jit3A_1061 : i32 to vector<16xi32>
    %select_n3A_1064 = arith.select %lt3A_1059, %broadcast_in_dim3A_1062, %broadcast_in_dim3A_1063 : vector<16xi1>, vector<16xi32>
    %add3A_1065 = arith.addi %add3A_1055, %select_n3A_1064 : vector<16xi32>
    %slice3A_1066 = vector.extract_strided_slice %select_n3A {offsets = [14], sizes = [1], strides = [1]} : vector<16xf32> to vector<1xf32>
    %squeeze3A_1067 = vector.extract %slice3A_1066[0] : f32 from vector<1xf32>
    %lt3A_1068 = vector.broadcast %squeeze3A_1067 : f32 to vector<16xf32>
    %lt3A_1069 = arith.cmpf olt, %lt3A_1068, %mul3A_923 : vector<16xf32>
    %jit3A_1070 = arith.constant 1 : i32
    %jit3A_1071 = arith.constant 0 : i32
    %broadcast_in_dim3A_1072 = vector.broadcast %jit3A_1070 : i32 to vector<16xi32>
    %broadcast_in_dim3A_1073 = vector.broadcast %jit3A_1071 : i32 to vector<16xi32>
    %select_n3A_1074 = arith.select %lt3A_1069, %broadcast_in_dim3A_1072, %broadcast_in_dim3A_1073 : vector<16xi1>, vector<16xi32>
    %add3A_1075 = arith.addi %add3A_1065, %select_n3A_1074 : vector<16xi32>
    %gather3A_1076 = tpu.vector_load_idx %arg12[%add3A_1075] : memref<16xf32, #tpu.memory_space<vmem>>[vector<16xi32>], vector<16xf32>,
    %mul3A_1077 = arith.constant 1.280000e+02 : f32
    %mul3A_1078 = vector.broadcast %mul3A_1077 : f32 to vector<16xf32>
    %mul3A_1079 = arith.mulf %gather3A_1076, %mul3A_1078 : vector<16xf32>
    %swap3A_1080 = arith.constant 80 : index
    %swap3A_1081 = tpu.vector_load %arg8[%swap3A_1080] {strides = array<i32>} : memref<272xf32, #tpu.memory_space<vmem>>, vector<16xf32>,
    tpu.vector_store %arg8[%swap3A_1080], %mul3A_1079 {strides = array<i32>} : memref<272xf32, #tpu.memory_space<vmem>>, vector<16xf32>,
    %gather3A_1082 = tpu.vector_load_idx %arg11[%add3A_1075] : memref<16xf32, #tpu.memory_space<vmem>>[vector<16xi32>], vector<16xf32>,
    %swap3A_1083 = arith.constant 80 : index
    %swap3A_1084 = tpu.vector_load %arg9[%swap3A_1083] {strides = array<i32>} : memref<272xf32, #tpu.memory_space<vmem>>, vector<16xf32>,
    tpu.vector_store %arg9[%swap3A_1083], %gather3A_1082 {strides = array<i32>} : memref<272xf32, #tpu.memory_space<vmem>>, vector<16xf32>,
    %add3A_1085 = arith.constant 1 : i32
    %add3A_1086 = vector.broadcast %add3A_1085 : i32 to vector<16xi32>
    %add3A_1087 = arith.addi %add3A_1075, %add3A_1086 : vector<16xi32>
    %min3A_1088 = arith.constant 15 : i32
    %min3A_1089 = vector.broadcast %min3A_1088 : i32 to vector<16xi32>
    %min3A_1090 = arith.minsi %add3A_1087, %min3A_1089 : vector<16xi32>
    %gather3A_1091 = tpu.vector_load_idx %arg11[%min3A_1090] : memref<16xf32, #tpu.memory_space<vmem>>[vector<16xi32>], vector<16xf32>,
    %swap3A_1092 = arith.constant 80 : index
    %swap3A_1093 = tpu.vector_load %arg10[%swap3A_1092] {strides = array<i32>} : memref<272xf32, #tpu.memory_space<vmem>>, vector<16xf32>,
    tpu.vector_store %arg10[%swap3A_1092], %gather3A_1091 {strides = array<i32>} : memref<272xf32, #tpu.memory_space<vmem>>, vector<16xf32>,
    %add3A_1094 = arith.constant 96 : i32
    %add3A_1095 = vector.broadcast %add3A_1094 : i32 to vector<16xi32>
    %add3A_1096 = arith.addi %add3A_1095, %iota3A : vector<16xi32>
    %convert_element_type3A_1097 = arith.sitofp %add3A_1096 : vector<16xi32> to vector<16xf32>
    %sub3A_1098 = arith.constant 1.280000e+02 : f32
    %sub3A_1099 = vector.broadcast %sub3A_1098 : f32 to vector<16xf32>
    %sub3A_1100 = arith.subf %convert_element_type3A_1097, %sub3A_1099 : vector<16xf32>
    %mul3A_1101 = arith.constant 7.812500e-03 : f32
    %mul3A_1102 = vector.broadcast %mul3A_1101 : f32 to vector<16xf32>
    %mul3A_1103 = arith.mulf %sub3A_1100, %mul3A_1102 : vector<16xf32>
    %broadcast_in_dim3A_1104 = arith.constant 0 : i32
    %broadcast_in_dim3A_1105 = vector.broadcast %broadcast_in_dim3A_1104 : i32 to vector<16xi32>
    %slice3A_1106 = vector.extract_strided_slice %select_n3A {offsets = [0], sizes = [1], strides = [1]} : vector<16xf32> to vector<1xf32>
    %squeeze3A_1107 = vector.extract %slice3A_1106[0] : f32 from vector<1xf32>
    %lt3A_1108 = vector.broadcast %squeeze3A_1107 : f32 to vector<16xf32>
    %lt3A_1109 = arith.cmpf olt, %lt3A_1108, %mul3A_1103 : vector<16xf32>
    %jit3A_1110 = arith.constant 1 : i32
    %jit3A_1111 = arith.constant 0 : i32
    %broadcast_in_dim3A_1112 = vector.broadcast %jit3A_1110 : i32 to vector<16xi32>
    %broadcast_in_dim3A_1113 = vector.broadcast %jit3A_1111 : i32 to vector<16xi32>
    %select_n3A_1114 = arith.select %lt3A_1109, %broadcast_in_dim3A_1112, %broadcast_in_dim3A_1113 : vector<16xi1>, vector<16xi32>
    %add3A_1115 = arith.addi %broadcast_in_dim3A_1105, %select_n3A_1114 : vector<16xi32>
    %slice3A_1116 = vector.extract_strided_slice %select_n3A {offsets = [1], sizes = [1], strides = [1]} : vector<16xf32> to vector<1xf32>
    %squeeze3A_1117 = vector.extract %slice3A_1116[0] : f32 from vector<1xf32>
    %lt3A_1118 = vector.broadcast %squeeze3A_1117 : f32 to vector<16xf32>
    %lt3A_1119 = arith.cmpf olt, %lt3A_1118, %mul3A_1103 : vector<16xf32>
    %jit3A_1120 = arith.constant 1 : i32
    %jit3A_1121 = arith.constant 0 : i32
    %broadcast_in_dim3A_1122 = vector.broadcast %jit3A_1120 : i32 to vector<16xi32>
    %broadcast_in_dim3A_1123 = vector.broadcast %jit3A_1121 : i32 to vector<16xi32>
    %select_n3A_1124 = arith.select %lt3A_1119, %broadcast_in_dim3A_1122, %broadcast_in_dim3A_1123 : vector<16xi1>, vector<16xi32>
    %add3A_1125 = arith.addi %add3A_1115, %select_n3A_1124 : vector<16xi32>
    %slice3A_1126 = vector.extract_strided_slice %select_n3A {offsets = [2], sizes = [1], strides = [1]} : vector<16xf32> to vector<1xf32>
    %squeeze3A_1127 = vector.extract %slice3A_1126[0] : f32 from vector<1xf32>
    %lt3A_1128 = vector.broadcast %squeeze3A_1127 : f32 to vector<16xf32>
    %lt3A_1129 = arith.cmpf olt, %lt3A_1128, %mul3A_1103 : vector<16xf32>
    %jit3A_1130 = arith.constant 1 : i32
    %jit3A_1131 = arith.constant 0 : i32
    %broadcast_in_dim3A_1132 = vector.broadcast %jit3A_1130 : i32 to vector<16xi32>
    %broadcast_in_dim3A_1133 = vector.broadcast %jit3A_1131 : i32 to vector<16xi32>
    %select_n3A_1134 = arith.select %lt3A_1129, %broadcast_in_dim3A_1132, %broadcast_in_dim3A_1133 : vector<16xi1>, vector<16xi32>
    %add3A_1135 = arith.addi %add3A_1125, %select_n3A_1134 : vector<16xi32>
    %slice3A_1136 = vector.extract_strided_slice %select_n3A {offsets = [3], sizes = [1], strides = [1]} : vector<16xf32> to vector<1xf32>
    %squeeze3A_1137 = vector.extract %slice3A_1136[0] : f32 from vector<1xf32>
    %lt3A_1138 = vector.broadcast %squeeze3A_1137 : f32 to vector<16xf32>
    %lt3A_1139 = arith.cmpf olt, %lt3A_1138, %mul3A_1103 : vector<16xf32>
    %jit3A_1140 = arith.constant 1 : i32
    %jit3A_1141 = arith.constant 0 : i32
    %broadcast_in_dim3A_1142 = vector.broadcast %jit3A_1140 : i32 to vector<16xi32>
    %broadcast_in_dim3A_1143 = vector.broadcast %jit3A_1141 : i32 to vector<16xi32>
    %select_n3A_1144 = arith.select %lt3A_1139, %broadcast_in_dim3A_1142, %broadcast_in_dim3A_1143 : vector<16xi1>, vector<16xi32>
    %add3A_1145 = arith.addi %add3A_1135, %select_n3A_1144 : vector<16xi32>
    %slice3A_1146 = vector.extract_strided_slice %select_n3A {offsets = [4], sizes = [1], strides = [1]} : vector<16xf32> to vector<1xf32>
    %squeeze3A_1147 = vector.extract %slice3A_1146[0] : f32 from vector<1xf32>
    %lt3A_1148 = vector.broadcast %squeeze3A_1147 : f32 to vector<16xf32>
    %lt3A_1149 = arith.cmpf olt, %lt3A_1148, %mul3A_1103 : vector<16xf32>
    %jit3A_1150 = arith.constant 1 : i32
    %jit3A_1151 = arith.constant 0 : i32
    %broadcast_in_dim3A_1152 = vector.broadcast %jit3A_1150 : i32 to vector<16xi32>
    %broadcast_in_dim3A_1153 = vector.broadcast %jit3A_1151 : i32 to vector<16xi32>
    %select_n3A_1154 = arith.select %lt3A_1149, %broadcast_in_dim3A_1152, %broadcast_in_dim3A_1153 : vector<16xi1>, vector<16xi32>
    %add3A_1155 = arith.addi %add3A_1145, %select_n3A_1154 : vector<16xi32>
    %slice3A_1156 = vector.extract_strided_slice %select_n3A {offsets = [5], sizes = [1], strides = [1]} : vector<16xf32> to vector<1xf32>
    %squeeze3A_1157 = vector.extract %slice3A_1156[0] : f32 from vector<1xf32>
    %lt3A_1158 = vector.broadcast %squeeze3A_1157 : f32 to vector<16xf32>
    %lt3A_1159 = arith.cmpf olt, %lt3A_1158, %mul3A_1103 : vector<16xf32>
    %jit3A_1160 = arith.constant 1 : i32
    %jit3A_1161 = arith.constant 0 : i32
    %broadcast_in_dim3A_1162 = vector.broadcast %jit3A_1160 : i32 to vector<16xi32>
    %broadcast_in_dim3A_1163 = vector.broadcast %jit3A_1161 : i32 to vector<16xi32>
    %select_n3A_1164 = arith.select %lt3A_1159, %broadcast_in_dim3A_1162, %broadcast_in_dim3A_1163 : vector<16xi1>, vector<16xi32>
    %add3A_1165 = arith.addi %add3A_1155, %select_n3A_1164 : vector<16xi32>
    %slice3A_1166 = vector.extract_strided_slice %select_n3A {offsets = [6], sizes = [1], strides = [1]} : vector<16xf32> to vector<1xf32>
    %squeeze3A_1167 = vector.extract %slice3A_1166[0] : f32 from vector<1xf32>
    %lt3A_1168 = vector.broadcast %squeeze3A_1167 : f32 to vector<16xf32>
    %lt3A_1169 = arith.cmpf olt, %lt3A_1168, %mul3A_1103 : vector<16xf32>
    %jit3A_1170 = arith.constant 1 : i32
    %jit3A_1171 = arith.constant 0 : i32
    %broadcast_in_dim3A_1172 = vector.broadcast %jit3A_1170 : i32 to vector<16xi32>
    %broadcast_in_dim3A_1173 = vector.broadcast %jit3A_1171 : i32 to vector<16xi32>
    %select_n3A_1174 = arith.select %lt3A_1169, %broadcast_in_dim3A_1172, %broadcast_in_dim3A_1173 : vector<16xi1>, vector<16xi32>
    %add3A_1175 = arith.addi %add3A_1165, %select_n3A_1174 : vector<16xi32>
    %slice3A_1176 = vector.extract_strided_slice %select_n3A {offsets = [7], sizes = [1], strides = [1]} : vector<16xf32> to vector<1xf32>
    %squeeze3A_1177 = vector.extract %slice3A_1176[0] : f32 from vector<1xf32>
    %lt3A_1178 = vector.broadcast %squeeze3A_1177 : f32 to vector<16xf32>
    %lt3A_1179 = arith.cmpf olt, %lt3A_1178, %mul3A_1103 : vector<16xf32>
    %jit3A_1180 = arith.constant 1 : i32
    %jit3A_1181 = arith.constant 0 : i32
    %broadcast_in_dim3A_1182 = vector.broadcast %jit3A_1180 : i32 to vector<16xi32>
    %broadcast_in_dim3A_1183 = vector.broadcast %jit3A_1181 : i32 to vector<16xi32>
    %select_n3A_1184 = arith.select %lt3A_1179, %broadcast_in_dim3A_1182, %broadcast_in_dim3A_1183 : vector<16xi1>, vector<16xi32>
    %add3A_1185 = arith.addi %add3A_1175, %select_n3A_1184 : vector<16xi32>
    %slice3A_1186 = vector.extract_strided_slice %select_n3A {offsets = [8], sizes = [1], strides = [1]} : vector<16xf32> to vector<1xf32>
    %squeeze3A_1187 = vector.extract %slice3A_1186[0] : f32 from vector<1xf32>
    %lt3A_1188 = vector.broadcast %squeeze3A_1187 : f32 to vector<16xf32>
    %lt3A_1189 = arith.cmpf olt, %lt3A_1188, %mul3A_1103 : vector<16xf32>
    %jit3A_1190 = arith.constant 1 : i32
    %jit3A_1191 = arith.constant 0 : i32
    %broadcast_in_dim3A_1192 = vector.broadcast %jit3A_1190 : i32 to vector<16xi32>
    %broadcast_in_dim3A_1193 = vector.broadcast %jit3A_1191 : i32 to vector<16xi32>
    %select_n3A_1194 = arith.select %lt3A_1189, %broadcast_in_dim3A_1192, %broadcast_in_dim3A_1193 : vector<16xi1>, vector<16xi32>
    %add3A_1195 = arith.addi %add3A_1185, %select_n3A_1194 : vector<16xi32>
    %slice3A_1196 = vector.extract_strided_slice %select_n3A {offsets = [9], sizes = [1], strides = [1]} : vector<16xf32> to vector<1xf32>
    %squeeze3A_1197 = vector.extract %slice3A_1196[0] : f32 from vector<1xf32>
    %lt3A_1198 = vector.broadcast %squeeze3A_1197 : f32 to vector<16xf32>
    %lt3A_1199 = arith.cmpf olt, %lt3A_1198, %mul3A_1103 : vector<16xf32>
    %jit3A_1200 = arith.constant 1 : i32
    %jit3A_1201 = arith.constant 0 : i32
    %broadcast_in_dim3A_1202 = vector.broadcast %jit3A_1200 : i32 to vector<16xi32>
    %broadcast_in_dim3A_1203 = vector.broadcast %jit3A_1201 : i32 to vector<16xi32>
    %select_n3A_1204 = arith.select %lt3A_1199, %broadcast_in_dim3A_1202, %broadcast_in_dim3A_1203 : vector<16xi1>, vector<16xi32>
    %add3A_1205 = arith.addi %add3A_1195, %select_n3A_1204 : vector<16xi32>
    %slice3A_1206 = vector.extract_strided_slice %select_n3A {offsets = [10], sizes = [1], strides = [1]} : vector<16xf32> to vector<1xf32>
    %squeeze3A_1207 = vector.extract %slice3A_1206[0] : f32 from vector<1xf32>
    %lt3A_1208 = vector.broadcast %squeeze3A_1207 : f32 to vector<16xf32>
    %lt3A_1209 = arith.cmpf olt, %lt3A_1208, %mul3A_1103 : vector<16xf32>
    %jit3A_1210 = arith.constant 1 : i32
    %jit3A_1211 = arith.constant 0 : i32
    %broadcast_in_dim3A_1212 = vector.broadcast %jit3A_1210 : i32 to vector<16xi32>
    %broadcast_in_dim3A_1213 = vector.broadcast %jit3A_1211 : i32 to vector<16xi32>
    %select_n3A_1214 = arith.select %lt3A_1209, %broadcast_in_dim3A_1212, %broadcast_in_dim3A_1213 : vector<16xi1>, vector<16xi32>
    %add3A_1215 = arith.addi %add3A_1205, %select_n3A_1214 : vector<16xi32>
    %slice3A_1216 = vector.extract_strided_slice %select_n3A {offsets = [11], sizes = [1], strides = [1]} : vector<16xf32> to vector<1xf32>
    %squeeze3A_1217 = vector.extract %slice3A_1216[0] : f32 from vector<1xf32>
    %lt3A_1218 = vector.broadcast %squeeze3A_1217 : f32 to vector<16xf32>
    %lt3A_1219 = arith.cmpf olt, %lt3A_1218, %mul3A_1103 : vector<16xf32>
    %jit3A_1220 = arith.constant 1 : i32
    %jit3A_1221 = arith.constant 0 : i32
    %broadcast_in_dim3A_1222 = vector.broadcast %jit3A_1220 : i32 to vector<16xi32>
    %broadcast_in_dim3A_1223 = vector.broadcast %jit3A_1221 : i32 to vector<16xi32>
    %select_n3A_1224 = arith.select %lt3A_1219, %broadcast_in_dim3A_1222, %broadcast_in_dim3A_1223 : vector<16xi1>, vector<16xi32>
    %add3A_1225 = arith.addi %add3A_1215, %select_n3A_1224 : vector<16xi32>
    %slice3A_1226 = vector.extract_strided_slice %select_n3A {offsets = [12], sizes = [1], strides = [1]} : vector<16xf32> to vector<1xf32>
    %squeeze3A_1227 = vector.extract %slice3A_1226[0] : f32 from vector<1xf32>
    %lt3A_1228 = vector.broadcast %squeeze3A_1227 : f32 to vector<16xf32>
    %lt3A_1229 = arith.cmpf olt, %lt3A_1228, %mul3A_1103 : vector<16xf32>
    %jit3A_1230 = arith.constant 1 : i32
    %jit3A_1231 = arith.constant 0 : i32
    %broadcast_in_dim3A_1232 = vector.broadcast %jit3A_1230 : i32 to vector<16xi32>
    %broadcast_in_dim3A_1233 = vector.broadcast %jit3A_1231 : i32 to vector<16xi32>
    %select_n3A_1234 = arith.select %lt3A_1229, %broadcast_in_dim3A_1232, %broadcast_in_dim3A_1233 : vector<16xi1>, vector<16xi32>
    %add3A_1235 = arith.addi %add3A_1225, %select_n3A_1234 : vector<16xi32>
    %slice3A_1236 = vector.extract_strided_slice %select_n3A {offsets = [13], sizes = [1], strides = [1]} : vector<16xf32> to vector<1xf32>
    %squeeze3A_1237 = vector.extract %slice3A_1236[0] : f32 from vector<1xf32>
    %lt3A_1238 = vector.broadcast %squeeze3A_1237 : f32 to vector<16xf32>
    %lt3A_1239 = arith.cmpf olt, %lt3A_1238, %mul3A_1103 : vector<16xf32>
    %jit3A_1240 = arith.constant 1 : i32
    %jit3A_1241 = arith.constant 0 : i32
    %broadcast_in_dim3A_1242 = vector.broadcast %jit3A_1240 : i32 to vector<16xi32>
    %broadcast_in_dim3A_1243 = vector.broadcast %jit3A_1241 : i32 to vector<16xi32>
    %select_n3A_1244 = arith.select %lt3A_1239, %broadcast_in_dim3A_1242, %broadcast_in_dim3A_1243 : vector<16xi1>, vector<16xi32>
    %add3A_1245 = arith.addi %add3A_1235, %select_n3A_1244 : vector<16xi32>
    %slice3A_1246 = vector.extract_strided_slice %select_n3A {offsets = [14], sizes = [1], strides = [1]} : vector<16xf32> to vector<1xf32>
    %squeeze3A_1247 = vector.extract %slice3A_1246[0] : f32 from vector<1xf32>
    %lt3A_1248 = vector.broadcast %squeeze3A_1247 : f32 to vector<16xf32>
    %lt3A_1249 = arith.cmpf olt, %lt3A_1248, %mul3A_1103 : vector<16xf32>
    %jit3A_1250 = arith.constant 1 : i32
    %jit3A_1251 = arith.constant 0 : i32
    %broadcast_in_dim3A_1252 = vector.broadcast %jit3A_1250 : i32 to vector<16xi32>
    %broadcast_in_dim3A_1253 = vector.broadcast %jit3A_1251 : i32 to vector<16xi32>
    %select_n3A_1254 = arith.select %lt3A_1249, %broadcast_in_dim3A_1252, %broadcast_in_dim3A_1253 : vector<16xi1>, vector<16xi32>
    %add3A_1255 = arith.addi %add3A_1245, %select_n3A_1254 : vector<16xi32>
    %gather3A_1256 = tpu.vector_load_idx %arg12[%add3A_1255] : memref<16xf32, #tpu.memory_space<vmem>>[vector<16xi32>], vector<16xf32>,
    %mul3A_1257 = arith.constant 1.280000e+02 : f32
    %mul3A_1258 = vector.broadcast %mul3A_1257 : f32 to vector<16xf32>
    %mul3A_1259 = arith.mulf %gather3A_1256, %mul3A_1258 : vector<16xf32>
    %swap3A_1260 = arith.constant 96 : index
    %swap3A_1261 = tpu.vector_load %arg8[%swap3A_1260] {strides = array<i32>} : memref<272xf32, #tpu.memory_space<vmem>>, vector<16xf32>,
    tpu.vector_store %arg8[%swap3A_1260], %mul3A_1259 {strides = array<i32>} : memref<272xf32, #tpu.memory_space<vmem>>, vector<16xf32>,
    %gather3A_1262 = tpu.vector_load_idx %arg11[%add3A_1255] : memref<16xf32, #tpu.memory_space<vmem>>[vector<16xi32>], vector<16xf32>,
    %swap3A_1263 = arith.constant 96 : index
    %swap3A_1264 = tpu.vector_load %arg9[%swap3A_1263] {strides = array<i32>} : memref<272xf32, #tpu.memory_space<vmem>>, vector<16xf32>,
    tpu.vector_store %arg9[%swap3A_1263], %gather3A_1262 {strides = array<i32>} : memref<272xf32, #tpu.memory_space<vmem>>, vector<16xf32>,
    %add3A_1265 = arith.constant 1 : i32
    %add3A_1266 = vector.broadcast %add3A_1265 : i32 to vector<16xi32>
    %add3A_1267 = arith.addi %add3A_1255, %add3A_1266 : vector<16xi32>
    %min3A_1268 = arith.constant 15 : i32
    %min3A_1269 = vector.broadcast %min3A_1268 : i32 to vector<16xi32>
    %min3A_1270 = arith.minsi %add3A_1267, %min3A_1269 : vector<16xi32>
    %gather3A_1271 = tpu.vector_load_idx %arg11[%min3A_1270] : memref<16xf32, #tpu.memory_space<vmem>>[vector<16xi32>], vector<16xf32>,
    %swap3A_1272 = arith.constant 96 : index
    %swap3A_1273 = tpu.vector_load %arg10[%swap3A_1272] {strides = array<i32>} : memref<272xf32, #tpu.memory_space<vmem>>, vector<16xf32>,
    tpu.vector_store %arg10[%swap3A_1272], %gather3A_1271 {strides = array<i32>} : memref<272xf32, #tpu.memory_space<vmem>>, vector<16xf32>,
    %add3A_1274 = arith.constant 112 : i32
    %add3A_1275 = vector.broadcast %add3A_1274 : i32 to vector<16xi32>
    %add3A_1276 = arith.addi %add3A_1275, %iota3A : vector<16xi32>
    %convert_element_type3A_1277 = arith.sitofp %add3A_1276 : vector<16xi32> to vector<16xf32>
    %sub3A_1278 = arith.constant 1.280000e+02 : f32
    %sub3A_1279 = vector.broadcast %sub3A_1278 : f32 to vector<16xf32>
    %sub3A_1280 = arith.subf %convert_element_type3A_1277, %sub3A_1279 : vector<16xf32>
    %mul3A_1281 = arith.constant 7.812500e-03 : f32
    %mul3A_1282 = vector.broadcast %mul3A_1281 : f32 to vector<16xf32>
    %mul3A_1283 = arith.mulf %sub3A_1280, %mul3A_1282 : vector<16xf32>
    %broadcast_in_dim3A_1284 = arith.constant 0 : i32
    %broadcast_in_dim3A_1285 = vector.broadcast %broadcast_in_dim3A_1284 : i32 to vector<16xi32>
    %slice3A_1286 = vector.extract_strided_slice %select_n3A {offsets = [0], sizes = [1], strides = [1]} : vector<16xf32> to vector<1xf32>
    %squeeze3A_1287 = vector.extract %slice3A_1286[0] : f32 from vector<1xf32>
    %lt3A_1288 = vector.broadcast %squeeze3A_1287 : f32 to vector<16xf32>
    %lt3A_1289 = arith.cmpf olt, %lt3A_1288, %mul3A_1283 : vector<16xf32>
    %jit3A_1290 = arith.constant 1 : i32
    %jit3A_1291 = arith.constant 0 : i32
    %broadcast_in_dim3A_1292 = vector.broadcast %jit3A_1290 : i32 to vector<16xi32>
    %broadcast_in_dim3A_1293 = vector.broadcast %jit3A_1291 : i32 to vector<16xi32>
    %select_n3A_1294 = arith.select %lt3A_1289, %broadcast_in_dim3A_1292, %broadcast_in_dim3A_1293 : vector<16xi1>, vector<16xi32>
    %add3A_1295 = arith.addi %broadcast_in_dim3A_1285, %select_n3A_1294 : vector<16xi32>
    %slice3A_1296 = vector.extract_strided_slice %select_n3A {offsets = [1], sizes = [1], strides = [1]} : vector<16xf32> to vector<1xf32>
    %squeeze3A_1297 = vector.extract %slice3A_1296[0] : f32 from vector<1xf32>
    %lt3A_1298 = vector.broadcast %squeeze3A_1297 : f32 to vector<16xf32>
    %lt3A_1299 = arith.cmpf olt, %lt3A_1298, %mul3A_1283 : vector<16xf32>
    %jit3A_1300 = arith.constant 1 : i32
    %jit3A_1301 = arith.constant 0 : i32
    %broadcast_in_dim3A_1302 = vector.broadcast %jit3A_1300 : i32 to vector<16xi32>
    %broadcast_in_dim3A_1303 = vector.broadcast %jit3A_1301 : i32 to vector<16xi32>
    %select_n3A_1304 = arith.select %lt3A_1299, %broadcast_in_dim3A_1302, %broadcast_in_dim3A_1303 : vector<16xi1>, vector<16xi32>
    %add3A_1305 = arith.addi %add3A_1295, %select_n3A_1304 : vector<16xi32>
    %slice3A_1306 = vector.extract_strided_slice %select_n3A {offsets = [2], sizes = [1], strides = [1]} : vector<16xf32> to vector<1xf32>
    %squeeze3A_1307 = vector.extract %slice3A_1306[0] : f32 from vector<1xf32>
    %lt3A_1308 = vector.broadcast %squeeze3A_1307 : f32 to vector<16xf32>
    %lt3A_1309 = arith.cmpf olt, %lt3A_1308, %mul3A_1283 : vector<16xf32>
    %jit3A_1310 = arith.constant 1 : i32
    %jit3A_1311 = arith.constant 0 : i32
    %broadcast_in_dim3A_1312 = vector.broadcast %jit3A_1310 : i32 to vector<16xi32>
    %broadcast_in_dim3A_1313 = vector.broadcast %jit3A_1311 : i32 to vector<16xi32>
    %select_n3A_1314 = arith.select %lt3A_1309, %broadcast_in_dim3A_1312, %broadcast_in_dim3A_1313 : vector<16xi1>, vector<16xi32>
    %add3A_1315 = arith.addi %add3A_1305, %select_n3A_1314 : vector<16xi32>
    %slice3A_1316 = vector.extract_strided_slice %select_n3A {offsets = [3], sizes = [1], strides = [1]} : vector<16xf32> to vector<1xf32>
    %squeeze3A_1317 = vector.extract %slice3A_1316[0] : f32 from vector<1xf32>
    %lt3A_1318 = vector.broadcast %squeeze3A_1317 : f32 to vector<16xf32>
    %lt3A_1319 = arith.cmpf olt, %lt3A_1318, %mul3A_1283 : vector<16xf32>
    %jit3A_1320 = arith.constant 1 : i32
    %jit3A_1321 = arith.constant 0 : i32
    %broadcast_in_dim3A_1322 = vector.broadcast %jit3A_1320 : i32 to vector<16xi32>
    %broadcast_in_dim3A_1323 = vector.broadcast %jit3A_1321 : i32 to vector<16xi32>
    %select_n3A_1324 = arith.select %lt3A_1319, %broadcast_in_dim3A_1322, %broadcast_in_dim3A_1323 : vector<16xi1>, vector<16xi32>
    %add3A_1325 = arith.addi %add3A_1315, %select_n3A_1324 : vector<16xi32>
    %slice3A_1326 = vector.extract_strided_slice %select_n3A {offsets = [4], sizes = [1], strides = [1]} : vector<16xf32> to vector<1xf32>
    %squeeze3A_1327 = vector.extract %slice3A_1326[0] : f32 from vector<1xf32>
    %lt3A_1328 = vector.broadcast %squeeze3A_1327 : f32 to vector<16xf32>
    %lt3A_1329 = arith.cmpf olt, %lt3A_1328, %mul3A_1283 : vector<16xf32>
    %jit3A_1330 = arith.constant 1 : i32
    %jit3A_1331 = arith.constant 0 : i32
    %broadcast_in_dim3A_1332 = vector.broadcast %jit3A_1330 : i32 to vector<16xi32>
    %broadcast_in_dim3A_1333 = vector.broadcast %jit3A_1331 : i32 to vector<16xi32>
    %select_n3A_1334 = arith.select %lt3A_1329, %broadcast_in_dim3A_1332, %broadcast_in_dim3A_1333 : vector<16xi1>, vector<16xi32>
    %add3A_1335 = arith.addi %add3A_1325, %select_n3A_1334 : vector<16xi32>
    %slice3A_1336 = vector.extract_strided_slice %select_n3A {offsets = [5], sizes = [1], strides = [1]} : vector<16xf32> to vector<1xf32>
    %squeeze3A_1337 = vector.extract %slice3A_1336[0] : f32 from vector<1xf32>
    %lt3A_1338 = vector.broadcast %squeeze3A_1337 : f32 to vector<16xf32>
    %lt3A_1339 = arith.cmpf olt, %lt3A_1338, %mul3A_1283 : vector<16xf32>
    %jit3A_1340 = arith.constant 1 : i32
    %jit3A_1341 = arith.constant 0 : i32
    %broadcast_in_dim3A_1342 = vector.broadcast %jit3A_1340 : i32 to vector<16xi32>
    %broadcast_in_dim3A_1343 = vector.broadcast %jit3A_1341 : i32 to vector<16xi32>
    %select_n3A_1344 = arith.select %lt3A_1339, %broadcast_in_dim3A_1342, %broadcast_in_dim3A_1343 : vector<16xi1>, vector<16xi32>
    %add3A_1345 = arith.addi %add3A_1335, %select_n3A_1344 : vector<16xi32>
    %slice3A_1346 = vector.extract_strided_slice %select_n3A {offsets = [6], sizes = [1], strides = [1]} : vector<16xf32> to vector<1xf32>
    %squeeze3A_1347 = vector.extract %slice3A_1346[0] : f32 from vector<1xf32>
    %lt3A_1348 = vector.broadcast %squeeze3A_1347 : f32 to vector<16xf32>
    %lt3A_1349 = arith.cmpf olt, %lt3A_1348, %mul3A_1283 : vector<16xf32>
    %jit3A_1350 = arith.constant 1 : i32
    %jit3A_1351 = arith.constant 0 : i32
    %broadcast_in_dim3A_1352 = vector.broadcast %jit3A_1350 : i32 to vector<16xi32>
    %broadcast_in_dim3A_1353 = vector.broadcast %jit3A_1351 : i32 to vector<16xi32>
    %select_n3A_1354 = arith.select %lt3A_1349, %broadcast_in_dim3A_1352, %broadcast_in_dim3A_1353 : vector<16xi1>, vector<16xi32>
    %add3A_1355 = arith.addi %add3A_1345, %select_n3A_1354 : vector<16xi32>
    %slice3A_1356 = vector.extract_strided_slice %select_n3A {offsets = [7], sizes = [1], strides = [1]} : vector<16xf32> to vector<1xf32>
    %squeeze3A_1357 = vector.extract %slice3A_1356[0] : f32 from vector<1xf32>
    %lt3A_1358 = vector.broadcast %squeeze3A_1357 : f32 to vector<16xf32>
    %lt3A_1359 = arith.cmpf olt, %lt3A_1358, %mul3A_1283 : vector<16xf32>
    %jit3A_1360 = arith.constant 1 : i32
    %jit3A_1361 = arith.constant 0 : i32
    %broadcast_in_dim3A_1362 = vector.broadcast %jit3A_1360 : i32 to vector<16xi32>
    %broadcast_in_dim3A_1363 = vector.broadcast %jit3A_1361 : i32 to vector<16xi32>
    %select_n3A_1364 = arith.select %lt3A_1359, %broadcast_in_dim3A_1362, %broadcast_in_dim3A_1363 : vector<16xi1>, vector<16xi32>
    %add3A_1365 = arith.addi %add3A_1355, %select_n3A_1364 : vector<16xi32>
    %slice3A_1366 = vector.extract_strided_slice %select_n3A {offsets = [8], sizes = [1], strides = [1]} : vector<16xf32> to vector<1xf32>
    %squeeze3A_1367 = vector.extract %slice3A_1366[0] : f32 from vector<1xf32>
    %lt3A_1368 = vector.broadcast %squeeze3A_1367 : f32 to vector<16xf32>
    %lt3A_1369 = arith.cmpf olt, %lt3A_1368, %mul3A_1283 : vector<16xf32>
    %jit3A_1370 = arith.constant 1 : i32
    %jit3A_1371 = arith.constant 0 : i32
    %broadcast_in_dim3A_1372 = vector.broadcast %jit3A_1370 : i32 to vector<16xi32>
    %broadcast_in_dim3A_1373 = vector.broadcast %jit3A_1371 : i32 to vector<16xi32>
    %select_n3A_1374 = arith.select %lt3A_1369, %broadcast_in_dim3A_1372, %broadcast_in_dim3A_1373 : vector<16xi1>, vector<16xi32>
    %add3A_1375 = arith.addi %add3A_1365, %select_n3A_1374 : vector<16xi32>
    %slice3A_1376 = vector.extract_strided_slice %select_n3A {offsets = [9], sizes = [1], strides = [1]} : vector<16xf32> to vector<1xf32>
    %squeeze3A_1377 = vector.extract %slice3A_1376[0] : f32 from vector<1xf32>
    %lt3A_1378 = vector.broadcast %squeeze3A_1377 : f32 to vector<16xf32>
    %lt3A_1379 = arith.cmpf olt, %lt3A_1378, %mul3A_1283 : vector<16xf32>
    %jit3A_1380 = arith.constant 1 : i32
    %jit3A_1381 = arith.constant 0 : i32
    %broadcast_in_dim3A_1382 = vector.broadcast %jit3A_1380 : i32 to vector<16xi32>
    %broadcast_in_dim3A_1383 = vector.broadcast %jit3A_1381 : i32 to vector<16xi32>
    %select_n3A_1384 = arith.select %lt3A_1379, %broadcast_in_dim3A_1382, %broadcast_in_dim3A_1383 : vector<16xi1>, vector<16xi32>
    %add3A_1385 = arith.addi %add3A_1375, %select_n3A_1384 : vector<16xi32>
    %slice3A_1386 = vector.extract_strided_slice %select_n3A {offsets = [10], sizes = [1], strides = [1]} : vector<16xf32> to vector<1xf32>
    %squeeze3A_1387 = vector.extract %slice3A_1386[0] : f32 from vector<1xf32>
    %lt3A_1388 = vector.broadcast %squeeze3A_1387 : f32 to vector<16xf32>
    %lt3A_1389 = arith.cmpf olt, %lt3A_1388, %mul3A_1283 : vector<16xf32>
    %jit3A_1390 = arith.constant 1 : i32
    %jit3A_1391 = arith.constant 0 : i32
    %broadcast_in_dim3A_1392 = vector.broadcast %jit3A_1390 : i32 to vector<16xi32>
    %broadcast_in_dim3A_1393 = vector.broadcast %jit3A_1391 : i32 to vector<16xi32>
    %select_n3A_1394 = arith.select %lt3A_1389, %broadcast_in_dim3A_1392, %broadcast_in_dim3A_1393 : vector<16xi1>, vector<16xi32>
    %add3A_1395 = arith.addi %add3A_1385, %select_n3A_1394 : vector<16xi32>
    %slice3A_1396 = vector.extract_strided_slice %select_n3A {offsets = [11], sizes = [1], strides = [1]} : vector<16xf32> to vector<1xf32>
    %squeeze3A_1397 = vector.extract %slice3A_1396[0] : f32 from vector<1xf32>
    %lt3A_1398 = vector.broadcast %squeeze3A_1397 : f32 to vector<16xf32>
    %lt3A_1399 = arith.cmpf olt, %lt3A_1398, %mul3A_1283 : vector<16xf32>
    %jit3A_1400 = arith.constant 1 : i32
    %jit3A_1401 = arith.constant 0 : i32
    %broadcast_in_dim3A_1402 = vector.broadcast %jit3A_1400 : i32 to vector<16xi32>
    %broadcast_in_dim3A_1403 = vector.broadcast %jit3A_1401 : i32 to vector<16xi32>
    %select_n3A_1404 = arith.select %lt3A_1399, %broadcast_in_dim3A_1402, %broadcast_in_dim3A_1403 : vector<16xi1>, vector<16xi32>
    %add3A_1405 = arith.addi %add3A_1395, %select_n3A_1404 : vector<16xi32>
    %slice3A_1406 = vector.extract_strided_slice %select_n3A {offsets = [12], sizes = [1], strides = [1]} : vector<16xf32> to vector<1xf32>
    %squeeze3A_1407 = vector.extract %slice3A_1406[0] : f32 from vector<1xf32>
    %lt3A_1408 = vector.broadcast %squeeze3A_1407 : f32 to vector<16xf32>
    %lt3A_1409 = arith.cmpf olt, %lt3A_1408, %mul3A_1283 : vector<16xf32>
    %jit3A_1410 = arith.constant 1 : i32
    %jit3A_1411 = arith.constant 0 : i32
    %broadcast_in_dim3A_1412 = vector.broadcast %jit3A_1410 : i32 to vector<16xi32>
    %broadcast_in_dim3A_1413 = vector.broadcast %jit3A_1411 : i32 to vector<16xi32>
    %select_n3A_1414 = arith.select %lt3A_1409, %broadcast_in_dim3A_1412, %broadcast_in_dim3A_1413 : vector<16xi1>, vector<16xi32>
    %add3A_1415 = arith.addi %add3A_1405, %select_n3A_1414 : vector<16xi32>
    %slice3A_1416 = vector.extract_strided_slice %select_n3A {offsets = [13], sizes = [1], strides = [1]} : vector<16xf32> to vector<1xf32>
    %squeeze3A_1417 = vector.extract %slice3A_1416[0] : f32 from vector<1xf32>
    %lt3A_1418 = vector.broadcast %squeeze3A_1417 : f32 to vector<16xf32>
    %lt3A_1419 = arith.cmpf olt, %lt3A_1418, %mul3A_1283 : vector<16xf32>
    %jit3A_1420 = arith.constant 1 : i32
    %jit3A_1421 = arith.constant 0 : i32
    %broadcast_in_dim3A_1422 = vector.broadcast %jit3A_1420 : i32 to vector<16xi32>
    %broadcast_in_dim3A_1423 = vector.broadcast %jit3A_1421 : i32 to vector<16xi32>
    %select_n3A_1424 = arith.select %lt3A_1419, %broadcast_in_dim3A_1422, %broadcast_in_dim3A_1423 : vector<16xi1>, vector<16xi32>
    %add3A_1425 = arith.addi %add3A_1415, %select_n3A_1424 : vector<16xi32>
    %slice3A_1426 = vector.extract_strided_slice %select_n3A {offsets = [14], sizes = [1], strides = [1]} : vector<16xf32> to vector<1xf32>
    %squeeze3A_1427 = vector.extract %slice3A_1426[0] : f32 from vector<1xf32>
    %lt3A_1428 = vector.broadcast %squeeze3A_1427 : f32 to vector<16xf32>
    %lt3A_1429 = arith.cmpf olt, %lt3A_1428, %mul3A_1283 : vector<16xf32>
    %jit3A_1430 = arith.constant 1 : i32
    %jit3A_1431 = arith.constant 0 : i32
    %broadcast_in_dim3A_1432 = vector.broadcast %jit3A_1430 : i32 to vector<16xi32>
    %broadcast_in_dim3A_1433 = vector.broadcast %jit3A_1431 : i32 to vector<16xi32>
    %select_n3A_1434 = arith.select %lt3A_1429, %broadcast_in_dim3A_1432, %broadcast_in_dim3A_1433 : vector<16xi1>, vector<16xi32>
    %add3A_1435 = arith.addi %add3A_1425, %select_n3A_1434 : vector<16xi32>
    %gather3A_1436 = tpu.vector_load_idx %arg12[%add3A_1435] : memref<16xf32, #tpu.memory_space<vmem>>[vector<16xi32>], vector<16xf32>,
    %mul3A_1437 = arith.constant 1.280000e+02 : f32
    %mul3A_1438 = vector.broadcast %mul3A_1437 : f32 to vector<16xf32>
    %mul3A_1439 = arith.mulf %gather3A_1436, %mul3A_1438 : vector<16xf32>
    %swap3A_1440 = arith.constant 112 : index
    %swap3A_1441 = tpu.vector_load %arg8[%swap3A_1440] {strides = array<i32>} : memref<272xf32, #tpu.memory_space<vmem>>, vector<16xf32>,
    tpu.vector_store %arg8[%swap3A_1440], %mul3A_1439 {strides = array<i32>} : memref<272xf32, #tpu.memory_space<vmem>>, vector<16xf32>,
    %gather3A_1442 = tpu.vector_load_idx %arg11[%add3A_1435] : memref<16xf32, #tpu.memory_space<vmem>>[vector<16xi32>], vector<16xf32>,
    %swap3A_1443 = arith.constant 112 : index
    %swap3A_1444 = tpu.vector_load %arg9[%swap3A_1443] {strides = array<i32>} : memref<272xf32, #tpu.memory_space<vmem>>, vector<16xf32>,
    tpu.vector_store %arg9[%swap3A_1443], %gather3A_1442 {strides = array<i32>} : memref<272xf32, #tpu.memory_space<vmem>>, vector<16xf32>,
    %add3A_1445 = arith.constant 1 : i32
    %add3A_1446 = vector.broadcast %add3A_1445 : i32 to vector<16xi32>
    %add3A_1447 = arith.addi %add3A_1435, %add3A_1446 : vector<16xi32>
    %min3A_1448 = arith.constant 15 : i32
    %min3A_1449 = vector.broadcast %min3A_1448 : i32 to vector<16xi32>
    %min3A_1450 = arith.minsi %add3A_1447, %min3A_1449 : vector<16xi32>
    %gather3A_1451 = tpu.vector_load_idx %arg11[%min3A_1450] : memref<16xf32, #tpu.memory_space<vmem>>[vector<16xi32>], vector<16xf32>,
    %swap3A_1452 = arith.constant 112 : index
    %swap3A_1453 = tpu.vector_load %arg10[%swap3A_1452] {strides = array<i32>} : memref<272xf32, #tpu.memory_space<vmem>>, vector<16xf32>,
    tpu.vector_store %arg10[%swap3A_1452], %gather3A_1451 {strides = array<i32>} : memref<272xf32, #tpu.memory_space<vmem>>, vector<16xf32>,
    %add3A_1454 = arith.constant 128 : i32
    %add3A_1455 = vector.broadcast %add3A_1454 : i32 to vector<16xi32>
    %add3A_1456 = arith.addi %add3A_1455, %iota3A : vector<16xi32>
    %convert_element_type3A_1457 = arith.sitofp %add3A_1456 : vector<16xi32> to vector<16xf32>
    %sub3A_1458 = arith.constant 1.280000e+02 : f32
    %sub3A_1459 = vector.broadcast %sub3A_1458 : f32 to vector<16xf32>
    %sub3A_1460 = arith.subf %convert_element_type3A_1457, %sub3A_1459 : vector<16xf32>
    %mul3A_1461 = arith.constant 7.812500e-03 : f32
    %mul3A_1462 = vector.broadcast %mul3A_1461 : f32 to vector<16xf32>
    %mul3A_1463 = arith.mulf %sub3A_1460, %mul3A_1462 : vector<16xf32>
    %broadcast_in_dim3A_1464 = arith.constant 0 : i32
    %broadcast_in_dim3A_1465 = vector.broadcast %broadcast_in_dim3A_1464 : i32 to vector<16xi32>
    %slice3A_1466 = vector.extract_strided_slice %select_n3A {offsets = [0], sizes = [1], strides = [1]} : vector<16xf32> to vector<1xf32>
    %squeeze3A_1467 = vector.extract %slice3A_1466[0] : f32 from vector<1xf32>
    %lt3A_1468 = vector.broadcast %squeeze3A_1467 : f32 to vector<16xf32>
    %lt3A_1469 = arith.cmpf olt, %lt3A_1468, %mul3A_1463 : vector<16xf32>
    %jit3A_1470 = arith.constant 1 : i32
    %jit3A_1471 = arith.constant 0 : i32
    %broadcast_in_dim3A_1472 = vector.broadcast %jit3A_1470 : i32 to vector<16xi32>
    %broadcast_in_dim3A_1473 = vector.broadcast %jit3A_1471 : i32 to vector<16xi32>
    %select_n3A_1474 = arith.select %lt3A_1469, %broadcast_in_dim3A_1472, %broadcast_in_dim3A_1473 : vector<16xi1>, vector<16xi32>
    %add3A_1475 = arith.addi %broadcast_in_dim3A_1465, %select_n3A_1474 : vector<16xi32>
    %slice3A_1476 = vector.extract_strided_slice %select_n3A {offsets = [1], sizes = [1], strides = [1]} : vector<16xf32> to vector<1xf32>
    %squeeze3A_1477 = vector.extract %slice3A_1476[0] : f32 from vector<1xf32>
    %lt3A_1478 = vector.broadcast %squeeze3A_1477 : f32 to vector<16xf32>
    %lt3A_1479 = arith.cmpf olt, %lt3A_1478, %mul3A_1463 : vector<16xf32>
    %jit3A_1480 = arith.constant 1 : i32
    %jit3A_1481 = arith.constant 0 : i32
    %broadcast_in_dim3A_1482 = vector.broadcast %jit3A_1480 : i32 to vector<16xi32>
    %broadcast_in_dim3A_1483 = vector.broadcast %jit3A_1481 : i32 to vector<16xi32>
    %select_n3A_1484 = arith.select %lt3A_1479, %broadcast_in_dim3A_1482, %broadcast_in_dim3A_1483 : vector<16xi1>, vector<16xi32>
    %add3A_1485 = arith.addi %add3A_1475, %select_n3A_1484 : vector<16xi32>
    %slice3A_1486 = vector.extract_strided_slice %select_n3A {offsets = [2], sizes = [1], strides = [1]} : vector<16xf32> to vector<1xf32>
    %squeeze3A_1487 = vector.extract %slice3A_1486[0] : f32 from vector<1xf32>
    %lt3A_1488 = vector.broadcast %squeeze3A_1487 : f32 to vector<16xf32>
    %lt3A_1489 = arith.cmpf olt, %lt3A_1488, %mul3A_1463 : vector<16xf32>
    %jit3A_1490 = arith.constant 1 : i32
    %jit3A_1491 = arith.constant 0 : i32
    %broadcast_in_dim3A_1492 = vector.broadcast %jit3A_1490 : i32 to vector<16xi32>
    %broadcast_in_dim3A_1493 = vector.broadcast %jit3A_1491 : i32 to vector<16xi32>
    %select_n3A_1494 = arith.select %lt3A_1489, %broadcast_in_dim3A_1492, %broadcast_in_dim3A_1493 : vector<16xi1>, vector<16xi32>
    %add3A_1495 = arith.addi %add3A_1485, %select_n3A_1494 : vector<16xi32>
    %slice3A_1496 = vector.extract_strided_slice %select_n3A {offsets = [3], sizes = [1], strides = [1]} : vector<16xf32> to vector<1xf32>
    %squeeze3A_1497 = vector.extract %slice3A_1496[0] : f32 from vector<1xf32>
    %lt3A_1498 = vector.broadcast %squeeze3A_1497 : f32 to vector<16xf32>
    %lt3A_1499 = arith.cmpf olt, %lt3A_1498, %mul3A_1463 : vector<16xf32>
    %jit3A_1500 = arith.constant 1 : i32
    %jit3A_1501 = arith.constant 0 : i32
    %broadcast_in_dim3A_1502 = vector.broadcast %jit3A_1500 : i32 to vector<16xi32>
    %broadcast_in_dim3A_1503 = vector.broadcast %jit3A_1501 : i32 to vector<16xi32>
    %select_n3A_1504 = arith.select %lt3A_1499, %broadcast_in_dim3A_1502, %broadcast_in_dim3A_1503 : vector<16xi1>, vector<16xi32>
    %add3A_1505 = arith.addi %add3A_1495, %select_n3A_1504 : vector<16xi32>
    %slice3A_1506 = vector.extract_strided_slice %select_n3A {offsets = [4], sizes = [1], strides = [1]} : vector<16xf32> to vector<1xf32>
    %squeeze3A_1507 = vector.extract %slice3A_1506[0] : f32 from vector<1xf32>
    %lt3A_1508 = vector.broadcast %squeeze3A_1507 : f32 to vector<16xf32>
    %lt3A_1509 = arith.cmpf olt, %lt3A_1508, %mul3A_1463 : vector<16xf32>
    %jit3A_1510 = arith.constant 1 : i32
    %jit3A_1511 = arith.constant 0 : i32
    %broadcast_in_dim3A_1512 = vector.broadcast %jit3A_1510 : i32 to vector<16xi32>
    %broadcast_in_dim3A_1513 = vector.broadcast %jit3A_1511 : i32 to vector<16xi32>
    %select_n3A_1514 = arith.select %lt3A_1509, %broadcast_in_dim3A_1512, %broadcast_in_dim3A_1513 : vector<16xi1>, vector<16xi32>
    %add3A_1515 = arith.addi %add3A_1505, %select_n3A_1514 : vector<16xi32>
    %slice3A_1516 = vector.extract_strided_slice %select_n3A {offsets = [5], sizes = [1], strides = [1]} : vector<16xf32> to vector<1xf32>
    %squeeze3A_1517 = vector.extract %slice3A_1516[0] : f32 from vector<1xf32>
    %lt3A_1518 = vector.broadcast %squeeze3A_1517 : f32 to vector<16xf32>
    %lt3A_1519 = arith.cmpf olt, %lt3A_1518, %mul3A_1463 : vector<16xf32>
    %jit3A_1520 = arith.constant 1 : i32
    %jit3A_1521 = arith.constant 0 : i32
    %broadcast_in_dim3A_1522 = vector.broadcast %jit3A_1520 : i32 to vector<16xi32>
    %broadcast_in_dim3A_1523 = vector.broadcast %jit3A_1521 : i32 to vector<16xi32>
    %select_n3A_1524 = arith.select %lt3A_1519, %broadcast_in_dim3A_1522, %broadcast_in_dim3A_1523 : vector<16xi1>, vector<16xi32>
    %add3A_1525 = arith.addi %add3A_1515, %select_n3A_1524 : vector<16xi32>
    %slice3A_1526 = vector.extract_strided_slice %select_n3A {offsets = [6], sizes = [1], strides = [1]} : vector<16xf32> to vector<1xf32>
    %squeeze3A_1527 = vector.extract %slice3A_1526[0] : f32 from vector<1xf32>
    %lt3A_1528 = vector.broadcast %squeeze3A_1527 : f32 to vector<16xf32>
    %lt3A_1529 = arith.cmpf olt, %lt3A_1528, %mul3A_1463 : vector<16xf32>
    %jit3A_1530 = arith.constant 1 : i32
    %jit3A_1531 = arith.constant 0 : i32
    %broadcast_in_dim3A_1532 = vector.broadcast %jit3A_1530 : i32 to vector<16xi32>
    %broadcast_in_dim3A_1533 = vector.broadcast %jit3A_1531 : i32 to vector<16xi32>
    %select_n3A_1534 = arith.select %lt3A_1529, %broadcast_in_dim3A_1532, %broadcast_in_dim3A_1533 : vector<16xi1>, vector<16xi32>
    %add3A_1535 = arith.addi %add3A_1525, %select_n3A_1534 : vector<16xi32>
    %slice3A_1536 = vector.extract_strided_slice %select_n3A {offsets = [7], sizes = [1], strides = [1]} : vector<16xf32> to vector<1xf32>
    %squeeze3A_1537 = vector.extract %slice3A_1536[0] : f32 from vector<1xf32>
    %lt3A_1538 = vector.broadcast %squeeze3A_1537 : f32 to vector<16xf32>
    %lt3A_1539 = arith.cmpf olt, %lt3A_1538, %mul3A_1463 : vector<16xf32>
    %jit3A_1540 = arith.constant 1 : i32
    %jit3A_1541 = arith.constant 0 : i32
    %broadcast_in_dim3A_1542 = vector.broadcast %jit3A_1540 : i32 to vector<16xi32>
    %broadcast_in_dim3A_1543 = vector.broadcast %jit3A_1541 : i32 to vector<16xi32>
    %select_n3A_1544 = arith.select %lt3A_1539, %broadcast_in_dim3A_1542, %broadcast_in_dim3A_1543 : vector<16xi1>, vector<16xi32>
    %add3A_1545 = arith.addi %add3A_1535, %select_n3A_1544 : vector<16xi32>
    %slice3A_1546 = vector.extract_strided_slice %select_n3A {offsets = [8], sizes = [1], strides = [1]} : vector<16xf32> to vector<1xf32>
    %squeeze3A_1547 = vector.extract %slice3A_1546[0] : f32 from vector<1xf32>
    %lt3A_1548 = vector.broadcast %squeeze3A_1547 : f32 to vector<16xf32>
    %lt3A_1549 = arith.cmpf olt, %lt3A_1548, %mul3A_1463 : vector<16xf32>
    %jit3A_1550 = arith.constant 1 : i32
    %jit3A_1551 = arith.constant 0 : i32
    %broadcast_in_dim3A_1552 = vector.broadcast %jit3A_1550 : i32 to vector<16xi32>
    %broadcast_in_dim3A_1553 = vector.broadcast %jit3A_1551 : i32 to vector<16xi32>
    %select_n3A_1554 = arith.select %lt3A_1549, %broadcast_in_dim3A_1552, %broadcast_in_dim3A_1553 : vector<16xi1>, vector<16xi32>
    %add3A_1555 = arith.addi %add3A_1545, %select_n3A_1554 : vector<16xi32>
    %slice3A_1556 = vector.extract_strided_slice %select_n3A {offsets = [9], sizes = [1], strides = [1]} : vector<16xf32> to vector<1xf32>
    %squeeze3A_1557 = vector.extract %slice3A_1556[0] : f32 from vector<1xf32>
    %lt3A_1558 = vector.broadcast %squeeze3A_1557 : f32 to vector<16xf32>
    %lt3A_1559 = arith.cmpf olt, %lt3A_1558, %mul3A_1463 : vector<16xf32>
    %jit3A_1560 = arith.constant 1 : i32
    %jit3A_1561 = arith.constant 0 : i32
    %broadcast_in_dim3A_1562 = vector.broadcast %jit3A_1560 : i32 to vector<16xi32>
    %broadcast_in_dim3A_1563 = vector.broadcast %jit3A_1561 : i32 to vector<16xi32>
    %select_n3A_1564 = arith.select %lt3A_1559, %broadcast_in_dim3A_1562, %broadcast_in_dim3A_1563 : vector<16xi1>, vector<16xi32>
    %add3A_1565 = arith.addi %add3A_1555, %select_n3A_1564 : vector<16xi32>
    %slice3A_1566 = vector.extract_strided_slice %select_n3A {offsets = [10], sizes = [1], strides = [1]} : vector<16xf32> to vector<1xf32>
    %squeeze3A_1567 = vector.extract %slice3A_1566[0] : f32 from vector<1xf32>
    %lt3A_1568 = vector.broadcast %squeeze3A_1567 : f32 to vector<16xf32>
    %lt3A_1569 = arith.cmpf olt, %lt3A_1568, %mul3A_1463 : vector<16xf32>
    %jit3A_1570 = arith.constant 1 : i32
    %jit3A_1571 = arith.constant 0 : i32
    %broadcast_in_dim3A_1572 = vector.broadcast %jit3A_1570 : i32 to vector<16xi32>
    %broadcast_in_dim3A_1573 = vector.broadcast %jit3A_1571 : i32 to vector<16xi32>
    %select_n3A_1574 = arith.select %lt3A_1569, %broadcast_in_dim3A_1572, %broadcast_in_dim3A_1573 : vector<16xi1>, vector<16xi32>
    %add3A_1575 = arith.addi %add3A_1565, %select_n3A_1574 : vector<16xi32>
    %slice3A_1576 = vector.extract_strided_slice %select_n3A {offsets = [11], sizes = [1], strides = [1]} : vector<16xf32> to vector<1xf32>
    %squeeze3A_1577 = vector.extract %slice3A_1576[0] : f32 from vector<1xf32>
    %lt3A_1578 = vector.broadcast %squeeze3A_1577 : f32 to vector<16xf32>
    %lt3A_1579 = arith.cmpf olt, %lt3A_1578, %mul3A_1463 : vector<16xf32>
    %jit3A_1580 = arith.constant 1 : i32
    %jit3A_1581 = arith.constant 0 : i32
    %broadcast_in_dim3A_1582 = vector.broadcast %jit3A_1580 : i32 to vector<16xi32>
    %broadcast_in_dim3A_1583 = vector.broadcast %jit3A_1581 : i32 to vector<16xi32>
    %select_n3A_1584 = arith.select %lt3A_1579, %broadcast_in_dim3A_1582, %broadcast_in_dim3A_1583 : vector<16xi1>, vector<16xi32>
    %add3A_1585 = arith.addi %add3A_1575, %select_n3A_1584 : vector<16xi32>
    %slice3A_1586 = vector.extract_strided_slice %select_n3A {offsets = [12], sizes = [1], strides = [1]} : vector<16xf32> to vector<1xf32>
    %squeeze3A_1587 = vector.extract %slice3A_1586[0] : f32 from vector<1xf32>
    %lt3A_1588 = vector.broadcast %squeeze3A_1587 : f32 to vector<16xf32>
    %lt3A_1589 = arith.cmpf olt, %lt3A_1588, %mul3A_1463 : vector<16xf32>
    %jit3A_1590 = arith.constant 1 : i32
    %jit3A_1591 = arith.constant 0 : i32
    %broadcast_in_dim3A_1592 = vector.broadcast %jit3A_1590 : i32 to vector<16xi32>
    %broadcast_in_dim3A_1593 = vector.broadcast %jit3A_1591 : i32 to vector<16xi32>
    %select_n3A_1594 = arith.select %lt3A_1589, %broadcast_in_dim3A_1592, %broadcast_in_dim3A_1593 : vector<16xi1>, vector<16xi32>
    %add3A_1595 = arith.addi %add3A_1585, %select_n3A_1594 : vector<16xi32>
    %slice3A_1596 = vector.extract_strided_slice %select_n3A {offsets = [13], sizes = [1], strides = [1]} : vector<16xf32> to vector<1xf32>
    %squeeze3A_1597 = vector.extract %slice3A_1596[0] : f32 from vector<1xf32>
    %lt3A_1598 = vector.broadcast %squeeze3A_1597 : f32 to vector<16xf32>
    %lt3A_1599 = arith.cmpf olt, %lt3A_1598, %mul3A_1463 : vector<16xf32>
    %jit3A_1600 = arith.constant 1 : i32
    %jit3A_1601 = arith.constant 0 : i32
    %broadcast_in_dim3A_1602 = vector.broadcast %jit3A_1600 : i32 to vector<16xi32>
    %broadcast_in_dim3A_1603 = vector.broadcast %jit3A_1601 : i32 to vector<16xi32>
    %select_n3A_1604 = arith.select %lt3A_1599, %broadcast_in_dim3A_1602, %broadcast_in_dim3A_1603 : vector<16xi1>, vector<16xi32>
    %add3A_1605 = arith.addi %add3A_1595, %select_n3A_1604 : vector<16xi32>
    %slice3A_1606 = vector.extract_strided_slice %select_n3A {offsets = [14], sizes = [1], strides = [1]} : vector<16xf32> to vector<1xf32>
    %squeeze3A_1607 = vector.extract %slice3A_1606[0] : f32 from vector<1xf32>
    %lt3A_1608 = vector.broadcast %squeeze3A_1607 : f32 to vector<16xf32>
    %lt3A_1609 = arith.cmpf olt, %lt3A_1608, %mul3A_1463 : vector<16xf32>
    %jit3A_1610 = arith.constant 1 : i32
    %jit3A_1611 = arith.constant 0 : i32
    %broadcast_in_dim3A_1612 = vector.broadcast %jit3A_1610 : i32 to vector<16xi32>
    %broadcast_in_dim3A_1613 = vector.broadcast %jit3A_1611 : i32 to vector<16xi32>
    %select_n3A_1614 = arith.select %lt3A_1609, %broadcast_in_dim3A_1612, %broadcast_in_dim3A_1613 : vector<16xi1>, vector<16xi32>
    %add3A_1615 = arith.addi %add3A_1605, %select_n3A_1614 : vector<16xi32>
    %gather3A_1616 = tpu.vector_load_idx %arg12[%add3A_1615] : memref<16xf32, #tpu.memory_space<vmem>>[vector<16xi32>], vector<16xf32>,
    %mul3A_1617 = arith.constant 1.280000e+02 : f32
    %mul3A_1618 = vector.broadcast %mul3A_1617 : f32 to vector<16xf32>
    %mul3A_1619 = arith.mulf %gather3A_1616, %mul3A_1618 : vector<16xf32>
    %swap3A_1620 = arith.constant 128 : index
    %swap3A_1621 = tpu.vector_load %arg8[%swap3A_1620] {strides = array<i32>} : memref<272xf32, #tpu.memory_space<vmem>>, vector<16xf32>,
    tpu.vector_store %arg8[%swap3A_1620], %mul3A_1619 {strides = array<i32>} : memref<272xf32, #tpu.memory_space<vmem>>, vector<16xf32>,
    %gather3A_1622 = tpu.vector_load_idx %arg11[%add3A_1615] : memref<16xf32, #tpu.memory_space<vmem>>[vector<16xi32>], vector<16xf32>,
    %swap3A_1623 = arith.constant 128 : index
    %swap3A_1624 = tpu.vector_load %arg9[%swap3A_1623] {strides = array<i32>} : memref<272xf32, #tpu.memory_space<vmem>>, vector<16xf32>,
    tpu.vector_store %arg9[%swap3A_1623], %gather3A_1622 {strides = array<i32>} : memref<272xf32, #tpu.memory_space<vmem>>, vector<16xf32>,
    %add3A_1625 = arith.constant 1 : i32
    %add3A_1626 = vector.broadcast %add3A_1625 : i32 to vector<16xi32>
    %add3A_1627 = arith.addi %add3A_1615, %add3A_1626 : vector<16xi32>
    %min3A_1628 = arith.constant 15 : i32
    %min3A_1629 = vector.broadcast %min3A_1628 : i32 to vector<16xi32>
    %min3A_1630 = arith.minsi %add3A_1627, %min3A_1629 : vector<16xi32>
    %gather3A_1631 = tpu.vector_load_idx %arg11[%min3A_1630] : memref<16xf32, #tpu.memory_space<vmem>>[vector<16xi32>], vector<16xf32>,
    %swap3A_1632 = arith.constant 128 : index
    %swap3A_1633 = tpu.vector_load %arg10[%swap3A_1632] {strides = array<i32>} : memref<272xf32, #tpu.memory_space<vmem>>, vector<16xf32>,
    tpu.vector_store %arg10[%swap3A_1632], %gather3A_1631 {strides = array<i32>} : memref<272xf32, #tpu.memory_space<vmem>>, vector<16xf32>,
    %add3A_1634 = arith.constant 144 : i32
    %add3A_1635 = vector.broadcast %add3A_1634 : i32 to vector<16xi32>
    %add3A_1636 = arith.addi %add3A_1635, %iota3A : vector<16xi32>
    %convert_element_type3A_1637 = arith.sitofp %add3A_1636 : vector<16xi32> to vector<16xf32>
    %sub3A_1638 = arith.constant 1.280000e+02 : f32
    %sub3A_1639 = vector.broadcast %sub3A_1638 : f32 to vector<16xf32>
    %sub3A_1640 = arith.subf %convert_element_type3A_1637, %sub3A_1639 : vector<16xf32>
    %mul3A_1641 = arith.constant 7.812500e-03 : f32
    %mul3A_1642 = vector.broadcast %mul3A_1641 : f32 to vector<16xf32>
    %mul3A_1643 = arith.mulf %sub3A_1640, %mul3A_1642 : vector<16xf32>
    %broadcast_in_dim3A_1644 = arith.constant 0 : i32
    %broadcast_in_dim3A_1645 = vector.broadcast %broadcast_in_dim3A_1644 : i32 to vector<16xi32>
    %slice3A_1646 = vector.extract_strided_slice %select_n3A {offsets = [0], sizes = [1], strides = [1]} : vector<16xf32> to vector<1xf32>
    %squeeze3A_1647 = vector.extract %slice3A_1646[0] : f32 from vector<1xf32>
    %lt3A_1648 = vector.broadcast %squeeze3A_1647 : f32 to vector<16xf32>
    %lt3A_1649 = arith.cmpf olt, %lt3A_1648, %mul3A_1643 : vector<16xf32>
    %jit3A_1650 = arith.constant 1 : i32
    %jit3A_1651 = arith.constant 0 : i32
    %broadcast_in_dim3A_1652 = vector.broadcast %jit3A_1650 : i32 to vector<16xi32>
    %broadcast_in_dim3A_1653 = vector.broadcast %jit3A_1651 : i32 to vector<16xi32>
    %select_n3A_1654 = arith.select %lt3A_1649, %broadcast_in_dim3A_1652, %broadcast_in_dim3A_1653 : vector<16xi1>, vector<16xi32>
    %add3A_1655 = arith.addi %broadcast_in_dim3A_1645, %select_n3A_1654 : vector<16xi32>
    %slice3A_1656 = vector.extract_strided_slice %select_n3A {offsets = [1], sizes = [1], strides = [1]} : vector<16xf32> to vector<1xf32>
    %squeeze3A_1657 = vector.extract %slice3A_1656[0] : f32 from vector<1xf32>
    %lt3A_1658 = vector.broadcast %squeeze3A_1657 : f32 to vector<16xf32>
    %lt3A_1659 = arith.cmpf olt, %lt3A_1658, %mul3A_1643 : vector<16xf32>
    %jit3A_1660 = arith.constant 1 : i32
    %jit3A_1661 = arith.constant 0 : i32
    %broadcast_in_dim3A_1662 = vector.broadcast %jit3A_1660 : i32 to vector<16xi32>
    %broadcast_in_dim3A_1663 = vector.broadcast %jit3A_1661 : i32 to vector<16xi32>
    %select_n3A_1664 = arith.select %lt3A_1659, %broadcast_in_dim3A_1662, %broadcast_in_dim3A_1663 : vector<16xi1>, vector<16xi32>
    %add3A_1665 = arith.addi %add3A_1655, %select_n3A_1664 : vector<16xi32>
    %slice3A_1666 = vector.extract_strided_slice %select_n3A {offsets = [2], sizes = [1], strides = [1]} : vector<16xf32> to vector<1xf32>
    %squeeze3A_1667 = vector.extract %slice3A_1666[0] : f32 from vector<1xf32>
    %lt3A_1668 = vector.broadcast %squeeze3A_1667 : f32 to vector<16xf32>
    %lt3A_1669 = arith.cmpf olt, %lt3A_1668, %mul3A_1643 : vector<16xf32>
    %jit3A_1670 = arith.constant 1 : i32
    %jit3A_1671 = arith.constant 0 : i32
    %broadcast_in_dim3A_1672 = vector.broadcast %jit3A_1670 : i32 to vector<16xi32>
    %broadcast_in_dim3A_1673 = vector.broadcast %jit3A_1671 : i32 to vector<16xi32>
    %select_n3A_1674 = arith.select %lt3A_1669, %broadcast_in_dim3A_1672, %broadcast_in_dim3A_1673 : vector<16xi1>, vector<16xi32>
    %add3A_1675 = arith.addi %add3A_1665, %select_n3A_1674 : vector<16xi32>
    %slice3A_1676 = vector.extract_strided_slice %select_n3A {offsets = [3], sizes = [1], strides = [1]} : vector<16xf32> to vector<1xf32>
    %squeeze3A_1677 = vector.extract %slice3A_1676[0] : f32 from vector<1xf32>
    %lt3A_1678 = vector.broadcast %squeeze3A_1677 : f32 to vector<16xf32>
    %lt3A_1679 = arith.cmpf olt, %lt3A_1678, %mul3A_1643 : vector<16xf32>
    %jit3A_1680 = arith.constant 1 : i32
    %jit3A_1681 = arith.constant 0 : i32
    %broadcast_in_dim3A_1682 = vector.broadcast %jit3A_1680 : i32 to vector<16xi32>
    %broadcast_in_dim3A_1683 = vector.broadcast %jit3A_1681 : i32 to vector<16xi32>
    %select_n3A_1684 = arith.select %lt3A_1679, %broadcast_in_dim3A_1682, %broadcast_in_dim3A_1683 : vector<16xi1>, vector<16xi32>
    %add3A_1685 = arith.addi %add3A_1675, %select_n3A_1684 : vector<16xi32>
    %slice3A_1686 = vector.extract_strided_slice %select_n3A {offsets = [4], sizes = [1], strides = [1]} : vector<16xf32> to vector<1xf32>
    %squeeze3A_1687 = vector.extract %slice3A_1686[0] : f32 from vector<1xf32>
    %lt3A_1688 = vector.broadcast %squeeze3A_1687 : f32 to vector<16xf32>
    %lt3A_1689 = arith.cmpf olt, %lt3A_1688, %mul3A_1643 : vector<16xf32>
    %jit3A_1690 = arith.constant 1 : i32
    %jit3A_1691 = arith.constant 0 : i32
    %broadcast_in_dim3A_1692 = vector.broadcast %jit3A_1690 : i32 to vector<16xi32>
    %broadcast_in_dim3A_1693 = vector.broadcast %jit3A_1691 : i32 to vector<16xi32>
    %select_n3A_1694 = arith.select %lt3A_1689, %broadcast_in_dim3A_1692, %broadcast_in_dim3A_1693 : vector<16xi1>, vector<16xi32>
    %add3A_1695 = arith.addi %add3A_1685, %select_n3A_1694 : vector<16xi32>
    %slice3A_1696 = vector.extract_strided_slice %select_n3A {offsets = [5], sizes = [1], strides = [1]} : vector<16xf32> to vector<1xf32>
    %squeeze3A_1697 = vector.extract %slice3A_1696[0] : f32 from vector<1xf32>
    %lt3A_1698 = vector.broadcast %squeeze3A_1697 : f32 to vector<16xf32>
    %lt3A_1699 = arith.cmpf olt, %lt3A_1698, %mul3A_1643 : vector<16xf32>
    %jit3A_1700 = arith.constant 1 : i32
    %jit3A_1701 = arith.constant 0 : i32
    %broadcast_in_dim3A_1702 = vector.broadcast %jit3A_1700 : i32 to vector<16xi32>
    %broadcast_in_dim3A_1703 = vector.broadcast %jit3A_1701 : i32 to vector<16xi32>
    %select_n3A_1704 = arith.select %lt3A_1699, %broadcast_in_dim3A_1702, %broadcast_in_dim3A_1703 : vector<16xi1>, vector<16xi32>
    %add3A_1705 = arith.addi %add3A_1695, %select_n3A_1704 : vector<16xi32>
    %slice3A_1706 = vector.extract_strided_slice %select_n3A {offsets = [6], sizes = [1], strides = [1]} : vector<16xf32> to vector<1xf32>
    %squeeze3A_1707 = vector.extract %slice3A_1706[0] : f32 from vector<1xf32>
    %lt3A_1708 = vector.broadcast %squeeze3A_1707 : f32 to vector<16xf32>
    %lt3A_1709 = arith.cmpf olt, %lt3A_1708, %mul3A_1643 : vector<16xf32>
    %jit3A_1710 = arith.constant 1 : i32
    %jit3A_1711 = arith.constant 0 : i32
    %broadcast_in_dim3A_1712 = vector.broadcast %jit3A_1710 : i32 to vector<16xi32>
    %broadcast_in_dim3A_1713 = vector.broadcast %jit3A_1711 : i32 to vector<16xi32>
    %select_n3A_1714 = arith.select %lt3A_1709, %broadcast_in_dim3A_1712, %broadcast_in_dim3A_1713 : vector<16xi1>, vector<16xi32>
    %add3A_1715 = arith.addi %add3A_1705, %select_n3A_1714 : vector<16xi32>
    %slice3A_1716 = vector.extract_strided_slice %select_n3A {offsets = [7], sizes = [1], strides = [1]} : vector<16xf32> to vector<1xf32>
    %squeeze3A_1717 = vector.extract %slice3A_1716[0] : f32 from vector<1xf32>
    %lt3A_1718 = vector.broadcast %squeeze3A_1717 : f32 to vector<16xf32>
    %lt3A_1719 = arith.cmpf olt, %lt3A_1718, %mul3A_1643 : vector<16xf32>
    %jit3A_1720 = arith.constant 1 : i32
    %jit3A_1721 = arith.constant 0 : i32
    %broadcast_in_dim3A_1722 = vector.broadcast %jit3A_1720 : i32 to vector<16xi32>
    %broadcast_in_dim3A_1723 = vector.broadcast %jit3A_1721 : i32 to vector<16xi32>
    %select_n3A_1724 = arith.select %lt3A_1719, %broadcast_in_dim3A_1722, %broadcast_in_dim3A_1723 : vector<16xi1>, vector<16xi32>
    %add3A_1725 = arith.addi %add3A_1715, %select_n3A_1724 : vector<16xi32>
    %slice3A_1726 = vector.extract_strided_slice %select_n3A {offsets = [8], sizes = [1], strides = [1]} : vector<16xf32> to vector<1xf32>
    %squeeze3A_1727 = vector.extract %slice3A_1726[0] : f32 from vector<1xf32>
    %lt3A_1728 = vector.broadcast %squeeze3A_1727 : f32 to vector<16xf32>
    %lt3A_1729 = arith.cmpf olt, %lt3A_1728, %mul3A_1643 : vector<16xf32>
    %jit3A_1730 = arith.constant 1 : i32
    %jit3A_1731 = arith.constant 0 : i32
    %broadcast_in_dim3A_1732 = vector.broadcast %jit3A_1730 : i32 to vector<16xi32>
    %broadcast_in_dim3A_1733 = vector.broadcast %jit3A_1731 : i32 to vector<16xi32>
    %select_n3A_1734 = arith.select %lt3A_1729, %broadcast_in_dim3A_1732, %broadcast_in_dim3A_1733 : vector<16xi1>, vector<16xi32>
    %add3A_1735 = arith.addi %add3A_1725, %select_n3A_1734 : vector<16xi32>
    %slice3A_1736 = vector.extract_strided_slice %select_n3A {offsets = [9], sizes = [1], strides = [1]} : vector<16xf32> to vector<1xf32>
    %squeeze3A_1737 = vector.extract %slice3A_1736[0] : f32 from vector<1xf32>
    %lt3A_1738 = vector.broadcast %squeeze3A_1737 : f32 to vector<16xf32>
    %lt3A_1739 = arith.cmpf olt, %lt3A_1738, %mul3A_1643 : vector<16xf32>
    %jit3A_1740 = arith.constant 1 : i32
    %jit3A_1741 = arith.constant 0 : i32
    %broadcast_in_dim3A_1742 = vector.broadcast %jit3A_1740 : i32 to vector<16xi32>
    %broadcast_in_dim3A_1743 = vector.broadcast %jit3A_1741 : i32 to vector<16xi32>
    %select_n3A_1744 = arith.select %lt3A_1739, %broadcast_in_dim3A_1742, %broadcast_in_dim3A_1743 : vector<16xi1>, vector<16xi32>
    %add3A_1745 = arith.addi %add3A_1735, %select_n3A_1744 : vector<16xi32>
    %slice3A_1746 = vector.extract_strided_slice %select_n3A {offsets = [10], sizes = [1], strides = [1]} : vector<16xf32> to vector<1xf32>
    %squeeze3A_1747 = vector.extract %slice3A_1746[0] : f32 from vector<1xf32>
    %lt3A_1748 = vector.broadcast %squeeze3A_1747 : f32 to vector<16xf32>
    %lt3A_1749 = arith.cmpf olt, %lt3A_1748, %mul3A_1643 : vector<16xf32>
    %jit3A_1750 = arith.constant 1 : i32
    %jit3A_1751 = arith.constant 0 : i32
    %broadcast_in_dim3A_1752 = vector.broadcast %jit3A_1750 : i32 to vector<16xi32>
    %broadcast_in_dim3A_1753 = vector.broadcast %jit3A_1751 : i32 to vector<16xi32>
    %select_n3A_1754 = arith.select %lt3A_1749, %broadcast_in_dim3A_1752, %broadcast_in_dim3A_1753 : vector<16xi1>, vector<16xi32>
    %add3A_1755 = arith.addi %add3A_1745, %select_n3A_1754 : vector<16xi32>
    %slice3A_1756 = vector.extract_strided_slice %select_n3A {offsets = [11], sizes = [1], strides = [1]} : vector<16xf32> to vector<1xf32>
    %squeeze3A_1757 = vector.extract %slice3A_1756[0] : f32 from vector<1xf32>
    %lt3A_1758 = vector.broadcast %squeeze3A_1757 : f32 to vector<16xf32>
    %lt3A_1759 = arith.cmpf olt, %lt3A_1758, %mul3A_1643 : vector<16xf32>
    %jit3A_1760 = arith.constant 1 : i32
    %jit3A_1761 = arith.constant 0 : i32
    %broadcast_in_dim3A_1762 = vector.broadcast %jit3A_1760 : i32 to vector<16xi32>
    %broadcast_in_dim3A_1763 = vector.broadcast %jit3A_1761 : i32 to vector<16xi32>
    %select_n3A_1764 = arith.select %lt3A_1759, %broadcast_in_dim3A_1762, %broadcast_in_dim3A_1763 : vector<16xi1>, vector<16xi32>
    %add3A_1765 = arith.addi %add3A_1755, %select_n3A_1764 : vector<16xi32>
    %slice3A_1766 = vector.extract_strided_slice %select_n3A {offsets = [12], sizes = [1], strides = [1]} : vector<16xf32> to vector<1xf32>
    %squeeze3A_1767 = vector.extract %slice3A_1766[0] : f32 from vector<1xf32>
    %lt3A_1768 = vector.broadcast %squeeze3A_1767 : f32 to vector<16xf32>
    %lt3A_1769 = arith.cmpf olt, %lt3A_1768, %mul3A_1643 : vector<16xf32>
    %jit3A_1770 = arith.constant 1 : i32
    %jit3A_1771 = arith.constant 0 : i32
    %broadcast_in_dim3A_1772 = vector.broadcast %jit3A_1770 : i32 to vector<16xi32>
    %broadcast_in_dim3A_1773 = vector.broadcast %jit3A_1771 : i32 to vector<16xi32>
    %select_n3A_1774 = arith.select %lt3A_1769, %broadcast_in_dim3A_1772, %broadcast_in_dim3A_1773 : vector<16xi1>, vector<16xi32>
    %add3A_1775 = arith.addi %add3A_1765, %select_n3A_1774 : vector<16xi32>
    %slice3A_1776 = vector.extract_strided_slice %select_n3A {offsets = [13], sizes = [1], strides = [1]} : vector<16xf32> to vector<1xf32>
    %squeeze3A_1777 = vector.extract %slice3A_1776[0] : f32 from vector<1xf32>
    %lt3A_1778 = vector.broadcast %squeeze3A_1777 : f32 to vector<16xf32>
    %lt3A_1779 = arith.cmpf olt, %lt3A_1778, %mul3A_1643 : vector<16xf32>
    %jit3A_1780 = arith.constant 1 : i32
    %jit3A_1781 = arith.constant 0 : i32
    %broadcast_in_dim3A_1782 = vector.broadcast %jit3A_1780 : i32 to vector<16xi32>
    %broadcast_in_dim3A_1783 = vector.broadcast %jit3A_1781 : i32 to vector<16xi32>
    %select_n3A_1784 = arith.select %lt3A_1779, %broadcast_in_dim3A_1782, %broadcast_in_dim3A_1783 : vector<16xi1>, vector<16xi32>
    %add3A_1785 = arith.addi %add3A_1775, %select_n3A_1784 : vector<16xi32>
    %slice3A_1786 = vector.extract_strided_slice %select_n3A {offsets = [14], sizes = [1], strides = [1]} : vector<16xf32> to vector<1xf32>
    %squeeze3A_1787 = vector.extract %slice3A_1786[0] : f32 from vector<1xf32>
    %lt3A_1788 = vector.broadcast %squeeze3A_1787 : f32 to vector<16xf32>
    %lt3A_1789 = arith.cmpf olt, %lt3A_1788, %mul3A_1643 : vector<16xf32>
    %jit3A_1790 = arith.constant 1 : i32
    %jit3A_1791 = arith.constant 0 : i32
    %broadcast_in_dim3A_1792 = vector.broadcast %jit3A_1790 : i32 to vector<16xi32>
    %broadcast_in_dim3A_1793 = vector.broadcast %jit3A_1791 : i32 to vector<16xi32>
    %select_n3A_1794 = arith.select %lt3A_1789, %broadcast_in_dim3A_1792, %broadcast_in_dim3A_1793 : vector<16xi1>, vector<16xi32>
    %add3A_1795 = arith.addi %add3A_1785, %select_n3A_1794 : vector<16xi32>
    %gather3A_1796 = tpu.vector_load_idx %arg12[%add3A_1795] : memref<16xf32, #tpu.memory_space<vmem>>[vector<16xi32>], vector<16xf32>,
    %mul3A_1797 = arith.constant 1.280000e+02 : f32
    %mul3A_1798 = vector.broadcast %mul3A_1797 : f32 to vector<16xf32>
    %mul3A_1799 = arith.mulf %gather3A_1796, %mul3A_1798 : vector<16xf32>
    %swap3A_1800 = arith.constant 144 : index
    %swap3A_1801 = tpu.vector_load %arg8[%swap3A_1800] {strides = array<i32>} : memref<272xf32, #tpu.memory_space<vmem>>, vector<16xf32>,
    tpu.vector_store %arg8[%swap3A_1800], %mul3A_1799 {strides = array<i32>} : memref<272xf32, #tpu.memory_space<vmem>>, vector<16xf32>,
    %gather3A_1802 = tpu.vector_load_idx %arg11[%add3A_1795] : memref<16xf32, #tpu.memory_space<vmem>>[vector<16xi32>], vector<16xf32>,
    %swap3A_1803 = arith.constant 144 : index
    %swap3A_1804 = tpu.vector_load %arg9[%swap3A_1803] {strides = array<i32>} : memref<272xf32, #tpu.memory_space<vmem>>, vector<16xf32>,
    tpu.vector_store %arg9[%swap3A_1803], %gather3A_1802 {strides = array<i32>} : memref<272xf32, #tpu.memory_space<vmem>>, vector<16xf32>,
    %add3A_1805 = arith.constant 1 : i32
    %add3A_1806 = vector.broadcast %add3A_1805 : i32 to vector<16xi32>
    %add3A_1807 = arith.addi %add3A_1795, %add3A_1806 : vector<16xi32>
    %min3A_1808 = arith.constant 15 : i32
    %min3A_1809 = vector.broadcast %min3A_1808 : i32 to vector<16xi32>
    %min3A_1810 = arith.minsi %add3A_1807, %min3A_1809 : vector<16xi32>
    %gather3A_1811 = tpu.vector_load_idx %arg11[%min3A_1810] : memref<16xf32, #tpu.memory_space<vmem>>[vector<16xi32>], vector<16xf32>,
    %swap3A_1812 = arith.constant 144 : index
    %swap3A_1813 = tpu.vector_load %arg10[%swap3A_1812] {strides = array<i32>} : memref<272xf32, #tpu.memory_space<vmem>>, vector<16xf32>,
    tpu.vector_store %arg10[%swap3A_1812], %gather3A_1811 {strides = array<i32>} : memref<272xf32, #tpu.memory_space<vmem>>, vector<16xf32>,
    %add3A_1814 = arith.constant 160 : i32
    %add3A_1815 = vector.broadcast %add3A_1814 : i32 to vector<16xi32>
    %add3A_1816 = arith.addi %add3A_1815, %iota3A : vector<16xi32>
    %convert_element_type3A_1817 = arith.sitofp %add3A_1816 : vector<16xi32> to vector<16xf32>
    %sub3A_1818 = arith.constant 1.280000e+02 : f32
    %sub3A_1819 = vector.broadcast %sub3A_1818 : f32 to vector<16xf32>
    %sub3A_1820 = arith.subf %convert_element_type3A_1817, %sub3A_1819 : vector<16xf32>
    %mul3A_1821 = arith.constant 7.812500e-03 : f32
    %mul3A_1822 = vector.broadcast %mul3A_1821 : f32 to vector<16xf32>
    %mul3A_1823 = arith.mulf %sub3A_1820, %mul3A_1822 : vector<16xf32>
    %broadcast_in_dim3A_1824 = arith.constant 0 : i32
    %broadcast_in_dim3A_1825 = vector.broadcast %broadcast_in_dim3A_1824 : i32 to vector<16xi32>
    %slice3A_1826 = vector.extract_strided_slice %select_n3A {offsets = [0], sizes = [1], strides = [1]} : vector<16xf32> to vector<1xf32>
    %squeeze3A_1827 = vector.extract %slice3A_1826[0] : f32 from vector<1xf32>
    %lt3A_1828 = vector.broadcast %squeeze3A_1827 : f32 to vector<16xf32>
    %lt3A_1829 = arith.cmpf olt, %lt3A_1828, %mul3A_1823 : vector<16xf32>
    %jit3A_1830 = arith.constant 1 : i32
    %jit3A_1831 = arith.constant 0 : i32
    %broadcast_in_dim3A_1832 = vector.broadcast %jit3A_1830 : i32 to vector<16xi32>
    %broadcast_in_dim3A_1833 = vector.broadcast %jit3A_1831 : i32 to vector<16xi32>
    %select_n3A_1834 = arith.select %lt3A_1829, %broadcast_in_dim3A_1832, %broadcast_in_dim3A_1833 : vector<16xi1>, vector<16xi32>
    %add3A_1835 = arith.addi %broadcast_in_dim3A_1825, %select_n3A_1834 : vector<16xi32>
    %slice3A_1836 = vector.extract_strided_slice %select_n3A {offsets = [1], sizes = [1], strides = [1]} : vector<16xf32> to vector<1xf32>
    %squeeze3A_1837 = vector.extract %slice3A_1836[0] : f32 from vector<1xf32>
    %lt3A_1838 = vector.broadcast %squeeze3A_1837 : f32 to vector<16xf32>
    %lt3A_1839 = arith.cmpf olt, %lt3A_1838, %mul3A_1823 : vector<16xf32>
    %jit3A_1840 = arith.constant 1 : i32
    %jit3A_1841 = arith.constant 0 : i32
    %broadcast_in_dim3A_1842 = vector.broadcast %jit3A_1840 : i32 to vector<16xi32>
    %broadcast_in_dim3A_1843 = vector.broadcast %jit3A_1841 : i32 to vector<16xi32>
    %select_n3A_1844 = arith.select %lt3A_1839, %broadcast_in_dim3A_1842, %broadcast_in_dim3A_1843 : vector<16xi1>, vector<16xi32>
    %add3A_1845 = arith.addi %add3A_1835, %select_n3A_1844 : vector<16xi32>
    %slice3A_1846 = vector.extract_strided_slice %select_n3A {offsets = [2], sizes = [1], strides = [1]} : vector<16xf32> to vector<1xf32>
    %squeeze3A_1847 = vector.extract %slice3A_1846[0] : f32 from vector<1xf32>
    %lt3A_1848 = vector.broadcast %squeeze3A_1847 : f32 to vector<16xf32>
    %lt3A_1849 = arith.cmpf olt, %lt3A_1848, %mul3A_1823 : vector<16xf32>
    %jit3A_1850 = arith.constant 1 : i32
    %jit3A_1851 = arith.constant 0 : i32
    %broadcast_in_dim3A_1852 = vector.broadcast %jit3A_1850 : i32 to vector<16xi32>
    %broadcast_in_dim3A_1853 = vector.broadcast %jit3A_1851 : i32 to vector<16xi32>
    %select_n3A_1854 = arith.select %lt3A_1849, %broadcast_in_dim3A_1852, %broadcast_in_dim3A_1853 : vector<16xi1>, vector<16xi32>
    %add3A_1855 = arith.addi %add3A_1845, %select_n3A_1854 : vector<16xi32>
    %slice3A_1856 = vector.extract_strided_slice %select_n3A {offsets = [3], sizes = [1], strides = [1]} : vector<16xf32> to vector<1xf32>
    %squeeze3A_1857 = vector.extract %slice3A_1856[0] : f32 from vector<1xf32>
    %lt3A_1858 = vector.broadcast %squeeze3A_1857 : f32 to vector<16xf32>
    %lt3A_1859 = arith.cmpf olt, %lt3A_1858, %mul3A_1823 : vector<16xf32>
    %jit3A_1860 = arith.constant 1 : i32
    %jit3A_1861 = arith.constant 0 : i32
    %broadcast_in_dim3A_1862 = vector.broadcast %jit3A_1860 : i32 to vector<16xi32>
    %broadcast_in_dim3A_1863 = vector.broadcast %jit3A_1861 : i32 to vector<16xi32>
    %select_n3A_1864 = arith.select %lt3A_1859, %broadcast_in_dim3A_1862, %broadcast_in_dim3A_1863 : vector<16xi1>, vector<16xi32>
    %add3A_1865 = arith.addi %add3A_1855, %select_n3A_1864 : vector<16xi32>
    %slice3A_1866 = vector.extract_strided_slice %select_n3A {offsets = [4], sizes = [1], strides = [1]} : vector<16xf32> to vector<1xf32>
    %squeeze3A_1867 = vector.extract %slice3A_1866[0] : f32 from vector<1xf32>
    %lt3A_1868 = vector.broadcast %squeeze3A_1867 : f32 to vector<16xf32>
    %lt3A_1869 = arith.cmpf olt, %lt3A_1868, %mul3A_1823 : vector<16xf32>
    %jit3A_1870 = arith.constant 1 : i32
    %jit3A_1871 = arith.constant 0 : i32
    %broadcast_in_dim3A_1872 = vector.broadcast %jit3A_1870 : i32 to vector<16xi32>
    %broadcast_in_dim3A_1873 = vector.broadcast %jit3A_1871 : i32 to vector<16xi32>
    %select_n3A_1874 = arith.select %lt3A_1869, %broadcast_in_dim3A_1872, %broadcast_in_dim3A_1873 : vector<16xi1>, vector<16xi32>
    %add3A_1875 = arith.addi %add3A_1865, %select_n3A_1874 : vector<16xi32>
    %slice3A_1876 = vector.extract_strided_slice %select_n3A {offsets = [5], sizes = [1], strides = [1]} : vector<16xf32> to vector<1xf32>
    %squeeze3A_1877 = vector.extract %slice3A_1876[0] : f32 from vector<1xf32>
    %lt3A_1878 = vector.broadcast %squeeze3A_1877 : f32 to vector<16xf32>
    %lt3A_1879 = arith.cmpf olt, %lt3A_1878, %mul3A_1823 : vector<16xf32>
    %jit3A_1880 = arith.constant 1 : i32
    %jit3A_1881 = arith.constant 0 : i32
    %broadcast_in_dim3A_1882 = vector.broadcast %jit3A_1880 : i32 to vector<16xi32>
    %broadcast_in_dim3A_1883 = vector.broadcast %jit3A_1881 : i32 to vector<16xi32>
    %select_n3A_1884 = arith.select %lt3A_1879, %broadcast_in_dim3A_1882, %broadcast_in_dim3A_1883 : vector<16xi1>, vector<16xi32>
    %add3A_1885 = arith.addi %add3A_1875, %select_n3A_1884 : vector<16xi32>
    %slice3A_1886 = vector.extract_strided_slice %select_n3A {offsets = [6], sizes = [1], strides = [1]} : vector<16xf32> to vector<1xf32>
    %squeeze3A_1887 = vector.extract %slice3A_1886[0] : f32 from vector<1xf32>
    %lt3A_1888 = vector.broadcast %squeeze3A_1887 : f32 to vector<16xf32>
    %lt3A_1889 = arith.cmpf olt, %lt3A_1888, %mul3A_1823 : vector<16xf32>
    %jit3A_1890 = arith.constant 1 : i32
    %jit3A_1891 = arith.constant 0 : i32
    %broadcast_in_dim3A_1892 = vector.broadcast %jit3A_1890 : i32 to vector<16xi32>
    %broadcast_in_dim3A_1893 = vector.broadcast %jit3A_1891 : i32 to vector<16xi32>
    %select_n3A_1894 = arith.select %lt3A_1889, %broadcast_in_dim3A_1892, %broadcast_in_dim3A_1893 : vector<16xi1>, vector<16xi32>
    %add3A_1895 = arith.addi %add3A_1885, %select_n3A_1894 : vector<16xi32>
    %slice3A_1896 = vector.extract_strided_slice %select_n3A {offsets = [7], sizes = [1], strides = [1]} : vector<16xf32> to vector<1xf32>
    %squeeze3A_1897 = vector.extract %slice3A_1896[0] : f32 from vector<1xf32>
    %lt3A_1898 = vector.broadcast %squeeze3A_1897 : f32 to vector<16xf32>
    %lt3A_1899 = arith.cmpf olt, %lt3A_1898, %mul3A_1823 : vector<16xf32>
    %jit3A_1900 = arith.constant 1 : i32
    %jit3A_1901 = arith.constant 0 : i32
    %broadcast_in_dim3A_1902 = vector.broadcast %jit3A_1900 : i32 to vector<16xi32>
    %broadcast_in_dim3A_1903 = vector.broadcast %jit3A_1901 : i32 to vector<16xi32>
    %select_n3A_1904 = arith.select %lt3A_1899, %broadcast_in_dim3A_1902, %broadcast_in_dim3A_1903 : vector<16xi1>, vector<16xi32>
    %add3A_1905 = arith.addi %add3A_1895, %select_n3A_1904 : vector<16xi32>
    %slice3A_1906 = vector.extract_strided_slice %select_n3A {offsets = [8], sizes = [1], strides = [1]} : vector<16xf32> to vector<1xf32>
    %squeeze3A_1907 = vector.extract %slice3A_1906[0] : f32 from vector<1xf32>
    %lt3A_1908 = vector.broadcast %squeeze3A_1907 : f32 to vector<16xf32>
    %lt3A_1909 = arith.cmpf olt, %lt3A_1908, %mul3A_1823 : vector<16xf32>
    %jit3A_1910 = arith.constant 1 : i32
    %jit3A_1911 = arith.constant 0 : i32
    %broadcast_in_dim3A_1912 = vector.broadcast %jit3A_1910 : i32 to vector<16xi32>
    %broadcast_in_dim3A_1913 = vector.broadcast %jit3A_1911 : i32 to vector<16xi32>
    %select_n3A_1914 = arith.select %lt3A_1909, %broadcast_in_dim3A_1912, %broadcast_in_dim3A_1913 : vector<16xi1>, vector<16xi32>
    %add3A_1915 = arith.addi %add3A_1905, %select_n3A_1914 : vector<16xi32>
    %slice3A_1916 = vector.extract_strided_slice %select_n3A {offsets = [9], sizes = [1], strides = [1]} : vector<16xf32> to vector<1xf32>
    %squeeze3A_1917 = vector.extract %slice3A_1916[0] : f32 from vector<1xf32>
    %lt3A_1918 = vector.broadcast %squeeze3A_1917 : f32 to vector<16xf32>
    %lt3A_1919 = arith.cmpf olt, %lt3A_1918, %mul3A_1823 : vector<16xf32>
    %jit3A_1920 = arith.constant 1 : i32
    %jit3A_1921 = arith.constant 0 : i32
    %broadcast_in_dim3A_1922 = vector.broadcast %jit3A_1920 : i32 to vector<16xi32>
    %broadcast_in_dim3A_1923 = vector.broadcast %jit3A_1921 : i32 to vector<16xi32>
    %select_n3A_1924 = arith.select %lt3A_1919, %broadcast_in_dim3A_1922, %broadcast_in_dim3A_1923 : vector<16xi1>, vector<16xi32>
    %add3A_1925 = arith.addi %add3A_1915, %select_n3A_1924 : vector<16xi32>
    %slice3A_1926 = vector.extract_strided_slice %select_n3A {offsets = [10], sizes = [1], strides = [1]} : vector<16xf32> to vector<1xf32>
    %squeeze3A_1927 = vector.extract %slice3A_1926[0] : f32 from vector<1xf32>
    %lt3A_1928 = vector.broadcast %squeeze3A_1927 : f32 to vector<16xf32>
    %lt3A_1929 = arith.cmpf olt, %lt3A_1928, %mul3A_1823 : vector<16xf32>
    %jit3A_1930 = arith.constant 1 : i32
    %jit3A_1931 = arith.constant 0 : i32
    %broadcast_in_dim3A_1932 = vector.broadcast %jit3A_1930 : i32 to vector<16xi32>
    %broadcast_in_dim3A_1933 = vector.broadcast %jit3A_1931 : i32 to vector<16xi32>
    %select_n3A_1934 = arith.select %lt3A_1929, %broadcast_in_dim3A_1932, %broadcast_in_dim3A_1933 : vector<16xi1>, vector<16xi32>
    %add3A_1935 = arith.addi %add3A_1925, %select_n3A_1934 : vector<16xi32>
    %slice3A_1936 = vector.extract_strided_slice %select_n3A {offsets = [11], sizes = [1], strides = [1]} : vector<16xf32> to vector<1xf32>
    %squeeze3A_1937 = vector.extract %slice3A_1936[0] : f32 from vector<1xf32>
    %lt3A_1938 = vector.broadcast %squeeze3A_1937 : f32 to vector<16xf32>
    %lt3A_1939 = arith.cmpf olt, %lt3A_1938, %mul3A_1823 : vector<16xf32>
    %jit3A_1940 = arith.constant 1 : i32
    %jit3A_1941 = arith.constant 0 : i32
    %broadcast_in_dim3A_1942 = vector.broadcast %jit3A_1940 : i32 to vector<16xi32>
    %broadcast_in_dim3A_1943 = vector.broadcast %jit3A_1941 : i32 to vector<16xi32>
    %select_n3A_1944 = arith.select %lt3A_1939, %broadcast_in_dim3A_1942, %broadcast_in_dim3A_1943 : vector<16xi1>, vector<16xi32>
    %add3A_1945 = arith.addi %add3A_1935, %select_n3A_1944 : vector<16xi32>
    %slice3A_1946 = vector.extract_strided_slice %select_n3A {offsets = [12], sizes = [1], strides = [1]} : vector<16xf32> to vector<1xf32>
    %squeeze3A_1947 = vector.extract %slice3A_1946[0] : f32 from vector<1xf32>
    %lt3A_1948 = vector.broadcast %squeeze3A_1947 : f32 to vector<16xf32>
    %lt3A_1949 = arith.cmpf olt, %lt3A_1948, %mul3A_1823 : vector<16xf32>
    %jit3A_1950 = arith.constant 1 : i32
    %jit3A_1951 = arith.constant 0 : i32
    %broadcast_in_dim3A_1952 = vector.broadcast %jit3A_1950 : i32 to vector<16xi32>
    %broadcast_in_dim3A_1953 = vector.broadcast %jit3A_1951 : i32 to vector<16xi32>
    %select_n3A_1954 = arith.select %lt3A_1949, %broadcast_in_dim3A_1952, %broadcast_in_dim3A_1953 : vector<16xi1>, vector<16xi32>
    %add3A_1955 = arith.addi %add3A_1945, %select_n3A_1954 : vector<16xi32>
    %slice3A_1956 = vector.extract_strided_slice %select_n3A {offsets = [13], sizes = [1], strides = [1]} : vector<16xf32> to vector<1xf32>
    %squeeze3A_1957 = vector.extract %slice3A_1956[0] : f32 from vector<1xf32>
    %lt3A_1958 = vector.broadcast %squeeze3A_1957 : f32 to vector<16xf32>
    %lt3A_1959 = arith.cmpf olt, %lt3A_1958, %mul3A_1823 : vector<16xf32>
    %jit3A_1960 = arith.constant 1 : i32
    %jit3A_1961 = arith.constant 0 : i32
    %broadcast_in_dim3A_1962 = vector.broadcast %jit3A_1960 : i32 to vector<16xi32>
    %broadcast_in_dim3A_1963 = vector.broadcast %jit3A_1961 : i32 to vector<16xi32>
    %select_n3A_1964 = arith.select %lt3A_1959, %broadcast_in_dim3A_1962, %broadcast_in_dim3A_1963 : vector<16xi1>, vector<16xi32>
    %add3A_1965 = arith.addi %add3A_1955, %select_n3A_1964 : vector<16xi32>
    %slice3A_1966 = vector.extract_strided_slice %select_n3A {offsets = [14], sizes = [1], strides = [1]} : vector<16xf32> to vector<1xf32>
    %squeeze3A_1967 = vector.extract %slice3A_1966[0] : f32 from vector<1xf32>
    %lt3A_1968 = vector.broadcast %squeeze3A_1967 : f32 to vector<16xf32>
    %lt3A_1969 = arith.cmpf olt, %lt3A_1968, %mul3A_1823 : vector<16xf32>
    %jit3A_1970 = arith.constant 1 : i32
    %jit3A_1971 = arith.constant 0 : i32
    %broadcast_in_dim3A_1972 = vector.broadcast %jit3A_1970 : i32 to vector<16xi32>
    %broadcast_in_dim3A_1973 = vector.broadcast %jit3A_1971 : i32 to vector<16xi32>
    %select_n3A_1974 = arith.select %lt3A_1969, %broadcast_in_dim3A_1972, %broadcast_in_dim3A_1973 : vector<16xi1>, vector<16xi32>
    %add3A_1975 = arith.addi %add3A_1965, %select_n3A_1974 : vector<16xi32>
    %gather3A_1976 = tpu.vector_load_idx %arg12[%add3A_1975] : memref<16xf32, #tpu.memory_space<vmem>>[vector<16xi32>], vector<16xf32>,
    %mul3A_1977 = arith.constant 1.280000e+02 : f32
    %mul3A_1978 = vector.broadcast %mul3A_1977 : f32 to vector<16xf32>
    %mul3A_1979 = arith.mulf %gather3A_1976, %mul3A_1978 : vector<16xf32>
    %swap3A_1980 = arith.constant 160 : index
    %swap3A_1981 = tpu.vector_load %arg8[%swap3A_1980] {strides = array<i32>} : memref<272xf32, #tpu.memory_space<vmem>>, vector<16xf32>,
    tpu.vector_store %arg8[%swap3A_1980], %mul3A_1979 {strides = array<i32>} : memref<272xf32, #tpu.memory_space<vmem>>, vector<16xf32>,
    %gather3A_1982 = tpu.vector_load_idx %arg11[%add3A_1975] : memref<16xf32, #tpu.memory_space<vmem>>[vector<16xi32>], vector<16xf32>,
    %swap3A_1983 = arith.constant 160 : index
    %swap3A_1984 = tpu.vector_load %arg9[%swap3A_1983] {strides = array<i32>} : memref<272xf32, #tpu.memory_space<vmem>>, vector<16xf32>,
    tpu.vector_store %arg9[%swap3A_1983], %gather3A_1982 {strides = array<i32>} : memref<272xf32, #tpu.memory_space<vmem>>, vector<16xf32>,
    %add3A_1985 = arith.constant 1 : i32
    %add3A_1986 = vector.broadcast %add3A_1985 : i32 to vector<16xi32>
    %add3A_1987 = arith.addi %add3A_1975, %add3A_1986 : vector<16xi32>
    %min3A_1988 = arith.constant 15 : i32
    %min3A_1989 = vector.broadcast %min3A_1988 : i32 to vector<16xi32>
    %min3A_1990 = arith.minsi %add3A_1987, %min3A_1989 : vector<16xi32>
    %gather3A_1991 = tpu.vector_load_idx %arg11[%min3A_1990] : memref<16xf32, #tpu.memory_space<vmem>>[vector<16xi32>], vector<16xf32>,
    %swap3A_1992 = arith.constant 160 : index
    %swap3A_1993 = tpu.vector_load %arg10[%swap3A_1992] {strides = array<i32>} : memref<272xf32, #tpu.memory_space<vmem>>, vector<16xf32>,
    tpu.vector_store %arg10[%swap3A_1992], %gather3A_1991 {strides = array<i32>} : memref<272xf32, #tpu.memory_space<vmem>>, vector<16xf32>,
    %add3A_1994 = arith.constant 176 : i32
    %add3A_1995 = vector.broadcast %add3A_1994 : i32 to vector<16xi32>
    %add3A_1996 = arith.addi %add3A_1995, %iota3A : vector<16xi32>
    %convert_element_type3A_1997 = arith.sitofp %add3A_1996 : vector<16xi32> to vector<16xf32>
    %sub3A_1998 = arith.constant 1.280000e+02 : f32
    %sub3A_1999 = vector.broadcast %sub3A_1998 : f32 to vector<16xf32>
    %sub3A_2000 = arith.subf %convert_element_type3A_1997, %sub3A_1999 : vector<16xf32>
    %mul3A_2001 = arith.constant 7.812500e-03 : f32
    %mul3A_2002 = vector.broadcast %mul3A_2001 : f32 to vector<16xf32>
    %mul3A_2003 = arith.mulf %sub3A_2000, %mul3A_2002 : vector<16xf32>
    %broadcast_in_dim3A_2004 = arith.constant 0 : i32
    %broadcast_in_dim3A_2005 = vector.broadcast %broadcast_in_dim3A_2004 : i32 to vector<16xi32>
    %slice3A_2006 = vector.extract_strided_slice %select_n3A {offsets = [0], sizes = [1], strides = [1]} : vector<16xf32> to vector<1xf32>
    %squeeze3A_2007 = vector.extract %slice3A_2006[0] : f32 from vector<1xf32>
    %lt3A_2008 = vector.broadcast %squeeze3A_2007 : f32 to vector<16xf32>
    %lt3A_2009 = arith.cmpf olt, %lt3A_2008, %mul3A_2003 : vector<16xf32>
    %jit3A_2010 = arith.constant 1 : i32
    %jit3A_2011 = arith.constant 0 : i32
    %broadcast_in_dim3A_2012 = vector.broadcast %jit3A_2010 : i32 to vector<16xi32>
    %broadcast_in_dim3A_2013 = vector.broadcast %jit3A_2011 : i32 to vector<16xi32>
    %select_n3A_2014 = arith.select %lt3A_2009, %broadcast_in_dim3A_2012, %broadcast_in_dim3A_2013 : vector<16xi1>, vector<16xi32>
    %add3A_2015 = arith.addi %broadcast_in_dim3A_2005, %select_n3A_2014 : vector<16xi32>
    %slice3A_2016 = vector.extract_strided_slice %select_n3A {offsets = [1], sizes = [1], strides = [1]} : vector<16xf32> to vector<1xf32>
    %squeeze3A_2017 = vector.extract %slice3A_2016[0] : f32 from vector<1xf32>
    %lt3A_2018 = vector.broadcast %squeeze3A_2017 : f32 to vector<16xf32>
    %lt3A_2019 = arith.cmpf olt, %lt3A_2018, %mul3A_2003 : vector<16xf32>
    %jit3A_2020 = arith.constant 1 : i32
    %jit3A_2021 = arith.constant 0 : i32
    %broadcast_in_dim3A_2022 = vector.broadcast %jit3A_2020 : i32 to vector<16xi32>
    %broadcast_in_dim3A_2023 = vector.broadcast %jit3A_2021 : i32 to vector<16xi32>
    %select_n3A_2024 = arith.select %lt3A_2019, %broadcast_in_dim3A_2022, %broadcast_in_dim3A_2023 : vector<16xi1>, vector<16xi32>
    %add3A_2025 = arith.addi %add3A_2015, %select_n3A_2024 : vector<16xi32>
    %slice3A_2026 = vector.extract_strided_slice %select_n3A {offsets = [2], sizes = [1], strides = [1]} : vector<16xf32> to vector<1xf32>
    %squeeze3A_2027 = vector.extract %slice3A_2026[0] : f32 from vector<1xf32>
    %lt3A_2028 = vector.broadcast %squeeze3A_2027 : f32 to vector<16xf32>
    %lt3A_2029 = arith.cmpf olt, %lt3A_2028, %mul3A_2003 : vector<16xf32>
    %jit3A_2030 = arith.constant 1 : i32
    %jit3A_2031 = arith.constant 0 : i32
    %broadcast_in_dim3A_2032 = vector.broadcast %jit3A_2030 : i32 to vector<16xi32>
    %broadcast_in_dim3A_2033 = vector.broadcast %jit3A_2031 : i32 to vector<16xi32>
    %select_n3A_2034 = arith.select %lt3A_2029, %broadcast_in_dim3A_2032, %broadcast_in_dim3A_2033 : vector<16xi1>, vector<16xi32>
    %add3A_2035 = arith.addi %add3A_2025, %select_n3A_2034 : vector<16xi32>
    %slice3A_2036 = vector.extract_strided_slice %select_n3A {offsets = [3], sizes = [1], strides = [1]} : vector<16xf32> to vector<1xf32>
    %squeeze3A_2037 = vector.extract %slice3A_2036[0] : f32 from vector<1xf32>
    %lt3A_2038 = vector.broadcast %squeeze3A_2037 : f32 to vector<16xf32>
    %lt3A_2039 = arith.cmpf olt, %lt3A_2038, %mul3A_2003 : vector<16xf32>
    %jit3A_2040 = arith.constant 1 : i32
    %jit3A_2041 = arith.constant 0 : i32
    %broadcast_in_dim3A_2042 = vector.broadcast %jit3A_2040 : i32 to vector<16xi32>
    %broadcast_in_dim3A_2043 = vector.broadcast %jit3A_2041 : i32 to vector<16xi32>
    %select_n3A_2044 = arith.select %lt3A_2039, %broadcast_in_dim3A_2042, %broadcast_in_dim3A_2043 : vector<16xi1>, vector<16xi32>
    %add3A_2045 = arith.addi %add3A_2035, %select_n3A_2044 : vector<16xi32>
    %slice3A_2046 = vector.extract_strided_slice %select_n3A {offsets = [4], sizes = [1], strides = [1]} : vector<16xf32> to vector<1xf32>
    %squeeze3A_2047 = vector.extract %slice3A_2046[0] : f32 from vector<1xf32>
    %lt3A_2048 = vector.broadcast %squeeze3A_2047 : f32 to vector<16xf32>
    %lt3A_2049 = arith.cmpf olt, %lt3A_2048, %mul3A_2003 : vector<16xf32>
    %jit3A_2050 = arith.constant 1 : i32
    %jit3A_2051 = arith.constant 0 : i32
    %broadcast_in_dim3A_2052 = vector.broadcast %jit3A_2050 : i32 to vector<16xi32>
    %broadcast_in_dim3A_2053 = vector.broadcast %jit3A_2051 : i32 to vector<16xi32>
    %select_n3A_2054 = arith.select %lt3A_2049, %broadcast_in_dim3A_2052, %broadcast_in_dim3A_2053 : vector<16xi1>, vector<16xi32>
    %add3A_2055 = arith.addi %add3A_2045, %select_n3A_2054 : vector<16xi32>
    %slice3A_2056 = vector.extract_strided_slice %select_n3A {offsets = [5], sizes = [1], strides = [1]} : vector<16xf32> to vector<1xf32>
    %squeeze3A_2057 = vector.extract %slice3A_2056[0] : f32 from vector<1xf32>
    %lt3A_2058 = vector.broadcast %squeeze3A_2057 : f32 to vector<16xf32>
    %lt3A_2059 = arith.cmpf olt, %lt3A_2058, %mul3A_2003 : vector<16xf32>
    %jit3A_2060 = arith.constant 1 : i32
    %jit3A_2061 = arith.constant 0 : i32
    %broadcast_in_dim3A_2062 = vector.broadcast %jit3A_2060 : i32 to vector<16xi32>
    %broadcast_in_dim3A_2063 = vector.broadcast %jit3A_2061 : i32 to vector<16xi32>
    %select_n3A_2064 = arith.select %lt3A_2059, %broadcast_in_dim3A_2062, %broadcast_in_dim3A_2063 : vector<16xi1>, vector<16xi32>
    %add3A_2065 = arith.addi %add3A_2055, %select_n3A_2064 : vector<16xi32>
    %slice3A_2066 = vector.extract_strided_slice %select_n3A {offsets = [6], sizes = [1], strides = [1]} : vector<16xf32> to vector<1xf32>
    %squeeze3A_2067 = vector.extract %slice3A_2066[0] : f32 from vector<1xf32>
    %lt3A_2068 = vector.broadcast %squeeze3A_2067 : f32 to vector<16xf32>
    %lt3A_2069 = arith.cmpf olt, %lt3A_2068, %mul3A_2003 : vector<16xf32>
    %jit3A_2070 = arith.constant 1 : i32
    %jit3A_2071 = arith.constant 0 : i32
    %broadcast_in_dim3A_2072 = vector.broadcast %jit3A_2070 : i32 to vector<16xi32>
    %broadcast_in_dim3A_2073 = vector.broadcast %jit3A_2071 : i32 to vector<16xi32>
    %select_n3A_2074 = arith.select %lt3A_2069, %broadcast_in_dim3A_2072, %broadcast_in_dim3A_2073 : vector<16xi1>, vector<16xi32>
    %add3A_2075 = arith.addi %add3A_2065, %select_n3A_2074 : vector<16xi32>
    %slice3A_2076 = vector.extract_strided_slice %select_n3A {offsets = [7], sizes = [1], strides = [1]} : vector<16xf32> to vector<1xf32>
    %squeeze3A_2077 = vector.extract %slice3A_2076[0] : f32 from vector<1xf32>
    %lt3A_2078 = vector.broadcast %squeeze3A_2077 : f32 to vector<16xf32>
    %lt3A_2079 = arith.cmpf olt, %lt3A_2078, %mul3A_2003 : vector<16xf32>
    %jit3A_2080 = arith.constant 1 : i32
    %jit3A_2081 = arith.constant 0 : i32
    %broadcast_in_dim3A_2082 = vector.broadcast %jit3A_2080 : i32 to vector<16xi32>
    %broadcast_in_dim3A_2083 = vector.broadcast %jit3A_2081 : i32 to vector<16xi32>
    %select_n3A_2084 = arith.select %lt3A_2079, %broadcast_in_dim3A_2082, %broadcast_in_dim3A_2083 : vector<16xi1>, vector<16xi32>
    %add3A_2085 = arith.addi %add3A_2075, %select_n3A_2084 : vector<16xi32>
    %slice3A_2086 = vector.extract_strided_slice %select_n3A {offsets = [8], sizes = [1], strides = [1]} : vector<16xf32> to vector<1xf32>
    %squeeze3A_2087 = vector.extract %slice3A_2086[0] : f32 from vector<1xf32>
    %lt3A_2088 = vector.broadcast %squeeze3A_2087 : f32 to vector<16xf32>
    %lt3A_2089 = arith.cmpf olt, %lt3A_2088, %mul3A_2003 : vector<16xf32>
    %jit3A_2090 = arith.constant 1 : i32
    %jit3A_2091 = arith.constant 0 : i32
    %broadcast_in_dim3A_2092 = vector.broadcast %jit3A_2090 : i32 to vector<16xi32>
    %broadcast_in_dim3A_2093 = vector.broadcast %jit3A_2091 : i32 to vector<16xi32>
    %select_n3A_2094 = arith.select %lt3A_2089, %broadcast_in_dim3A_2092, %broadcast_in_dim3A_2093 : vector<16xi1>, vector<16xi32>
    %add3A_2095 = arith.addi %add3A_2085, %select_n3A_2094 : vector<16xi32>
    %slice3A_2096 = vector.extract_strided_slice %select_n3A {offsets = [9], sizes = [1], strides = [1]} : vector<16xf32> to vector<1xf32>
    %squeeze3A_2097 = vector.extract %slice3A_2096[0] : f32 from vector<1xf32>
    %lt3A_2098 = vector.broadcast %squeeze3A_2097 : f32 to vector<16xf32>
    %lt3A_2099 = arith.cmpf olt, %lt3A_2098, %mul3A_2003 : vector<16xf32>
    %jit3A_2100 = arith.constant 1 : i32
    %jit3A_2101 = arith.constant 0 : i32
    %broadcast_in_dim3A_2102 = vector.broadcast %jit3A_2100 : i32 to vector<16xi32>
    %broadcast_in_dim3A_2103 = vector.broadcast %jit3A_2101 : i32 to vector<16xi32>
    %select_n3A_2104 = arith.select %lt3A_2099, %broadcast_in_dim3A_2102, %broadcast_in_dim3A_2103 : vector<16xi1>, vector<16xi32>
    %add3A_2105 = arith.addi %add3A_2095, %select_n3A_2104 : vector<16xi32>
    %slice3A_2106 = vector.extract_strided_slice %select_n3A {offsets = [10], sizes = [1], strides = [1]} : vector<16xf32> to vector<1xf32>
    %squeeze3A_2107 = vector.extract %slice3A_2106[0] : f32 from vector<1xf32>
    %lt3A_2108 = vector.broadcast %squeeze3A_2107 : f32 to vector<16xf32>
    %lt3A_2109 = arith.cmpf olt, %lt3A_2108, %mul3A_2003 : vector<16xf32>
    %jit3A_2110 = arith.constant 1 : i32
    %jit3A_2111 = arith.constant 0 : i32
    %broadcast_in_dim3A_2112 = vector.broadcast %jit3A_2110 : i32 to vector<16xi32>
    %broadcast_in_dim3A_2113 = vector.broadcast %jit3A_2111 : i32 to vector<16xi32>
    %select_n3A_2114 = arith.select %lt3A_2109, %broadcast_in_dim3A_2112, %broadcast_in_dim3A_2113 : vector<16xi1>, vector<16xi32>
    %add3A_2115 = arith.addi %add3A_2105, %select_n3A_2114 : vector<16xi32>
    %slice3A_2116 = vector.extract_strided_slice %select_n3A {offsets = [11], sizes = [1], strides = [1]} : vector<16xf32> to vector<1xf32>
    %squeeze3A_2117 = vector.extract %slice3A_2116[0] : f32 from vector<1xf32>
    %lt3A_2118 = vector.broadcast %squeeze3A_2117 : f32 to vector<16xf32>
    %lt3A_2119 = arith.cmpf olt, %lt3A_2118, %mul3A_2003 : vector<16xf32>
    %jit3A_2120 = arith.constant 1 : i32
    %jit3A_2121 = arith.constant 0 : i32
    %broadcast_in_dim3A_2122 = vector.broadcast %jit3A_2120 : i32 to vector<16xi32>
    %broadcast_in_dim3A_2123 = vector.broadcast %jit3A_2121 : i32 to vector<16xi32>
    %select_n3A_2124 = arith.select %lt3A_2119, %broadcast_in_dim3A_2122, %broadcast_in_dim3A_2123 : vector<16xi1>, vector<16xi32>
    %add3A_2125 = arith.addi %add3A_2115, %select_n3A_2124 : vector<16xi32>
    %slice3A_2126 = vector.extract_strided_slice %select_n3A {offsets = [12], sizes = [1], strides = [1]} : vector<16xf32> to vector<1xf32>
    %squeeze3A_2127 = vector.extract %slice3A_2126[0] : f32 from vector<1xf32>
    %lt3A_2128 = vector.broadcast %squeeze3A_2127 : f32 to vector<16xf32>
    %lt3A_2129 = arith.cmpf olt, %lt3A_2128, %mul3A_2003 : vector<16xf32>
    %jit3A_2130 = arith.constant 1 : i32
    %jit3A_2131 = arith.constant 0 : i32
    %broadcast_in_dim3A_2132 = vector.broadcast %jit3A_2130 : i32 to vector<16xi32>
    %broadcast_in_dim3A_2133 = vector.broadcast %jit3A_2131 : i32 to vector<16xi32>
    %select_n3A_2134 = arith.select %lt3A_2129, %broadcast_in_dim3A_2132, %broadcast_in_dim3A_2133 : vector<16xi1>, vector<16xi32>
    %add3A_2135 = arith.addi %add3A_2125, %select_n3A_2134 : vector<16xi32>
    %slice3A_2136 = vector.extract_strided_slice %select_n3A {offsets = [13], sizes = [1], strides = [1]} : vector<16xf32> to vector<1xf32>
    %squeeze3A_2137 = vector.extract %slice3A_2136[0] : f32 from vector<1xf32>
    %lt3A_2138 = vector.broadcast %squeeze3A_2137 : f32 to vector<16xf32>
    %lt3A_2139 = arith.cmpf olt, %lt3A_2138, %mul3A_2003 : vector<16xf32>
    %jit3A_2140 = arith.constant 1 : i32
    %jit3A_2141 = arith.constant 0 : i32
    %broadcast_in_dim3A_2142 = vector.broadcast %jit3A_2140 : i32 to vector<16xi32>
    %broadcast_in_dim3A_2143 = vector.broadcast %jit3A_2141 : i32 to vector<16xi32>
    %select_n3A_2144 = arith.select %lt3A_2139, %broadcast_in_dim3A_2142, %broadcast_in_dim3A_2143 : vector<16xi1>, vector<16xi32>
    %add3A_2145 = arith.addi %add3A_2135, %select_n3A_2144 : vector<16xi32>
    %slice3A_2146 = vector.extract_strided_slice %select_n3A {offsets = [14], sizes = [1], strides = [1]} : vector<16xf32> to vector<1xf32>
    %squeeze3A_2147 = vector.extract %slice3A_2146[0] : f32 from vector<1xf32>
    %lt3A_2148 = vector.broadcast %squeeze3A_2147 : f32 to vector<16xf32>
    %lt3A_2149 = arith.cmpf olt, %lt3A_2148, %mul3A_2003 : vector<16xf32>
    %jit3A_2150 = arith.constant 1 : i32
    %jit3A_2151 = arith.constant 0 : i32
    %broadcast_in_dim3A_2152 = vector.broadcast %jit3A_2150 : i32 to vector<16xi32>
    %broadcast_in_dim3A_2153 = vector.broadcast %jit3A_2151 : i32 to vector<16xi32>
    %select_n3A_2154 = arith.select %lt3A_2149, %broadcast_in_dim3A_2152, %broadcast_in_dim3A_2153 : vector<16xi1>, vector<16xi32>
    %add3A_2155 = arith.addi %add3A_2145, %select_n3A_2154 : vector<16xi32>
    %gather3A_2156 = tpu.vector_load_idx %arg12[%add3A_2155] : memref<16xf32, #tpu.memory_space<vmem>>[vector<16xi32>], vector<16xf32>,
    %mul3A_2157 = arith.constant 1.280000e+02 : f32
    %mul3A_2158 = vector.broadcast %mul3A_2157 : f32 to vector<16xf32>
    %mul3A_2159 = arith.mulf %gather3A_2156, %mul3A_2158 : vector<16xf32>
    %swap3A_2160 = arith.constant 176 : index
    %swap3A_2161 = tpu.vector_load %arg8[%swap3A_2160] {strides = array<i32>} : memref<272xf32, #tpu.memory_space<vmem>>, vector<16xf32>,
    tpu.vector_store %arg8[%swap3A_2160], %mul3A_2159 {strides = array<i32>} : memref<272xf32, #tpu.memory_space<vmem>>, vector<16xf32>,
    %gather3A_2162 = tpu.vector_load_idx %arg11[%add3A_2155] : memref<16xf32, #tpu.memory_space<vmem>>[vector<16xi32>], vector<16xf32>,
    %swap3A_2163 = arith.constant 176 : index
    %swap3A_2164 = tpu.vector_load %arg9[%swap3A_2163] {strides = array<i32>} : memref<272xf32, #tpu.memory_space<vmem>>, vector<16xf32>,
    tpu.vector_store %arg9[%swap3A_2163], %gather3A_2162 {strides = array<i32>} : memref<272xf32, #tpu.memory_space<vmem>>, vector<16xf32>,
    %add3A_2165 = arith.constant 1 : i32
    %add3A_2166 = vector.broadcast %add3A_2165 : i32 to vector<16xi32>
    %add3A_2167 = arith.addi %add3A_2155, %add3A_2166 : vector<16xi32>
    %min3A_2168 = arith.constant 15 : i32
    %min3A_2169 = vector.broadcast %min3A_2168 : i32 to vector<16xi32>
    %min3A_2170 = arith.minsi %add3A_2167, %min3A_2169 : vector<16xi32>
    %gather3A_2171 = tpu.vector_load_idx %arg11[%min3A_2170] : memref<16xf32, #tpu.memory_space<vmem>>[vector<16xi32>], vector<16xf32>,
    %swap3A_2172 = arith.constant 176 : index
    %swap3A_2173 = tpu.vector_load %arg10[%swap3A_2172] {strides = array<i32>} : memref<272xf32, #tpu.memory_space<vmem>>, vector<16xf32>,
    tpu.vector_store %arg10[%swap3A_2172], %gather3A_2171 {strides = array<i32>} : memref<272xf32, #tpu.memory_space<vmem>>, vector<16xf32>,
    %add3A_2174 = arith.constant 192 : i32
    %add3A_2175 = vector.broadcast %add3A_2174 : i32 to vector<16xi32>
    %add3A_2176 = arith.addi %add3A_2175, %iota3A : vector<16xi32>
    %convert_element_type3A_2177 = arith.sitofp %add3A_2176 : vector<16xi32> to vector<16xf32>
    %sub3A_2178 = arith.constant 1.280000e+02 : f32
    %sub3A_2179 = vector.broadcast %sub3A_2178 : f32 to vector<16xf32>
    %sub3A_2180 = arith.subf %convert_element_type3A_2177, %sub3A_2179 : vector<16xf32>
    %mul3A_2181 = arith.constant 7.812500e-03 : f32
    %mul3A_2182 = vector.broadcast %mul3A_2181 : f32 to vector<16xf32>
    %mul3A_2183 = arith.mulf %sub3A_2180, %mul3A_2182 : vector<16xf32>
    %broadcast_in_dim3A_2184 = arith.constant 0 : i32
    %broadcast_in_dim3A_2185 = vector.broadcast %broadcast_in_dim3A_2184 : i32 to vector<16xi32>
    %slice3A_2186 = vector.extract_strided_slice %select_n3A {offsets = [0], sizes = [1], strides = [1]} : vector<16xf32> to vector<1xf32>
    %squeeze3A_2187 = vector.extract %slice3A_2186[0] : f32 from vector<1xf32>
    %lt3A_2188 = vector.broadcast %squeeze3A_2187 : f32 to vector<16xf32>
    %lt3A_2189 = arith.cmpf olt, %lt3A_2188, %mul3A_2183 : vector<16xf32>
    %jit3A_2190 = arith.constant 1 : i32
    %jit3A_2191 = arith.constant 0 : i32
    %broadcast_in_dim3A_2192 = vector.broadcast %jit3A_2190 : i32 to vector<16xi32>
    %broadcast_in_dim3A_2193 = vector.broadcast %jit3A_2191 : i32 to vector<16xi32>
    %select_n3A_2194 = arith.select %lt3A_2189, %broadcast_in_dim3A_2192, %broadcast_in_dim3A_2193 : vector<16xi1>, vector<16xi32>
    %add3A_2195 = arith.addi %broadcast_in_dim3A_2185, %select_n3A_2194 : vector<16xi32>
    %slice3A_2196 = vector.extract_strided_slice %select_n3A {offsets = [1], sizes = [1], strides = [1]} : vector<16xf32> to vector<1xf32>
    %squeeze3A_2197 = vector.extract %slice3A_2196[0] : f32 from vector<1xf32>
    %lt3A_2198 = vector.broadcast %squeeze3A_2197 : f32 to vector<16xf32>
    %lt3A_2199 = arith.cmpf olt, %lt3A_2198, %mul3A_2183 : vector<16xf32>
    %jit3A_2200 = arith.constant 1 : i32
    %jit3A_2201 = arith.constant 0 : i32
    %broadcast_in_dim3A_2202 = vector.broadcast %jit3A_2200 : i32 to vector<16xi32>
    %broadcast_in_dim3A_2203 = vector.broadcast %jit3A_2201 : i32 to vector<16xi32>
    %select_n3A_2204 = arith.select %lt3A_2199, %broadcast_in_dim3A_2202, %broadcast_in_dim3A_2203 : vector<16xi1>, vector<16xi32>
    %add3A_2205 = arith.addi %add3A_2195, %select_n3A_2204 : vector<16xi32>
    %slice3A_2206 = vector.extract_strided_slice %select_n3A {offsets = [2], sizes = [1], strides = [1]} : vector<16xf32> to vector<1xf32>
    %squeeze3A_2207 = vector.extract %slice3A_2206[0] : f32 from vector<1xf32>
    %lt3A_2208 = vector.broadcast %squeeze3A_2207 : f32 to vector<16xf32>
    %lt3A_2209 = arith.cmpf olt, %lt3A_2208, %mul3A_2183 : vector<16xf32>
    %jit3A_2210 = arith.constant 1 : i32
    %jit3A_2211 = arith.constant 0 : i32
    %broadcast_in_dim3A_2212 = vector.broadcast %jit3A_2210 : i32 to vector<16xi32>
    %broadcast_in_dim3A_2213 = vector.broadcast %jit3A_2211 : i32 to vector<16xi32>
    %select_n3A_2214 = arith.select %lt3A_2209, %broadcast_in_dim3A_2212, %broadcast_in_dim3A_2213 : vector<16xi1>, vector<16xi32>
    %add3A_2215 = arith.addi %add3A_2205, %select_n3A_2214 : vector<16xi32>
    %slice3A_2216 = vector.extract_strided_slice %select_n3A {offsets = [3], sizes = [1], strides = [1]} : vector<16xf32> to vector<1xf32>
    %squeeze3A_2217 = vector.extract %slice3A_2216[0] : f32 from vector<1xf32>
    %lt3A_2218 = vector.broadcast %squeeze3A_2217 : f32 to vector<16xf32>
    %lt3A_2219 = arith.cmpf olt, %lt3A_2218, %mul3A_2183 : vector<16xf32>
    %jit3A_2220 = arith.constant 1 : i32
    %jit3A_2221 = arith.constant 0 : i32
    %broadcast_in_dim3A_2222 = vector.broadcast %jit3A_2220 : i32 to vector<16xi32>
    %broadcast_in_dim3A_2223 = vector.broadcast %jit3A_2221 : i32 to vector<16xi32>
    %select_n3A_2224 = arith.select %lt3A_2219, %broadcast_in_dim3A_2222, %broadcast_in_dim3A_2223 : vector<16xi1>, vector<16xi32>
    %add3A_2225 = arith.addi %add3A_2215, %select_n3A_2224 : vector<16xi32>
    %slice3A_2226 = vector.extract_strided_slice %select_n3A {offsets = [4], sizes = [1], strides = [1]} : vector<16xf32> to vector<1xf32>
    %squeeze3A_2227 = vector.extract %slice3A_2226[0] : f32 from vector<1xf32>
    %lt3A_2228 = vector.broadcast %squeeze3A_2227 : f32 to vector<16xf32>
    %lt3A_2229 = arith.cmpf olt, %lt3A_2228, %mul3A_2183 : vector<16xf32>
    %jit3A_2230 = arith.constant 1 : i32
    %jit3A_2231 = arith.constant 0 : i32
    %broadcast_in_dim3A_2232 = vector.broadcast %jit3A_2230 : i32 to vector<16xi32>
    %broadcast_in_dim3A_2233 = vector.broadcast %jit3A_2231 : i32 to vector<16xi32>
    %select_n3A_2234 = arith.select %lt3A_2229, %broadcast_in_dim3A_2232, %broadcast_in_dim3A_2233 : vector<16xi1>, vector<16xi32>
    %add3A_2235 = arith.addi %add3A_2225, %select_n3A_2234 : vector<16xi32>
    %slice3A_2236 = vector.extract_strided_slice %select_n3A {offsets = [5], sizes = [1], strides = [1]} : vector<16xf32> to vector<1xf32>
    %squeeze3A_2237 = vector.extract %slice3A_2236[0] : f32 from vector<1xf32>
    %lt3A_2238 = vector.broadcast %squeeze3A_2237 : f32 to vector<16xf32>
    %lt3A_2239 = arith.cmpf olt, %lt3A_2238, %mul3A_2183 : vector<16xf32>
    %jit3A_2240 = arith.constant 1 : i32
    %jit3A_2241 = arith.constant 0 : i32
    %broadcast_in_dim3A_2242 = vector.broadcast %jit3A_2240 : i32 to vector<16xi32>
    %broadcast_in_dim3A_2243 = vector.broadcast %jit3A_2241 : i32 to vector<16xi32>
    %select_n3A_2244 = arith.select %lt3A_2239, %broadcast_in_dim3A_2242, %broadcast_in_dim3A_2243 : vector<16xi1>, vector<16xi32>
    %add3A_2245 = arith.addi %add3A_2235, %select_n3A_2244 : vector<16xi32>
    %slice3A_2246 = vector.extract_strided_slice %select_n3A {offsets = [6], sizes = [1], strides = [1]} : vector<16xf32> to vector<1xf32>
    %squeeze3A_2247 = vector.extract %slice3A_2246[0] : f32 from vector<1xf32>
    %lt3A_2248 = vector.broadcast %squeeze3A_2247 : f32 to vector<16xf32>
    %lt3A_2249 = arith.cmpf olt, %lt3A_2248, %mul3A_2183 : vector<16xf32>
    %jit3A_2250 = arith.constant 1 : i32
    %jit3A_2251 = arith.constant 0 : i32
    %broadcast_in_dim3A_2252 = vector.broadcast %jit3A_2250 : i32 to vector<16xi32>
    %broadcast_in_dim3A_2253 = vector.broadcast %jit3A_2251 : i32 to vector<16xi32>
    %select_n3A_2254 = arith.select %lt3A_2249, %broadcast_in_dim3A_2252, %broadcast_in_dim3A_2253 : vector<16xi1>, vector<16xi32>
    %add3A_2255 = arith.addi %add3A_2245, %select_n3A_2254 : vector<16xi32>
    %slice3A_2256 = vector.extract_strided_slice %select_n3A {offsets = [7], sizes = [1], strides = [1]} : vector<16xf32> to vector<1xf32>
    %squeeze3A_2257 = vector.extract %slice3A_2256[0] : f32 from vector<1xf32>
    %lt3A_2258 = vector.broadcast %squeeze3A_2257 : f32 to vector<16xf32>
    %lt3A_2259 = arith.cmpf olt, %lt3A_2258, %mul3A_2183 : vector<16xf32>
    %jit3A_2260 = arith.constant 1 : i32
    %jit3A_2261 = arith.constant 0 : i32
    %broadcast_in_dim3A_2262 = vector.broadcast %jit3A_2260 : i32 to vector<16xi32>
    %broadcast_in_dim3A_2263 = vector.broadcast %jit3A_2261 : i32 to vector<16xi32>
    %select_n3A_2264 = arith.select %lt3A_2259, %broadcast_in_dim3A_2262, %broadcast_in_dim3A_2263 : vector<16xi1>, vector<16xi32>
    %add3A_2265 = arith.addi %add3A_2255, %select_n3A_2264 : vector<16xi32>
    %slice3A_2266 = vector.extract_strided_slice %select_n3A {offsets = [8], sizes = [1], strides = [1]} : vector<16xf32> to vector<1xf32>
    %squeeze3A_2267 = vector.extract %slice3A_2266[0] : f32 from vector<1xf32>
    %lt3A_2268 = vector.broadcast %squeeze3A_2267 : f32 to vector<16xf32>
    %lt3A_2269 = arith.cmpf olt, %lt3A_2268, %mul3A_2183 : vector<16xf32>
    %jit3A_2270 = arith.constant 1 : i32
    %jit3A_2271 = arith.constant 0 : i32
    %broadcast_in_dim3A_2272 = vector.broadcast %jit3A_2270 : i32 to vector<16xi32>
    %broadcast_in_dim3A_2273 = vector.broadcast %jit3A_2271 : i32 to vector<16xi32>
    %select_n3A_2274 = arith.select %lt3A_2269, %broadcast_in_dim3A_2272, %broadcast_in_dim3A_2273 : vector<16xi1>, vector<16xi32>
    %add3A_2275 = arith.addi %add3A_2265, %select_n3A_2274 : vector<16xi32>
    %slice3A_2276 = vector.extract_strided_slice %select_n3A {offsets = [9], sizes = [1], strides = [1]} : vector<16xf32> to vector<1xf32>
    %squeeze3A_2277 = vector.extract %slice3A_2276[0] : f32 from vector<1xf32>
    %lt3A_2278 = vector.broadcast %squeeze3A_2277 : f32 to vector<16xf32>
    %lt3A_2279 = arith.cmpf olt, %lt3A_2278, %mul3A_2183 : vector<16xf32>
    %jit3A_2280 = arith.constant 1 : i32
    %jit3A_2281 = arith.constant 0 : i32
    %broadcast_in_dim3A_2282 = vector.broadcast %jit3A_2280 : i32 to vector<16xi32>
    %broadcast_in_dim3A_2283 = vector.broadcast %jit3A_2281 : i32 to vector<16xi32>
    %select_n3A_2284 = arith.select %lt3A_2279, %broadcast_in_dim3A_2282, %broadcast_in_dim3A_2283 : vector<16xi1>, vector<16xi32>
    %add3A_2285 = arith.addi %add3A_2275, %select_n3A_2284 : vector<16xi32>
    %slice3A_2286 = vector.extract_strided_slice %select_n3A {offsets = [10], sizes = [1], strides = [1]} : vector<16xf32> to vector<1xf32>
    %squeeze3A_2287 = vector.extract %slice3A_2286[0] : f32 from vector<1xf32>
    %lt3A_2288 = vector.broadcast %squeeze3A_2287 : f32 to vector<16xf32>
    %lt3A_2289 = arith.cmpf olt, %lt3A_2288, %mul3A_2183 : vector<16xf32>
    %jit3A_2290 = arith.constant 1 : i32
    %jit3A_2291 = arith.constant 0 : i32
    %broadcast_in_dim3A_2292 = vector.broadcast %jit3A_2290 : i32 to vector<16xi32>
    %broadcast_in_dim3A_2293 = vector.broadcast %jit3A_2291 : i32 to vector<16xi32>
    %select_n3A_2294 = arith.select %lt3A_2289, %broadcast_in_dim3A_2292, %broadcast_in_dim3A_2293 : vector<16xi1>, vector<16xi32>
    %add3A_2295 = arith.addi %add3A_2285, %select_n3A_2294 : vector<16xi32>
    %slice3A_2296 = vector.extract_strided_slice %select_n3A {offsets = [11], sizes = [1], strides = [1]} : vector<16xf32> to vector<1xf32>
    %squeeze3A_2297 = vector.extract %slice3A_2296[0] : f32 from vector<1xf32>
    %lt3A_2298 = vector.broadcast %squeeze3A_2297 : f32 to vector<16xf32>
    %lt3A_2299 = arith.cmpf olt, %lt3A_2298, %mul3A_2183 : vector<16xf32>
    %jit3A_2300 = arith.constant 1 : i32
    %jit3A_2301 = arith.constant 0 : i32
    %broadcast_in_dim3A_2302 = vector.broadcast %jit3A_2300 : i32 to vector<16xi32>
    %broadcast_in_dim3A_2303 = vector.broadcast %jit3A_2301 : i32 to vector<16xi32>
    %select_n3A_2304 = arith.select %lt3A_2299, %broadcast_in_dim3A_2302, %broadcast_in_dim3A_2303 : vector<16xi1>, vector<16xi32>
    %add3A_2305 = arith.addi %add3A_2295, %select_n3A_2304 : vector<16xi32>
    %slice3A_2306 = vector.extract_strided_slice %select_n3A {offsets = [12], sizes = [1], strides = [1]} : vector<16xf32> to vector<1xf32>
    %squeeze3A_2307 = vector.extract %slice3A_2306[0] : f32 from vector<1xf32>
    %lt3A_2308 = vector.broadcast %squeeze3A_2307 : f32 to vector<16xf32>
    %lt3A_2309 = arith.cmpf olt, %lt3A_2308, %mul3A_2183 : vector<16xf32>
    %jit3A_2310 = arith.constant 1 : i32
    %jit3A_2311 = arith.constant 0 : i32
    %broadcast_in_dim3A_2312 = vector.broadcast %jit3A_2310 : i32 to vector<16xi32>
    %broadcast_in_dim3A_2313 = vector.broadcast %jit3A_2311 : i32 to vector<16xi32>
    %select_n3A_2314 = arith.select %lt3A_2309, %broadcast_in_dim3A_2312, %broadcast_in_dim3A_2313 : vector<16xi1>, vector<16xi32>
    %add3A_2315 = arith.addi %add3A_2305, %select_n3A_2314 : vector<16xi32>
    %slice3A_2316 = vector.extract_strided_slice %select_n3A {offsets = [13], sizes = [1], strides = [1]} : vector<16xf32> to vector<1xf32>
    %squeeze3A_2317 = vector.extract %slice3A_2316[0] : f32 from vector<1xf32>
    %lt3A_2318 = vector.broadcast %squeeze3A_2317 : f32 to vector<16xf32>
    %lt3A_2319 = arith.cmpf olt, %lt3A_2318, %mul3A_2183 : vector<16xf32>
    %jit3A_2320 = arith.constant 1 : i32
    %jit3A_2321 = arith.constant 0 : i32
    %broadcast_in_dim3A_2322 = vector.broadcast %jit3A_2320 : i32 to vector<16xi32>
    %broadcast_in_dim3A_2323 = vector.broadcast %jit3A_2321 : i32 to vector<16xi32>
    %select_n3A_2324 = arith.select %lt3A_2319, %broadcast_in_dim3A_2322, %broadcast_in_dim3A_2323 : vector<16xi1>, vector<16xi32>
    %add3A_2325 = arith.addi %add3A_2315, %select_n3A_2324 : vector<16xi32>
    %slice3A_2326 = vector.extract_strided_slice %select_n3A {offsets = [14], sizes = [1], strides = [1]} : vector<16xf32> to vector<1xf32>
    %squeeze3A_2327 = vector.extract %slice3A_2326[0] : f32 from vector<1xf32>
    %lt3A_2328 = vector.broadcast %squeeze3A_2327 : f32 to vector<16xf32>
    %lt3A_2329 = arith.cmpf olt, %lt3A_2328, %mul3A_2183 : vector<16xf32>
    %jit3A_2330 = arith.constant 1 : i32
    %jit3A_2331 = arith.constant 0 : i32
    %broadcast_in_dim3A_2332 = vector.broadcast %jit3A_2330 : i32 to vector<16xi32>
    %broadcast_in_dim3A_2333 = vector.broadcast %jit3A_2331 : i32 to vector<16xi32>
    %select_n3A_2334 = arith.select %lt3A_2329, %broadcast_in_dim3A_2332, %broadcast_in_dim3A_2333 : vector<16xi1>, vector<16xi32>
    %add3A_2335 = arith.addi %add3A_2325, %select_n3A_2334 : vector<16xi32>
    %gather3A_2336 = tpu.vector_load_idx %arg12[%add3A_2335] : memref<16xf32, #tpu.memory_space<vmem>>[vector<16xi32>], vector<16xf32>,
    %mul3A_2337 = arith.constant 1.280000e+02 : f32
    %mul3A_2338 = vector.broadcast %mul3A_2337 : f32 to vector<16xf32>
    %mul3A_2339 = arith.mulf %gather3A_2336, %mul3A_2338 : vector<16xf32>
    %swap3A_2340 = arith.constant 192 : index
    %swap3A_2341 = tpu.vector_load %arg8[%swap3A_2340] {strides = array<i32>} : memref<272xf32, #tpu.memory_space<vmem>>, vector<16xf32>,
    tpu.vector_store %arg8[%swap3A_2340], %mul3A_2339 {strides = array<i32>} : memref<272xf32, #tpu.memory_space<vmem>>, vector<16xf32>,
    %gather3A_2342 = tpu.vector_load_idx %arg11[%add3A_2335] : memref<16xf32, #tpu.memory_space<vmem>>[vector<16xi32>], vector<16xf32>,
    %swap3A_2343 = arith.constant 192 : index
    %swap3A_2344 = tpu.vector_load %arg9[%swap3A_2343] {strides = array<i32>} : memref<272xf32, #tpu.memory_space<vmem>>, vector<16xf32>,
    tpu.vector_store %arg9[%swap3A_2343], %gather3A_2342 {strides = array<i32>} : memref<272xf32, #tpu.memory_space<vmem>>, vector<16xf32>,
    %add3A_2345 = arith.constant 1 : i32
    %add3A_2346 = vector.broadcast %add3A_2345 : i32 to vector<16xi32>
    %add3A_2347 = arith.addi %add3A_2335, %add3A_2346 : vector<16xi32>
    %min3A_2348 = arith.constant 15 : i32
    %min3A_2349 = vector.broadcast %min3A_2348 : i32 to vector<16xi32>
    %min3A_2350 = arith.minsi %add3A_2347, %min3A_2349 : vector<16xi32>
    %gather3A_2351 = tpu.vector_load_idx %arg11[%min3A_2350] : memref<16xf32, #tpu.memory_space<vmem>>[vector<16xi32>], vector<16xf32>,
    %swap3A_2352 = arith.constant 192 : index
    %swap3A_2353 = tpu.vector_load %arg10[%swap3A_2352] {strides = array<i32>} : memref<272xf32, #tpu.memory_space<vmem>>, vector<16xf32>,
    tpu.vector_store %arg10[%swap3A_2352], %gather3A_2351 {strides = array<i32>} : memref<272xf32, #tpu.memory_space<vmem>>, vector<16xf32>,
    %add3A_2354 = arith.constant 208 : i32
    %add3A_2355 = vector.broadcast %add3A_2354 : i32 to vector<16xi32>
    %add3A_2356 = arith.addi %add3A_2355, %iota3A : vector<16xi32>
    %convert_element_type3A_2357 = arith.sitofp %add3A_2356 : vector<16xi32> to vector<16xf32>
    %sub3A_2358 = arith.constant 1.280000e+02 : f32
    %sub3A_2359 = vector.broadcast %sub3A_2358 : f32 to vector<16xf32>
    %sub3A_2360 = arith.subf %convert_element_type3A_2357, %sub3A_2359 : vector<16xf32>
    %mul3A_2361 = arith.constant 7.812500e-03 : f32
    %mul3A_2362 = vector.broadcast %mul3A_2361 : f32 to vector<16xf32>
    %mul3A_2363 = arith.mulf %sub3A_2360, %mul3A_2362 : vector<16xf32>
    %broadcast_in_dim3A_2364 = arith.constant 0 : i32
    %broadcast_in_dim3A_2365 = vector.broadcast %broadcast_in_dim3A_2364 : i32 to vector<16xi32>
    %slice3A_2366 = vector.extract_strided_slice %select_n3A {offsets = [0], sizes = [1], strides = [1]} : vector<16xf32> to vector<1xf32>
    %squeeze3A_2367 = vector.extract %slice3A_2366[0] : f32 from vector<1xf32>
    %lt3A_2368 = vector.broadcast %squeeze3A_2367 : f32 to vector<16xf32>
    %lt3A_2369 = arith.cmpf olt, %lt3A_2368, %mul3A_2363 : vector<16xf32>
    %jit3A_2370 = arith.constant 1 : i32
    %jit3A_2371 = arith.constant 0 : i32
    %broadcast_in_dim3A_2372 = vector.broadcast %jit3A_2370 : i32 to vector<16xi32>
    %broadcast_in_dim3A_2373 = vector.broadcast %jit3A_2371 : i32 to vector<16xi32>
    %select_n3A_2374 = arith.select %lt3A_2369, %broadcast_in_dim3A_2372, %broadcast_in_dim3A_2373 : vector<16xi1>, vector<16xi32>
    %add3A_2375 = arith.addi %broadcast_in_dim3A_2365, %select_n3A_2374 : vector<16xi32>
    %slice3A_2376 = vector.extract_strided_slice %select_n3A {offsets = [1], sizes = [1], strides = [1]} : vector<16xf32> to vector<1xf32>
    %squeeze3A_2377 = vector.extract %slice3A_2376[0] : f32 from vector<1xf32>
    %lt3A_2378 = vector.broadcast %squeeze3A_2377 : f32 to vector<16xf32>
    %lt3A_2379 = arith.cmpf olt, %lt3A_2378, %mul3A_2363 : vector<16xf32>
    %jit3A_2380 = arith.constant 1 : i32
    %jit3A_2381 = arith.constant 0 : i32
    %broadcast_in_dim3A_2382 = vector.broadcast %jit3A_2380 : i32 to vector<16xi32>
    %broadcast_in_dim3A_2383 = vector.broadcast %jit3A_2381 : i32 to vector<16xi32>
    %select_n3A_2384 = arith.select %lt3A_2379, %broadcast_in_dim3A_2382, %broadcast_in_dim3A_2383 : vector<16xi1>, vector<16xi32>
    %add3A_2385 = arith.addi %add3A_2375, %select_n3A_2384 : vector<16xi32>
    %slice3A_2386 = vector.extract_strided_slice %select_n3A {offsets = [2], sizes = [1], strides = [1]} : vector<16xf32> to vector<1xf32>
    %squeeze3A_2387 = vector.extract %slice3A_2386[0] : f32 from vector<1xf32>
    %lt3A_2388 = vector.broadcast %squeeze3A_2387 : f32 to vector<16xf32>
    %lt3A_2389 = arith.cmpf olt, %lt3A_2388, %mul3A_2363 : vector<16xf32>
    %jit3A_2390 = arith.constant 1 : i32
    %jit3A_2391 = arith.constant 0 : i32
    %broadcast_in_dim3A_2392 = vector.broadcast %jit3A_2390 : i32 to vector<16xi32>
    %broadcast_in_dim3A_2393 = vector.broadcast %jit3A_2391 : i32 to vector<16xi32>
    %select_n3A_2394 = arith.select %lt3A_2389, %broadcast_in_dim3A_2392, %broadcast_in_dim3A_2393 : vector<16xi1>, vector<16xi32>
    %add3A_2395 = arith.addi %add3A_2385, %select_n3A_2394 : vector<16xi32>
    %slice3A_2396 = vector.extract_strided_slice %select_n3A {offsets = [3], sizes = [1], strides = [1]} : vector<16xf32> to vector<1xf32>
    %squeeze3A_2397 = vector.extract %slice3A_2396[0] : f32 from vector<1xf32>
    %lt3A_2398 = vector.broadcast %squeeze3A_2397 : f32 to vector<16xf32>
    %lt3A_2399 = arith.cmpf olt, %lt3A_2398, %mul3A_2363 : vector<16xf32>
    %jit3A_2400 = arith.constant 1 : i32
    %jit3A_2401 = arith.constant 0 : i32
    %broadcast_in_dim3A_2402 = vector.broadcast %jit3A_2400 : i32 to vector<16xi32>
    %broadcast_in_dim3A_2403 = vector.broadcast %jit3A_2401 : i32 to vector<16xi32>
    %select_n3A_2404 = arith.select %lt3A_2399, %broadcast_in_dim3A_2402, %broadcast_in_dim3A_2403 : vector<16xi1>, vector<16xi32>
    %add3A_2405 = arith.addi %add3A_2395, %select_n3A_2404 : vector<16xi32>
    %slice3A_2406 = vector.extract_strided_slice %select_n3A {offsets = [4], sizes = [1], strides = [1]} : vector<16xf32> to vector<1xf32>
    %squeeze3A_2407 = vector.extract %slice3A_2406[0] : f32 from vector<1xf32>
    %lt3A_2408 = vector.broadcast %squeeze3A_2407 : f32 to vector<16xf32>
    %lt3A_2409 = arith.cmpf olt, %lt3A_2408, %mul3A_2363 : vector<16xf32>
    %jit3A_2410 = arith.constant 1 : i32
    %jit3A_2411 = arith.constant 0 : i32
    %broadcast_in_dim3A_2412 = vector.broadcast %jit3A_2410 : i32 to vector<16xi32>
    %broadcast_in_dim3A_2413 = vector.broadcast %jit3A_2411 : i32 to vector<16xi32>
    %select_n3A_2414 = arith.select %lt3A_2409, %broadcast_in_dim3A_2412, %broadcast_in_dim3A_2413 : vector<16xi1>, vector<16xi32>
    %add3A_2415 = arith.addi %add3A_2405, %select_n3A_2414 : vector<16xi32>
    %slice3A_2416 = vector.extract_strided_slice %select_n3A {offsets = [5], sizes = [1], strides = [1]} : vector<16xf32> to vector<1xf32>
    %squeeze3A_2417 = vector.extract %slice3A_2416[0] : f32 from vector<1xf32>
    %lt3A_2418 = vector.broadcast %squeeze3A_2417 : f32 to vector<16xf32>
    %lt3A_2419 = arith.cmpf olt, %lt3A_2418, %mul3A_2363 : vector<16xf32>
    %jit3A_2420 = arith.constant 1 : i32
    %jit3A_2421 = arith.constant 0 : i32
    %broadcast_in_dim3A_2422 = vector.broadcast %jit3A_2420 : i32 to vector<16xi32>
    %broadcast_in_dim3A_2423 = vector.broadcast %jit3A_2421 : i32 to vector<16xi32>
    %select_n3A_2424 = arith.select %lt3A_2419, %broadcast_in_dim3A_2422, %broadcast_in_dim3A_2423 : vector<16xi1>, vector<16xi32>
    %add3A_2425 = arith.addi %add3A_2415, %select_n3A_2424 : vector<16xi32>
    %slice3A_2426 = vector.extract_strided_slice %select_n3A {offsets = [6], sizes = [1], strides = [1]} : vector<16xf32> to vector<1xf32>
    %squeeze3A_2427 = vector.extract %slice3A_2426[0] : f32 from vector<1xf32>
    %lt3A_2428 = vector.broadcast %squeeze3A_2427 : f32 to vector<16xf32>
    %lt3A_2429 = arith.cmpf olt, %lt3A_2428, %mul3A_2363 : vector<16xf32>
    %jit3A_2430 = arith.constant 1 : i32
    %jit3A_2431 = arith.constant 0 : i32
    %broadcast_in_dim3A_2432 = vector.broadcast %jit3A_2430 : i32 to vector<16xi32>
    %broadcast_in_dim3A_2433 = vector.broadcast %jit3A_2431 : i32 to vector<16xi32>
    %select_n3A_2434 = arith.select %lt3A_2429, %broadcast_in_dim3A_2432, %broadcast_in_dim3A_2433 : vector<16xi1>, vector<16xi32>
    %add3A_2435 = arith.addi %add3A_2425, %select_n3A_2434 : vector<16xi32>
    %slice3A_2436 = vector.extract_strided_slice %select_n3A {offsets = [7], sizes = [1], strides = [1]} : vector<16xf32> to vector<1xf32>
    %squeeze3A_2437 = vector.extract %slice3A_2436[0] : f32 from vector<1xf32>
    %lt3A_2438 = vector.broadcast %squeeze3A_2437 : f32 to vector<16xf32>
    %lt3A_2439 = arith.cmpf olt, %lt3A_2438, %mul3A_2363 : vector<16xf32>
    %jit3A_2440 = arith.constant 1 : i32
    %jit3A_2441 = arith.constant 0 : i32
    %broadcast_in_dim3A_2442 = vector.broadcast %jit3A_2440 : i32 to vector<16xi32>
    %broadcast_in_dim3A_2443 = vector.broadcast %jit3A_2441 : i32 to vector<16xi32>
    %select_n3A_2444 = arith.select %lt3A_2439, %broadcast_in_dim3A_2442, %broadcast_in_dim3A_2443 : vector<16xi1>, vector<16xi32>
    %add3A_2445 = arith.addi %add3A_2435, %select_n3A_2444 : vector<16xi32>
    %slice3A_2446 = vector.extract_strided_slice %select_n3A {offsets = [8], sizes = [1], strides = [1]} : vector<16xf32> to vector<1xf32>
    %squeeze3A_2447 = vector.extract %slice3A_2446[0] : f32 from vector<1xf32>
    %lt3A_2448 = vector.broadcast %squeeze3A_2447 : f32 to vector<16xf32>
    %lt3A_2449 = arith.cmpf olt, %lt3A_2448, %mul3A_2363 : vector<16xf32>
    %jit3A_2450 = arith.constant 1 : i32
    %jit3A_2451 = arith.constant 0 : i32
    %broadcast_in_dim3A_2452 = vector.broadcast %jit3A_2450 : i32 to vector<16xi32>
    %broadcast_in_dim3A_2453 = vector.broadcast %jit3A_2451 : i32 to vector<16xi32>
    %select_n3A_2454 = arith.select %lt3A_2449, %broadcast_in_dim3A_2452, %broadcast_in_dim3A_2453 : vector<16xi1>, vector<16xi32>
    %add3A_2455 = arith.addi %add3A_2445, %select_n3A_2454 : vector<16xi32>
    %slice3A_2456 = vector.extract_strided_slice %select_n3A {offsets = [9], sizes = [1], strides = [1]} : vector<16xf32> to vector<1xf32>
    %squeeze3A_2457 = vector.extract %slice3A_2456[0] : f32 from vector<1xf32>
    %lt3A_2458 = vector.broadcast %squeeze3A_2457 : f32 to vector<16xf32>
    %lt3A_2459 = arith.cmpf olt, %lt3A_2458, %mul3A_2363 : vector<16xf32>
    %jit3A_2460 = arith.constant 1 : i32
    %jit3A_2461 = arith.constant 0 : i32
    %broadcast_in_dim3A_2462 = vector.broadcast %jit3A_2460 : i32 to vector<16xi32>
    %broadcast_in_dim3A_2463 = vector.broadcast %jit3A_2461 : i32 to vector<16xi32>
    %select_n3A_2464 = arith.select %lt3A_2459, %broadcast_in_dim3A_2462, %broadcast_in_dim3A_2463 : vector<16xi1>, vector<16xi32>
    %add3A_2465 = arith.addi %add3A_2455, %select_n3A_2464 : vector<16xi32>
    %slice3A_2466 = vector.extract_strided_slice %select_n3A {offsets = [10], sizes = [1], strides = [1]} : vector<16xf32> to vector<1xf32>
    %squeeze3A_2467 = vector.extract %slice3A_2466[0] : f32 from vector<1xf32>
    %lt3A_2468 = vector.broadcast %squeeze3A_2467 : f32 to vector<16xf32>
    %lt3A_2469 = arith.cmpf olt, %lt3A_2468, %mul3A_2363 : vector<16xf32>
    %jit3A_2470 = arith.constant 1 : i32
    %jit3A_2471 = arith.constant 0 : i32
    %broadcast_in_dim3A_2472 = vector.broadcast %jit3A_2470 : i32 to vector<16xi32>
    %broadcast_in_dim3A_2473 = vector.broadcast %jit3A_2471 : i32 to vector<16xi32>
    %select_n3A_2474 = arith.select %lt3A_2469, %broadcast_in_dim3A_2472, %broadcast_in_dim3A_2473 : vector<16xi1>, vector<16xi32>
    %add3A_2475 = arith.addi %add3A_2465, %select_n3A_2474 : vector<16xi32>
    %slice3A_2476 = vector.extract_strided_slice %select_n3A {offsets = [11], sizes = [1], strides = [1]} : vector<16xf32> to vector<1xf32>
    %squeeze3A_2477 = vector.extract %slice3A_2476[0] : f32 from vector<1xf32>
    %lt3A_2478 = vector.broadcast %squeeze3A_2477 : f32 to vector<16xf32>
    %lt3A_2479 = arith.cmpf olt, %lt3A_2478, %mul3A_2363 : vector<16xf32>
    %jit3A_2480 = arith.constant 1 : i32
    %jit3A_2481 = arith.constant 0 : i32
    %broadcast_in_dim3A_2482 = vector.broadcast %jit3A_2480 : i32 to vector<16xi32>
    %broadcast_in_dim3A_2483 = vector.broadcast %jit3A_2481 : i32 to vector<16xi32>
    %select_n3A_2484 = arith.select %lt3A_2479, %broadcast_in_dim3A_2482, %broadcast_in_dim3A_2483 : vector<16xi1>, vector<16xi32>
    %add3A_2485 = arith.addi %add3A_2475, %select_n3A_2484 : vector<16xi32>
    %slice3A_2486 = vector.extract_strided_slice %select_n3A {offsets = [12], sizes = [1], strides = [1]} : vector<16xf32> to vector<1xf32>
    %squeeze3A_2487 = vector.extract %slice3A_2486[0] : f32 from vector<1xf32>
    %lt3A_2488 = vector.broadcast %squeeze3A_2487 : f32 to vector<16xf32>
    %lt3A_2489 = arith.cmpf olt, %lt3A_2488, %mul3A_2363 : vector<16xf32>
    %jit3A_2490 = arith.constant 1 : i32
    %jit3A_2491 = arith.constant 0 : i32
    %broadcast_in_dim3A_2492 = vector.broadcast %jit3A_2490 : i32 to vector<16xi32>
    %broadcast_in_dim3A_2493 = vector.broadcast %jit3A_2491 : i32 to vector<16xi32>
    %select_n3A_2494 = arith.select %lt3A_2489, %broadcast_in_dim3A_2492, %broadcast_in_dim3A_2493 : vector<16xi1>, vector<16xi32>
    %add3A_2495 = arith.addi %add3A_2485, %select_n3A_2494 : vector<16xi32>
    %slice3A_2496 = vector.extract_strided_slice %select_n3A {offsets = [13], sizes = [1], strides = [1]} : vector<16xf32> to vector<1xf32>
    %squeeze3A_2497 = vector.extract %slice3A_2496[0] : f32 from vector<1xf32>
    %lt3A_2498 = vector.broadcast %squeeze3A_2497 : f32 to vector<16xf32>
    %lt3A_2499 = arith.cmpf olt, %lt3A_2498, %mul3A_2363 : vector<16xf32>
    %jit3A_2500 = arith.constant 1 : i32
    %jit3A_2501 = arith.constant 0 : i32
    %broadcast_in_dim3A_2502 = vector.broadcast %jit3A_2500 : i32 to vector<16xi32>
    %broadcast_in_dim3A_2503 = vector.broadcast %jit3A_2501 : i32 to vector<16xi32>
    %select_n3A_2504 = arith.select %lt3A_2499, %broadcast_in_dim3A_2502, %broadcast_in_dim3A_2503 : vector<16xi1>, vector<16xi32>
    %add3A_2505 = arith.addi %add3A_2495, %select_n3A_2504 : vector<16xi32>
    %slice3A_2506 = vector.extract_strided_slice %select_n3A {offsets = [14], sizes = [1], strides = [1]} : vector<16xf32> to vector<1xf32>
    %squeeze3A_2507 = vector.extract %slice3A_2506[0] : f32 from vector<1xf32>
    %lt3A_2508 = vector.broadcast %squeeze3A_2507 : f32 to vector<16xf32>
    %lt3A_2509 = arith.cmpf olt, %lt3A_2508, %mul3A_2363 : vector<16xf32>
    %jit3A_2510 = arith.constant 1 : i32
    %jit3A_2511 = arith.constant 0 : i32
    %broadcast_in_dim3A_2512 = vector.broadcast %jit3A_2510 : i32 to vector<16xi32>
    %broadcast_in_dim3A_2513 = vector.broadcast %jit3A_2511 : i32 to vector<16xi32>
    %select_n3A_2514 = arith.select %lt3A_2509, %broadcast_in_dim3A_2512, %broadcast_in_dim3A_2513 : vector<16xi1>, vector<16xi32>
    %add3A_2515 = arith.addi %add3A_2505, %select_n3A_2514 : vector<16xi32>
    %gather3A_2516 = tpu.vector_load_idx %arg12[%add3A_2515] : memref<16xf32, #tpu.memory_space<vmem>>[vector<16xi32>], vector<16xf32>,
    %mul3A_2517 = arith.constant 1.280000e+02 : f32
    %mul3A_2518 = vector.broadcast %mul3A_2517 : f32 to vector<16xf32>
    %mul3A_2519 = arith.mulf %gather3A_2516, %mul3A_2518 : vector<16xf32>
    %swap3A_2520 = arith.constant 208 : index
    %swap3A_2521 = tpu.vector_load %arg8[%swap3A_2520] {strides = array<i32>} : memref<272xf32, #tpu.memory_space<vmem>>, vector<16xf32>,
    tpu.vector_store %arg8[%swap3A_2520], %mul3A_2519 {strides = array<i32>} : memref<272xf32, #tpu.memory_space<vmem>>, vector<16xf32>,
    %gather3A_2522 = tpu.vector_load_idx %arg11[%add3A_2515] : memref<16xf32, #tpu.memory_space<vmem>>[vector<16xi32>], vector<16xf32>,
    %swap3A_2523 = arith.constant 208 : index
    %swap3A_2524 = tpu.vector_load %arg9[%swap3A_2523] {strides = array<i32>} : memref<272xf32, #tpu.memory_space<vmem>>, vector<16xf32>,
    tpu.vector_store %arg9[%swap3A_2523], %gather3A_2522 {strides = array<i32>} : memref<272xf32, #tpu.memory_space<vmem>>, vector<16xf32>,
    %add3A_2525 = arith.constant 1 : i32
    %add3A_2526 = vector.broadcast %add3A_2525 : i32 to vector<16xi32>
    %add3A_2527 = arith.addi %add3A_2515, %add3A_2526 : vector<16xi32>
    %min3A_2528 = arith.constant 15 : i32
    %min3A_2529 = vector.broadcast %min3A_2528 : i32 to vector<16xi32>
    %min3A_2530 = arith.minsi %add3A_2527, %min3A_2529 : vector<16xi32>
    %gather3A_2531 = tpu.vector_load_idx %arg11[%min3A_2530] : memref<16xf32, #tpu.memory_space<vmem>>[vector<16xi32>], vector<16xf32>,
    %swap3A_2532 = arith.constant 208 : index
    %swap3A_2533 = tpu.vector_load %arg10[%swap3A_2532] {strides = array<i32>} : memref<272xf32, #tpu.memory_space<vmem>>, vector<16xf32>,
    tpu.vector_store %arg10[%swap3A_2532], %gather3A_2531 {strides = array<i32>} : memref<272xf32, #tpu.memory_space<vmem>>, vector<16xf32>,
    %add3A_2534 = arith.constant 224 : i32
    %add3A_2535 = vector.broadcast %add3A_2534 : i32 to vector<16xi32>
    %add3A_2536 = arith.addi %add3A_2535, %iota3A : vector<16xi32>
    %convert_element_type3A_2537 = arith.sitofp %add3A_2536 : vector<16xi32> to vector<16xf32>
    %sub3A_2538 = arith.constant 1.280000e+02 : f32
    %sub3A_2539 = vector.broadcast %sub3A_2538 : f32 to vector<16xf32>
    %sub3A_2540 = arith.subf %convert_element_type3A_2537, %sub3A_2539 : vector<16xf32>
    %mul3A_2541 = arith.constant 7.812500e-03 : f32
    %mul3A_2542 = vector.broadcast %mul3A_2541 : f32 to vector<16xf32>
    %mul3A_2543 = arith.mulf %sub3A_2540, %mul3A_2542 : vector<16xf32>
    %broadcast_in_dim3A_2544 = arith.constant 0 : i32
    %broadcast_in_dim3A_2545 = vector.broadcast %broadcast_in_dim3A_2544 : i32 to vector<16xi32>
    %slice3A_2546 = vector.extract_strided_slice %select_n3A {offsets = [0], sizes = [1], strides = [1]} : vector<16xf32> to vector<1xf32>
    %squeeze3A_2547 = vector.extract %slice3A_2546[0] : f32 from vector<1xf32>
    %lt3A_2548 = vector.broadcast %squeeze3A_2547 : f32 to vector<16xf32>
    %lt3A_2549 = arith.cmpf olt, %lt3A_2548, %mul3A_2543 : vector<16xf32>
    %jit3A_2550 = arith.constant 1 : i32
    %jit3A_2551 = arith.constant 0 : i32
    %broadcast_in_dim3A_2552 = vector.broadcast %jit3A_2550 : i32 to vector<16xi32>
    %broadcast_in_dim3A_2553 = vector.broadcast %jit3A_2551 : i32 to vector<16xi32>
    %select_n3A_2554 = arith.select %lt3A_2549, %broadcast_in_dim3A_2552, %broadcast_in_dim3A_2553 : vector<16xi1>, vector<16xi32>
    %add3A_2555 = arith.addi %broadcast_in_dim3A_2545, %select_n3A_2554 : vector<16xi32>
    %slice3A_2556 = vector.extract_strided_slice %select_n3A {offsets = [1], sizes = [1], strides = [1]} : vector<16xf32> to vector<1xf32>
    %squeeze3A_2557 = vector.extract %slice3A_2556[0] : f32 from vector<1xf32>
    %lt3A_2558 = vector.broadcast %squeeze3A_2557 : f32 to vector<16xf32>
    %lt3A_2559 = arith.cmpf olt, %lt3A_2558, %mul3A_2543 : vector<16xf32>
    %jit3A_2560 = arith.constant 1 : i32
    %jit3A_2561 = arith.constant 0 : i32
    %broadcast_in_dim3A_2562 = vector.broadcast %jit3A_2560 : i32 to vector<16xi32>
    %broadcast_in_dim3A_2563 = vector.broadcast %jit3A_2561 : i32 to vector<16xi32>
    %select_n3A_2564 = arith.select %lt3A_2559, %broadcast_in_dim3A_2562, %broadcast_in_dim3A_2563 : vector<16xi1>, vector<16xi32>
    %add3A_2565 = arith.addi %add3A_2555, %select_n3A_2564 : vector<16xi32>
    %slice3A_2566 = vector.extract_strided_slice %select_n3A {offsets = [2], sizes = [1], strides = [1]} : vector<16xf32> to vector<1xf32>
    %squeeze3A_2567 = vector.extract %slice3A_2566[0] : f32 from vector<1xf32>
    %lt3A_2568 = vector.broadcast %squeeze3A_2567 : f32 to vector<16xf32>
    %lt3A_2569 = arith.cmpf olt, %lt3A_2568, %mul3A_2543 : vector<16xf32>
    %jit3A_2570 = arith.constant 1 : i32
    %jit3A_2571 = arith.constant 0 : i32
    %broadcast_in_dim3A_2572 = vector.broadcast %jit3A_2570 : i32 to vector<16xi32>
    %broadcast_in_dim3A_2573 = vector.broadcast %jit3A_2571 : i32 to vector<16xi32>
    %select_n3A_2574 = arith.select %lt3A_2569, %broadcast_in_dim3A_2572, %broadcast_in_dim3A_2573 : vector<16xi1>, vector<16xi32>
    %add3A_2575 = arith.addi %add3A_2565, %select_n3A_2574 : vector<16xi32>
    %slice3A_2576 = vector.extract_strided_slice %select_n3A {offsets = [3], sizes = [1], strides = [1]} : vector<16xf32> to vector<1xf32>
    %squeeze3A_2577 = vector.extract %slice3A_2576[0] : f32 from vector<1xf32>
    %lt3A_2578 = vector.broadcast %squeeze3A_2577 : f32 to vector<16xf32>
    %lt3A_2579 = arith.cmpf olt, %lt3A_2578, %mul3A_2543 : vector<16xf32>
    %jit3A_2580 = arith.constant 1 : i32
    %jit3A_2581 = arith.constant 0 : i32
    %broadcast_in_dim3A_2582 = vector.broadcast %jit3A_2580 : i32 to vector<16xi32>
    %broadcast_in_dim3A_2583 = vector.broadcast %jit3A_2581 : i32 to vector<16xi32>
    %select_n3A_2584 = arith.select %lt3A_2579, %broadcast_in_dim3A_2582, %broadcast_in_dim3A_2583 : vector<16xi1>, vector<16xi32>
    %add3A_2585 = arith.addi %add3A_2575, %select_n3A_2584 : vector<16xi32>
    %slice3A_2586 = vector.extract_strided_slice %select_n3A {offsets = [4], sizes = [1], strides = [1]} : vector<16xf32> to vector<1xf32>
    %squeeze3A_2587 = vector.extract %slice3A_2586[0] : f32 from vector<1xf32>
    %lt3A_2588 = vector.broadcast %squeeze3A_2587 : f32 to vector<16xf32>
    %lt3A_2589 = arith.cmpf olt, %lt3A_2588, %mul3A_2543 : vector<16xf32>
    %jit3A_2590 = arith.constant 1 : i32
    %jit3A_2591 = arith.constant 0 : i32
    %broadcast_in_dim3A_2592 = vector.broadcast %jit3A_2590 : i32 to vector<16xi32>
    %broadcast_in_dim3A_2593 = vector.broadcast %jit3A_2591 : i32 to vector<16xi32>
    %select_n3A_2594 = arith.select %lt3A_2589, %broadcast_in_dim3A_2592, %broadcast_in_dim3A_2593 : vector<16xi1>, vector<16xi32>
    %add3A_2595 = arith.addi %add3A_2585, %select_n3A_2594 : vector<16xi32>
    %slice3A_2596 = vector.extract_strided_slice %select_n3A {offsets = [5], sizes = [1], strides = [1]} : vector<16xf32> to vector<1xf32>
    %squeeze3A_2597 = vector.extract %slice3A_2596[0] : f32 from vector<1xf32>
    %lt3A_2598 = vector.broadcast %squeeze3A_2597 : f32 to vector<16xf32>
    %lt3A_2599 = arith.cmpf olt, %lt3A_2598, %mul3A_2543 : vector<16xf32>
    %jit3A_2600 = arith.constant 1 : i32
    %jit3A_2601 = arith.constant 0 : i32
    %broadcast_in_dim3A_2602 = vector.broadcast %jit3A_2600 : i32 to vector<16xi32>
    %broadcast_in_dim3A_2603 = vector.broadcast %jit3A_2601 : i32 to vector<16xi32>
    %select_n3A_2604 = arith.select %lt3A_2599, %broadcast_in_dim3A_2602, %broadcast_in_dim3A_2603 : vector<16xi1>, vector<16xi32>
    %add3A_2605 = arith.addi %add3A_2595, %select_n3A_2604 : vector<16xi32>
    %slice3A_2606 = vector.extract_strided_slice %select_n3A {offsets = [6], sizes = [1], strides = [1]} : vector<16xf32> to vector<1xf32>
    %squeeze3A_2607 = vector.extract %slice3A_2606[0] : f32 from vector<1xf32>
    %lt3A_2608 = vector.broadcast %squeeze3A_2607 : f32 to vector<16xf32>
    %lt3A_2609 = arith.cmpf olt, %lt3A_2608, %mul3A_2543 : vector<16xf32>
    %jit3A_2610 = arith.constant 1 : i32
    %jit3A_2611 = arith.constant 0 : i32
    %broadcast_in_dim3A_2612 = vector.broadcast %jit3A_2610 : i32 to vector<16xi32>
    %broadcast_in_dim3A_2613 = vector.broadcast %jit3A_2611 : i32 to vector<16xi32>
    %select_n3A_2614 = arith.select %lt3A_2609, %broadcast_in_dim3A_2612, %broadcast_in_dim3A_2613 : vector<16xi1>, vector<16xi32>
    %add3A_2615 = arith.addi %add3A_2605, %select_n3A_2614 : vector<16xi32>
    %slice3A_2616 = vector.extract_strided_slice %select_n3A {offsets = [7], sizes = [1], strides = [1]} : vector<16xf32> to vector<1xf32>
    %squeeze3A_2617 = vector.extract %slice3A_2616[0] : f32 from vector<1xf32>
    %lt3A_2618 = vector.broadcast %squeeze3A_2617 : f32 to vector<16xf32>
    %lt3A_2619 = arith.cmpf olt, %lt3A_2618, %mul3A_2543 : vector<16xf32>
    %jit3A_2620 = arith.constant 1 : i32
    %jit3A_2621 = arith.constant 0 : i32
    %broadcast_in_dim3A_2622 = vector.broadcast %jit3A_2620 : i32 to vector<16xi32>
    %broadcast_in_dim3A_2623 = vector.broadcast %jit3A_2621 : i32 to vector<16xi32>
    %select_n3A_2624 = arith.select %lt3A_2619, %broadcast_in_dim3A_2622, %broadcast_in_dim3A_2623 : vector<16xi1>, vector<16xi32>
    %add3A_2625 = arith.addi %add3A_2615, %select_n3A_2624 : vector<16xi32>
    %slice3A_2626 = vector.extract_strided_slice %select_n3A {offsets = [8], sizes = [1], strides = [1]} : vector<16xf32> to vector<1xf32>
    %squeeze3A_2627 = vector.extract %slice3A_2626[0] : f32 from vector<1xf32>
    %lt3A_2628 = vector.broadcast %squeeze3A_2627 : f32 to vector<16xf32>
    %lt3A_2629 = arith.cmpf olt, %lt3A_2628, %mul3A_2543 : vector<16xf32>
    %jit3A_2630 = arith.constant 1 : i32
    %jit3A_2631 = arith.constant 0 : i32
    %broadcast_in_dim3A_2632 = vector.broadcast %jit3A_2630 : i32 to vector<16xi32>
    %broadcast_in_dim3A_2633 = vector.broadcast %jit3A_2631 : i32 to vector<16xi32>
    %select_n3A_2634 = arith.select %lt3A_2629, %broadcast_in_dim3A_2632, %broadcast_in_dim3A_2633 : vector<16xi1>, vector<16xi32>
    %add3A_2635 = arith.addi %add3A_2625, %select_n3A_2634 : vector<16xi32>
    %slice3A_2636 = vector.extract_strided_slice %select_n3A {offsets = [9], sizes = [1], strides = [1]} : vector<16xf32> to vector<1xf32>
    %squeeze3A_2637 = vector.extract %slice3A_2636[0] : f32 from vector<1xf32>
    %lt3A_2638 = vector.broadcast %squeeze3A_2637 : f32 to vector<16xf32>
    %lt3A_2639 = arith.cmpf olt, %lt3A_2638, %mul3A_2543 : vector<16xf32>
    %jit3A_2640 = arith.constant 1 : i32
    %jit3A_2641 = arith.constant 0 : i32
    %broadcast_in_dim3A_2642 = vector.broadcast %jit3A_2640 : i32 to vector<16xi32>
    %broadcast_in_dim3A_2643 = vector.broadcast %jit3A_2641 : i32 to vector<16xi32>
    %select_n3A_2644 = arith.select %lt3A_2639, %broadcast_in_dim3A_2642, %broadcast_in_dim3A_2643 : vector<16xi1>, vector<16xi32>
    %add3A_2645 = arith.addi %add3A_2635, %select_n3A_2644 : vector<16xi32>
    %slice3A_2646 = vector.extract_strided_slice %select_n3A {offsets = [10], sizes = [1], strides = [1]} : vector<16xf32> to vector<1xf32>
    %squeeze3A_2647 = vector.extract %slice3A_2646[0] : f32 from vector<1xf32>
    %lt3A_2648 = vector.broadcast %squeeze3A_2647 : f32 to vector<16xf32>
    %lt3A_2649 = arith.cmpf olt, %lt3A_2648, %mul3A_2543 : vector<16xf32>
    %jit3A_2650 = arith.constant 1 : i32
    %jit3A_2651 = arith.constant 0 : i32
    %broadcast_in_dim3A_2652 = vector.broadcast %jit3A_2650 : i32 to vector<16xi32>
    %broadcast_in_dim3A_2653 = vector.broadcast %jit3A_2651 : i32 to vector<16xi32>
    %select_n3A_2654 = arith.select %lt3A_2649, %broadcast_in_dim3A_2652, %broadcast_in_dim3A_2653 : vector<16xi1>, vector<16xi32>
    %add3A_2655 = arith.addi %add3A_2645, %select_n3A_2654 : vector<16xi32>
    %slice3A_2656 = vector.extract_strided_slice %select_n3A {offsets = [11], sizes = [1], strides = [1]} : vector<16xf32> to vector<1xf32>
    %squeeze3A_2657 = vector.extract %slice3A_2656[0] : f32 from vector<1xf32>
    %lt3A_2658 = vector.broadcast %squeeze3A_2657 : f32 to vector<16xf32>
    %lt3A_2659 = arith.cmpf olt, %lt3A_2658, %mul3A_2543 : vector<16xf32>
    %jit3A_2660 = arith.constant 1 : i32
    %jit3A_2661 = arith.constant 0 : i32
    %broadcast_in_dim3A_2662 = vector.broadcast %jit3A_2660 : i32 to vector<16xi32>
    %broadcast_in_dim3A_2663 = vector.broadcast %jit3A_2661 : i32 to vector<16xi32>
    %select_n3A_2664 = arith.select %lt3A_2659, %broadcast_in_dim3A_2662, %broadcast_in_dim3A_2663 : vector<16xi1>, vector<16xi32>
    %add3A_2665 = arith.addi %add3A_2655, %select_n3A_2664 : vector<16xi32>
    %slice3A_2666 = vector.extract_strided_slice %select_n3A {offsets = [12], sizes = [1], strides = [1]} : vector<16xf32> to vector<1xf32>
    %squeeze3A_2667 = vector.extract %slice3A_2666[0] : f32 from vector<1xf32>
    %lt3A_2668 = vector.broadcast %squeeze3A_2667 : f32 to vector<16xf32>
    %lt3A_2669 = arith.cmpf olt, %lt3A_2668, %mul3A_2543 : vector<16xf32>
    %jit3A_2670 = arith.constant 1 : i32
    %jit3A_2671 = arith.constant 0 : i32
    %broadcast_in_dim3A_2672 = vector.broadcast %jit3A_2670 : i32 to vector<16xi32>
    %broadcast_in_dim3A_2673 = vector.broadcast %jit3A_2671 : i32 to vector<16xi32>
    %select_n3A_2674 = arith.select %lt3A_2669, %broadcast_in_dim3A_2672, %broadcast_in_dim3A_2673 : vector<16xi1>, vector<16xi32>
    %add3A_2675 = arith.addi %add3A_2665, %select_n3A_2674 : vector<16xi32>
    %slice3A_2676 = vector.extract_strided_slice %select_n3A {offsets = [13], sizes = [1], strides = [1]} : vector<16xf32> to vector<1xf32>
    %squeeze3A_2677 = vector.extract %slice3A_2676[0] : f32 from vector<1xf32>
    %lt3A_2678 = vector.broadcast %squeeze3A_2677 : f32 to vector<16xf32>
    %lt3A_2679 = arith.cmpf olt, %lt3A_2678, %mul3A_2543 : vector<16xf32>
    %jit3A_2680 = arith.constant 1 : i32
    %jit3A_2681 = arith.constant 0 : i32
    %broadcast_in_dim3A_2682 = vector.broadcast %jit3A_2680 : i32 to vector<16xi32>
    %broadcast_in_dim3A_2683 = vector.broadcast %jit3A_2681 : i32 to vector<16xi32>
    %select_n3A_2684 = arith.select %lt3A_2679, %broadcast_in_dim3A_2682, %broadcast_in_dim3A_2683 : vector<16xi1>, vector<16xi32>
    %add3A_2685 = arith.addi %add3A_2675, %select_n3A_2684 : vector<16xi32>
    %slice3A_2686 = vector.extract_strided_slice %select_n3A {offsets = [14], sizes = [1], strides = [1]} : vector<16xf32> to vector<1xf32>
    %squeeze3A_2687 = vector.extract %slice3A_2686[0] : f32 from vector<1xf32>
    %lt3A_2688 = vector.broadcast %squeeze3A_2687 : f32 to vector<16xf32>
    %lt3A_2689 = arith.cmpf olt, %lt3A_2688, %mul3A_2543 : vector<16xf32>
    %jit3A_2690 = arith.constant 1 : i32
    %jit3A_2691 = arith.constant 0 : i32
    %broadcast_in_dim3A_2692 = vector.broadcast %jit3A_2690 : i32 to vector<16xi32>
    %broadcast_in_dim3A_2693 = vector.broadcast %jit3A_2691 : i32 to vector<16xi32>
    %select_n3A_2694 = arith.select %lt3A_2689, %broadcast_in_dim3A_2692, %broadcast_in_dim3A_2693 : vector<16xi1>, vector<16xi32>
    %add3A_2695 = arith.addi %add3A_2685, %select_n3A_2694 : vector<16xi32>
    %gather3A_2696 = tpu.vector_load_idx %arg12[%add3A_2695] : memref<16xf32, #tpu.memory_space<vmem>>[vector<16xi32>], vector<16xf32>,
    %mul3A_2697 = arith.constant 1.280000e+02 : f32
    %mul3A_2698 = vector.broadcast %mul3A_2697 : f32 to vector<16xf32>
    %mul3A_2699 = arith.mulf %gather3A_2696, %mul3A_2698 : vector<16xf32>
    %swap3A_2700 = arith.constant 224 : index
    %swap3A_2701 = tpu.vector_load %arg8[%swap3A_2700] {strides = array<i32>} : memref<272xf32, #tpu.memory_space<vmem>>, vector<16xf32>,
    tpu.vector_store %arg8[%swap3A_2700], %mul3A_2699 {strides = array<i32>} : memref<272xf32, #tpu.memory_space<vmem>>, vector<16xf32>,
    %gather3A_2702 = tpu.vector_load_idx %arg11[%add3A_2695] : memref<16xf32, #tpu.memory_space<vmem>>[vector<16xi32>], vector<16xf32>,
    %swap3A_2703 = arith.constant 224 : index
    %swap3A_2704 = tpu.vector_load %arg9[%swap3A_2703] {strides = array<i32>} : memref<272xf32, #tpu.memory_space<vmem>>, vector<16xf32>,
    tpu.vector_store %arg9[%swap3A_2703], %gather3A_2702 {strides = array<i32>} : memref<272xf32, #tpu.memory_space<vmem>>, vector<16xf32>,
    %add3A_2705 = arith.constant 1 : i32
    %add3A_2706 = vector.broadcast %add3A_2705 : i32 to vector<16xi32>
    %add3A_2707 = arith.addi %add3A_2695, %add3A_2706 : vector<16xi32>
    %min3A_2708 = arith.constant 15 : i32
    %min3A_2709 = vector.broadcast %min3A_2708 : i32 to vector<16xi32>
    %min3A_2710 = arith.minsi %add3A_2707, %min3A_2709 : vector<16xi32>
    %gather3A_2711 = tpu.vector_load_idx %arg11[%min3A_2710] : memref<16xf32, #tpu.memory_space<vmem>>[vector<16xi32>], vector<16xf32>,
    %swap3A_2712 = arith.constant 224 : index
    %swap3A_2713 = tpu.vector_load %arg10[%swap3A_2712] {strides = array<i32>} : memref<272xf32, #tpu.memory_space<vmem>>, vector<16xf32>,
    tpu.vector_store %arg10[%swap3A_2712], %gather3A_2711 {strides = array<i32>} : memref<272xf32, #tpu.memory_space<vmem>>, vector<16xf32>,
    %add3A_2714 = arith.constant 240 : i32
    %add3A_2715 = vector.broadcast %add3A_2714 : i32 to vector<16xi32>
    %add3A_2716 = arith.addi %add3A_2715, %iota3A : vector<16xi32>
    %convert_element_type3A_2717 = arith.sitofp %add3A_2716 : vector<16xi32> to vector<16xf32>
    %sub3A_2718 = arith.constant 1.280000e+02 : f32
    %sub3A_2719 = vector.broadcast %sub3A_2718 : f32 to vector<16xf32>
    %sub3A_2720 = arith.subf %convert_element_type3A_2717, %sub3A_2719 : vector<16xf32>
    %mul3A_2721 = arith.constant 7.812500e-03 : f32
    %mul3A_2722 = vector.broadcast %mul3A_2721 : f32 to vector<16xf32>
    %mul3A_2723 = arith.mulf %sub3A_2720, %mul3A_2722 : vector<16xf32>
    %broadcast_in_dim3A_2724 = arith.constant 0 : i32
    %broadcast_in_dim3A_2725 = vector.broadcast %broadcast_in_dim3A_2724 : i32 to vector<16xi32>
    %slice3A_2726 = vector.extract_strided_slice %select_n3A {offsets = [0], sizes = [1], strides = [1]} : vector<16xf32> to vector<1xf32>
    %squeeze3A_2727 = vector.extract %slice3A_2726[0] : f32 from vector<1xf32>
    %lt3A_2728 = vector.broadcast %squeeze3A_2727 : f32 to vector<16xf32>
    %lt3A_2729 = arith.cmpf olt, %lt3A_2728, %mul3A_2723 : vector<16xf32>
    %jit3A_2730 = arith.constant 1 : i32
    %jit3A_2731 = arith.constant 0 : i32
    %broadcast_in_dim3A_2732 = vector.broadcast %jit3A_2730 : i32 to vector<16xi32>
    %broadcast_in_dim3A_2733 = vector.broadcast %jit3A_2731 : i32 to vector<16xi32>
    %select_n3A_2734 = arith.select %lt3A_2729, %broadcast_in_dim3A_2732, %broadcast_in_dim3A_2733 : vector<16xi1>, vector<16xi32>
    %add3A_2735 = arith.addi %broadcast_in_dim3A_2725, %select_n3A_2734 : vector<16xi32>
    %slice3A_2736 = vector.extract_strided_slice %select_n3A {offsets = [1], sizes = [1], strides = [1]} : vector<16xf32> to vector<1xf32>
    %squeeze3A_2737 = vector.extract %slice3A_2736[0] : f32 from vector<1xf32>
    %lt3A_2738 = vector.broadcast %squeeze3A_2737 : f32 to vector<16xf32>
    %lt3A_2739 = arith.cmpf olt, %lt3A_2738, %mul3A_2723 : vector<16xf32>
    %jit3A_2740 = arith.constant 1 : i32
    %jit3A_2741 = arith.constant 0 : i32
    %broadcast_in_dim3A_2742 = vector.broadcast %jit3A_2740 : i32 to vector<16xi32>
    %broadcast_in_dim3A_2743 = vector.broadcast %jit3A_2741 : i32 to vector<16xi32>
    %select_n3A_2744 = arith.select %lt3A_2739, %broadcast_in_dim3A_2742, %broadcast_in_dim3A_2743 : vector<16xi1>, vector<16xi32>
    %add3A_2745 = arith.addi %add3A_2735, %select_n3A_2744 : vector<16xi32>
    %slice3A_2746 = vector.extract_strided_slice %select_n3A {offsets = [2], sizes = [1], strides = [1]} : vector<16xf32> to vector<1xf32>
    %squeeze3A_2747 = vector.extract %slice3A_2746[0] : f32 from vector<1xf32>
    %lt3A_2748 = vector.broadcast %squeeze3A_2747 : f32 to vector<16xf32>
    %lt3A_2749 = arith.cmpf olt, %lt3A_2748, %mul3A_2723 : vector<16xf32>
    %jit3A_2750 = arith.constant 1 : i32
    %jit3A_2751 = arith.constant 0 : i32
    %broadcast_in_dim3A_2752 = vector.broadcast %jit3A_2750 : i32 to vector<16xi32>
    %broadcast_in_dim3A_2753 = vector.broadcast %jit3A_2751 : i32 to vector<16xi32>
    %select_n3A_2754 = arith.select %lt3A_2749, %broadcast_in_dim3A_2752, %broadcast_in_dim3A_2753 : vector<16xi1>, vector<16xi32>
    %add3A_2755 = arith.addi %add3A_2745, %select_n3A_2754 : vector<16xi32>
    %slice3A_2756 = vector.extract_strided_slice %select_n3A {offsets = [3], sizes = [1], strides = [1]} : vector<16xf32> to vector<1xf32>
    %squeeze3A_2757 = vector.extract %slice3A_2756[0] : f32 from vector<1xf32>
    %lt3A_2758 = vector.broadcast %squeeze3A_2757 : f32 to vector<16xf32>
    %lt3A_2759 = arith.cmpf olt, %lt3A_2758, %mul3A_2723 : vector<16xf32>
    %jit3A_2760 = arith.constant 1 : i32
    %jit3A_2761 = arith.constant 0 : i32
    %broadcast_in_dim3A_2762 = vector.broadcast %jit3A_2760 : i32 to vector<16xi32>
    %broadcast_in_dim3A_2763 = vector.broadcast %jit3A_2761 : i32 to vector<16xi32>
    %select_n3A_2764 = arith.select %lt3A_2759, %broadcast_in_dim3A_2762, %broadcast_in_dim3A_2763 : vector<16xi1>, vector<16xi32>
    %add3A_2765 = arith.addi %add3A_2755, %select_n3A_2764 : vector<16xi32>
    %slice3A_2766 = vector.extract_strided_slice %select_n3A {offsets = [4], sizes = [1], strides = [1]} : vector<16xf32> to vector<1xf32>
    %squeeze3A_2767 = vector.extract %slice3A_2766[0] : f32 from vector<1xf32>
    %lt3A_2768 = vector.broadcast %squeeze3A_2767 : f32 to vector<16xf32>
    %lt3A_2769 = arith.cmpf olt, %lt3A_2768, %mul3A_2723 : vector<16xf32>
    %jit3A_2770 = arith.constant 1 : i32
    %jit3A_2771 = arith.constant 0 : i32
    %broadcast_in_dim3A_2772 = vector.broadcast %jit3A_2770 : i32 to vector<16xi32>
    %broadcast_in_dim3A_2773 = vector.broadcast %jit3A_2771 : i32 to vector<16xi32>
    %select_n3A_2774 = arith.select %lt3A_2769, %broadcast_in_dim3A_2772, %broadcast_in_dim3A_2773 : vector<16xi1>, vector<16xi32>
    %add3A_2775 = arith.addi %add3A_2765, %select_n3A_2774 : vector<16xi32>
    %slice3A_2776 = vector.extract_strided_slice %select_n3A {offsets = [5], sizes = [1], strides = [1]} : vector<16xf32> to vector<1xf32>
    %squeeze3A_2777 = vector.extract %slice3A_2776[0] : f32 from vector<1xf32>
    %lt3A_2778 = vector.broadcast %squeeze3A_2777 : f32 to vector<16xf32>
    %lt3A_2779 = arith.cmpf olt, %lt3A_2778, %mul3A_2723 : vector<16xf32>
    %jit3A_2780 = arith.constant 1 : i32
    %jit3A_2781 = arith.constant 0 : i32
    %broadcast_in_dim3A_2782 = vector.broadcast %jit3A_2780 : i32 to vector<16xi32>
    %broadcast_in_dim3A_2783 = vector.broadcast %jit3A_2781 : i32 to vector<16xi32>
    %select_n3A_2784 = arith.select %lt3A_2779, %broadcast_in_dim3A_2782, %broadcast_in_dim3A_2783 : vector<16xi1>, vector<16xi32>
    %add3A_2785 = arith.addi %add3A_2775, %select_n3A_2784 : vector<16xi32>
    %slice3A_2786 = vector.extract_strided_slice %select_n3A {offsets = [6], sizes = [1], strides = [1]} : vector<16xf32> to vector<1xf32>
    %squeeze3A_2787 = vector.extract %slice3A_2786[0] : f32 from vector<1xf32>
    %lt3A_2788 = vector.broadcast %squeeze3A_2787 : f32 to vector<16xf32>
    %lt3A_2789 = arith.cmpf olt, %lt3A_2788, %mul3A_2723 : vector<16xf32>
    %jit3A_2790 = arith.constant 1 : i32
    %jit3A_2791 = arith.constant 0 : i32
    %broadcast_in_dim3A_2792 = vector.broadcast %jit3A_2790 : i32 to vector<16xi32>
    %broadcast_in_dim3A_2793 = vector.broadcast %jit3A_2791 : i32 to vector<16xi32>
    %select_n3A_2794 = arith.select %lt3A_2789, %broadcast_in_dim3A_2792, %broadcast_in_dim3A_2793 : vector<16xi1>, vector<16xi32>
    %add3A_2795 = arith.addi %add3A_2785, %select_n3A_2794 : vector<16xi32>
    %slice3A_2796 = vector.extract_strided_slice %select_n3A {offsets = [7], sizes = [1], strides = [1]} : vector<16xf32> to vector<1xf32>
    %squeeze3A_2797 = vector.extract %slice3A_2796[0] : f32 from vector<1xf32>
    %lt3A_2798 = vector.broadcast %squeeze3A_2797 : f32 to vector<16xf32>
    %lt3A_2799 = arith.cmpf olt, %lt3A_2798, %mul3A_2723 : vector<16xf32>
    %jit3A_2800 = arith.constant 1 : i32
    %jit3A_2801 = arith.constant 0 : i32
    %broadcast_in_dim3A_2802 = vector.broadcast %jit3A_2800 : i32 to vector<16xi32>
    %broadcast_in_dim3A_2803 = vector.broadcast %jit3A_2801 : i32 to vector<16xi32>
    %select_n3A_2804 = arith.select %lt3A_2799, %broadcast_in_dim3A_2802, %broadcast_in_dim3A_2803 : vector<16xi1>, vector<16xi32>
    %add3A_2805 = arith.addi %add3A_2795, %select_n3A_2804 : vector<16xi32>
    %slice3A_2806 = vector.extract_strided_slice %select_n3A {offsets = [8], sizes = [1], strides = [1]} : vector<16xf32> to vector<1xf32>
    %squeeze3A_2807 = vector.extract %slice3A_2806[0] : f32 from vector<1xf32>
    %lt3A_2808 = vector.broadcast %squeeze3A_2807 : f32 to vector<16xf32>
    %lt3A_2809 = arith.cmpf olt, %lt3A_2808, %mul3A_2723 : vector<16xf32>
    %jit3A_2810 = arith.constant 1 : i32
    %jit3A_2811 = arith.constant 0 : i32
    %broadcast_in_dim3A_2812 = vector.broadcast %jit3A_2810 : i32 to vector<16xi32>
    %broadcast_in_dim3A_2813 = vector.broadcast %jit3A_2811 : i32 to vector<16xi32>
    %select_n3A_2814 = arith.select %lt3A_2809, %broadcast_in_dim3A_2812, %broadcast_in_dim3A_2813 : vector<16xi1>, vector<16xi32>
    %add3A_2815 = arith.addi %add3A_2805, %select_n3A_2814 : vector<16xi32>
    %slice3A_2816 = vector.extract_strided_slice %select_n3A {offsets = [9], sizes = [1], strides = [1]} : vector<16xf32> to vector<1xf32>
    %squeeze3A_2817 = vector.extract %slice3A_2816[0] : f32 from vector<1xf32>
    %lt3A_2818 = vector.broadcast %squeeze3A_2817 : f32 to vector<16xf32>
    %lt3A_2819 = arith.cmpf olt, %lt3A_2818, %mul3A_2723 : vector<16xf32>
    %jit3A_2820 = arith.constant 1 : i32
    %jit3A_2821 = arith.constant 0 : i32
    %broadcast_in_dim3A_2822 = vector.broadcast %jit3A_2820 : i32 to vector<16xi32>
    %broadcast_in_dim3A_2823 = vector.broadcast %jit3A_2821 : i32 to vector<16xi32>
    %select_n3A_2824 = arith.select %lt3A_2819, %broadcast_in_dim3A_2822, %broadcast_in_dim3A_2823 : vector<16xi1>, vector<16xi32>
    %add3A_2825 = arith.addi %add3A_2815, %select_n3A_2824 : vector<16xi32>
    %slice3A_2826 = vector.extract_strided_slice %select_n3A {offsets = [10], sizes = [1], strides = [1]} : vector<16xf32> to vector<1xf32>
    %squeeze3A_2827 = vector.extract %slice3A_2826[0] : f32 from vector<1xf32>
    %lt3A_2828 = vector.broadcast %squeeze3A_2827 : f32 to vector<16xf32>
    %lt3A_2829 = arith.cmpf olt, %lt3A_2828, %mul3A_2723 : vector<16xf32>
    %jit3A_2830 = arith.constant 1 : i32
    %jit3A_2831 = arith.constant 0 : i32
    %broadcast_in_dim3A_2832 = vector.broadcast %jit3A_2830 : i32 to vector<16xi32>
    %broadcast_in_dim3A_2833 = vector.broadcast %jit3A_2831 : i32 to vector<16xi32>
    %select_n3A_2834 = arith.select %lt3A_2829, %broadcast_in_dim3A_2832, %broadcast_in_dim3A_2833 : vector<16xi1>, vector<16xi32>
    %add3A_2835 = arith.addi %add3A_2825, %select_n3A_2834 : vector<16xi32>
    %slice3A_2836 = vector.extract_strided_slice %select_n3A {offsets = [11], sizes = [1], strides = [1]} : vector<16xf32> to vector<1xf32>
    %squeeze3A_2837 = vector.extract %slice3A_2836[0] : f32 from vector<1xf32>
    %lt3A_2838 = vector.broadcast %squeeze3A_2837 : f32 to vector<16xf32>
    %lt3A_2839 = arith.cmpf olt, %lt3A_2838, %mul3A_2723 : vector<16xf32>
    %jit3A_2840 = arith.constant 1 : i32
    %jit3A_2841 = arith.constant 0 : i32
    %broadcast_in_dim3A_2842 = vector.broadcast %jit3A_2840 : i32 to vector<16xi32>
    %broadcast_in_dim3A_2843 = vector.broadcast %jit3A_2841 : i32 to vector<16xi32>
    %select_n3A_2844 = arith.select %lt3A_2839, %broadcast_in_dim3A_2842, %broadcast_in_dim3A_2843 : vector<16xi1>, vector<16xi32>
    %add3A_2845 = arith.addi %add3A_2835, %select_n3A_2844 : vector<16xi32>
    %slice3A_2846 = vector.extract_strided_slice %select_n3A {offsets = [12], sizes = [1], strides = [1]} : vector<16xf32> to vector<1xf32>
    %squeeze3A_2847 = vector.extract %slice3A_2846[0] : f32 from vector<1xf32>
    %lt3A_2848 = vector.broadcast %squeeze3A_2847 : f32 to vector<16xf32>
    %lt3A_2849 = arith.cmpf olt, %lt3A_2848, %mul3A_2723 : vector<16xf32>
    %jit3A_2850 = arith.constant 1 : i32
    %jit3A_2851 = arith.constant 0 : i32
    %broadcast_in_dim3A_2852 = vector.broadcast %jit3A_2850 : i32 to vector<16xi32>
    %broadcast_in_dim3A_2853 = vector.broadcast %jit3A_2851 : i32 to vector<16xi32>
    %select_n3A_2854 = arith.select %lt3A_2849, %broadcast_in_dim3A_2852, %broadcast_in_dim3A_2853 : vector<16xi1>, vector<16xi32>
    %add3A_2855 = arith.addi %add3A_2845, %select_n3A_2854 : vector<16xi32>
    %slice3A_2856 = vector.extract_strided_slice %select_n3A {offsets = [13], sizes = [1], strides = [1]} : vector<16xf32> to vector<1xf32>
    %squeeze3A_2857 = vector.extract %slice3A_2856[0] : f32 from vector<1xf32>
    %lt3A_2858 = vector.broadcast %squeeze3A_2857 : f32 to vector<16xf32>
    %lt3A_2859 = arith.cmpf olt, %lt3A_2858, %mul3A_2723 : vector<16xf32>
    %jit3A_2860 = arith.constant 1 : i32
    %jit3A_2861 = arith.constant 0 : i32
    %broadcast_in_dim3A_2862 = vector.broadcast %jit3A_2860 : i32 to vector<16xi32>
    %broadcast_in_dim3A_2863 = vector.broadcast %jit3A_2861 : i32 to vector<16xi32>
    %select_n3A_2864 = arith.select %lt3A_2859, %broadcast_in_dim3A_2862, %broadcast_in_dim3A_2863 : vector<16xi1>, vector<16xi32>
    %add3A_2865 = arith.addi %add3A_2855, %select_n3A_2864 : vector<16xi32>
    %slice3A_2866 = vector.extract_strided_slice %select_n3A {offsets = [14], sizes = [1], strides = [1]} : vector<16xf32> to vector<1xf32>
    %squeeze3A_2867 = vector.extract %slice3A_2866[0] : f32 from vector<1xf32>
    %lt3A_2868 = vector.broadcast %squeeze3A_2867 : f32 to vector<16xf32>
    %lt3A_2869 = arith.cmpf olt, %lt3A_2868, %mul3A_2723 : vector<16xf32>
    %jit3A_2870 = arith.constant 1 : i32
    %jit3A_2871 = arith.constant 0 : i32
    %broadcast_in_dim3A_2872 = vector.broadcast %jit3A_2870 : i32 to vector<16xi32>
    %broadcast_in_dim3A_2873 = vector.broadcast %jit3A_2871 : i32 to vector<16xi32>
    %select_n3A_2874 = arith.select %lt3A_2869, %broadcast_in_dim3A_2872, %broadcast_in_dim3A_2873 : vector<16xi1>, vector<16xi32>
    %add3A_2875 = arith.addi %add3A_2865, %select_n3A_2874 : vector<16xi32>
    %gather3A_2876 = tpu.vector_load_idx %arg12[%add3A_2875] : memref<16xf32, #tpu.memory_space<vmem>>[vector<16xi32>], vector<16xf32>,
    %mul3A_2877 = arith.constant 1.280000e+02 : f32
    %mul3A_2878 = vector.broadcast %mul3A_2877 : f32 to vector<16xf32>
    %mul3A_2879 = arith.mulf %gather3A_2876, %mul3A_2878 : vector<16xf32>
    %swap3A_2880 = arith.constant 240 : index
    %swap3A_2881 = tpu.vector_load %arg8[%swap3A_2880] {strides = array<i32>} : memref<272xf32, #tpu.memory_space<vmem>>, vector<16xf32>,
    tpu.vector_store %arg8[%swap3A_2880], %mul3A_2879 {strides = array<i32>} : memref<272xf32, #tpu.memory_space<vmem>>, vector<16xf32>,
    %gather3A_2882 = tpu.vector_load_idx %arg11[%add3A_2875] : memref<16xf32, #tpu.memory_space<vmem>>[vector<16xi32>], vector<16xf32>,
    %swap3A_2883 = arith.constant 240 : index
    %swap3A_2884 = tpu.vector_load %arg9[%swap3A_2883] {strides = array<i32>} : memref<272xf32, #tpu.memory_space<vmem>>, vector<16xf32>,
    tpu.vector_store %arg9[%swap3A_2883], %gather3A_2882 {strides = array<i32>} : memref<272xf32, #tpu.memory_space<vmem>>, vector<16xf32>,
    %add3A_2885 = arith.constant 1 : i32
    %add3A_2886 = vector.broadcast %add3A_2885 : i32 to vector<16xi32>
    %add3A_2887 = arith.addi %add3A_2875, %add3A_2886 : vector<16xi32>
    %min3A_2888 = arith.constant 15 : i32
    %min3A_2889 = vector.broadcast %min3A_2888 : i32 to vector<16xi32>
    %min3A_2890 = arith.minsi %add3A_2887, %min3A_2889 : vector<16xi32>
    %gather3A_2891 = tpu.vector_load_idx %arg11[%min3A_2890] : memref<16xf32, #tpu.memory_space<vmem>>[vector<16xi32>], vector<16xf32>,
    %swap3A_2892 = arith.constant 240 : index
    %swap3A_2893 = tpu.vector_load %arg10[%swap3A_2892] {strides = array<i32>} : memref<272xf32, #tpu.memory_space<vmem>>, vector<16xf32>,
    tpu.vector_store %arg10[%swap3A_2892], %gather3A_2891 {strides = array<i32>} : memref<272xf32, #tpu.memory_space<vmem>>, vector<16xf32>,
    %add3A_2894 = arith.constant 256 : i32
    %add3A_2895 = vector.broadcast %add3A_2894 : i32 to vector<16xi32>
    %add3A_2896 = arith.addi %add3A_2895, %iota3A : vector<16xi32>
    %convert_element_type3A_2897 = arith.sitofp %add3A_2896 : vector<16xi32> to vector<16xf32>
    %sub3A_2898 = arith.constant 1.280000e+02 : f32
    %sub3A_2899 = vector.broadcast %sub3A_2898 : f32 to vector<16xf32>
    %sub3A_2900 = arith.subf %convert_element_type3A_2897, %sub3A_2899 : vector<16xf32>
    %mul3A_2901 = arith.constant 7.812500e-03 : f32
    %mul3A_2902 = vector.broadcast %mul3A_2901 : f32 to vector<16xf32>
    %mul3A_2903 = arith.mulf %sub3A_2900, %mul3A_2902 : vector<16xf32>
    %broadcast_in_dim3A_2904 = arith.constant 0 : i32
    %broadcast_in_dim3A_2905 = vector.broadcast %broadcast_in_dim3A_2904 : i32 to vector<16xi32>
    %slice3A_2906 = vector.extract_strided_slice %select_n3A {offsets = [0], sizes = [1], strides = [1]} : vector<16xf32> to vector<1xf32>
    %squeeze3A_2907 = vector.extract %slice3A_2906[0] : f32 from vector<1xf32>
    %lt3A_2908 = vector.broadcast %squeeze3A_2907 : f32 to vector<16xf32>
    %lt3A_2909 = arith.cmpf olt, %lt3A_2908, %mul3A_2903 : vector<16xf32>
    %jit3A_2910 = arith.constant 1 : i32
    %jit3A_2911 = arith.constant 0 : i32
    %broadcast_in_dim3A_2912 = vector.broadcast %jit3A_2910 : i32 to vector<16xi32>
    %broadcast_in_dim3A_2913 = vector.broadcast %jit3A_2911 : i32 to vector<16xi32>
    %select_n3A_2914 = arith.select %lt3A_2909, %broadcast_in_dim3A_2912, %broadcast_in_dim3A_2913 : vector<16xi1>, vector<16xi32>
    %add3A_2915 = arith.addi %broadcast_in_dim3A_2905, %select_n3A_2914 : vector<16xi32>
    %slice3A_2916 = vector.extract_strided_slice %select_n3A {offsets = [1], sizes = [1], strides = [1]} : vector<16xf32> to vector<1xf32>
    %squeeze3A_2917 = vector.extract %slice3A_2916[0] : f32 from vector<1xf32>
    %lt3A_2918 = vector.broadcast %squeeze3A_2917 : f32 to vector<16xf32>
    %lt3A_2919 = arith.cmpf olt, %lt3A_2918, %mul3A_2903 : vector<16xf32>
    %jit3A_2920 = arith.constant 1 : i32
    %jit3A_2921 = arith.constant 0 : i32
    %broadcast_in_dim3A_2922 = vector.broadcast %jit3A_2920 : i32 to vector<16xi32>
    %broadcast_in_dim3A_2923 = vector.broadcast %jit3A_2921 : i32 to vector<16xi32>
    %select_n3A_2924 = arith.select %lt3A_2919, %broadcast_in_dim3A_2922, %broadcast_in_dim3A_2923 : vector<16xi1>, vector<16xi32>
    %add3A_2925 = arith.addi %add3A_2915, %select_n3A_2924 : vector<16xi32>
    %slice3A_2926 = vector.extract_strided_slice %select_n3A {offsets = [2], sizes = [1], strides = [1]} : vector<16xf32> to vector<1xf32>
    %squeeze3A_2927 = vector.extract %slice3A_2926[0] : f32 from vector<1xf32>
    %lt3A_2928 = vector.broadcast %squeeze3A_2927 : f32 to vector<16xf32>
    %lt3A_2929 = arith.cmpf olt, %lt3A_2928, %mul3A_2903 : vector<16xf32>
    %jit3A_2930 = arith.constant 1 : i32
    %jit3A_2931 = arith.constant 0 : i32
    %broadcast_in_dim3A_2932 = vector.broadcast %jit3A_2930 : i32 to vector<16xi32>
    %broadcast_in_dim3A_2933 = vector.broadcast %jit3A_2931 : i32 to vector<16xi32>
    %select_n3A_2934 = arith.select %lt3A_2929, %broadcast_in_dim3A_2932, %broadcast_in_dim3A_2933 : vector<16xi1>, vector<16xi32>
    %add3A_2935 = arith.addi %add3A_2925, %select_n3A_2934 : vector<16xi32>
    %slice3A_2936 = vector.extract_strided_slice %select_n3A {offsets = [3], sizes = [1], strides = [1]} : vector<16xf32> to vector<1xf32>
    %squeeze3A_2937 = vector.extract %slice3A_2936[0] : f32 from vector<1xf32>
    %lt3A_2938 = vector.broadcast %squeeze3A_2937 : f32 to vector<16xf32>
    %lt3A_2939 = arith.cmpf olt, %lt3A_2938, %mul3A_2903 : vector<16xf32>
    %jit3A_2940 = arith.constant 1 : i32
    %jit3A_2941 = arith.constant 0 : i32
    %broadcast_in_dim3A_2942 = vector.broadcast %jit3A_2940 : i32 to vector<16xi32>
    %broadcast_in_dim3A_2943 = vector.broadcast %jit3A_2941 : i32 to vector<16xi32>
    %select_n3A_2944 = arith.select %lt3A_2939, %broadcast_in_dim3A_2942, %broadcast_in_dim3A_2943 : vector<16xi1>, vector<16xi32>
    %add3A_2945 = arith.addi %add3A_2935, %select_n3A_2944 : vector<16xi32>
    %slice3A_2946 = vector.extract_strided_slice %select_n3A {offsets = [4], sizes = [1], strides = [1]} : vector<16xf32> to vector<1xf32>
    %squeeze3A_2947 = vector.extract %slice3A_2946[0] : f32 from vector<1xf32>
    %lt3A_2948 = vector.broadcast %squeeze3A_2947 : f32 to vector<16xf32>
    %lt3A_2949 = arith.cmpf olt, %lt3A_2948, %mul3A_2903 : vector<16xf32>
    %jit3A_2950 = arith.constant 1 : i32
    %jit3A_2951 = arith.constant 0 : i32
    %broadcast_in_dim3A_2952 = vector.broadcast %jit3A_2950 : i32 to vector<16xi32>
    %broadcast_in_dim3A_2953 = vector.broadcast %jit3A_2951 : i32 to vector<16xi32>
    %select_n3A_2954 = arith.select %lt3A_2949, %broadcast_in_dim3A_2952, %broadcast_in_dim3A_2953 : vector<16xi1>, vector<16xi32>
    %add3A_2955 = arith.addi %add3A_2945, %select_n3A_2954 : vector<16xi32>
    %slice3A_2956 = vector.extract_strided_slice %select_n3A {offsets = [5], sizes = [1], strides = [1]} : vector<16xf32> to vector<1xf32>
    %squeeze3A_2957 = vector.extract %slice3A_2956[0] : f32 from vector<1xf32>
    %lt3A_2958 = vector.broadcast %squeeze3A_2957 : f32 to vector<16xf32>
    %lt3A_2959 = arith.cmpf olt, %lt3A_2958, %mul3A_2903 : vector<16xf32>
    %jit3A_2960 = arith.constant 1 : i32
    %jit3A_2961 = arith.constant 0 : i32
    %broadcast_in_dim3A_2962 = vector.broadcast %jit3A_2960 : i32 to vector<16xi32>
    %broadcast_in_dim3A_2963 = vector.broadcast %jit3A_2961 : i32 to vector<16xi32>
    %select_n3A_2964 = arith.select %lt3A_2959, %broadcast_in_dim3A_2962, %broadcast_in_dim3A_2963 : vector<16xi1>, vector<16xi32>
    %add3A_2965 = arith.addi %add3A_2955, %select_n3A_2964 : vector<16xi32>
    %slice3A_2966 = vector.extract_strided_slice %select_n3A {offsets = [6], sizes = [1], strides = [1]} : vector<16xf32> to vector<1xf32>
    %squeeze3A_2967 = vector.extract %slice3A_2966[0] : f32 from vector<1xf32>
    %lt3A_2968 = vector.broadcast %squeeze3A_2967 : f32 to vector<16xf32>
    %lt3A_2969 = arith.cmpf olt, %lt3A_2968, %mul3A_2903 : vector<16xf32>
    %jit3A_2970 = arith.constant 1 : i32
    %jit3A_2971 = arith.constant 0 : i32
    %broadcast_in_dim3A_2972 = vector.broadcast %jit3A_2970 : i32 to vector<16xi32>
    %broadcast_in_dim3A_2973 = vector.broadcast %jit3A_2971 : i32 to vector<16xi32>
    %select_n3A_2974 = arith.select %lt3A_2969, %broadcast_in_dim3A_2972, %broadcast_in_dim3A_2973 : vector<16xi1>, vector<16xi32>
    %add3A_2975 = arith.addi %add3A_2965, %select_n3A_2974 : vector<16xi32>
    %slice3A_2976 = vector.extract_strided_slice %select_n3A {offsets = [7], sizes = [1], strides = [1]} : vector<16xf32> to vector<1xf32>
    %squeeze3A_2977 = vector.extract %slice3A_2976[0] : f32 from vector<1xf32>
    %lt3A_2978 = vector.broadcast %squeeze3A_2977 : f32 to vector<16xf32>
    %lt3A_2979 = arith.cmpf olt, %lt3A_2978, %mul3A_2903 : vector<16xf32>
    %jit3A_2980 = arith.constant 1 : i32
    %jit3A_2981 = arith.constant 0 : i32
    %broadcast_in_dim3A_2982 = vector.broadcast %jit3A_2980 : i32 to vector<16xi32>
    %broadcast_in_dim3A_2983 = vector.broadcast %jit3A_2981 : i32 to vector<16xi32>
    %select_n3A_2984 = arith.select %lt3A_2979, %broadcast_in_dim3A_2982, %broadcast_in_dim3A_2983 : vector<16xi1>, vector<16xi32>
    %add3A_2985 = arith.addi %add3A_2975, %select_n3A_2984 : vector<16xi32>
    %slice3A_2986 = vector.extract_strided_slice %select_n3A {offsets = [8], sizes = [1], strides = [1]} : vector<16xf32> to vector<1xf32>
    %squeeze3A_2987 = vector.extract %slice3A_2986[0] : f32 from vector<1xf32>
    %lt3A_2988 = vector.broadcast %squeeze3A_2987 : f32 to vector<16xf32>
    %lt3A_2989 = arith.cmpf olt, %lt3A_2988, %mul3A_2903 : vector<16xf32>
    %jit3A_2990 = arith.constant 1 : i32
    %jit3A_2991 = arith.constant 0 : i32
    %broadcast_in_dim3A_2992 = vector.broadcast %jit3A_2990 : i32 to vector<16xi32>
    %broadcast_in_dim3A_2993 = vector.broadcast %jit3A_2991 : i32 to vector<16xi32>
    %select_n3A_2994 = arith.select %lt3A_2989, %broadcast_in_dim3A_2992, %broadcast_in_dim3A_2993 : vector<16xi1>, vector<16xi32>
    %add3A_2995 = arith.addi %add3A_2985, %select_n3A_2994 : vector<16xi32>
    %slice3A_2996 = vector.extract_strided_slice %select_n3A {offsets = [9], sizes = [1], strides = [1]} : vector<16xf32> to vector<1xf32>
    %squeeze3A_2997 = vector.extract %slice3A_2996[0] : f32 from vector<1xf32>
    %lt3A_2998 = vector.broadcast %squeeze3A_2997 : f32 to vector<16xf32>
    %lt3A_2999 = arith.cmpf olt, %lt3A_2998, %mul3A_2903 : vector<16xf32>
    %jit3A_3000 = arith.constant 1 : i32
    %jit3A_3001 = arith.constant 0 : i32
    %broadcast_in_dim3A_3002 = vector.broadcast %jit3A_3000 : i32 to vector<16xi32>
    %broadcast_in_dim3A_3003 = vector.broadcast %jit3A_3001 : i32 to vector<16xi32>
    %select_n3A_3004 = arith.select %lt3A_2999, %broadcast_in_dim3A_3002, %broadcast_in_dim3A_3003 : vector<16xi1>, vector<16xi32>
    %add3A_3005 = arith.addi %add3A_2995, %select_n3A_3004 : vector<16xi32>
    %slice3A_3006 = vector.extract_strided_slice %select_n3A {offsets = [10], sizes = [1], strides = [1]} : vector<16xf32> to vector<1xf32>
    %squeeze3A_3007 = vector.extract %slice3A_3006[0] : f32 from vector<1xf32>
    %lt3A_3008 = vector.broadcast %squeeze3A_3007 : f32 to vector<16xf32>
    %lt3A_3009 = arith.cmpf olt, %lt3A_3008, %mul3A_2903 : vector<16xf32>
    %jit3A_3010 = arith.constant 1 : i32
    %jit3A_3011 = arith.constant 0 : i32
    %broadcast_in_dim3A_3012 = vector.broadcast %jit3A_3010 : i32 to vector<16xi32>
    %broadcast_in_dim3A_3013 = vector.broadcast %jit3A_3011 : i32 to vector<16xi32>
    %select_n3A_3014 = arith.select %lt3A_3009, %broadcast_in_dim3A_3012, %broadcast_in_dim3A_3013 : vector<16xi1>, vector<16xi32>
    %add3A_3015 = arith.addi %add3A_3005, %select_n3A_3014 : vector<16xi32>
    %slice3A_3016 = vector.extract_strided_slice %select_n3A {offsets = [11], sizes = [1], strides = [1]} : vector<16xf32> to vector<1xf32>
    %squeeze3A_3017 = vector.extract %slice3A_3016[0] : f32 from vector<1xf32>
    %lt3A_3018 = vector.broadcast %squeeze3A_3017 : f32 to vector<16xf32>
    %lt3A_3019 = arith.cmpf olt, %lt3A_3018, %mul3A_2903 : vector<16xf32>
    %jit3A_3020 = arith.constant 1 : i32
    %jit3A_3021 = arith.constant 0 : i32
    %broadcast_in_dim3A_3022 = vector.broadcast %jit3A_3020 : i32 to vector<16xi32>
    %broadcast_in_dim3A_3023 = vector.broadcast %jit3A_3021 : i32 to vector<16xi32>
    %select_n3A_3024 = arith.select %lt3A_3019, %broadcast_in_dim3A_3022, %broadcast_in_dim3A_3023 : vector<16xi1>, vector<16xi32>
    %add3A_3025 = arith.addi %add3A_3015, %select_n3A_3024 : vector<16xi32>
    %slice3A_3026 = vector.extract_strided_slice %select_n3A {offsets = [12], sizes = [1], strides = [1]} : vector<16xf32> to vector<1xf32>
    %squeeze3A_3027 = vector.extract %slice3A_3026[0] : f32 from vector<1xf32>
    %lt3A_3028 = vector.broadcast %squeeze3A_3027 : f32 to vector<16xf32>
    %lt3A_3029 = arith.cmpf olt, %lt3A_3028, %mul3A_2903 : vector<16xf32>
    %jit3A_3030 = arith.constant 1 : i32
    %jit3A_3031 = arith.constant 0 : i32
    %broadcast_in_dim3A_3032 = vector.broadcast %jit3A_3030 : i32 to vector<16xi32>
    %broadcast_in_dim3A_3033 = vector.broadcast %jit3A_3031 : i32 to vector<16xi32>
    %select_n3A_3034 = arith.select %lt3A_3029, %broadcast_in_dim3A_3032, %broadcast_in_dim3A_3033 : vector<16xi1>, vector<16xi32>
    %add3A_3035 = arith.addi %add3A_3025, %select_n3A_3034 : vector<16xi32>
    %slice3A_3036 = vector.extract_strided_slice %select_n3A {offsets = [13], sizes = [1], strides = [1]} : vector<16xf32> to vector<1xf32>
    %squeeze3A_3037 = vector.extract %slice3A_3036[0] : f32 from vector<1xf32>
    %lt3A_3038 = vector.broadcast %squeeze3A_3037 : f32 to vector<16xf32>
    %lt3A_3039 = arith.cmpf olt, %lt3A_3038, %mul3A_2903 : vector<16xf32>
    %jit3A_3040 = arith.constant 1 : i32
    %jit3A_3041 = arith.constant 0 : i32
    %broadcast_in_dim3A_3042 = vector.broadcast %jit3A_3040 : i32 to vector<16xi32>
    %broadcast_in_dim3A_3043 = vector.broadcast %jit3A_3041 : i32 to vector<16xi32>
    %select_n3A_3044 = arith.select %lt3A_3039, %broadcast_in_dim3A_3042, %broadcast_in_dim3A_3043 : vector<16xi1>, vector<16xi32>
    %add3A_3045 = arith.addi %add3A_3035, %select_n3A_3044 : vector<16xi32>
    %slice3A_3046 = vector.extract_strided_slice %select_n3A {offsets = [14], sizes = [1], strides = [1]} : vector<16xf32> to vector<1xf32>
    %squeeze3A_3047 = vector.extract %slice3A_3046[0] : f32 from vector<1xf32>
    %lt3A_3048 = vector.broadcast %squeeze3A_3047 : f32 to vector<16xf32>
    %lt3A_3049 = arith.cmpf olt, %lt3A_3048, %mul3A_2903 : vector<16xf32>
    %jit3A_3050 = arith.constant 1 : i32
    %jit3A_3051 = arith.constant 0 : i32
    %broadcast_in_dim3A_3052 = vector.broadcast %jit3A_3050 : i32 to vector<16xi32>
    %broadcast_in_dim3A_3053 = vector.broadcast %jit3A_3051 : i32 to vector<16xi32>
    %select_n3A_3054 = arith.select %lt3A_3049, %broadcast_in_dim3A_3052, %broadcast_in_dim3A_3053 : vector<16xi1>, vector<16xi32>
    %add3A_3055 = arith.addi %add3A_3045, %select_n3A_3054 : vector<16xi32>
    %gather3A_3056 = tpu.vector_load_idx %arg12[%add3A_3055] : memref<16xf32, #tpu.memory_space<vmem>>[vector<16xi32>], vector<16xf32>,
    %mul3A_3057 = arith.constant 1.280000e+02 : f32
    %mul3A_3058 = vector.broadcast %mul3A_3057 : f32 to vector<16xf32>
    %mul3A_3059 = arith.mulf %gather3A_3056, %mul3A_3058 : vector<16xf32>
    %swap3A_3060 = arith.constant 256 : index
    %swap3A_3061 = tpu.vector_load %arg8[%swap3A_3060] {strides = array<i32>} : memref<272xf32, #tpu.memory_space<vmem>>, vector<16xf32>,
    tpu.vector_store %arg8[%swap3A_3060], %mul3A_3059 {strides = array<i32>} : memref<272xf32, #tpu.memory_space<vmem>>, vector<16xf32>,
    %gather3A_3062 = tpu.vector_load_idx %arg11[%add3A_3055] : memref<16xf32, #tpu.memory_space<vmem>>[vector<16xi32>], vector<16xf32>,
    %swap3A_3063 = arith.constant 256 : index
    %swap3A_3064 = tpu.vector_load %arg9[%swap3A_3063] {strides = array<i32>} : memref<272xf32, #tpu.memory_space<vmem>>, vector<16xf32>,
    tpu.vector_store %arg9[%swap3A_3063], %gather3A_3062 {strides = array<i32>} : memref<272xf32, #tpu.memory_space<vmem>>, vector<16xf32>,
    %add3A_3065 = arith.constant 1 : i32
    %add3A_3066 = vector.broadcast %add3A_3065 : i32 to vector<16xi32>
    %add3A_3067 = arith.addi %add3A_3055, %add3A_3066 : vector<16xi32>
    %min3A_3068 = arith.constant 15 : i32
    %min3A_3069 = vector.broadcast %min3A_3068 : i32 to vector<16xi32>
    %min3A_3070 = arith.minsi %add3A_3067, %min3A_3069 : vector<16xi32>
    %gather3A_3071 = tpu.vector_load_idx %arg11[%min3A_3070] : memref<16xf32, #tpu.memory_space<vmem>>[vector<16xi32>], vector<16xf32>,
    %swap3A_3072 = arith.constant 256 : index
    %swap3A_3073 = tpu.vector_load %arg10[%swap3A_3072] {strides = array<i32>} : memref<272xf32, #tpu.memory_space<vmem>>, vector<16xf32>,
    tpu.vector_store %arg10[%swap3A_3072], %gather3A_3071 {strides = array<i32>} : memref<272xf32, #tpu.memory_space<vmem>>, vector<16xf32>,
    %mul3A_3074 = arith.constant 131072 : i32
    %mul3A_3075 = arith.muli %add3A, %mul3A_3074 : i32
    %add3A_3076 = arith.constant 0 : i32
    %add3A_3077 = arith.addi %mul3A_3075, %add3A_3076 : i32
    "tpu.region"() ({
      %run_scoped3A = tpu.sem_alloc : memref<!tpu.dma_semaphore, #tpu.memory_space<semaphore_mem>>
      %dma_start3A = tpu.memref_slice %arg2[%add3A_3077] : memref<4194304xf32, #tpu.memory_space<hbm>> -> memref<16384xf32, #tpu.memory_space<hbm>>
      %dma_start3A_3153 = tpu.memref_slice %arg2[%add3A_3077] : memref<4194304xf32, #tpu.memory_space<hbm>> -> memref<16384xf32, #tpu.memory_space<hbm>>
      tpu.enqueue_dma source(%dma_start3A_3153 : memref<16384xf32, #tpu.memory_space<hbm>>) target(%arg6 : memref<16384xf32, #tpu.memory_space<vmem>>) target_semaphore(%run_scoped3A : memref<!tpu.dma_semaphore, #tpu.memory_space<semaphore_mem>>)
      %dma_wait3A = tpu.memref_slice %arg2[%add3A_3077] : memref<4194304xf32, #tpu.memory_space<hbm>> -> memref<16384xf32, #tpu.memory_space<hbm>>
      %dma_wait3A_3154 = tpu.memref_slice %arg2[%add3A_3077] : memref<4194304xf32, #tpu.memory_space<hbm>> -> memref<16384xf32, #tpu.memory_space<hbm>>
      tpu.wait_dma2 semaphore(%run_scoped3A : memref<!tpu.dma_semaphore, #tpu.memory_space<semaphore_mem>>) src(%dma_wait3A_3154 : memref<16384xf32, #tpu.memory_space<hbm>>) dst(%arg6 : memref<16384xf32, #tpu.memory_space<vmem>>)
      tpu.yield
    }) : () -> ()
    %scan3A = arith.constant 0 : i32
    %scan3A_3078 = arith.constant 0 : i32
    %scan3A_3079 = arith.constant 256 : i32
    %scan3A_3080 = arith.addi %scan3A_3078, %scan3A_3079 : i32
    %scan3A_3081 = arith.constant 1 : i32
    scf.for %scan3A_3153 = %scan3A_3078 to %scan3A_3080 step %scan3A_3081  : i32 {
      %mul3A_3154 = arith.constant 64 : i32
      %mul3A_3155 = arith.muli %scan3A_3153, %mul3A_3154 : i32
      %get3A_3156 = arith.index_cast %mul3A_3155 : i32 to index
      %get3A_3157 = tpu.vector_load %arg6[%get3A_3156] {strides = array<i32>} : memref<16384xf32, #tpu.memory_space<vmem>>, vector<16xf32>,
      %add3A_3158 = arith.constant 16 : i32
      %add3A_3159 = arith.addi %mul3A_3155, %add3A_3158 : i32
      %get3A_3160 = arith.index_cast %add3A_3159 : i32 to index
      %get3A_3161 = tpu.vector_load %arg6[%get3A_3160] {strides = array<i32>} : memref<16384xf32, #tpu.memory_space<vmem>>, vector<16xf32>,
      %add3A_3162 = arith.constant 32 : i32
      %add3A_3163 = arith.addi %mul3A_3155, %add3A_3162 : i32
      %get3A_3164 = arith.index_cast %add3A_3163 : i32 to index
      %get3A_3165 = tpu.vector_load %arg6[%get3A_3164] {strides = array<i32>} : memref<16384xf32, #tpu.memory_space<vmem>>, vector<16xf32>,
      %add3A_3166 = arith.constant 48 : i32
      %add3A_3167 = arith.addi %mul3A_3155, %add3A_3166 : i32
      %get3A_3168 = arith.index_cast %add3A_3167 : i32 to index
      %get3A_3169 = tpu.vector_load %arg6[%get3A_3168] {strides = array<i32>} : memref<16384xf32, #tpu.memory_space<vmem>>, vector<16xf32>,
      %abs3A = math.absf %get3A_3157 : vector<16xf32>
      %abs3A_3170 = math.absf %get3A_3161 : vector<16xf32>
      %max3A = arith.maximumf %abs3A, %abs3A_3170 : vector<16xf32>
      %abs3A_3171 = math.absf %get3A_3165 : vector<16xf32>
      %abs3A_3172 = math.absf %get3A_3169 : vector<16xf32>
      %max3A_3173 = arith.maximumf %abs3A_3171, %abs3A_3172 : vector<16xf32>
      %max3A_3174 = arith.maximumf %max3A, %max3A_3173 : vector<16xf32>
      %reduce_max3A = arith.constant true
      %reduce_max3A_3175 = vector.broadcast %reduce_max3A : i1 to vector<16xi1>
      %reduce_max3A_3176 = tpu.scan <max>, %max3A_3174 masked %reduce_max3A_3175 : vector<16xf32>, vector<16xi1> -> vector<16xf32>
      %reduce_max3A_3177 = vector.extract %reduce_max3A_3176[15] : f32 from vector<16xf32>
      %broadcast_in_dim3A_3178 = vector.broadcast %reduce_max3A_3177 : f32 to vector<16xf32>
      %mul3A_3179 = arith.mulf %broadcast_in_dim3A_3178, %exp3A : vector<16xf32>
      %max3A_3180 = arith.constant 9.99999997E-7 : f32
      %max3A_3181 = vector.broadcast %max3A_3180 : f32 to vector<16xf32>
      %max3A_3182 = arith.maximumf %mul3A_3179, %max3A_3181 : vector<16xf32>
      %div3A = arith.constant 1.280000e+02 : f32
      %div3A_3183 = vector.broadcast %div3A : f32 to vector<16xf32>
      %div3A_3184 = arith.divf %div3A_3183, %max3A_3182 : vector<16xf32>
      %mul3A_3185 = arith.mulf %get3A_3157, %div3A_3184 : vector<16xf32>
      %jit3A_3186 = arith.constant -1.280000e+02 : f32
      %jit3A_3187 = arith.constant 1.280000e+02 : f32
      %max3A_3188 = vector.broadcast %jit3A_3186 : f32 to vector<16xf32>
      %max3A_3189 = arith.maximumf %max3A_3188, %mul3A_3185 : vector<16xf32>
      %min3A_3190 = vector.broadcast %jit3A_3187 : f32 to vector<16xf32>
      %min3A_3191 = arith.minimumf %min3A_3190, %max3A_3189 : vector<16xf32>
      %add3A_3192 = arith.constant 1.280000e+02 : f32
      %add3A_3193 = vector.broadcast %add3A_3192 : f32 to vector<16xf32>
      %add3A_3194 = arith.addf %min3A_3191, %add3A_3193 : vector<16xf32>
      %convert_element_type3A_3195 = arith.fptosi %add3A_3194 : vector<16xf32> to vector<16xi32>
      %gather3A_3196 = tpu.vector_load_idx %arg8[%convert_element_type3A_3195] : memref<272xf32, #tpu.memory_space<vmem>>[vector<16xi32>], vector<16xf32>,
      %gather3A_3197 = tpu.vector_load_idx %arg9[%convert_element_type3A_3195] : memref<272xf32, #tpu.memory_space<vmem>>[vector<16xi32>], vector<16xf32>,
      %gather3A_3198 = tpu.vector_load_idx %arg10[%convert_element_type3A_3195] : memref<272xf32, #tpu.memory_space<vmem>>[vector<16xi32>], vector<16xf32>,
      %gt3A = arith.cmpf ogt, %min3A_3191, %gather3A_3196 : vector<16xf32>
      %select_n3A_3199 = arith.select %gt3A, %gather3A_3198, %gather3A_3197 : vector<16xi1>, vector<16xf32>
      %mul3A_3200 = arith.mulf %select_n3A_3199, %max3A_3182 : vector<16xf32>
      %add3A_3201 = arith.constant 0 : i32
      %add3A_3202 = arith.addi %mul3A_3155, %add3A_3201 : i32
      %swap3A_3203 = arith.index_cast %add3A_3202 : i32 to index
      %swap3A_3204 = tpu.vector_load %arg7[%swap3A_3203] {strides = array<i32>} : memref<16384xf32, #tpu.memory_space<vmem>>, vector<16xf32>,
      tpu.vector_store %arg7[%swap3A_3203], %mul3A_3200 {strides = array<i32>} : memref<16384xf32, #tpu.memory_space<vmem>>, vector<16xf32>,
      %mul3A_3205 = arith.mulf %get3A_3161, %div3A_3184 : vector<16xf32>
      %jit3A_3206 = arith.constant -1.280000e+02 : f32
      %jit3A_3207 = arith.constant 1.280000e+02 : f32
      %max3A_3208 = vector.broadcast %jit3A_3206 : f32 to vector<16xf32>
      %max3A_3209 = arith.maximumf %max3A_3208, %mul3A_3205 : vector<16xf32>
      %min3A_3210 = vector.broadcast %jit3A_3207 : f32 to vector<16xf32>
      %min3A_3211 = arith.minimumf %min3A_3210, %max3A_3209 : vector<16xf32>
      %add3A_3212 = arith.constant 1.280000e+02 : f32
      %add3A_3213 = vector.broadcast %add3A_3212 : f32 to vector<16xf32>
      %add3A_3214 = arith.addf %min3A_3211, %add3A_3213 : vector<16xf32>
      %convert_element_type3A_3215 = arith.fptosi %add3A_3214 : vector<16xf32> to vector<16xi32>
      %gather3A_3216 = tpu.vector_load_idx %arg8[%convert_element_type3A_3215] : memref<272xf32, #tpu.memory_space<vmem>>[vector<16xi32>], vector<16xf32>,
      %gather3A_3217 = tpu.vector_load_idx %arg9[%convert_element_type3A_3215] : memref<272xf32, #tpu.memory_space<vmem>>[vector<16xi32>], vector<16xf32>,
      %gather3A_3218 = tpu.vector_load_idx %arg10[%convert_element_type3A_3215] : memref<272xf32, #tpu.memory_space<vmem>>[vector<16xi32>], vector<16xf32>,
      %gt3A_3219 = arith.cmpf ogt, %min3A_3211, %gather3A_3216 : vector<16xf32>
      %select_n3A_3220 = arith.select %gt3A_3219, %gather3A_3218, %gather3A_3217 : vector<16xi1>, vector<16xf32>
      %mul3A_3221 = arith.mulf %select_n3A_3220, %max3A_3182 : vector<16xf32>
      %add3A_3222 = arith.constant 16 : i32
      %add3A_3223 = arith.addi %mul3A_3155, %add3A_3222 : i32
      %swap3A_3224 = arith.index_cast %add3A_3223 : i32 to index
      %swap3A_3225 = tpu.vector_load %arg7[%swap3A_3224] {strides = array<i32>} : memref<16384xf32, #tpu.memory_space<vmem>>, vector<16xf32>,
      tpu.vector_store %arg7[%swap3A_3224], %mul3A_3221 {strides = array<i32>} : memref<16384xf32, #tpu.memory_space<vmem>>, vector<16xf32>,
      %mul3A_3226 = arith.mulf %get3A_3165, %div3A_3184 : vector<16xf32>
      %jit3A_3227 = arith.constant -1.280000e+02 : f32
      %jit3A_3228 = arith.constant 1.280000e+02 : f32
      %max3A_3229 = vector.broadcast %jit3A_3227 : f32 to vector<16xf32>
      %max3A_3230 = arith.maximumf %max3A_3229, %mul3A_3226 : vector<16xf32>
      %min3A_3231 = vector.broadcast %jit3A_3228 : f32 to vector<16xf32>
      %min3A_3232 = arith.minimumf %min3A_3231, %max3A_3230 : vector<16xf32>
      %add3A_3233 = arith.constant 1.280000e+02 : f32
      %add3A_3234 = vector.broadcast %add3A_3233 : f32 to vector<16xf32>
      %add3A_3235 = arith.addf %min3A_3232, %add3A_3234 : vector<16xf32>
      %convert_element_type3A_3236 = arith.fptosi %add3A_3235 : vector<16xf32> to vector<16xi32>
      %gather3A_3237 = tpu.vector_load_idx %arg8[%convert_element_type3A_3236] : memref<272xf32, #tpu.memory_space<vmem>>[vector<16xi32>], vector<16xf32>,
      %gather3A_3238 = tpu.vector_load_idx %arg9[%convert_element_type3A_3236] : memref<272xf32, #tpu.memory_space<vmem>>[vector<16xi32>], vector<16xf32>,
      %gather3A_3239 = tpu.vector_load_idx %arg10[%convert_element_type3A_3236] : memref<272xf32, #tpu.memory_space<vmem>>[vector<16xi32>], vector<16xf32>,
      %gt3A_3240 = arith.cmpf ogt, %min3A_3232, %gather3A_3237 : vector<16xf32>
      %select_n3A_3241 = arith.select %gt3A_3240, %gather3A_3239, %gather3A_3238 : vector<16xi1>, vector<16xf32>
      %mul3A_3242 = arith.mulf %select_n3A_3241, %max3A_3182 : vector<16xf32>
      %add3A_3243 = arith.constant 32 : i32
      %add3A_3244 = arith.addi %mul3A_3155, %add3A_3243 : i32
      %swap3A_3245 = arith.index_cast %add3A_3244 : i32 to index
      %swap3A_3246 = tpu.vector_load %arg7[%swap3A_3245] {strides = array<i32>} : memref<16384xf32, #tpu.memory_space<vmem>>, vector<16xf32>,
      tpu.vector_store %arg7[%swap3A_3245], %mul3A_3242 {strides = array<i32>} : memref<16384xf32, #tpu.memory_space<vmem>>, vector<16xf32>,
      %mul3A_3247 = arith.mulf %get3A_3169, %div3A_3184 : vector<16xf32>
      %jit3A_3248 = arith.constant -1.280000e+02 : f32
      %jit3A_3249 = arith.constant 1.280000e+02 : f32
      %max3A_3250 = vector.broadcast %jit3A_3248 : f32 to vector<16xf32>
      %max3A_3251 = arith.maximumf %max3A_3250, %mul3A_3247 : vector<16xf32>
      %min3A_3252 = vector.broadcast %jit3A_3249 : f32 to vector<16xf32>
      %min3A_3253 = arith.minimumf %min3A_3252, %max3A_3251 : vector<16xf32>
      %add3A_3254 = arith.constant 1.280000e+02 : f32
      %add3A_3255 = vector.broadcast %add3A_3254 : f32 to vector<16xf32>
      %add3A_3256 = arith.addf %min3A_3253, %add3A_3255 : vector<16xf32>
      %convert_element_type3A_3257 = arith.fptosi %add3A_3256 : vector<16xf32> to vector<16xi32>
      %gather3A_3258 = tpu.vector_load_idx %arg8[%convert_element_type3A_3257] : memref<272xf32, #tpu.memory_space<vmem>>[vector<16xi32>], vector<16xf32>,
      %gather3A_3259 = tpu.vector_load_idx %arg9[%convert_element_type3A_3257] : memref<272xf32, #tpu.memory_space<vmem>>[vector<16xi32>], vector<16xf32>,
      %gather3A_3260 = tpu.vector_load_idx %arg10[%convert_element_type3A_3257] : memref<272xf32, #tpu.memory_space<vmem>>[vector<16xi32>], vector<16xf32>,
      %gt3A_3261 = arith.cmpf ogt, %min3A_3253, %gather3A_3258 : vector<16xf32>
      %select_n3A_3262 = arith.select %gt3A_3261, %gather3A_3260, %gather3A_3259 : vector<16xi1>, vector<16xf32>
      %mul3A_3263 = arith.mulf %select_n3A_3262, %max3A_3182 : vector<16xf32>
      %add3A_3264 = arith.constant 48 : i32
      %add3A_3265 = arith.addi %mul3A_3155, %add3A_3264 : i32
      %swap3A_3266 = arith.index_cast %add3A_3265 : i32 to index
      %swap3A_3267 = tpu.vector_load %arg7[%swap3A_3266] {strides = array<i32>} : memref<16384xf32, #tpu.memory_space<vmem>>, vector<16xf32>,
      tpu.vector_store %arg7[%swap3A_3266], %mul3A_3263 {strides = array<i32>} : memref<16384xf32, #tpu.memory_space<vmem>>, vector<16xf32>,
    }
    %scan3A_3082 = arith.constant 256 : i32
    "tpu.region"() ({
      %run_scoped3A = tpu.sem_alloc : memref<!tpu.dma_semaphore, #tpu.memory_space<semaphore_mem>>
      %dma_start3A = tpu.memref_slice %arg5[%add3A_3077] : memref<4194304xf32, #tpu.memory_space<hbm>> -> memref<16384xf32, #tpu.memory_space<hbm>>
      %dma_start3A_3153 = tpu.memref_slice %arg5[%add3A_3077] : memref<4194304xf32, #tpu.memory_space<hbm>> -> memref<16384xf32, #tpu.memory_space<hbm>>
      tpu.enqueue_dma source(%arg7 : memref<16384xf32, #tpu.memory_space<vmem>>) target(%dma_start3A_3153 : memref<16384xf32, #tpu.memory_space<hbm>>) target_semaphore(%run_scoped3A : memref<!tpu.dma_semaphore, #tpu.memory_space<semaphore_mem>>)
      %dma_wait3A = tpu.memref_slice %arg5[%add3A_3077] : memref<4194304xf32, #tpu.memory_space<hbm>> -> memref<16384xf32, #tpu.memory_space<hbm>>
      %dma_wait3A_3154 = tpu.memref_slice %arg5[%add3A_3077] : memref<4194304xf32, #tpu.memory_space<hbm>> -> memref<16384xf32, #tpu.memory_space<hbm>>
      tpu.wait_dma2 semaphore(%run_scoped3A : memref<!tpu.dma_semaphore, #tpu.memory_space<semaphore_mem>>) src(%arg7 : memref<16384xf32, #tpu.memory_space<vmem>>) dst(%dma_wait3A_3154 : memref<16384xf32, #tpu.memory_space<hbm>>)
      tpu.yield
    }) : () -> ()
    %mul3A_3083 = arith.constant 131072 : i32
    %mul3A_3084 = arith.muli %add3A, %mul3A_3083 : i32
    %add3A_3085 = arith.constant 16384 : i32
    %add3A_3086 = arith.addi %mul3A_3084, %add3A_3085 : i32
    "tpu.region"() ({
      %run_scoped3A = tpu.sem_alloc : memref<!tpu.dma_semaphore, #tpu.memory_space<semaphore_mem>>
      %dma_start3A = tpu.memref_slice %arg2[%add3A_3086] : memref<4194304xf32, #tpu.memory_space<hbm>> -> memref<16384xf32, #tpu.memory_space<hbm>>
      %dma_start3A_3153 = tpu.memref_slice %arg2[%add3A_3086] : memref<4194304xf32, #tpu.memory_space<hbm>> -> memref<16384xf32, #tpu.memory_space<hbm>>
      tpu.enqueue_dma source(%dma_start3A_3153 : memref<16384xf32, #tpu.memory_space<hbm>>) target(%arg6 : memref<16384xf32, #tpu.memory_space<vmem>>) target_semaphore(%run_scoped3A : memref<!tpu.dma_semaphore, #tpu.memory_space<semaphore_mem>>)
      %dma_wait3A = tpu.memref_slice %arg2[%add3A_3086] : memref<4194304xf32, #tpu.memory_space<hbm>> -> memref<16384xf32, #tpu.memory_space<hbm>>
      %dma_wait3A_3154 = tpu.memref_slice %arg2[%add3A_3086] : memref<4194304xf32, #tpu.memory_space<hbm>> -> memref<16384xf32, #tpu.memory_space<hbm>>
      tpu.wait_dma2 semaphore(%run_scoped3A : memref<!tpu.dma_semaphore, #tpu.memory_space<semaphore_mem>>) src(%dma_wait3A_3154 : memref<16384xf32, #tpu.memory_space<hbm>>) dst(%arg6 : memref<16384xf32, #tpu.memory_space<vmem>>)
      tpu.yield
    }) : () -> ()
    %scan3A_3087 = arith.constant 0 : i32
    %scan3A_3088 = arith.constant 0 : i32
    %scan3A_3089 = arith.constant 256 : i32
    %scan3A_3090 = arith.addi %scan3A_3088, %scan3A_3089 : i32
    %scan3A_3091 = arith.constant 1 : i32
    scf.for %scan3A_3153 = %scan3A_3088 to %scan3A_3090 step %scan3A_3091  : i32 {
      %mul3A_3154 = arith.constant 64 : i32
      %mul3A_3155 = arith.muli %scan3A_3153, %mul3A_3154 : i32
      %get3A_3156 = arith.index_cast %mul3A_3155 : i32 to index
      %get3A_3157 = tpu.vector_load %arg6[%get3A_3156] {strides = array<i32>} : memref<16384xf32, #tpu.memory_space<vmem>>, vector<16xf32>,
      %add3A_3158 = arith.constant 16 : i32
      %add3A_3159 = arith.addi %mul3A_3155, %add3A_3158 : i32
      %get3A_3160 = arith.index_cast %add3A_3159 : i32 to index
      %get3A_3161 = tpu.vector_load %arg6[%get3A_3160] {strides = array<i32>} : memref<16384xf32, #tpu.memory_space<vmem>>, vector<16xf32>,
      %add3A_3162 = arith.constant 32 : i32
      %add3A_3163 = arith.addi %mul3A_3155, %add3A_3162 : i32
      %get3A_3164 = arith.index_cast %add3A_3163 : i32 to index
      %get3A_3165 = tpu.vector_load %arg6[%get3A_3164] {strides = array<i32>} : memref<16384xf32, #tpu.memory_space<vmem>>, vector<16xf32>,
      %add3A_3166 = arith.constant 48 : i32
      %add3A_3167 = arith.addi %mul3A_3155, %add3A_3166 : i32
      %get3A_3168 = arith.index_cast %add3A_3167 : i32 to index
      %get3A_3169 = tpu.vector_load %arg6[%get3A_3168] {strides = array<i32>} : memref<16384xf32, #tpu.memory_space<vmem>>, vector<16xf32>,
      %abs3A = math.absf %get3A_3157 : vector<16xf32>
      %abs3A_3170 = math.absf %get3A_3161 : vector<16xf32>
      %max3A = arith.maximumf %abs3A, %abs3A_3170 : vector<16xf32>
      %abs3A_3171 = math.absf %get3A_3165 : vector<16xf32>
      %abs3A_3172 = math.absf %get3A_3169 : vector<16xf32>
      %max3A_3173 = arith.maximumf %abs3A_3171, %abs3A_3172 : vector<16xf32>
      %max3A_3174 = arith.maximumf %max3A, %max3A_3173 : vector<16xf32>
      %reduce_max3A = arith.constant true
      %reduce_max3A_3175 = vector.broadcast %reduce_max3A : i1 to vector<16xi1>
      %reduce_max3A_3176 = tpu.scan <max>, %max3A_3174 masked %reduce_max3A_3175 : vector<16xf32>, vector<16xi1> -> vector<16xf32>
      %reduce_max3A_3177 = vector.extract %reduce_max3A_3176[15] : f32 from vector<16xf32>
      %broadcast_in_dim3A_3178 = vector.broadcast %reduce_max3A_3177 : f32 to vector<16xf32>
      %mul3A_3179 = arith.mulf %broadcast_in_dim3A_3178, %exp3A : vector<16xf32>
      %max3A_3180 = arith.constant 9.99999997E-7 : f32
      %max3A_3181 = vector.broadcast %max3A_3180 : f32 to vector<16xf32>
      %max3A_3182 = arith.maximumf %mul3A_3179, %max3A_3181 : vector<16xf32>
      %div3A = arith.constant 1.280000e+02 : f32
      %div3A_3183 = vector.broadcast %div3A : f32 to vector<16xf32>
      %div3A_3184 = arith.divf %div3A_3183, %max3A_3182 : vector<16xf32>
      %mul3A_3185 = arith.mulf %get3A_3157, %div3A_3184 : vector<16xf32>
      %jit3A_3186 = arith.constant -1.280000e+02 : f32
      %jit3A_3187 = arith.constant 1.280000e+02 : f32
      %max3A_3188 = vector.broadcast %jit3A_3186 : f32 to vector<16xf32>
      %max3A_3189 = arith.maximumf %max3A_3188, %mul3A_3185 : vector<16xf32>
      %min3A_3190 = vector.broadcast %jit3A_3187 : f32 to vector<16xf32>
      %min3A_3191 = arith.minimumf %min3A_3190, %max3A_3189 : vector<16xf32>
      %add3A_3192 = arith.constant 1.280000e+02 : f32
      %add3A_3193 = vector.broadcast %add3A_3192 : f32 to vector<16xf32>
      %add3A_3194 = arith.addf %min3A_3191, %add3A_3193 : vector<16xf32>
      %convert_element_type3A_3195 = arith.fptosi %add3A_3194 : vector<16xf32> to vector<16xi32>
      %gather3A_3196 = tpu.vector_load_idx %arg8[%convert_element_type3A_3195] : memref<272xf32, #tpu.memory_space<vmem>>[vector<16xi32>], vector<16xf32>,
      %gather3A_3197 = tpu.vector_load_idx %arg9[%convert_element_type3A_3195] : memref<272xf32, #tpu.memory_space<vmem>>[vector<16xi32>], vector<16xf32>,
      %gather3A_3198 = tpu.vector_load_idx %arg10[%convert_element_type3A_3195] : memref<272xf32, #tpu.memory_space<vmem>>[vector<16xi32>], vector<16xf32>,
      %gt3A = arith.cmpf ogt, %min3A_3191, %gather3A_3196 : vector<16xf32>
      %select_n3A_3199 = arith.select %gt3A, %gather3A_3198, %gather3A_3197 : vector<16xi1>, vector<16xf32>
      %mul3A_3200 = arith.mulf %select_n3A_3199, %max3A_3182 : vector<16xf32>
      %add3A_3201 = arith.constant 0 : i32
      %add3A_3202 = arith.addi %mul3A_3155, %add3A_3201 : i32
      %swap3A_3203 = arith.index_cast %add3A_3202 : i32 to index
      %swap3A_3204 = tpu.vector_load %arg7[%swap3A_3203] {strides = array<i32>} : memref<16384xf32, #tpu.memory_space<vmem>>, vector<16xf32>,
      tpu.vector_store %arg7[%swap3A_3203], %mul3A_3200 {strides = array<i32>} : memref<16384xf32, #tpu.memory_space<vmem>>, vector<16xf32>,
      %mul3A_3205 = arith.mulf %get3A_3161, %div3A_3184 : vector<16xf32>
      %jit3A_3206 = arith.constant -1.280000e+02 : f32
      %jit3A_3207 = arith.constant 1.280000e+02 : f32
      %max3A_3208 = vector.broadcast %jit3A_3206 : f32 to vector<16xf32>
      %max3A_3209 = arith.maximumf %max3A_3208, %mul3A_3205 : vector<16xf32>
      %min3A_3210 = vector.broadcast %jit3A_3207 : f32 to vector<16xf32>
      %min3A_3211 = arith.minimumf %min3A_3210, %max3A_3209 : vector<16xf32>
      %add3A_3212 = arith.constant 1.280000e+02 : f32
      %add3A_3213 = vector.broadcast %add3A_3212 : f32 to vector<16xf32>
      %add3A_3214 = arith.addf %min3A_3211, %add3A_3213 : vector<16xf32>
      %convert_element_type3A_3215 = arith.fptosi %add3A_3214 : vector<16xf32> to vector<16xi32>
      %gather3A_3216 = tpu.vector_load_idx %arg8[%convert_element_type3A_3215] : memref<272xf32, #tpu.memory_space<vmem>>[vector<16xi32>], vector<16xf32>,
      %gather3A_3217 = tpu.vector_load_idx %arg9[%convert_element_type3A_3215] : memref<272xf32, #tpu.memory_space<vmem>>[vector<16xi32>], vector<16xf32>,
      %gather3A_3218 = tpu.vector_load_idx %arg10[%convert_element_type3A_3215] : memref<272xf32, #tpu.memory_space<vmem>>[vector<16xi32>], vector<16xf32>,
      %gt3A_3219 = arith.cmpf ogt, %min3A_3211, %gather3A_3216 : vector<16xf32>
      %select_n3A_3220 = arith.select %gt3A_3219, %gather3A_3218, %gather3A_3217 : vector<16xi1>, vector<16xf32>
      %mul3A_3221 = arith.mulf %select_n3A_3220, %max3A_3182 : vector<16xf32>
      %add3A_3222 = arith.constant 16 : i32
      %add3A_3223 = arith.addi %mul3A_3155, %add3A_3222 : i32
      %swap3A_3224 = arith.index_cast %add3A_3223 : i32 to index
      %swap3A_3225 = tpu.vector_load %arg7[%swap3A_3224] {strides = array<i32>} : memref<16384xf32, #tpu.memory_space<vmem>>, vector<16xf32>,
      tpu.vector_store %arg7[%swap3A_3224], %mul3A_3221 {strides = array<i32>} : memref<16384xf32, #tpu.memory_space<vmem>>, vector<16xf32>,
      %mul3A_3226 = arith.mulf %get3A_3165, %div3A_3184 : vector<16xf32>
      %jit3A_3227 = arith.constant -1.280000e+02 : f32
      %jit3A_3228 = arith.constant 1.280000e+02 : f32
      %max3A_3229 = vector.broadcast %jit3A_3227 : f32 to vector<16xf32>
      %max3A_3230 = arith.maximumf %max3A_3229, %mul3A_3226 : vector<16xf32>
      %min3A_3231 = vector.broadcast %jit3A_3228 : f32 to vector<16xf32>
      %min3A_3232 = arith.minimumf %min3A_3231, %max3A_3230 : vector<16xf32>
      %add3A_3233 = arith.constant 1.280000e+02 : f32
      %add3A_3234 = vector.broadcast %add3A_3233 : f32 to vector<16xf32>
      %add3A_3235 = arith.addf %min3A_3232, %add3A_3234 : vector<16xf32>
      %convert_element_type3A_3236 = arith.fptosi %add3A_3235 : vector<16xf32> to vector<16xi32>
      %gather3A_3237 = tpu.vector_load_idx %arg8[%convert_element_type3A_3236] : memref<272xf32, #tpu.memory_space<vmem>>[vector<16xi32>], vector<16xf32>,
      %gather3A_3238 = tpu.vector_load_idx %arg9[%convert_element_type3A_3236] : memref<272xf32, #tpu.memory_space<vmem>>[vector<16xi32>], vector<16xf32>,
      %gather3A_3239 = tpu.vector_load_idx %arg10[%convert_element_type3A_3236] : memref<272xf32, #tpu.memory_space<vmem>>[vector<16xi32>], vector<16xf32>,
      %gt3A_3240 = arith.cmpf ogt, %min3A_3232, %gather3A_3237 : vector<16xf32>
      %select_n3A_3241 = arith.select %gt3A_3240, %gather3A_3239, %gather3A_3238 : vector<16xi1>, vector<16xf32>
      %mul3A_3242 = arith.mulf %select_n3A_3241, %max3A_3182 : vector<16xf32>
      %add3A_3243 = arith.constant 32 : i32
      %add3A_3244 = arith.addi %mul3A_3155, %add3A_3243 : i32
      %swap3A_3245 = arith.index_cast %add3A_3244 : i32 to index
      %swap3A_3246 = tpu.vector_load %arg7[%swap3A_3245] {strides = array<i32>} : memref<16384xf32, #tpu.memory_space<vmem>>, vector<16xf32>,
      tpu.vector_store %arg7[%swap3A_3245], %mul3A_3242 {strides = array<i32>} : memref<16384xf32, #tpu.memory_space<vmem>>, vector<16xf32>,
      %mul3A_3247 = arith.mulf %get3A_3169, %div3A_3184 : vector<16xf32>
      %jit3A_3248 = arith.constant -1.280000e+02 : f32
      %jit3A_3249 = arith.constant 1.280000e+02 : f32
      %max3A_3250 = vector.broadcast %jit3A_3248 : f32 to vector<16xf32>
      %max3A_3251 = arith.maximumf %max3A_3250, %mul3A_3247 : vector<16xf32>
      %min3A_3252 = vector.broadcast %jit3A_3249 : f32 to vector<16xf32>
      %min3A_3253 = arith.minimumf %min3A_3252, %max3A_3251 : vector<16xf32>
      %add3A_3254 = arith.constant 1.280000e+02 : f32
      %add3A_3255 = vector.broadcast %add3A_3254 : f32 to vector<16xf32>
      %add3A_3256 = arith.addf %min3A_3253, %add3A_3255 : vector<16xf32>
      %convert_element_type3A_3257 = arith.fptosi %add3A_3256 : vector<16xf32> to vector<16xi32>
      %gather3A_3258 = tpu.vector_load_idx %arg8[%convert_element_type3A_3257] : memref<272xf32, #tpu.memory_space<vmem>>[vector<16xi32>], vector<16xf32>,
      %gather3A_3259 = tpu.vector_load_idx %arg9[%convert_element_type3A_3257] : memref<272xf32, #tpu.memory_space<vmem>>[vector<16xi32>], vector<16xf32>,
      %gather3A_3260 = tpu.vector_load_idx %arg10[%convert_element_type3A_3257] : memref<272xf32, #tpu.memory_space<vmem>>[vector<16xi32>], vector<16xf32>,
      %gt3A_3261 = arith.cmpf ogt, %min3A_3253, %gather3A_3258 : vector<16xf32>
      %select_n3A_3262 = arith.select %gt3A_3261, %gather3A_3260, %gather3A_3259 : vector<16xi1>, vector<16xf32>
      %mul3A_3263 = arith.mulf %select_n3A_3262, %max3A_3182 : vector<16xf32>
      %add3A_3264 = arith.constant 48 : i32
      %add3A_3265 = arith.addi %mul3A_3155, %add3A_3264 : i32
      %swap3A_3266 = arith.index_cast %add3A_3265 : i32 to index
      %swap3A_3267 = tpu.vector_load %arg7[%swap3A_3266] {strides = array<i32>} : memref<16384xf32, #tpu.memory_space<vmem>>, vector<16xf32>,
      tpu.vector_store %arg7[%swap3A_3266], %mul3A_3263 {strides = array<i32>} : memref<16384xf32, #tpu.memory_space<vmem>>, vector<16xf32>,
    }
    %scan3A_3092 = arith.constant 256 : i32
    "tpu.region"() ({
      %run_scoped3A = tpu.sem_alloc : memref<!tpu.dma_semaphore, #tpu.memory_space<semaphore_mem>>
      %dma_start3A = tpu.memref_slice %arg5[%add3A_3086] : memref<4194304xf32, #tpu.memory_space<hbm>> -> memref<16384xf32, #tpu.memory_space<hbm>>
      %dma_start3A_3153 = tpu.memref_slice %arg5[%add3A_3086] : memref<4194304xf32, #tpu.memory_space<hbm>> -> memref<16384xf32, #tpu.memory_space<hbm>>
      tpu.enqueue_dma source(%arg7 : memref<16384xf32, #tpu.memory_space<vmem>>) target(%dma_start3A_3153 : memref<16384xf32, #tpu.memory_space<hbm>>) target_semaphore(%run_scoped3A : memref<!tpu.dma_semaphore, #tpu.memory_space<semaphore_mem>>)
      %dma_wait3A = tpu.memref_slice %arg5[%add3A_3086] : memref<4194304xf32, #tpu.memory_space<hbm>> -> memref<16384xf32, #tpu.memory_space<hbm>>
      %dma_wait3A_3154 = tpu.memref_slice %arg5[%add3A_3086] : memref<4194304xf32, #tpu.memory_space<hbm>> -> memref<16384xf32, #tpu.memory_space<hbm>>
      tpu.wait_dma2 semaphore(%run_scoped3A : memref<!tpu.dma_semaphore, #tpu.memory_space<semaphore_mem>>) src(%arg7 : memref<16384xf32, #tpu.memory_space<vmem>>) dst(%dma_wait3A_3154 : memref<16384xf32, #tpu.memory_space<hbm>>)
      tpu.yield
    }) : () -> ()
    %mul3A_3093 = arith.constant 131072 : i32
    %mul3A_3094 = arith.muli %add3A, %mul3A_3093 : i32
    %add3A_3095 = arith.constant 32768 : i32
    %add3A_3096 = arith.addi %mul3A_3094, %add3A_3095 : i32
    "tpu.region"() ({
      %run_scoped3A = tpu.sem_alloc : memref<!tpu.dma_semaphore, #tpu.memory_space<semaphore_mem>>
      %dma_start3A = tpu.memref_slice %arg2[%add3A_3096] : memref<4194304xf32, #tpu.memory_space<hbm>> -> memref<16384xf32, #tpu.memory_space<hbm>>
      %dma_start3A_3153 = tpu.memref_slice %arg2[%add3A_3096] : memref<4194304xf32, #tpu.memory_space<hbm>> -> memref<16384xf32, #tpu.memory_space<hbm>>
      tpu.enqueue_dma source(%dma_start3A_3153 : memref<16384xf32, #tpu.memory_space<hbm>>) target(%arg6 : memref<16384xf32, #tpu.memory_space<vmem>>) target_semaphore(%run_scoped3A : memref<!tpu.dma_semaphore, #tpu.memory_space<semaphore_mem>>)
      %dma_wait3A = tpu.memref_slice %arg2[%add3A_3096] : memref<4194304xf32, #tpu.memory_space<hbm>> -> memref<16384xf32, #tpu.memory_space<hbm>>
      %dma_wait3A_3154 = tpu.memref_slice %arg2[%add3A_3096] : memref<4194304xf32, #tpu.memory_space<hbm>> -> memref<16384xf32, #tpu.memory_space<hbm>>
      tpu.wait_dma2 semaphore(%run_scoped3A : memref<!tpu.dma_semaphore, #tpu.memory_space<semaphore_mem>>) src(%dma_wait3A_3154 : memref<16384xf32, #tpu.memory_space<hbm>>) dst(%arg6 : memref<16384xf32, #tpu.memory_space<vmem>>)
      tpu.yield
    }) : () -> ()
    %scan3A_3097 = arith.constant 0 : i32
    %scan3A_3098 = arith.constant 0 : i32
    %scan3A_3099 = arith.constant 256 : i32
    %scan3A_3100 = arith.addi %scan3A_3098, %scan3A_3099 : i32
    %scan3A_3101 = arith.constant 1 : i32
    scf.for %scan3A_3153 = %scan3A_3098 to %scan3A_3100 step %scan3A_3101  : i32 {
      %mul3A_3154 = arith.constant 64 : i32
      %mul3A_3155 = arith.muli %scan3A_3153, %mul3A_3154 : i32
      %get3A_3156 = arith.index_cast %mul3A_3155 : i32 to index
      %get3A_3157 = tpu.vector_load %arg6[%get3A_3156] {strides = array<i32>} : memref<16384xf32, #tpu.memory_space<vmem>>, vector<16xf32>,
      %add3A_3158 = arith.constant 16 : i32
      %add3A_3159 = arith.addi %mul3A_3155, %add3A_3158 : i32
      %get3A_3160 = arith.index_cast %add3A_3159 : i32 to index
      %get3A_3161 = tpu.vector_load %arg6[%get3A_3160] {strides = array<i32>} : memref<16384xf32, #tpu.memory_space<vmem>>, vector<16xf32>,
      %add3A_3162 = arith.constant 32 : i32
      %add3A_3163 = arith.addi %mul3A_3155, %add3A_3162 : i32
      %get3A_3164 = arith.index_cast %add3A_3163 : i32 to index
      %get3A_3165 = tpu.vector_load %arg6[%get3A_3164] {strides = array<i32>} : memref<16384xf32, #tpu.memory_space<vmem>>, vector<16xf32>,
      %add3A_3166 = arith.constant 48 : i32
      %add3A_3167 = arith.addi %mul3A_3155, %add3A_3166 : i32
      %get3A_3168 = arith.index_cast %add3A_3167 : i32 to index
      %get3A_3169 = tpu.vector_load %arg6[%get3A_3168] {strides = array<i32>} : memref<16384xf32, #tpu.memory_space<vmem>>, vector<16xf32>,
      %abs3A = math.absf %get3A_3157 : vector<16xf32>
      %abs3A_3170 = math.absf %get3A_3161 : vector<16xf32>
      %max3A = arith.maximumf %abs3A, %abs3A_3170 : vector<16xf32>
      %abs3A_3171 = math.absf %get3A_3165 : vector<16xf32>
      %abs3A_3172 = math.absf %get3A_3169 : vector<16xf32>
      %max3A_3173 = arith.maximumf %abs3A_3171, %abs3A_3172 : vector<16xf32>
      %max3A_3174 = arith.maximumf %max3A, %max3A_3173 : vector<16xf32>
      %reduce_max3A = arith.constant true
      %reduce_max3A_3175 = vector.broadcast %reduce_max3A : i1 to vector<16xi1>
      %reduce_max3A_3176 = tpu.scan <max>, %max3A_3174 masked %reduce_max3A_3175 : vector<16xf32>, vector<16xi1> -> vector<16xf32>
      %reduce_max3A_3177 = vector.extract %reduce_max3A_3176[15] : f32 from vector<16xf32>
      %broadcast_in_dim3A_3178 = vector.broadcast %reduce_max3A_3177 : f32 to vector<16xf32>
      %mul3A_3179 = arith.mulf %broadcast_in_dim3A_3178, %exp3A : vector<16xf32>
      %max3A_3180 = arith.constant 9.99999997E-7 : f32
      %max3A_3181 = vector.broadcast %max3A_3180 : f32 to vector<16xf32>
      %max3A_3182 = arith.maximumf %mul3A_3179, %max3A_3181 : vector<16xf32>
      %div3A = arith.constant 1.280000e+02 : f32
      %div3A_3183 = vector.broadcast %div3A : f32 to vector<16xf32>
      %div3A_3184 = arith.divf %div3A_3183, %max3A_3182 : vector<16xf32>
      %mul3A_3185 = arith.mulf %get3A_3157, %div3A_3184 : vector<16xf32>
      %jit3A_3186 = arith.constant -1.280000e+02 : f32
      %jit3A_3187 = arith.constant 1.280000e+02 : f32
      %max3A_3188 = vector.broadcast %jit3A_3186 : f32 to vector<16xf32>
      %max3A_3189 = arith.maximumf %max3A_3188, %mul3A_3185 : vector<16xf32>
      %min3A_3190 = vector.broadcast %jit3A_3187 : f32 to vector<16xf32>
      %min3A_3191 = arith.minimumf %min3A_3190, %max3A_3189 : vector<16xf32>
      %add3A_3192 = arith.constant 1.280000e+02 : f32
      %add3A_3193 = vector.broadcast %add3A_3192 : f32 to vector<16xf32>
      %add3A_3194 = arith.addf %min3A_3191, %add3A_3193 : vector<16xf32>
      %convert_element_type3A_3195 = arith.fptosi %add3A_3194 : vector<16xf32> to vector<16xi32>
      %gather3A_3196 = tpu.vector_load_idx %arg8[%convert_element_type3A_3195] : memref<272xf32, #tpu.memory_space<vmem>>[vector<16xi32>], vector<16xf32>,
      %gather3A_3197 = tpu.vector_load_idx %arg9[%convert_element_type3A_3195] : memref<272xf32, #tpu.memory_space<vmem>>[vector<16xi32>], vector<16xf32>,
      %gather3A_3198 = tpu.vector_load_idx %arg10[%convert_element_type3A_3195] : memref<272xf32, #tpu.memory_space<vmem>>[vector<16xi32>], vector<16xf32>,
      %gt3A = arith.cmpf ogt, %min3A_3191, %gather3A_3196 : vector<16xf32>
      %select_n3A_3199 = arith.select %gt3A, %gather3A_3198, %gather3A_3197 : vector<16xi1>, vector<16xf32>
      %mul3A_3200 = arith.mulf %select_n3A_3199, %max3A_3182 : vector<16xf32>
      %add3A_3201 = arith.constant 0 : i32
      %add3A_3202 = arith.addi %mul3A_3155, %add3A_3201 : i32
      %swap3A_3203 = arith.index_cast %add3A_3202 : i32 to index
      %swap3A_3204 = tpu.vector_load %arg7[%swap3A_3203] {strides = array<i32>} : memref<16384xf32, #tpu.memory_space<vmem>>, vector<16xf32>,
      tpu.vector_store %arg7[%swap3A_3203], %mul3A_3200 {strides = array<i32>} : memref<16384xf32, #tpu.memory_space<vmem>>, vector<16xf32>,
      %mul3A_3205 = arith.mulf %get3A_3161, %div3A_3184 : vector<16xf32>
      %jit3A_3206 = arith.constant -1.280000e+02 : f32
      %jit3A_3207 = arith.constant 1.280000e+02 : f32
      %max3A_3208 = vector.broadcast %jit3A_3206 : f32 to vector<16xf32>
      %max3A_3209 = arith.maximumf %max3A_3208, %mul3A_3205 : vector<16xf32>
      %min3A_3210 = vector.broadcast %jit3A_3207 : f32 to vector<16xf32>
      %min3A_3211 = arith.minimumf %min3A_3210, %max3A_3209 : vector<16xf32>
      %add3A_3212 = arith.constant 1.280000e+02 : f32
      %add3A_3213 = vector.broadcast %add3A_3212 : f32 to vector<16xf32>
      %add3A_3214 = arith.addf %min3A_3211, %add3A_3213 : vector<16xf32>
      %convert_element_type3A_3215 = arith.fptosi %add3A_3214 : vector<16xf32> to vector<16xi32>
      %gather3A_3216 = tpu.vector_load_idx %arg8[%convert_element_type3A_3215] : memref<272xf32, #tpu.memory_space<vmem>>[vector<16xi32>], vector<16xf32>,
      %gather3A_3217 = tpu.vector_load_idx %arg9[%convert_element_type3A_3215] : memref<272xf32, #tpu.memory_space<vmem>>[vector<16xi32>], vector<16xf32>,
      %gather3A_3218 = tpu.vector_load_idx %arg10[%convert_element_type3A_3215] : memref<272xf32, #tpu.memory_space<vmem>>[vector<16xi32>], vector<16xf32>,
      %gt3A_3219 = arith.cmpf ogt, %min3A_3211, %gather3A_3216 : vector<16xf32>
      %select_n3A_3220 = arith.select %gt3A_3219, %gather3A_3218, %gather3A_3217 : vector<16xi1>, vector<16xf32>
      %mul3A_3221 = arith.mulf %select_n3A_3220, %max3A_3182 : vector<16xf32>
      %add3A_3222 = arith.constant 16 : i32
      %add3A_3223 = arith.addi %mul3A_3155, %add3A_3222 : i32
      %swap3A_3224 = arith.index_cast %add3A_3223 : i32 to index
      %swap3A_3225 = tpu.vector_load %arg7[%swap3A_3224] {strides = array<i32>} : memref<16384xf32, #tpu.memory_space<vmem>>, vector<16xf32>,
      tpu.vector_store %arg7[%swap3A_3224], %mul3A_3221 {strides = array<i32>} : memref<16384xf32, #tpu.memory_space<vmem>>, vector<16xf32>,
      %mul3A_3226 = arith.mulf %get3A_3165, %div3A_3184 : vector<16xf32>
      %jit3A_3227 = arith.constant -1.280000e+02 : f32
      %jit3A_3228 = arith.constant 1.280000e+02 : f32
      %max3A_3229 = vector.broadcast %jit3A_3227 : f32 to vector<16xf32>
      %max3A_3230 = arith.maximumf %max3A_3229, %mul3A_3226 : vector<16xf32>
      %min3A_3231 = vector.broadcast %jit3A_3228 : f32 to vector<16xf32>
      %min3A_3232 = arith.minimumf %min3A_3231, %max3A_3230 : vector<16xf32>
      %add3A_3233 = arith.constant 1.280000e+02 : f32
      %add3A_3234 = vector.broadcast %add3A_3233 : f32 to vector<16xf32>
      %add3A_3235 = arith.addf %min3A_3232, %add3A_3234 : vector<16xf32>
      %convert_element_type3A_3236 = arith.fptosi %add3A_3235 : vector<16xf32> to vector<16xi32>
      %gather3A_3237 = tpu.vector_load_idx %arg8[%convert_element_type3A_3236] : memref<272xf32, #tpu.memory_space<vmem>>[vector<16xi32>], vector<16xf32>,
      %gather3A_3238 = tpu.vector_load_idx %arg9[%convert_element_type3A_3236] : memref<272xf32, #tpu.memory_space<vmem>>[vector<16xi32>], vector<16xf32>,
      %gather3A_3239 = tpu.vector_load_idx %arg10[%convert_element_type3A_3236] : memref<272xf32, #tpu.memory_space<vmem>>[vector<16xi32>], vector<16xf32>,
      %gt3A_3240 = arith.cmpf ogt, %min3A_3232, %gather3A_3237 : vector<16xf32>
      %select_n3A_3241 = arith.select %gt3A_3240, %gather3A_3239, %gather3A_3238 : vector<16xi1>, vector<16xf32>
      %mul3A_3242 = arith.mulf %select_n3A_3241, %max3A_3182 : vector<16xf32>
      %add3A_3243 = arith.constant 32 : i32
      %add3A_3244 = arith.addi %mul3A_3155, %add3A_3243 : i32
      %swap3A_3245 = arith.index_cast %add3A_3244 : i32 to index
      %swap3A_3246 = tpu.vector_load %arg7[%swap3A_3245] {strides = array<i32>} : memref<16384xf32, #tpu.memory_space<vmem>>, vector<16xf32>,
      tpu.vector_store %arg7[%swap3A_3245], %mul3A_3242 {strides = array<i32>} : memref<16384xf32, #tpu.memory_space<vmem>>, vector<16xf32>,
      %mul3A_3247 = arith.mulf %get3A_3169, %div3A_3184 : vector<16xf32>
      %jit3A_3248 = arith.constant -1.280000e+02 : f32
      %jit3A_3249 = arith.constant 1.280000e+02 : f32
      %max3A_3250 = vector.broadcast %jit3A_3248 : f32 to vector<16xf32>
      %max3A_3251 = arith.maximumf %max3A_3250, %mul3A_3247 : vector<16xf32>
      %min3A_3252 = vector.broadcast %jit3A_3249 : f32 to vector<16xf32>
      %min3A_3253 = arith.minimumf %min3A_3252, %max3A_3251 : vector<16xf32>
      %add3A_3254 = arith.constant 1.280000e+02 : f32
      %add3A_3255 = vector.broadcast %add3A_3254 : f32 to vector<16xf32>
      %add3A_3256 = arith.addf %min3A_3253, %add3A_3255 : vector<16xf32>
      %convert_element_type3A_3257 = arith.fptosi %add3A_3256 : vector<16xf32> to vector<16xi32>
      %gather3A_3258 = tpu.vector_load_idx %arg8[%convert_element_type3A_3257] : memref<272xf32, #tpu.memory_space<vmem>>[vector<16xi32>], vector<16xf32>,
      %gather3A_3259 = tpu.vector_load_idx %arg9[%convert_element_type3A_3257] : memref<272xf32, #tpu.memory_space<vmem>>[vector<16xi32>], vector<16xf32>,
      %gather3A_3260 = tpu.vector_load_idx %arg10[%convert_element_type3A_3257] : memref<272xf32, #tpu.memory_space<vmem>>[vector<16xi32>], vector<16xf32>,
      %gt3A_3261 = arith.cmpf ogt, %min3A_3253, %gather3A_3258 : vector<16xf32>
      %select_n3A_3262 = arith.select %gt3A_3261, %gather3A_3260, %gather3A_3259 : vector<16xi1>, vector<16xf32>
      %mul3A_3263 = arith.mulf %select_n3A_3262, %max3A_3182 : vector<16xf32>
      %add3A_3264 = arith.constant 48 : i32
      %add3A_3265 = arith.addi %mul3A_3155, %add3A_3264 : i32
      %swap3A_3266 = arith.index_cast %add3A_3265 : i32 to index
      %swap3A_3267 = tpu.vector_load %arg7[%swap3A_3266] {strides = array<i32>} : memref<16384xf32, #tpu.memory_space<vmem>>, vector<16xf32>,
      tpu.vector_store %arg7[%swap3A_3266], %mul3A_3263 {strides = array<i32>} : memref<16384xf32, #tpu.memory_space<vmem>>, vector<16xf32>,
    }
    %scan3A_3102 = arith.constant 256 : i32
    "tpu.region"() ({
      %run_scoped3A = tpu.sem_alloc : memref<!tpu.dma_semaphore, #tpu.memory_space<semaphore_mem>>
      %dma_start3A = tpu.memref_slice %arg5[%add3A_3096] : memref<4194304xf32, #tpu.memory_space<hbm>> -> memref<16384xf32, #tpu.memory_space<hbm>>
      %dma_start3A_3153 = tpu.memref_slice %arg5[%add3A_3096] : memref<4194304xf32, #tpu.memory_space<hbm>> -> memref<16384xf32, #tpu.memory_space<hbm>>
      tpu.enqueue_dma source(%arg7 : memref<16384xf32, #tpu.memory_space<vmem>>) target(%dma_start3A_3153 : memref<16384xf32, #tpu.memory_space<hbm>>) target_semaphore(%run_scoped3A : memref<!tpu.dma_semaphore, #tpu.memory_space<semaphore_mem>>)
      %dma_wait3A = tpu.memref_slice %arg5[%add3A_3096] : memref<4194304xf32, #tpu.memory_space<hbm>> -> memref<16384xf32, #tpu.memory_space<hbm>>
      %dma_wait3A_3154 = tpu.memref_slice %arg5[%add3A_3096] : memref<4194304xf32, #tpu.memory_space<hbm>> -> memref<16384xf32, #tpu.memory_space<hbm>>
      tpu.wait_dma2 semaphore(%run_scoped3A : memref<!tpu.dma_semaphore, #tpu.memory_space<semaphore_mem>>) src(%arg7 : memref<16384xf32, #tpu.memory_space<vmem>>) dst(%dma_wait3A_3154 : memref<16384xf32, #tpu.memory_space<hbm>>)
      tpu.yield
    }) : () -> ()
    %mul3A_3103 = arith.constant 131072 : i32
    %mul3A_3104 = arith.muli %add3A, %mul3A_3103 : i32
    %add3A_3105 = arith.constant 49152 : i32
    %add3A_3106 = arith.addi %mul3A_3104, %add3A_3105 : i32
    "tpu.region"() ({
      %run_scoped3A = tpu.sem_alloc : memref<!tpu.dma_semaphore, #tpu.memory_space<semaphore_mem>>
      %dma_start3A = tpu.memref_slice %arg2[%add3A_3106] : memref<4194304xf32, #tpu.memory_space<hbm>> -> memref<16384xf32, #tpu.memory_space<hbm>>
      %dma_start3A_3153 = tpu.memref_slice %arg2[%add3A_3106] : memref<4194304xf32, #tpu.memory_space<hbm>> -> memref<16384xf32, #tpu.memory_space<hbm>>
      tpu.enqueue_dma source(%dma_start3A_3153 : memref<16384xf32, #tpu.memory_space<hbm>>) target(%arg6 : memref<16384xf32, #tpu.memory_space<vmem>>) target_semaphore(%run_scoped3A : memref<!tpu.dma_semaphore, #tpu.memory_space<semaphore_mem>>)
      %dma_wait3A = tpu.memref_slice %arg2[%add3A_3106] : memref<4194304xf32, #tpu.memory_space<hbm>> -> memref<16384xf32, #tpu.memory_space<hbm>>
      %dma_wait3A_3154 = tpu.memref_slice %arg2[%add3A_3106] : memref<4194304xf32, #tpu.memory_space<hbm>> -> memref<16384xf32, #tpu.memory_space<hbm>>
      tpu.wait_dma2 semaphore(%run_scoped3A : memref<!tpu.dma_semaphore, #tpu.memory_space<semaphore_mem>>) src(%dma_wait3A_3154 : memref<16384xf32, #tpu.memory_space<hbm>>) dst(%arg6 : memref<16384xf32, #tpu.memory_space<vmem>>)
      tpu.yield
    }) : () -> ()
    %scan3A_3107 = arith.constant 0 : i32
    %scan3A_3108 = arith.constant 0 : i32
    %scan3A_3109 = arith.constant 256 : i32
    %scan3A_3110 = arith.addi %scan3A_3108, %scan3A_3109 : i32
    %scan3A_3111 = arith.constant 1 : i32
    scf.for %scan3A_3153 = %scan3A_3108 to %scan3A_3110 step %scan3A_3111  : i32 {
      %mul3A_3154 = arith.constant 64 : i32
      %mul3A_3155 = arith.muli %scan3A_3153, %mul3A_3154 : i32
      %get3A_3156 = arith.index_cast %mul3A_3155 : i32 to index
      %get3A_3157 = tpu.vector_load %arg6[%get3A_3156] {strides = array<i32>} : memref<16384xf32, #tpu.memory_space<vmem>>, vector<16xf32>,
      %add3A_3158 = arith.constant 16 : i32
      %add3A_3159 = arith.addi %mul3A_3155, %add3A_3158 : i32
      %get3A_3160 = arith.index_cast %add3A_3159 : i32 to index
      %get3A_3161 = tpu.vector_load %arg6[%get3A_3160] {strides = array<i32>} : memref<16384xf32, #tpu.memory_space<vmem>>, vector<16xf32>,
      %add3A_3162 = arith.constant 32 : i32
      %add3A_3163 = arith.addi %mul3A_3155, %add3A_3162 : i32
      %get3A_3164 = arith.index_cast %add3A_3163 : i32 to index
      %get3A_3165 = tpu.vector_load %arg6[%get3A_3164] {strides = array<i32>} : memref<16384xf32, #tpu.memory_space<vmem>>, vector<16xf32>,
      %add3A_3166 = arith.constant 48 : i32
      %add3A_3167 = arith.addi %mul3A_3155, %add3A_3166 : i32
      %get3A_3168 = arith.index_cast %add3A_3167 : i32 to index
      %get3A_3169 = tpu.vector_load %arg6[%get3A_3168] {strides = array<i32>} : memref<16384xf32, #tpu.memory_space<vmem>>, vector<16xf32>,
      %abs3A = math.absf %get3A_3157 : vector<16xf32>
      %abs3A_3170 = math.absf %get3A_3161 : vector<16xf32>
      %max3A = arith.maximumf %abs3A, %abs3A_3170 : vector<16xf32>
      %abs3A_3171 = math.absf %get3A_3165 : vector<16xf32>
      %abs3A_3172 = math.absf %get3A_3169 : vector<16xf32>
      %max3A_3173 = arith.maximumf %abs3A_3171, %abs3A_3172 : vector<16xf32>
      %max3A_3174 = arith.maximumf %max3A, %max3A_3173 : vector<16xf32>
      %reduce_max3A = arith.constant true
      %reduce_max3A_3175 = vector.broadcast %reduce_max3A : i1 to vector<16xi1>
      %reduce_max3A_3176 = tpu.scan <max>, %max3A_3174 masked %reduce_max3A_3175 : vector<16xf32>, vector<16xi1> -> vector<16xf32>
      %reduce_max3A_3177 = vector.extract %reduce_max3A_3176[15] : f32 from vector<16xf32>
      %broadcast_in_dim3A_3178 = vector.broadcast %reduce_max3A_3177 : f32 to vector<16xf32>
      %mul3A_3179 = arith.mulf %broadcast_in_dim3A_3178, %exp3A : vector<16xf32>
      %max3A_3180 = arith.constant 9.99999997E-7 : f32
      %max3A_3181 = vector.broadcast %max3A_3180 : f32 to vector<16xf32>
      %max3A_3182 = arith.maximumf %mul3A_3179, %max3A_3181 : vector<16xf32>
      %div3A = arith.constant 1.280000e+02 : f32
      %div3A_3183 = vector.broadcast %div3A : f32 to vector<16xf32>
      %div3A_3184 = arith.divf %div3A_3183, %max3A_3182 : vector<16xf32>
      %mul3A_3185 = arith.mulf %get3A_3157, %div3A_3184 : vector<16xf32>
      %jit3A_3186 = arith.constant -1.280000e+02 : f32
      %jit3A_3187 = arith.constant 1.280000e+02 : f32
      %max3A_3188 = vector.broadcast %jit3A_3186 : f32 to vector<16xf32>
      %max3A_3189 = arith.maximumf %max3A_3188, %mul3A_3185 : vector<16xf32>
      %min3A_3190 = vector.broadcast %jit3A_3187 : f32 to vector<16xf32>
      %min3A_3191 = arith.minimumf %min3A_3190, %max3A_3189 : vector<16xf32>
      %add3A_3192 = arith.constant 1.280000e+02 : f32
      %add3A_3193 = vector.broadcast %add3A_3192 : f32 to vector<16xf32>
      %add3A_3194 = arith.addf %min3A_3191, %add3A_3193 : vector<16xf32>
      %convert_element_type3A_3195 = arith.fptosi %add3A_3194 : vector<16xf32> to vector<16xi32>
      %gather3A_3196 = tpu.vector_load_idx %arg8[%convert_element_type3A_3195] : memref<272xf32, #tpu.memory_space<vmem>>[vector<16xi32>], vector<16xf32>,
      %gather3A_3197 = tpu.vector_load_idx %arg9[%convert_element_type3A_3195] : memref<272xf32, #tpu.memory_space<vmem>>[vector<16xi32>], vector<16xf32>,
      %gather3A_3198 = tpu.vector_load_idx %arg10[%convert_element_type3A_3195] : memref<272xf32, #tpu.memory_space<vmem>>[vector<16xi32>], vector<16xf32>,
      %gt3A = arith.cmpf ogt, %min3A_3191, %gather3A_3196 : vector<16xf32>
      %select_n3A_3199 = arith.select %gt3A, %gather3A_3198, %gather3A_3197 : vector<16xi1>, vector<16xf32>
      %mul3A_3200 = arith.mulf %select_n3A_3199, %max3A_3182 : vector<16xf32>
      %add3A_3201 = arith.constant 0 : i32
      %add3A_3202 = arith.addi %mul3A_3155, %add3A_3201 : i32
      %swap3A_3203 = arith.index_cast %add3A_3202 : i32 to index
      %swap3A_3204 = tpu.vector_load %arg7[%swap3A_3203] {strides = array<i32>} : memref<16384xf32, #tpu.memory_space<vmem>>, vector<16xf32>,
      tpu.vector_store %arg7[%swap3A_3203], %mul3A_3200 {strides = array<i32>} : memref<16384xf32, #tpu.memory_space<vmem>>, vector<16xf32>,
      %mul3A_3205 = arith.mulf %get3A_3161, %div3A_3184 : vector<16xf32>
      %jit3A_3206 = arith.constant -1.280000e+02 : f32
      %jit3A_3207 = arith.constant 1.280000e+02 : f32
      %max3A_3208 = vector.broadcast %jit3A_3206 : f32 to vector<16xf32>
      %max3A_3209 = arith.maximumf %max3A_3208, %mul3A_3205 : vector<16xf32>
      %min3A_3210 = vector.broadcast %jit3A_3207 : f32 to vector<16xf32>
      %min3A_3211 = arith.minimumf %min3A_3210, %max3A_3209 : vector<16xf32>
      %add3A_3212 = arith.constant 1.280000e+02 : f32
      %add3A_3213 = vector.broadcast %add3A_3212 : f32 to vector<16xf32>
      %add3A_3214 = arith.addf %min3A_3211, %add3A_3213 : vector<16xf32>
      %convert_element_type3A_3215 = arith.fptosi %add3A_3214 : vector<16xf32> to vector<16xi32>
      %gather3A_3216 = tpu.vector_load_idx %arg8[%convert_element_type3A_3215] : memref<272xf32, #tpu.memory_space<vmem>>[vector<16xi32>], vector<16xf32>,
      %gather3A_3217 = tpu.vector_load_idx %arg9[%convert_element_type3A_3215] : memref<272xf32, #tpu.memory_space<vmem>>[vector<16xi32>], vector<16xf32>,
      %gather3A_3218 = tpu.vector_load_idx %arg10[%convert_element_type3A_3215] : memref<272xf32, #tpu.memory_space<vmem>>[vector<16xi32>], vector<16xf32>,
      %gt3A_3219 = arith.cmpf ogt, %min3A_3211, %gather3A_3216 : vector<16xf32>
      %select_n3A_3220 = arith.select %gt3A_3219, %gather3A_3218, %gather3A_3217 : vector<16xi1>, vector<16xf32>
      %mul3A_3221 = arith.mulf %select_n3A_3220, %max3A_3182 : vector<16xf32>
      %add3A_3222 = arith.constant 16 : i32
      %add3A_3223 = arith.addi %mul3A_3155, %add3A_3222 : i32
      %swap3A_3224 = arith.index_cast %add3A_3223 : i32 to index
      %swap3A_3225 = tpu.vector_load %arg7[%swap3A_3224] {strides = array<i32>} : memref<16384xf32, #tpu.memory_space<vmem>>, vector<16xf32>,
      tpu.vector_store %arg7[%swap3A_3224], %mul3A_3221 {strides = array<i32>} : memref<16384xf32, #tpu.memory_space<vmem>>, vector<16xf32>,
      %mul3A_3226 = arith.mulf %get3A_3165, %div3A_3184 : vector<16xf32>
      %jit3A_3227 = arith.constant -1.280000e+02 : f32
      %jit3A_3228 = arith.constant 1.280000e+02 : f32
      %max3A_3229 = vector.broadcast %jit3A_3227 : f32 to vector<16xf32>
      %max3A_3230 = arith.maximumf %max3A_3229, %mul3A_3226 : vector<16xf32>
      %min3A_3231 = vector.broadcast %jit3A_3228 : f32 to vector<16xf32>
      %min3A_3232 = arith.minimumf %min3A_3231, %max3A_3230 : vector<16xf32>
      %add3A_3233 = arith.constant 1.280000e+02 : f32
      %add3A_3234 = vector.broadcast %add3A_3233 : f32 to vector<16xf32>
      %add3A_3235 = arith.addf %min3A_3232, %add3A_3234 : vector<16xf32>
      %convert_element_type3A_3236 = arith.fptosi %add3A_3235 : vector<16xf32> to vector<16xi32>
      %gather3A_3237 = tpu.vector_load_idx %arg8[%convert_element_type3A_3236] : memref<272xf32, #tpu.memory_space<vmem>>[vector<16xi32>], vector<16xf32>,
      %gather3A_3238 = tpu.vector_load_idx %arg9[%convert_element_type3A_3236] : memref<272xf32, #tpu.memory_space<vmem>>[vector<16xi32>], vector<16xf32>,
      %gather3A_3239 = tpu.vector_load_idx %arg10[%convert_element_type3A_3236] : memref<272xf32, #tpu.memory_space<vmem>>[vector<16xi32>], vector<16xf32>,
      %gt3A_3240 = arith.cmpf ogt, %min3A_3232, %gather3A_3237 : vector<16xf32>
      %select_n3A_3241 = arith.select %gt3A_3240, %gather3A_3239, %gather3A_3238 : vector<16xi1>, vector<16xf32>
      %mul3A_3242 = arith.mulf %select_n3A_3241, %max3A_3182 : vector<16xf32>
      %add3A_3243 = arith.constant 32 : i32
      %add3A_3244 = arith.addi %mul3A_3155, %add3A_3243 : i32
      %swap3A_3245 = arith.index_cast %add3A_3244 : i32 to index
      %swap3A_3246 = tpu.vector_load %arg7[%swap3A_3245] {strides = array<i32>} : memref<16384xf32, #tpu.memory_space<vmem>>, vector<16xf32>,
      tpu.vector_store %arg7[%swap3A_3245], %mul3A_3242 {strides = array<i32>} : memref<16384xf32, #tpu.memory_space<vmem>>, vector<16xf32>,
      %mul3A_3247 = arith.mulf %get3A_3169, %div3A_3184 : vector<16xf32>
      %jit3A_3248 = arith.constant -1.280000e+02 : f32
      %jit3A_3249 = arith.constant 1.280000e+02 : f32
      %max3A_3250 = vector.broadcast %jit3A_3248 : f32 to vector<16xf32>
      %max3A_3251 = arith.maximumf %max3A_3250, %mul3A_3247 : vector<16xf32>
      %min3A_3252 = vector.broadcast %jit3A_3249 : f32 to vector<16xf32>
      %min3A_3253 = arith.minimumf %min3A_3252, %max3A_3251 : vector<16xf32>
      %add3A_3254 = arith.constant 1.280000e+02 : f32
      %add3A_3255 = vector.broadcast %add3A_3254 : f32 to vector<16xf32>
      %add3A_3256 = arith.addf %min3A_3253, %add3A_3255 : vector<16xf32>
      %convert_element_type3A_3257 = arith.fptosi %add3A_3256 : vector<16xf32> to vector<16xi32>
      %gather3A_3258 = tpu.vector_load_idx %arg8[%convert_element_type3A_3257] : memref<272xf32, #tpu.memory_space<vmem>>[vector<16xi32>], vector<16xf32>,
      %gather3A_3259 = tpu.vector_load_idx %arg9[%convert_element_type3A_3257] : memref<272xf32, #tpu.memory_space<vmem>>[vector<16xi32>], vector<16xf32>,
      %gather3A_3260 = tpu.vector_load_idx %arg10[%convert_element_type3A_3257] : memref<272xf32, #tpu.memory_space<vmem>>[vector<16xi32>], vector<16xf32>,
      %gt3A_3261 = arith.cmpf ogt, %min3A_3253, %gather3A_3258 : vector<16xf32>
      %select_n3A_3262 = arith.select %gt3A_3261, %gather3A_3260, %gather3A_3259 : vector<16xi1>, vector<16xf32>
      %mul3A_3263 = arith.mulf %select_n3A_3262, %max3A_3182 : vector<16xf32>
      %add3A_3264 = arith.constant 48 : i32
      %add3A_3265 = arith.addi %mul3A_3155, %add3A_3264 : i32
      %swap3A_3266 = arith.index_cast %add3A_3265 : i32 to index
      %swap3A_3267 = tpu.vector_load %arg7[%swap3A_3266] {strides = array<i32>} : memref<16384xf32, #tpu.memory_space<vmem>>, vector<16xf32>,
      tpu.vector_store %arg7[%swap3A_3266], %mul3A_3263 {strides = array<i32>} : memref<16384xf32, #tpu.memory_space<vmem>>, vector<16xf32>,
    }
    %scan3A_3112 = arith.constant 256 : i32
    "tpu.region"() ({
      %run_scoped3A = tpu.sem_alloc : memref<!tpu.dma_semaphore, #tpu.memory_space<semaphore_mem>>
      %dma_start3A = tpu.memref_slice %arg5[%add3A_3106] : memref<4194304xf32, #tpu.memory_space<hbm>> -> memref<16384xf32, #tpu.memory_space<hbm>>
      %dma_start3A_3153 = tpu.memref_slice %arg5[%add3A_3106] : memref<4194304xf32, #tpu.memory_space<hbm>> -> memref<16384xf32, #tpu.memory_space<hbm>>
      tpu.enqueue_dma source(%arg7 : memref<16384xf32, #tpu.memory_space<vmem>>) target(%dma_start3A_3153 : memref<16384xf32, #tpu.memory_space<hbm>>) target_semaphore(%run_scoped3A : memref<!tpu.dma_semaphore, #tpu.memory_space<semaphore_mem>>)
      %dma_wait3A = tpu.memref_slice %arg5[%add3A_3106] : memref<4194304xf32, #tpu.memory_space<hbm>> -> memref<16384xf32, #tpu.memory_space<hbm>>
      %dma_wait3A_3154 = tpu.memref_slice %arg5[%add3A_3106] : memref<4194304xf32, #tpu.memory_space<hbm>> -> memref<16384xf32, #tpu.memory_space<hbm>>
      tpu.wait_dma2 semaphore(%run_scoped3A : memref<!tpu.dma_semaphore, #tpu.memory_space<semaphore_mem>>) src(%arg7 : memref<16384xf32, #tpu.memory_space<vmem>>) dst(%dma_wait3A_3154 : memref<16384xf32, #tpu.memory_space<hbm>>)
      tpu.yield
    }) : () -> ()
    %mul3A_3113 = arith.constant 131072 : i32
    %mul3A_3114 = arith.muli %add3A, %mul3A_3113 : i32
    %add3A_3115 = arith.constant 65536 : i32
    %add3A_3116 = arith.addi %mul3A_3114, %add3A_3115 : i32
    "tpu.region"() ({
      %run_scoped3A = tpu.sem_alloc : memref<!tpu.dma_semaphore, #tpu.memory_space<semaphore_mem>>
      %dma_start3A = tpu.memref_slice %arg2[%add3A_3116] : memref<4194304xf32, #tpu.memory_space<hbm>> -> memref<16384xf32, #tpu.memory_space<hbm>>
      %dma_start3A_3153 = tpu.memref_slice %arg2[%add3A_3116] : memref<4194304xf32, #tpu.memory_space<hbm>> -> memref<16384xf32, #tpu.memory_space<hbm>>
      tpu.enqueue_dma source(%dma_start3A_3153 : memref<16384xf32, #tpu.memory_space<hbm>>) target(%arg6 : memref<16384xf32, #tpu.memory_space<vmem>>) target_semaphore(%run_scoped3A : memref<!tpu.dma_semaphore, #tpu.memory_space<semaphore_mem>>)
      %dma_wait3A = tpu.memref_slice %arg2[%add3A_3116] : memref<4194304xf32, #tpu.memory_space<hbm>> -> memref<16384xf32, #tpu.memory_space<hbm>>
      %dma_wait3A_3154 = tpu.memref_slice %arg2[%add3A_3116] : memref<4194304xf32, #tpu.memory_space<hbm>> -> memref<16384xf32, #tpu.memory_space<hbm>>
      tpu.wait_dma2 semaphore(%run_scoped3A : memref<!tpu.dma_semaphore, #tpu.memory_space<semaphore_mem>>) src(%dma_wait3A_3154 : memref<16384xf32, #tpu.memory_space<hbm>>) dst(%arg6 : memref<16384xf32, #tpu.memory_space<vmem>>)
      tpu.yield
    }) : () -> ()
    %scan3A_3117 = arith.constant 0 : i32
    %scan3A_3118 = arith.constant 0 : i32
    %scan3A_3119 = arith.constant 256 : i32
    %scan3A_3120 = arith.addi %scan3A_3118, %scan3A_3119 : i32
    %scan3A_3121 = arith.constant 1 : i32
    scf.for %scan3A_3153 = %scan3A_3118 to %scan3A_3120 step %scan3A_3121  : i32 {
      %mul3A_3154 = arith.constant 64 : i32
      %mul3A_3155 = arith.muli %scan3A_3153, %mul3A_3154 : i32
      %get3A_3156 = arith.index_cast %mul3A_3155 : i32 to index
      %get3A_3157 = tpu.vector_load %arg6[%get3A_3156] {strides = array<i32>} : memref<16384xf32, #tpu.memory_space<vmem>>, vector<16xf32>,
      %add3A_3158 = arith.constant 16 : i32
      %add3A_3159 = arith.addi %mul3A_3155, %add3A_3158 : i32
      %get3A_3160 = arith.index_cast %add3A_3159 : i32 to index
      %get3A_3161 = tpu.vector_load %arg6[%get3A_3160] {strides = array<i32>} : memref<16384xf32, #tpu.memory_space<vmem>>, vector<16xf32>,
      %add3A_3162 = arith.constant 32 : i32
      %add3A_3163 = arith.addi %mul3A_3155, %add3A_3162 : i32
      %get3A_3164 = arith.index_cast %add3A_3163 : i32 to index
      %get3A_3165 = tpu.vector_load %arg6[%get3A_3164] {strides = array<i32>} : memref<16384xf32, #tpu.memory_space<vmem>>, vector<16xf32>,
      %add3A_3166 = arith.constant 48 : i32
      %add3A_3167 = arith.addi %mul3A_3155, %add3A_3166 : i32
      %get3A_3168 = arith.index_cast %add3A_3167 : i32 to index
      %get3A_3169 = tpu.vector_load %arg6[%get3A_3168] {strides = array<i32>} : memref<16384xf32, #tpu.memory_space<vmem>>, vector<16xf32>,
      %abs3A = math.absf %get3A_3157 : vector<16xf32>
      %abs3A_3170 = math.absf %get3A_3161 : vector<16xf32>
      %max3A = arith.maximumf %abs3A, %abs3A_3170 : vector<16xf32>
      %abs3A_3171 = math.absf %get3A_3165 : vector<16xf32>
      %abs3A_3172 = math.absf %get3A_3169 : vector<16xf32>
      %max3A_3173 = arith.maximumf %abs3A_3171, %abs3A_3172 : vector<16xf32>
      %max3A_3174 = arith.maximumf %max3A, %max3A_3173 : vector<16xf32>
      %reduce_max3A = arith.constant true
      %reduce_max3A_3175 = vector.broadcast %reduce_max3A : i1 to vector<16xi1>
      %reduce_max3A_3176 = tpu.scan <max>, %max3A_3174 masked %reduce_max3A_3175 : vector<16xf32>, vector<16xi1> -> vector<16xf32>
      %reduce_max3A_3177 = vector.extract %reduce_max3A_3176[15] : f32 from vector<16xf32>
      %broadcast_in_dim3A_3178 = vector.broadcast %reduce_max3A_3177 : f32 to vector<16xf32>
      %mul3A_3179 = arith.mulf %broadcast_in_dim3A_3178, %exp3A : vector<16xf32>
      %max3A_3180 = arith.constant 9.99999997E-7 : f32
      %max3A_3181 = vector.broadcast %max3A_3180 : f32 to vector<16xf32>
      %max3A_3182 = arith.maximumf %mul3A_3179, %max3A_3181 : vector<16xf32>
      %div3A = arith.constant 1.280000e+02 : f32
      %div3A_3183 = vector.broadcast %div3A : f32 to vector<16xf32>
      %div3A_3184 = arith.divf %div3A_3183, %max3A_3182 : vector<16xf32>
      %mul3A_3185 = arith.mulf %get3A_3157, %div3A_3184 : vector<16xf32>
      %jit3A_3186 = arith.constant -1.280000e+02 : f32
      %jit3A_3187 = arith.constant 1.280000e+02 : f32
      %max3A_3188 = vector.broadcast %jit3A_3186 : f32 to vector<16xf32>
      %max3A_3189 = arith.maximumf %max3A_3188, %mul3A_3185 : vector<16xf32>
      %min3A_3190 = vector.broadcast %jit3A_3187 : f32 to vector<16xf32>
      %min3A_3191 = arith.minimumf %min3A_3190, %max3A_3189 : vector<16xf32>
      %add3A_3192 = arith.constant 1.280000e+02 : f32
      %add3A_3193 = vector.broadcast %add3A_3192 : f32 to vector<16xf32>
      %add3A_3194 = arith.addf %min3A_3191, %add3A_3193 : vector<16xf32>
      %convert_element_type3A_3195 = arith.fptosi %add3A_3194 : vector<16xf32> to vector<16xi32>
      %gather3A_3196 = tpu.vector_load_idx %arg8[%convert_element_type3A_3195] : memref<272xf32, #tpu.memory_space<vmem>>[vector<16xi32>], vector<16xf32>,
      %gather3A_3197 = tpu.vector_load_idx %arg9[%convert_element_type3A_3195] : memref<272xf32, #tpu.memory_space<vmem>>[vector<16xi32>], vector<16xf32>,
      %gather3A_3198 = tpu.vector_load_idx %arg10[%convert_element_type3A_3195] : memref<272xf32, #tpu.memory_space<vmem>>[vector<16xi32>], vector<16xf32>,
      %gt3A = arith.cmpf ogt, %min3A_3191, %gather3A_3196 : vector<16xf32>
      %select_n3A_3199 = arith.select %gt3A, %gather3A_3198, %gather3A_3197 : vector<16xi1>, vector<16xf32>
      %mul3A_3200 = arith.mulf %select_n3A_3199, %max3A_3182 : vector<16xf32>
      %add3A_3201 = arith.constant 0 : i32
      %add3A_3202 = arith.addi %mul3A_3155, %add3A_3201 : i32
      %swap3A_3203 = arith.index_cast %add3A_3202 : i32 to index
      %swap3A_3204 = tpu.vector_load %arg7[%swap3A_3203] {strides = array<i32>} : memref<16384xf32, #tpu.memory_space<vmem>>, vector<16xf32>,
      tpu.vector_store %arg7[%swap3A_3203], %mul3A_3200 {strides = array<i32>} : memref<16384xf32, #tpu.memory_space<vmem>>, vector<16xf32>,
      %mul3A_3205 = arith.mulf %get3A_3161, %div3A_3184 : vector<16xf32>
      %jit3A_3206 = arith.constant -1.280000e+02 : f32
      %jit3A_3207 = arith.constant 1.280000e+02 : f32
      %max3A_3208 = vector.broadcast %jit3A_3206 : f32 to vector<16xf32>
      %max3A_3209 = arith.maximumf %max3A_3208, %mul3A_3205 : vector<16xf32>
      %min3A_3210 = vector.broadcast %jit3A_3207 : f32 to vector<16xf32>
      %min3A_3211 = arith.minimumf %min3A_3210, %max3A_3209 : vector<16xf32>
      %add3A_3212 = arith.constant 1.280000e+02 : f32
      %add3A_3213 = vector.broadcast %add3A_3212 : f32 to vector<16xf32>
      %add3A_3214 = arith.addf %min3A_3211, %add3A_3213 : vector<16xf32>
      %convert_element_type3A_3215 = arith.fptosi %add3A_3214 : vector<16xf32> to vector<16xi32>
      %gather3A_3216 = tpu.vector_load_idx %arg8[%convert_element_type3A_3215] : memref<272xf32, #tpu.memory_space<vmem>>[vector<16xi32>], vector<16xf32>,
      %gather3A_3217 = tpu.vector_load_idx %arg9[%convert_element_type3A_3215] : memref<272xf32, #tpu.memory_space<vmem>>[vector<16xi32>], vector<16xf32>,
      %gather3A_3218 = tpu.vector_load_idx %arg10[%convert_element_type3A_3215] : memref<272xf32, #tpu.memory_space<vmem>>[vector<16xi32>], vector<16xf32>,
      %gt3A_3219 = arith.cmpf ogt, %min3A_3211, %gather3A_3216 : vector<16xf32>
      %select_n3A_3220 = arith.select %gt3A_3219, %gather3A_3218, %gather3A_3217 : vector<16xi1>, vector<16xf32>
      %mul3A_3221 = arith.mulf %select_n3A_3220, %max3A_3182 : vector<16xf32>
      %add3A_3222 = arith.constant 16 : i32
      %add3A_3223 = arith.addi %mul3A_3155, %add3A_3222 : i32
      %swap3A_3224 = arith.index_cast %add3A_3223 : i32 to index
      %swap3A_3225 = tpu.vector_load %arg7[%swap3A_3224] {strides = array<i32>} : memref<16384xf32, #tpu.memory_space<vmem>>, vector<16xf32>,
      tpu.vector_store %arg7[%swap3A_3224], %mul3A_3221 {strides = array<i32>} : memref<16384xf32, #tpu.memory_space<vmem>>, vector<16xf32>,
      %mul3A_3226 = arith.mulf %get3A_3165, %div3A_3184 : vector<16xf32>
      %jit3A_3227 = arith.constant -1.280000e+02 : f32
      %jit3A_3228 = arith.constant 1.280000e+02 : f32
      %max3A_3229 = vector.broadcast %jit3A_3227 : f32 to vector<16xf32>
      %max3A_3230 = arith.maximumf %max3A_3229, %mul3A_3226 : vector<16xf32>
      %min3A_3231 = vector.broadcast %jit3A_3228 : f32 to vector<16xf32>
      %min3A_3232 = arith.minimumf %min3A_3231, %max3A_3230 : vector<16xf32>
      %add3A_3233 = arith.constant 1.280000e+02 : f32
      %add3A_3234 = vector.broadcast %add3A_3233 : f32 to vector<16xf32>
      %add3A_3235 = arith.addf %min3A_3232, %add3A_3234 : vector<16xf32>
      %convert_element_type3A_3236 = arith.fptosi %add3A_3235 : vector<16xf32> to vector<16xi32>
      %gather3A_3237 = tpu.vector_load_idx %arg8[%convert_element_type3A_3236] : memref<272xf32, #tpu.memory_space<vmem>>[vector<16xi32>], vector<16xf32>,
      %gather3A_3238 = tpu.vector_load_idx %arg9[%convert_element_type3A_3236] : memref<272xf32, #tpu.memory_space<vmem>>[vector<16xi32>], vector<16xf32>,
      %gather3A_3239 = tpu.vector_load_idx %arg10[%convert_element_type3A_3236] : memref<272xf32, #tpu.memory_space<vmem>>[vector<16xi32>], vector<16xf32>,
      %gt3A_3240 = arith.cmpf ogt, %min3A_3232, %gather3A_3237 : vector<16xf32>
      %select_n3A_3241 = arith.select %gt3A_3240, %gather3A_3239, %gather3A_3238 : vector<16xi1>, vector<16xf32>
      %mul3A_3242 = arith.mulf %select_n3A_3241, %max3A_3182 : vector<16xf32>
      %add3A_3243 = arith.constant 32 : i32
      %add3A_3244 = arith.addi %mul3A_3155, %add3A_3243 : i32
      %swap3A_3245 = arith.index_cast %add3A_3244 : i32 to index
      %swap3A_3246 = tpu.vector_load %arg7[%swap3A_3245] {strides = array<i32>} : memref<16384xf32, #tpu.memory_space<vmem>>, vector<16xf32>,
      tpu.vector_store %arg7[%swap3A_3245], %mul3A_3242 {strides = array<i32>} : memref<16384xf32, #tpu.memory_space<vmem>>, vector<16xf32>,
      %mul3A_3247 = arith.mulf %get3A_3169, %div3A_3184 : vector<16xf32>
      %jit3A_3248 = arith.constant -1.280000e+02 : f32
      %jit3A_3249 = arith.constant 1.280000e+02 : f32
      %max3A_3250 = vector.broadcast %jit3A_3248 : f32 to vector<16xf32>
      %max3A_3251 = arith.maximumf %max3A_3250, %mul3A_3247 : vector<16xf32>
      %min3A_3252 = vector.broadcast %jit3A_3249 : f32 to vector<16xf32>
      %min3A_3253 = arith.minimumf %min3A_3252, %max3A_3251 : vector<16xf32>
      %add3A_3254 = arith.constant 1.280000e+02 : f32
      %add3A_3255 = vector.broadcast %add3A_3254 : f32 to vector<16xf32>
      %add3A_3256 = arith.addf %min3A_3253, %add3A_3255 : vector<16xf32>
      %convert_element_type3A_3257 = arith.fptosi %add3A_3256 : vector<16xf32> to vector<16xi32>
      %gather3A_3258 = tpu.vector_load_idx %arg8[%convert_element_type3A_3257] : memref<272xf32, #tpu.memory_space<vmem>>[vector<16xi32>], vector<16xf32>,
      %gather3A_3259 = tpu.vector_load_idx %arg9[%convert_element_type3A_3257] : memref<272xf32, #tpu.memory_space<vmem>>[vector<16xi32>], vector<16xf32>,
      %gather3A_3260 = tpu.vector_load_idx %arg10[%convert_element_type3A_3257] : memref<272xf32, #tpu.memory_space<vmem>>[vector<16xi32>], vector<16xf32>,
      %gt3A_3261 = arith.cmpf ogt, %min3A_3253, %gather3A_3258 : vector<16xf32>
      %select_n3A_3262 = arith.select %gt3A_3261, %gather3A_3260, %gather3A_3259 : vector<16xi1>, vector<16xf32>
      %mul3A_3263 = arith.mulf %select_n3A_3262, %max3A_3182 : vector<16xf32>
      %add3A_3264 = arith.constant 48 : i32
      %add3A_3265 = arith.addi %mul3A_3155, %add3A_3264 : i32
      %swap3A_3266 = arith.index_cast %add3A_3265 : i32 to index
      %swap3A_3267 = tpu.vector_load %arg7[%swap3A_3266] {strides = array<i32>} : memref<16384xf32, #tpu.memory_space<vmem>>, vector<16xf32>,
      tpu.vector_store %arg7[%swap3A_3266], %mul3A_3263 {strides = array<i32>} : memref<16384xf32, #tpu.memory_space<vmem>>, vector<16xf32>,
    }
    %scan3A_3122 = arith.constant 256 : i32
    "tpu.region"() ({
      %run_scoped3A = tpu.sem_alloc : memref<!tpu.dma_semaphore, #tpu.memory_space<semaphore_mem>>
      %dma_start3A = tpu.memref_slice %arg5[%add3A_3116] : memref<4194304xf32, #tpu.memory_space<hbm>> -> memref<16384xf32, #tpu.memory_space<hbm>>
      %dma_start3A_3153 = tpu.memref_slice %arg5[%add3A_3116] : memref<4194304xf32, #tpu.memory_space<hbm>> -> memref<16384xf32, #tpu.memory_space<hbm>>
      tpu.enqueue_dma source(%arg7 : memref<16384xf32, #tpu.memory_space<vmem>>) target(%dma_start3A_3153 : memref<16384xf32, #tpu.memory_space<hbm>>) target_semaphore(%run_scoped3A : memref<!tpu.dma_semaphore, #tpu.memory_space<semaphore_mem>>)
      %dma_wait3A = tpu.memref_slice %arg5[%add3A_3116] : memref<4194304xf32, #tpu.memory_space<hbm>> -> memref<16384xf32, #tpu.memory_space<hbm>>
      %dma_wait3A_3154 = tpu.memref_slice %arg5[%add3A_3116] : memref<4194304xf32, #tpu.memory_space<hbm>> -> memref<16384xf32, #tpu.memory_space<hbm>>
      tpu.wait_dma2 semaphore(%run_scoped3A : memref<!tpu.dma_semaphore, #tpu.memory_space<semaphore_mem>>) src(%arg7 : memref<16384xf32, #tpu.memory_space<vmem>>) dst(%dma_wait3A_3154 : memref<16384xf32, #tpu.memory_space<hbm>>)
      tpu.yield
    }) : () -> ()
    %mul3A_3123 = arith.constant 131072 : i32
    %mul3A_3124 = arith.muli %add3A, %mul3A_3123 : i32
    %add3A_3125 = arith.constant 81920 : i32
    %add3A_3126 = arith.addi %mul3A_3124, %add3A_3125 : i32
    "tpu.region"() ({
      %run_scoped3A = tpu.sem_alloc : memref<!tpu.dma_semaphore, #tpu.memory_space<semaphore_mem>>
      %dma_start3A = tpu.memref_slice %arg2[%add3A_3126] : memref<4194304xf32, #tpu.memory_space<hbm>> -> memref<16384xf32, #tpu.memory_space<hbm>>
      %dma_start3A_3153 = tpu.memref_slice %arg2[%add3A_3126] : memref<4194304xf32, #tpu.memory_space<hbm>> -> memref<16384xf32, #tpu.memory_space<hbm>>
      tpu.enqueue_dma source(%dma_start3A_3153 : memref<16384xf32, #tpu.memory_space<hbm>>) target(%arg6 : memref<16384xf32, #tpu.memory_space<vmem>>) target_semaphore(%run_scoped3A : memref<!tpu.dma_semaphore, #tpu.memory_space<semaphore_mem>>)
      %dma_wait3A = tpu.memref_slice %arg2[%add3A_3126] : memref<4194304xf32, #tpu.memory_space<hbm>> -> memref<16384xf32, #tpu.memory_space<hbm>>
      %dma_wait3A_3154 = tpu.memref_slice %arg2[%add3A_3126] : memref<4194304xf32, #tpu.memory_space<hbm>> -> memref<16384xf32, #tpu.memory_space<hbm>>
      tpu.wait_dma2 semaphore(%run_scoped3A : memref<!tpu.dma_semaphore, #tpu.memory_space<semaphore_mem>>) src(%dma_wait3A_3154 : memref<16384xf32, #tpu.memory_space<hbm>>) dst(%arg6 : memref<16384xf32, #tpu.memory_space<vmem>>)
      tpu.yield
    }) : () -> ()
    %scan3A_3127 = arith.constant 0 : i32
    %scan3A_3128 = arith.constant 0 : i32
    %scan3A_3129 = arith.constant 256 : i32
    %scan3A_3130 = arith.addi %scan3A_3128, %scan3A_3129 : i32
    %scan3A_3131 = arith.constant 1 : i32
    scf.for %scan3A_3153 = %scan3A_3128 to %scan3A_3130 step %scan3A_3131  : i32 {
      %mul3A_3154 = arith.constant 64 : i32
      %mul3A_3155 = arith.muli %scan3A_3153, %mul3A_3154 : i32
      %get3A_3156 = arith.index_cast %mul3A_3155 : i32 to index
      %get3A_3157 = tpu.vector_load %arg6[%get3A_3156] {strides = array<i32>} : memref<16384xf32, #tpu.memory_space<vmem>>, vector<16xf32>,
      %add3A_3158 = arith.constant 16 : i32
      %add3A_3159 = arith.addi %mul3A_3155, %add3A_3158 : i32
      %get3A_3160 = arith.index_cast %add3A_3159 : i32 to index
      %get3A_3161 = tpu.vector_load %arg6[%get3A_3160] {strides = array<i32>} : memref<16384xf32, #tpu.memory_space<vmem>>, vector<16xf32>,
      %add3A_3162 = arith.constant 32 : i32
      %add3A_3163 = arith.addi %mul3A_3155, %add3A_3162 : i32
      %get3A_3164 = arith.index_cast %add3A_3163 : i32 to index
      %get3A_3165 = tpu.vector_load %arg6[%get3A_3164] {strides = array<i32>} : memref<16384xf32, #tpu.memory_space<vmem>>, vector<16xf32>,
      %add3A_3166 = arith.constant 48 : i32
      %add3A_3167 = arith.addi %mul3A_3155, %add3A_3166 : i32
      %get3A_3168 = arith.index_cast %add3A_3167 : i32 to index
      %get3A_3169 = tpu.vector_load %arg6[%get3A_3168] {strides = array<i32>} : memref<16384xf32, #tpu.memory_space<vmem>>, vector<16xf32>,
      %abs3A = math.absf %get3A_3157 : vector<16xf32>
      %abs3A_3170 = math.absf %get3A_3161 : vector<16xf32>
      %max3A = arith.maximumf %abs3A, %abs3A_3170 : vector<16xf32>
      %abs3A_3171 = math.absf %get3A_3165 : vector<16xf32>
      %abs3A_3172 = math.absf %get3A_3169 : vector<16xf32>
      %max3A_3173 = arith.maximumf %abs3A_3171, %abs3A_3172 : vector<16xf32>
      %max3A_3174 = arith.maximumf %max3A, %max3A_3173 : vector<16xf32>
      %reduce_max3A = arith.constant true
      %reduce_max3A_3175 = vector.broadcast %reduce_max3A : i1 to vector<16xi1>
      %reduce_max3A_3176 = tpu.scan <max>, %max3A_3174 masked %reduce_max3A_3175 : vector<16xf32>, vector<16xi1> -> vector<16xf32>
      %reduce_max3A_3177 = vector.extract %reduce_max3A_3176[15] : f32 from vector<16xf32>
      %broadcast_in_dim3A_3178 = vector.broadcast %reduce_max3A_3177 : f32 to vector<16xf32>
      %mul3A_3179 = arith.mulf %broadcast_in_dim3A_3178, %exp3A : vector<16xf32>
      %max3A_3180 = arith.constant 9.99999997E-7 : f32
      %max3A_3181 = vector.broadcast %max3A_3180 : f32 to vector<16xf32>
      %max3A_3182 = arith.maximumf %mul3A_3179, %max3A_3181 : vector<16xf32>
      %div3A = arith.constant 1.280000e+02 : f32
      %div3A_3183 = vector.broadcast %div3A : f32 to vector<16xf32>
      %div3A_3184 = arith.divf %div3A_3183, %max3A_3182 : vector<16xf32>
      %mul3A_3185 = arith.mulf %get3A_3157, %div3A_3184 : vector<16xf32>
      %jit3A_3186 = arith.constant -1.280000e+02 : f32
      %jit3A_3187 = arith.constant 1.280000e+02 : f32
      %max3A_3188 = vector.broadcast %jit3A_3186 : f32 to vector<16xf32>
      %max3A_3189 = arith.maximumf %max3A_3188, %mul3A_3185 : vector<16xf32>
      %min3A_3190 = vector.broadcast %jit3A_3187 : f32 to vector<16xf32>
      %min3A_3191 = arith.minimumf %min3A_3190, %max3A_3189 : vector<16xf32>
      %add3A_3192 = arith.constant 1.280000e+02 : f32
      %add3A_3193 = vector.broadcast %add3A_3192 : f32 to vector<16xf32>
      %add3A_3194 = arith.addf %min3A_3191, %add3A_3193 : vector<16xf32>
      %convert_element_type3A_3195 = arith.fptosi %add3A_3194 : vector<16xf32> to vector<16xi32>
      %gather3A_3196 = tpu.vector_load_idx %arg8[%convert_element_type3A_3195] : memref<272xf32, #tpu.memory_space<vmem>>[vector<16xi32>], vector<16xf32>,
      %gather3A_3197 = tpu.vector_load_idx %arg9[%convert_element_type3A_3195] : memref<272xf32, #tpu.memory_space<vmem>>[vector<16xi32>], vector<16xf32>,
      %gather3A_3198 = tpu.vector_load_idx %arg10[%convert_element_type3A_3195] : memref<272xf32, #tpu.memory_space<vmem>>[vector<16xi32>], vector<16xf32>,
      %gt3A = arith.cmpf ogt, %min3A_3191, %gather3A_3196 : vector<16xf32>
      %select_n3A_3199 = arith.select %gt3A, %gather3A_3198, %gather3A_3197 : vector<16xi1>, vector<16xf32>
      %mul3A_3200 = arith.mulf %select_n3A_3199, %max3A_3182 : vector<16xf32>
      %add3A_3201 = arith.constant 0 : i32
      %add3A_3202 = arith.addi %mul3A_3155, %add3A_3201 : i32
      %swap3A_3203 = arith.index_cast %add3A_3202 : i32 to index
      %swap3A_3204 = tpu.vector_load %arg7[%swap3A_3203] {strides = array<i32>} : memref<16384xf32, #tpu.memory_space<vmem>>, vector<16xf32>,
      tpu.vector_store %arg7[%swap3A_3203], %mul3A_3200 {strides = array<i32>} : memref<16384xf32, #tpu.memory_space<vmem>>, vector<16xf32>,
      %mul3A_3205 = arith.mulf %get3A_3161, %div3A_3184 : vector<16xf32>
      %jit3A_3206 = arith.constant -1.280000e+02 : f32
      %jit3A_3207 = arith.constant 1.280000e+02 : f32
      %max3A_3208 = vector.broadcast %jit3A_3206 : f32 to vector<16xf32>
      %max3A_3209 = arith.maximumf %max3A_3208, %mul3A_3205 : vector<16xf32>
      %min3A_3210 = vector.broadcast %jit3A_3207 : f32 to vector<16xf32>
      %min3A_3211 = arith.minimumf %min3A_3210, %max3A_3209 : vector<16xf32>
      %add3A_3212 = arith.constant 1.280000e+02 : f32
      %add3A_3213 = vector.broadcast %add3A_3212 : f32 to vector<16xf32>
      %add3A_3214 = arith.addf %min3A_3211, %add3A_3213 : vector<16xf32>
      %convert_element_type3A_3215 = arith.fptosi %add3A_3214 : vector<16xf32> to vector<16xi32>
      %gather3A_3216 = tpu.vector_load_idx %arg8[%convert_element_type3A_3215] : memref<272xf32, #tpu.memory_space<vmem>>[vector<16xi32>], vector<16xf32>,
      %gather3A_3217 = tpu.vector_load_idx %arg9[%convert_element_type3A_3215] : memref<272xf32, #tpu.memory_space<vmem>>[vector<16xi32>], vector<16xf32>,
      %gather3A_3218 = tpu.vector_load_idx %arg10[%convert_element_type3A_3215] : memref<272xf32, #tpu.memory_space<vmem>>[vector<16xi32>], vector<16xf32>,
      %gt3A_3219 = arith.cmpf ogt, %min3A_3211, %gather3A_3216 : vector<16xf32>
      %select_n3A_3220 = arith.select %gt3A_3219, %gather3A_3218, %gather3A_3217 : vector<16xi1>, vector<16xf32>
      %mul3A_3221 = arith.mulf %select_n3A_3220, %max3A_3182 : vector<16xf32>
      %add3A_3222 = arith.constant 16 : i32
      %add3A_3223 = arith.addi %mul3A_3155, %add3A_3222 : i32
      %swap3A_3224 = arith.index_cast %add3A_3223 : i32 to index
      %swap3A_3225 = tpu.vector_load %arg7[%swap3A_3224] {strides = array<i32>} : memref<16384xf32, #tpu.memory_space<vmem>>, vector<16xf32>,
      tpu.vector_store %arg7[%swap3A_3224], %mul3A_3221 {strides = array<i32>} : memref<16384xf32, #tpu.memory_space<vmem>>, vector<16xf32>,
      %mul3A_3226 = arith.mulf %get3A_3165, %div3A_3184 : vector<16xf32>
      %jit3A_3227 = arith.constant -1.280000e+02 : f32
      %jit3A_3228 = arith.constant 1.280000e+02 : f32
      %max3A_3229 = vector.broadcast %jit3A_3227 : f32 to vector<16xf32>
      %max3A_3230 = arith.maximumf %max3A_3229, %mul3A_3226 : vector<16xf32>
      %min3A_3231 = vector.broadcast %jit3A_3228 : f32 to vector<16xf32>
      %min3A_3232 = arith.minimumf %min3A_3231, %max3A_3230 : vector<16xf32>
      %add3A_3233 = arith.constant 1.280000e+02 : f32
      %add3A_3234 = vector.broadcast %add3A_3233 : f32 to vector<16xf32>
      %add3A_3235 = arith.addf %min3A_3232, %add3A_3234 : vector<16xf32>
      %convert_element_type3A_3236 = arith.fptosi %add3A_3235 : vector<16xf32> to vector<16xi32>
      %gather3A_3237 = tpu.vector_load_idx %arg8[%convert_element_type3A_3236] : memref<272xf32, #tpu.memory_space<vmem>>[vector<16xi32>], vector<16xf32>,
      %gather3A_3238 = tpu.vector_load_idx %arg9[%convert_element_type3A_3236] : memref<272xf32, #tpu.memory_space<vmem>>[vector<16xi32>], vector<16xf32>,
      %gather3A_3239 = tpu.vector_load_idx %arg10[%convert_element_type3A_3236] : memref<272xf32, #tpu.memory_space<vmem>>[vector<16xi32>], vector<16xf32>,
      %gt3A_3240 = arith.cmpf ogt, %min3A_3232, %gather3A_3237 : vector<16xf32>
      %select_n3A_3241 = arith.select %gt3A_3240, %gather3A_3239, %gather3A_3238 : vector<16xi1>, vector<16xf32>
      %mul3A_3242 = arith.mulf %select_n3A_3241, %max3A_3182 : vector<16xf32>
      %add3A_3243 = arith.constant 32 : i32
      %add3A_3244 = arith.addi %mul3A_3155, %add3A_3243 : i32
      %swap3A_3245 = arith.index_cast %add3A_3244 : i32 to index
      %swap3A_3246 = tpu.vector_load %arg7[%swap3A_3245] {strides = array<i32>} : memref<16384xf32, #tpu.memory_space<vmem>>, vector<16xf32>,
      tpu.vector_store %arg7[%swap3A_3245], %mul3A_3242 {strides = array<i32>} : memref<16384xf32, #tpu.memory_space<vmem>>, vector<16xf32>,
      %mul3A_3247 = arith.mulf %get3A_3169, %div3A_3184 : vector<16xf32>
      %jit3A_3248 = arith.constant -1.280000e+02 : f32
      %jit3A_3249 = arith.constant 1.280000e+02 : f32
      %max3A_3250 = vector.broadcast %jit3A_3248 : f32 to vector<16xf32>
      %max3A_3251 = arith.maximumf %max3A_3250, %mul3A_3247 : vector<16xf32>
      %min3A_3252 = vector.broadcast %jit3A_3249 : f32 to vector<16xf32>
      %min3A_3253 = arith.minimumf %min3A_3252, %max3A_3251 : vector<16xf32>
      %add3A_3254 = arith.constant 1.280000e+02 : f32
      %add3A_3255 = vector.broadcast %add3A_3254 : f32 to vector<16xf32>
      %add3A_3256 = arith.addf %min3A_3253, %add3A_3255 : vector<16xf32>
      %convert_element_type3A_3257 = arith.fptosi %add3A_3256 : vector<16xf32> to vector<16xi32>
      %gather3A_3258 = tpu.vector_load_idx %arg8[%convert_element_type3A_3257] : memref<272xf32, #tpu.memory_space<vmem>>[vector<16xi32>], vector<16xf32>,
      %gather3A_3259 = tpu.vector_load_idx %arg9[%convert_element_type3A_3257] : memref<272xf32, #tpu.memory_space<vmem>>[vector<16xi32>], vector<16xf32>,
      %gather3A_3260 = tpu.vector_load_idx %arg10[%convert_element_type3A_3257] : memref<272xf32, #tpu.memory_space<vmem>>[vector<16xi32>], vector<16xf32>,
      %gt3A_3261 = arith.cmpf ogt, %min3A_3253, %gather3A_3258 : vector<16xf32>
      %select_n3A_3262 = arith.select %gt3A_3261, %gather3A_3260, %gather3A_3259 : vector<16xi1>, vector<16xf32>
      %mul3A_3263 = arith.mulf %select_n3A_3262, %max3A_3182 : vector<16xf32>
      %add3A_3264 = arith.constant 48 : i32
      %add3A_3265 = arith.addi %mul3A_3155, %add3A_3264 : i32
      %swap3A_3266 = arith.index_cast %add3A_3265 : i32 to index
      %swap3A_3267 = tpu.vector_load %arg7[%swap3A_3266] {strides = array<i32>} : memref<16384xf32, #tpu.memory_space<vmem>>, vector<16xf32>,
      tpu.vector_store %arg7[%swap3A_3266], %mul3A_3263 {strides = array<i32>} : memref<16384xf32, #tpu.memory_space<vmem>>, vector<16xf32>,
    }
    %scan3A_3132 = arith.constant 256 : i32
    "tpu.region"() ({
      %run_scoped3A = tpu.sem_alloc : memref<!tpu.dma_semaphore, #tpu.memory_space<semaphore_mem>>
      %dma_start3A = tpu.memref_slice %arg5[%add3A_3126] : memref<4194304xf32, #tpu.memory_space<hbm>> -> memref<16384xf32, #tpu.memory_space<hbm>>
      %dma_start3A_3153 = tpu.memref_slice %arg5[%add3A_3126] : memref<4194304xf32, #tpu.memory_space<hbm>> -> memref<16384xf32, #tpu.memory_space<hbm>>
      tpu.enqueue_dma source(%arg7 : memref<16384xf32, #tpu.memory_space<vmem>>) target(%dma_start3A_3153 : memref<16384xf32, #tpu.memory_space<hbm>>) target_semaphore(%run_scoped3A : memref<!tpu.dma_semaphore, #tpu.memory_space<semaphore_mem>>)
      %dma_wait3A = tpu.memref_slice %arg5[%add3A_3126] : memref<4194304xf32, #tpu.memory_space<hbm>> -> memref<16384xf32, #tpu.memory_space<hbm>>
      %dma_wait3A_3154 = tpu.memref_slice %arg5[%add3A_3126] : memref<4194304xf32, #tpu.memory_space<hbm>> -> memref<16384xf32, #tpu.memory_space<hbm>>
      tpu.wait_dma2 semaphore(%run_scoped3A : memref<!tpu.dma_semaphore, #tpu.memory_space<semaphore_mem>>) src(%arg7 : memref<16384xf32, #tpu.memory_space<vmem>>) dst(%dma_wait3A_3154 : memref<16384xf32, #tpu.memory_space<hbm>>)
      tpu.yield
    }) : () -> ()
    %mul3A_3133 = arith.constant 131072 : i32
    %mul3A_3134 = arith.muli %add3A, %mul3A_3133 : i32
    %add3A_3135 = arith.constant 98304 : i32
    %add3A_3136 = arith.addi %mul3A_3134, %add3A_3135 : i32
    "tpu.region"() ({
      %run_scoped3A = tpu.sem_alloc : memref<!tpu.dma_semaphore, #tpu.memory_space<semaphore_mem>>
      %dma_start3A = tpu.memref_slice %arg2[%add3A_3136] : memref<4194304xf32, #tpu.memory_space<hbm>> -> memref<16384xf32, #tpu.memory_space<hbm>>
      %dma_start3A_3153 = tpu.memref_slice %arg2[%add3A_3136] : memref<4194304xf32, #tpu.memory_space<hbm>> -> memref<16384xf32, #tpu.memory_space<hbm>>
      tpu.enqueue_dma source(%dma_start3A_3153 : memref<16384xf32, #tpu.memory_space<hbm>>) target(%arg6 : memref<16384xf32, #tpu.memory_space<vmem>>) target_semaphore(%run_scoped3A : memref<!tpu.dma_semaphore, #tpu.memory_space<semaphore_mem>>)
      %dma_wait3A = tpu.memref_slice %arg2[%add3A_3136] : memref<4194304xf32, #tpu.memory_space<hbm>> -> memref<16384xf32, #tpu.memory_space<hbm>>
      %dma_wait3A_3154 = tpu.memref_slice %arg2[%add3A_3136] : memref<4194304xf32, #tpu.memory_space<hbm>> -> memref<16384xf32, #tpu.memory_space<hbm>>
      tpu.wait_dma2 semaphore(%run_scoped3A : memref<!tpu.dma_semaphore, #tpu.memory_space<semaphore_mem>>) src(%dma_wait3A_3154 : memref<16384xf32, #tpu.memory_space<hbm>>) dst(%arg6 : memref<16384xf32, #tpu.memory_space<vmem>>)
      tpu.yield
    }) : () -> ()
    %scan3A_3137 = arith.constant 0 : i32
    %scan3A_3138 = arith.constant 0 : i32
    %scan3A_3139 = arith.constant 256 : i32
    %scan3A_3140 = arith.addi %scan3A_3138, %scan3A_3139 : i32
    %scan3A_3141 = arith.constant 1 : i32
    scf.for %scan3A_3153 = %scan3A_3138 to %scan3A_3140 step %scan3A_3141  : i32 {
      %mul3A_3154 = arith.constant 64 : i32
      %mul3A_3155 = arith.muli %scan3A_3153, %mul3A_3154 : i32
      %get3A_3156 = arith.index_cast %mul3A_3155 : i32 to index
      %get3A_3157 = tpu.vector_load %arg6[%get3A_3156] {strides = array<i32>} : memref<16384xf32, #tpu.memory_space<vmem>>, vector<16xf32>,
      %add3A_3158 = arith.constant 16 : i32
      %add3A_3159 = arith.addi %mul3A_3155, %add3A_3158 : i32
      %get3A_3160 = arith.index_cast %add3A_3159 : i32 to index
      %get3A_3161 = tpu.vector_load %arg6[%get3A_3160] {strides = array<i32>} : memref<16384xf32, #tpu.memory_space<vmem>>, vector<16xf32>,
      %add3A_3162 = arith.constant 32 : i32
      %add3A_3163 = arith.addi %mul3A_3155, %add3A_3162 : i32
      %get3A_3164 = arith.index_cast %add3A_3163 : i32 to index
      %get3A_3165 = tpu.vector_load %arg6[%get3A_3164] {strides = array<i32>} : memref<16384xf32, #tpu.memory_space<vmem>>, vector<16xf32>,
      %add3A_3166 = arith.constant 48 : i32
      %add3A_3167 = arith.addi %mul3A_3155, %add3A_3166 : i32
      %get3A_3168 = arith.index_cast %add3A_3167 : i32 to index
      %get3A_3169 = tpu.vector_load %arg6[%get3A_3168] {strides = array<i32>} : memref<16384xf32, #tpu.memory_space<vmem>>, vector<16xf32>,
      %abs3A = math.absf %get3A_3157 : vector<16xf32>
      %abs3A_3170 = math.absf %get3A_3161 : vector<16xf32>
      %max3A = arith.maximumf %abs3A, %abs3A_3170 : vector<16xf32>
      %abs3A_3171 = math.absf %get3A_3165 : vector<16xf32>
      %abs3A_3172 = math.absf %get3A_3169 : vector<16xf32>
      %max3A_3173 = arith.maximumf %abs3A_3171, %abs3A_3172 : vector<16xf32>
      %max3A_3174 = arith.maximumf %max3A, %max3A_3173 : vector<16xf32>
      %reduce_max3A = arith.constant true
      %reduce_max3A_3175 = vector.broadcast %reduce_max3A : i1 to vector<16xi1>
      %reduce_max3A_3176 = tpu.scan <max>, %max3A_3174 masked %reduce_max3A_3175 : vector<16xf32>, vector<16xi1> -> vector<16xf32>
      %reduce_max3A_3177 = vector.extract %reduce_max3A_3176[15] : f32 from vector<16xf32>
      %broadcast_in_dim3A_3178 = vector.broadcast %reduce_max3A_3177 : f32 to vector<16xf32>
      %mul3A_3179 = arith.mulf %broadcast_in_dim3A_3178, %exp3A : vector<16xf32>
      %max3A_3180 = arith.constant 9.99999997E-7 : f32
      %max3A_3181 = vector.broadcast %max3A_3180 : f32 to vector<16xf32>
      %max3A_3182 = arith.maximumf %mul3A_3179, %max3A_3181 : vector<16xf32>
      %div3A = arith.constant 1.280000e+02 : f32
      %div3A_3183 = vector.broadcast %div3A : f32 to vector<16xf32>
      %div3A_3184 = arith.divf %div3A_3183, %max3A_3182 : vector<16xf32>
      %mul3A_3185 = arith.mulf %get3A_3157, %div3A_3184 : vector<16xf32>
      %jit3A_3186 = arith.constant -1.280000e+02 : f32
      %jit3A_3187 = arith.constant 1.280000e+02 : f32
      %max3A_3188 = vector.broadcast %jit3A_3186 : f32 to vector<16xf32>
      %max3A_3189 = arith.maximumf %max3A_3188, %mul3A_3185 : vector<16xf32>
      %min3A_3190 = vector.broadcast %jit3A_3187 : f32 to vector<16xf32>
      %min3A_3191 = arith.minimumf %min3A_3190, %max3A_3189 : vector<16xf32>
      %add3A_3192 = arith.constant 1.280000e+02 : f32
      %add3A_3193 = vector.broadcast %add3A_3192 : f32 to vector<16xf32>
      %add3A_3194 = arith.addf %min3A_3191, %add3A_3193 : vector<16xf32>
      %convert_element_type3A_3195 = arith.fptosi %add3A_3194 : vector<16xf32> to vector<16xi32>
      %gather3A_3196 = tpu.vector_load_idx %arg8[%convert_element_type3A_3195] : memref<272xf32, #tpu.memory_space<vmem>>[vector<16xi32>], vector<16xf32>,
      %gather3A_3197 = tpu.vector_load_idx %arg9[%convert_element_type3A_3195] : memref<272xf32, #tpu.memory_space<vmem>>[vector<16xi32>], vector<16xf32>,
      %gather3A_3198 = tpu.vector_load_idx %arg10[%convert_element_type3A_3195] : memref<272xf32, #tpu.memory_space<vmem>>[vector<16xi32>], vector<16xf32>,
      %gt3A = arith.cmpf ogt, %min3A_3191, %gather3A_3196 : vector<16xf32>
      %select_n3A_3199 = arith.select %gt3A, %gather3A_3198, %gather3A_3197 : vector<16xi1>, vector<16xf32>
      %mul3A_3200 = arith.mulf %select_n3A_3199, %max3A_3182 : vector<16xf32>
      %add3A_3201 = arith.constant 0 : i32
      %add3A_3202 = arith.addi %mul3A_3155, %add3A_3201 : i32
      %swap3A_3203 = arith.index_cast %add3A_3202 : i32 to index
      %swap3A_3204 = tpu.vector_load %arg7[%swap3A_3203] {strides = array<i32>} : memref<16384xf32, #tpu.memory_space<vmem>>, vector<16xf32>,
      tpu.vector_store %arg7[%swap3A_3203], %mul3A_3200 {strides = array<i32>} : memref<16384xf32, #tpu.memory_space<vmem>>, vector<16xf32>,
      %mul3A_3205 = arith.mulf %get3A_3161, %div3A_3184 : vector<16xf32>
      %jit3A_3206 = arith.constant -1.280000e+02 : f32
      %jit3A_3207 = arith.constant 1.280000e+02 : f32
      %max3A_3208 = vector.broadcast %jit3A_3206 : f32 to vector<16xf32>
      %max3A_3209 = arith.maximumf %max3A_3208, %mul3A_3205 : vector<16xf32>
      %min3A_3210 = vector.broadcast %jit3A_3207 : f32 to vector<16xf32>
      %min3A_3211 = arith.minimumf %min3A_3210, %max3A_3209 : vector<16xf32>
      %add3A_3212 = arith.constant 1.280000e+02 : f32
      %add3A_3213 = vector.broadcast %add3A_3212 : f32 to vector<16xf32>
      %add3A_3214 = arith.addf %min3A_3211, %add3A_3213 : vector<16xf32>
      %convert_element_type3A_3215 = arith.fptosi %add3A_3214 : vector<16xf32> to vector<16xi32>
      %gather3A_3216 = tpu.vector_load_idx %arg8[%convert_element_type3A_3215] : memref<272xf32, #tpu.memory_space<vmem>>[vector<16xi32>], vector<16xf32>,
      %gather3A_3217 = tpu.vector_load_idx %arg9[%convert_element_type3A_3215] : memref<272xf32, #tpu.memory_space<vmem>>[vector<16xi32>], vector<16xf32>,
      %gather3A_3218 = tpu.vector_load_idx %arg10[%convert_element_type3A_3215] : memref<272xf32, #tpu.memory_space<vmem>>[vector<16xi32>], vector<16xf32>,
      %gt3A_3219 = arith.cmpf ogt, %min3A_3211, %gather3A_3216 : vector<16xf32>
      %select_n3A_3220 = arith.select %gt3A_3219, %gather3A_3218, %gather3A_3217 : vector<16xi1>, vector<16xf32>
      %mul3A_3221 = arith.mulf %select_n3A_3220, %max3A_3182 : vector<16xf32>
      %add3A_3222 = arith.constant 16 : i32
      %add3A_3223 = arith.addi %mul3A_3155, %add3A_3222 : i32
      %swap3A_3224 = arith.index_cast %add3A_3223 : i32 to index
      %swap3A_3225 = tpu.vector_load %arg7[%swap3A_3224] {strides = array<i32>} : memref<16384xf32, #tpu.memory_space<vmem>>, vector<16xf32>,
      tpu.vector_store %arg7[%swap3A_3224], %mul3A_3221 {strides = array<i32>} : memref<16384xf32, #tpu.memory_space<vmem>>, vector<16xf32>,
      %mul3A_3226 = arith.mulf %get3A_3165, %div3A_3184 : vector<16xf32>
      %jit3A_3227 = arith.constant -1.280000e+02 : f32
      %jit3A_3228 = arith.constant 1.280000e+02 : f32
      %max3A_3229 = vector.broadcast %jit3A_3227 : f32 to vector<16xf32>
      %max3A_3230 = arith.maximumf %max3A_3229, %mul3A_3226 : vector<16xf32>
      %min3A_3231 = vector.broadcast %jit3A_3228 : f32 to vector<16xf32>
      %min3A_3232 = arith.minimumf %min3A_3231, %max3A_3230 : vector<16xf32>
      %add3A_3233 = arith.constant 1.280000e+02 : f32
      %add3A_3234 = vector.broadcast %add3A_3233 : f32 to vector<16xf32>
      %add3A_3235 = arith.addf %min3A_3232, %add3A_3234 : vector<16xf32>
      %convert_element_type3A_3236 = arith.fptosi %add3A_3235 : vector<16xf32> to vector<16xi32>
      %gather3A_3237 = tpu.vector_load_idx %arg8[%convert_element_type3A_3236] : memref<272xf32, #tpu.memory_space<vmem>>[vector<16xi32>], vector<16xf32>,
      %gather3A_3238 = tpu.vector_load_idx %arg9[%convert_element_type3A_3236] : memref<272xf32, #tpu.memory_space<vmem>>[vector<16xi32>], vector<16xf32>,
      %gather3A_3239 = tpu.vector_load_idx %arg10[%convert_element_type3A_3236] : memref<272xf32, #tpu.memory_space<vmem>>[vector<16xi32>], vector<16xf32>,
      %gt3A_3240 = arith.cmpf ogt, %min3A_3232, %gather3A_3237 : vector<16xf32>
      %select_n3A_3241 = arith.select %gt3A_3240, %gather3A_3239, %gather3A_3238 : vector<16xi1>, vector<16xf32>
      %mul3A_3242 = arith.mulf %select_n3A_3241, %max3A_3182 : vector<16xf32>
      %add3A_3243 = arith.constant 32 : i32
      %add3A_3244 = arith.addi %mul3A_3155, %add3A_3243 : i32
      %swap3A_3245 = arith.index_cast %add3A_3244 : i32 to index
      %swap3A_3246 = tpu.vector_load %arg7[%swap3A_3245] {strides = array<i32>} : memref<16384xf32, #tpu.memory_space<vmem>>, vector<16xf32>,
      tpu.vector_store %arg7[%swap3A_3245], %mul3A_3242 {strides = array<i32>} : memref<16384xf32, #tpu.memory_space<vmem>>, vector<16xf32>,
      %mul3A_3247 = arith.mulf %get3A_3169, %div3A_3184 : vector<16xf32>
      %jit3A_3248 = arith.constant -1.280000e+02 : f32
      %jit3A_3249 = arith.constant 1.280000e+02 : f32
      %max3A_3250 = vector.broadcast %jit3A_3248 : f32 to vector<16xf32>
      %max3A_3251 = arith.maximumf %max3A_3250, %mul3A_3247 : vector<16xf32>
      %min3A_3252 = vector.broadcast %jit3A_3249 : f32 to vector<16xf32>
      %min3A_3253 = arith.minimumf %min3A_3252, %max3A_3251 : vector<16xf32>
      %add3A_3254 = arith.constant 1.280000e+02 : f32
      %add3A_3255 = vector.broadcast %add3A_3254 : f32 to vector<16xf32>
      %add3A_3256 = arith.addf %min3A_3253, %add3A_3255 : vector<16xf32>
      %convert_element_type3A_3257 = arith.fptosi %add3A_3256 : vector<16xf32> to vector<16xi32>
      %gather3A_3258 = tpu.vector_load_idx %arg8[%convert_element_type3A_3257] : memref<272xf32, #tpu.memory_space<vmem>>[vector<16xi32>], vector<16xf32>,
      %gather3A_3259 = tpu.vector_load_idx %arg9[%convert_element_type3A_3257] : memref<272xf32, #tpu.memory_space<vmem>>[vector<16xi32>], vector<16xf32>,
      %gather3A_3260 = tpu.vector_load_idx %arg10[%convert_element_type3A_3257] : memref<272xf32, #tpu.memory_space<vmem>>[vector<16xi32>], vector<16xf32>,
      %gt3A_3261 = arith.cmpf ogt, %min3A_3253, %gather3A_3258 : vector<16xf32>
      %select_n3A_3262 = arith.select %gt3A_3261, %gather3A_3260, %gather3A_3259 : vector<16xi1>, vector<16xf32>
      %mul3A_3263 = arith.mulf %select_n3A_3262, %max3A_3182 : vector<16xf32>
      %add3A_3264 = arith.constant 48 : i32
      %add3A_3265 = arith.addi %mul3A_3155, %add3A_3264 : i32
      %swap3A_3266 = arith.index_cast %add3A_3265 : i32 to index
      %swap3A_3267 = tpu.vector_load %arg7[%swap3A_3266] {strides = array<i32>} : memref<16384xf32, #tpu.memory_space<vmem>>, vector<16xf32>,
      tpu.vector_store %arg7[%swap3A_3266], %mul3A_3263 {strides = array<i32>} : memref<16384xf32, #tpu.memory_space<vmem>>, vector<16xf32>,
    }
    %scan3A_3142 = arith.constant 256 : i32
    "tpu.region"() ({
      %run_scoped3A = tpu.sem_alloc : memref<!tpu.dma_semaphore, #tpu.memory_space<semaphore_mem>>
      %dma_start3A = tpu.memref_slice %arg5[%add3A_3136] : memref<4194304xf32, #tpu.memory_space<hbm>> -> memref<16384xf32, #tpu.memory_space<hbm>>
      %dma_start3A_3153 = tpu.memref_slice %arg5[%add3A_3136] : memref<4194304xf32, #tpu.memory_space<hbm>> -> memref<16384xf32, #tpu.memory_space<hbm>>
      tpu.enqueue_dma source(%arg7 : memref<16384xf32, #tpu.memory_space<vmem>>) target(%dma_start3A_3153 : memref<16384xf32, #tpu.memory_space<hbm>>) target_semaphore(%run_scoped3A : memref<!tpu.dma_semaphore, #tpu.memory_space<semaphore_mem>>)
      %dma_wait3A = tpu.memref_slice %arg5[%add3A_3136] : memref<4194304xf32, #tpu.memory_space<hbm>> -> memref<16384xf32, #tpu.memory_space<hbm>>
      %dma_wait3A_3154 = tpu.memref_slice %arg5[%add3A_3136] : memref<4194304xf32, #tpu.memory_space<hbm>> -> memref<16384xf32, #tpu.memory_space<hbm>>
      tpu.wait_dma2 semaphore(%run_scoped3A : memref<!tpu.dma_semaphore, #tpu.memory_space<semaphore_mem>>) src(%arg7 : memref<16384xf32, #tpu.memory_space<vmem>>) dst(%dma_wait3A_3154 : memref<16384xf32, #tpu.memory_space<hbm>>)
      tpu.yield
    }) : () -> ()
    %mul3A_3143 = arith.constant 131072 : i32
    %mul3A_3144 = arith.muli %add3A, %mul3A_3143 : i32
    %add3A_3145 = arith.constant 114688 : i32
    %add3A_3146 = arith.addi %mul3A_3144, %add3A_3145 : i32
    "tpu.region"() ({
      %run_scoped3A = tpu.sem_alloc : memref<!tpu.dma_semaphore, #tpu.memory_space<semaphore_mem>>
      %dma_start3A = tpu.memref_slice %arg2[%add3A_3146] : memref<4194304xf32, #tpu.memory_space<hbm>> -> memref<16384xf32, #tpu.memory_space<hbm>>
      %dma_start3A_3153 = tpu.memref_slice %arg2[%add3A_3146] : memref<4194304xf32, #tpu.memory_space<hbm>> -> memref<16384xf32, #tpu.memory_space<hbm>>
      tpu.enqueue_dma source(%dma_start3A_3153 : memref<16384xf32, #tpu.memory_space<hbm>>) target(%arg6 : memref<16384xf32, #tpu.memory_space<vmem>>) target_semaphore(%run_scoped3A : memref<!tpu.dma_semaphore, #tpu.memory_space<semaphore_mem>>)
      %dma_wait3A = tpu.memref_slice %arg2[%add3A_3146] : memref<4194304xf32, #tpu.memory_space<hbm>> -> memref<16384xf32, #tpu.memory_space<hbm>>
      %dma_wait3A_3154 = tpu.memref_slice %arg2[%add3A_3146] : memref<4194304xf32, #tpu.memory_space<hbm>> -> memref<16384xf32, #tpu.memory_space<hbm>>
      tpu.wait_dma2 semaphore(%run_scoped3A : memref<!tpu.dma_semaphore, #tpu.memory_space<semaphore_mem>>) src(%dma_wait3A_3154 : memref<16384xf32, #tpu.memory_space<hbm>>) dst(%arg6 : memref<16384xf32, #tpu.memory_space<vmem>>)
      tpu.yield
    }) : () -> ()
    %scan3A_3147 = arith.constant 0 : i32
    %scan3A_3148 = arith.constant 0 : i32
    %scan3A_3149 = arith.constant 256 : i32
    %scan3A_3150 = arith.addi %scan3A_3148, %scan3A_3149 : i32
    %scan3A_3151 = arith.constant 1 : i32
    scf.for %scan3A_3153 = %scan3A_3148 to %scan3A_3150 step %scan3A_3151  : i32 {
      %mul3A_3154 = arith.constant 64 : i32
      %mul3A_3155 = arith.muli %scan3A_3153, %mul3A_3154 : i32
      %get3A_3156 = arith.index_cast %mul3A_3155 : i32 to index
      %get3A_3157 = tpu.vector_load %arg6[%get3A_3156] {strides = array<i32>} : memref<16384xf32, #tpu.memory_space<vmem>>, vector<16xf32>,
      %add3A_3158 = arith.constant 16 : i32
      %add3A_3159 = arith.addi %mul3A_3155, %add3A_3158 : i32
      %get3A_3160 = arith.index_cast %add3A_3159 : i32 to index
      %get3A_3161 = tpu.vector_load %arg6[%get3A_3160] {strides = array<i32>} : memref<16384xf32, #tpu.memory_space<vmem>>, vector<16xf32>,
      %add3A_3162 = arith.constant 32 : i32
      %add3A_3163 = arith.addi %mul3A_3155, %add3A_3162 : i32
      %get3A_3164 = arith.index_cast %add3A_3163 : i32 to index
      %get3A_3165 = tpu.vector_load %arg6[%get3A_3164] {strides = array<i32>} : memref<16384xf32, #tpu.memory_space<vmem>>, vector<16xf32>,
      %add3A_3166 = arith.constant 48 : i32
      %add3A_3167 = arith.addi %mul3A_3155, %add3A_3166 : i32
      %get3A_3168 = arith.index_cast %add3A_3167 : i32 to index
      %get3A_3169 = tpu.vector_load %arg6[%get3A_3168] {strides = array<i32>} : memref<16384xf32, #tpu.memory_space<vmem>>, vector<16xf32>,
      %abs3A = math.absf %get3A_3157 : vector<16xf32>
      %abs3A_3170 = math.absf %get3A_3161 : vector<16xf32>
      %max3A = arith.maximumf %abs3A, %abs3A_3170 : vector<16xf32>
      %abs3A_3171 = math.absf %get3A_3165 : vector<16xf32>
      %abs3A_3172 = math.absf %get3A_3169 : vector<16xf32>
      %max3A_3173 = arith.maximumf %abs3A_3171, %abs3A_3172 : vector<16xf32>
      %max3A_3174 = arith.maximumf %max3A, %max3A_3173 : vector<16xf32>
      %reduce_max3A = arith.constant true
      %reduce_max3A_3175 = vector.broadcast %reduce_max3A : i1 to vector<16xi1>
      %reduce_max3A_3176 = tpu.scan <max>, %max3A_3174 masked %reduce_max3A_3175 : vector<16xf32>, vector<16xi1> -> vector<16xf32>
      %reduce_max3A_3177 = vector.extract %reduce_max3A_3176[15] : f32 from vector<16xf32>
      %broadcast_in_dim3A_3178 = vector.broadcast %reduce_max3A_3177 : f32 to vector<16xf32>
      %mul3A_3179 = arith.mulf %broadcast_in_dim3A_3178, %exp3A : vector<16xf32>
      %max3A_3180 = arith.constant 9.99999997E-7 : f32
      %max3A_3181 = vector.broadcast %max3A_3180 : f32 to vector<16xf32>
      %max3A_3182 = arith.maximumf %mul3A_3179, %max3A_3181 : vector<16xf32>
      %div3A = arith.constant 1.280000e+02 : f32
      %div3A_3183 = vector.broadcast %div3A : f32 to vector<16xf32>
      %div3A_3184 = arith.divf %div3A_3183, %max3A_3182 : vector<16xf32>
      %mul3A_3185 = arith.mulf %get3A_3157, %div3A_3184 : vector<16xf32>
      %jit3A_3186 = arith.constant -1.280000e+02 : f32
      %jit3A_3187 = arith.constant 1.280000e+02 : f32
      %max3A_3188 = vector.broadcast %jit3A_3186 : f32 to vector<16xf32>
      %max3A_3189 = arith.maximumf %max3A_3188, %mul3A_3185 : vector<16xf32>
      %min3A_3190 = vector.broadcast %jit3A_3187 : f32 to vector<16xf32>
      %min3A_3191 = arith.minimumf %min3A_3190, %max3A_3189 : vector<16xf32>
      %add3A_3192 = arith.constant 1.280000e+02 : f32
      %add3A_3193 = vector.broadcast %add3A_3192 : f32 to vector<16xf32>
      %add3A_3194 = arith.addf %min3A_3191, %add3A_3193 : vector<16xf32>
      %convert_element_type3A_3195 = arith.fptosi %add3A_3194 : vector<16xf32> to vector<16xi32>
      %gather3A_3196 = tpu.vector_load_idx %arg8[%convert_element_type3A_3195] : memref<272xf32, #tpu.memory_space<vmem>>[vector<16xi32>], vector<16xf32>,
      %gather3A_3197 = tpu.vector_load_idx %arg9[%convert_element_type3A_3195] : memref<272xf32, #tpu.memory_space<vmem>>[vector<16xi32>], vector<16xf32>,
      %gather3A_3198 = tpu.vector_load_idx %arg10[%convert_element_type3A_3195] : memref<272xf32, #tpu.memory_space<vmem>>[vector<16xi32>], vector<16xf32>,
      %gt3A = arith.cmpf ogt, %min3A_3191, %gather3A_3196 : vector<16xf32>
      %select_n3A_3199 = arith.select %gt3A, %gather3A_3198, %gather3A_3197 : vector<16xi1>, vector<16xf32>
      %mul3A_3200 = arith.mulf %select_n3A_3199, %max3A_3182 : vector<16xf32>
      %add3A_3201 = arith.constant 0 : i32
      %add3A_3202 = arith.addi %mul3A_3155, %add3A_3201 : i32
      %swap3A_3203 = arith.index_cast %add3A_3202 : i32 to index
      %swap3A_3204 = tpu.vector_load %arg7[%swap3A_3203] {strides = array<i32>} : memref<16384xf32, #tpu.memory_space<vmem>>, vector<16xf32>,
      tpu.vector_store %arg7[%swap3A_3203], %mul3A_3200 {strides = array<i32>} : memref<16384xf32, #tpu.memory_space<vmem>>, vector<16xf32>,
      %mul3A_3205 = arith.mulf %get3A_3161, %div3A_3184 : vector<16xf32>
      %jit3A_3206 = arith.constant -1.280000e+02 : f32
      %jit3A_3207 = arith.constant 1.280000e+02 : f32
      %max3A_3208 = vector.broadcast %jit3A_3206 : f32 to vector<16xf32>
      %max3A_3209 = arith.maximumf %max3A_3208, %mul3A_3205 : vector<16xf32>
      %min3A_3210 = vector.broadcast %jit3A_3207 : f32 to vector<16xf32>
      %min3A_3211 = arith.minimumf %min3A_3210, %max3A_3209 : vector<16xf32>
      %add3A_3212 = arith.constant 1.280000e+02 : f32
      %add3A_3213 = vector.broadcast %add3A_3212 : f32 to vector<16xf32>
      %add3A_3214 = arith.addf %min3A_3211, %add3A_3213 : vector<16xf32>
      %convert_element_type3A_3215 = arith.fptosi %add3A_3214 : vector<16xf32> to vector<16xi32>
      %gather3A_3216 = tpu.vector_load_idx %arg8[%convert_element_type3A_3215] : memref<272xf32, #tpu.memory_space<vmem>>[vector<16xi32>], vector<16xf32>,
      %gather3A_3217 = tpu.vector_load_idx %arg9[%convert_element_type3A_3215] : memref<272xf32, #tpu.memory_space<vmem>>[vector<16xi32>], vector<16xf32>,
      %gather3A_3218 = tpu.vector_load_idx %arg10[%convert_element_type3A_3215] : memref<272xf32, #tpu.memory_space<vmem>>[vector<16xi32>], vector<16xf32>,
      %gt3A_3219 = arith.cmpf ogt, %min3A_3211, %gather3A_3216 : vector<16xf32>
      %select_n3A_3220 = arith.select %gt3A_3219, %gather3A_3218, %gather3A_3217 : vector<16xi1>, vector<16xf32>
      %mul3A_3221 = arith.mulf %select_n3A_3220, %max3A_3182 : vector<16xf32>
      %add3A_3222 = arith.constant 16 : i32
      %add3A_3223 = arith.addi %mul3A_3155, %add3A_3222 : i32
      %swap3A_3224 = arith.index_cast %add3A_3223 : i32 to index
      %swap3A_3225 = tpu.vector_load %arg7[%swap3A_3224] {strides = array<i32>} : memref<16384xf32, #tpu.memory_space<vmem>>, vector<16xf32>,
      tpu.vector_store %arg7[%swap3A_3224], %mul3A_3221 {strides = array<i32>} : memref<16384xf32, #tpu.memory_space<vmem>>, vector<16xf32>,
      %mul3A_3226 = arith.mulf %get3A_3165, %div3A_3184 : vector<16xf32>
      %jit3A_3227 = arith.constant -1.280000e+02 : f32
      %jit3A_3228 = arith.constant 1.280000e+02 : f32
      %max3A_3229 = vector.broadcast %jit3A_3227 : f32 to vector<16xf32>
      %max3A_3230 = arith.maximumf %max3A_3229, %mul3A_3226 : vector<16xf32>
      %min3A_3231 = vector.broadcast %jit3A_3228 : f32 to vector<16xf32>
      %min3A_3232 = arith.minimumf %min3A_3231, %max3A_3230 : vector<16xf32>
      %add3A_3233 = arith.constant 1.280000e+02 : f32
      %add3A_3234 = vector.broadcast %add3A_3233 : f32 to vector<16xf32>
      %add3A_3235 = arith.addf %min3A_3232, %add3A_3234 : vector<16xf32>
      %convert_element_type3A_3236 = arith.fptosi %add3A_3235 : vector<16xf32> to vector<16xi32>
      %gather3A_3237 = tpu.vector_load_idx %arg8[%convert_element_type3A_3236] : memref<272xf32, #tpu.memory_space<vmem>>[vector<16xi32>], vector<16xf32>,
      %gather3A_3238 = tpu.vector_load_idx %arg9[%convert_element_type3A_3236] : memref<272xf32, #tpu.memory_space<vmem>>[vector<16xi32>], vector<16xf32>,
      %gather3A_3239 = tpu.vector_load_idx %arg10[%convert_element_type3A_3236] : memref<272xf32, #tpu.memory_space<vmem>>[vector<16xi32>], vector<16xf32>,
      %gt3A_3240 = arith.cmpf ogt, %min3A_3232, %gather3A_3237 : vector<16xf32>
      %select_n3A_3241 = arith.select %gt3A_3240, %gather3A_3239, %gather3A_3238 : vector<16xi1>, vector<16xf32>
      %mul3A_3242 = arith.mulf %select_n3A_3241, %max3A_3182 : vector<16xf32>
      %add3A_3243 = arith.constant 32 : i32
      %add3A_3244 = arith.addi %mul3A_3155, %add3A_3243 : i32
      %swap3A_3245 = arith.index_cast %add3A_3244 : i32 to index
      %swap3A_3246 = tpu.vector_load %arg7[%swap3A_3245] {strides = array<i32>} : memref<16384xf32, #tpu.memory_space<vmem>>, vector<16xf32>,
      tpu.vector_store %arg7[%swap3A_3245], %mul3A_3242 {strides = array<i32>} : memref<16384xf32, #tpu.memory_space<vmem>>, vector<16xf32>,
      %mul3A_3247 = arith.mulf %get3A_3169, %div3A_3184 : vector<16xf32>
      %jit3A_3248 = arith.constant -1.280000e+02 : f32
      %jit3A_3249 = arith.constant 1.280000e+02 : f32
      %max3A_3250 = vector.broadcast %jit3A_3248 : f32 to vector<16xf32>
      %max3A_3251 = arith.maximumf %max3A_3250, %mul3A_3247 : vector<16xf32>
      %min3A_3252 = vector.broadcast %jit3A_3249 : f32 to vector<16xf32>
      %min3A_3253 = arith.minimumf %min3A_3252, %max3A_3251 : vector<16xf32>
      %add3A_3254 = arith.constant 1.280000e+02 : f32
      %add3A_3255 = vector.broadcast %add3A_3254 : f32 to vector<16xf32>
      %add3A_3256 = arith.addf %min3A_3253, %add3A_3255 : vector<16xf32>
      %convert_element_type3A_3257 = arith.fptosi %add3A_3256 : vector<16xf32> to vector<16xi32>
      %gather3A_3258 = tpu.vector_load_idx %arg8[%convert_element_type3A_3257] : memref<272xf32, #tpu.memory_space<vmem>>[vector<16xi32>], vector<16xf32>,
      %gather3A_3259 = tpu.vector_load_idx %arg9[%convert_element_type3A_3257] : memref<272xf32, #tpu.memory_space<vmem>>[vector<16xi32>], vector<16xf32>,
      %gather3A_3260 = tpu.vector_load_idx %arg10[%convert_element_type3A_3257] : memref<272xf32, #tpu.memory_space<vmem>>[vector<16xi32>], vector<16xf32>,
      %gt3A_3261 = arith.cmpf ogt, %min3A_3253, %gather3A_3258 : vector<16xf32>
      %select_n3A_3262 = arith.select %gt3A_3261, %gather3A_3260, %gather3A_3259 : vector<16xi1>, vector<16xf32>
      %mul3A_3263 = arith.mulf %select_n3A_3262, %max3A_3182 : vector<16xf32>
      %add3A_3264 = arith.constant 48 : i32
      %add3A_3265 = arith.addi %mul3A_3155, %add3A_3264 : i32
      %swap3A_3266 = arith.index_cast %add3A_3265 : i32 to index
      %swap3A_3267 = tpu.vector_load %arg7[%swap3A_3266] {strides = array<i32>} : memref<16384xf32, #tpu.memory_space<vmem>>, vector<16xf32>,
      tpu.vector_store %arg7[%swap3A_3266], %mul3A_3263 {strides = array<i32>} : memref<16384xf32, #tpu.memory_space<vmem>>, vector<16xf32>,
    }
    %scan3A_3152 = arith.constant 256 : i32
    "tpu.region"() ({
      %run_scoped3A = tpu.sem_alloc : memref<!tpu.dma_semaphore, #tpu.memory_space<semaphore_mem>>
      %dma_start3A = tpu.memref_slice %arg5[%add3A_3146] : memref<4194304xf32, #tpu.memory_space<hbm>> -> memref<16384xf32, #tpu.memory_space<hbm>>
      %dma_start3A_3153 = tpu.memref_slice %arg5[%add3A_3146] : memref<4194304xf32, #tpu.memory_space<hbm>> -> memref<16384xf32, #tpu.memory_space<hbm>>
      tpu.enqueue_dma source(%arg7 : memref<16384xf32, #tpu.memory_space<vmem>>) target(%dma_start3A_3153 : memref<16384xf32, #tpu.memory_space<hbm>>) target_semaphore(%run_scoped3A : memref<!tpu.dma_semaphore, #tpu.memory_space<semaphore_mem>>)
      %dma_wait3A = tpu.memref_slice %arg5[%add3A_3146] : memref<4194304xf32, #tpu.memory_space<hbm>> -> memref<16384xf32, #tpu.memory_space<hbm>>
      %dma_wait3A_3154 = tpu.memref_slice %arg5[%add3A_3146] : memref<4194304xf32, #tpu.memory_space<hbm>> -> memref<16384xf32, #tpu.memory_space<hbm>>
      tpu.wait_dma2 semaphore(%run_scoped3A : memref<!tpu.dma_semaphore, #tpu.memory_space<semaphore_mem>>) src(%arg7 : memref<16384xf32, #tpu.memory_space<vmem>>) dst(%dma_wait3A_3154 : memref<16384xf32, #tpu.memory_space<hbm>>)
      tpu.yield
    }) : () -> ()
    return
  }
}

</mosaic_0001>

<sc_bundles>
// kernel: kernel.3.cloned.1.call-start
scs
__scs_entry_jumppad:
0x0: {  	(pc) =	sbr.rel $0x88, $3  }
0x1: {  	(tag) =	ssettag $0x0;
	lr =	simm.s32 $0x1  }
0x2: {  	[smem:$0x3F9E] =	sst lr;
	_ =	strace $0xD0000000  }
0x3: {  	_ = 	snop  }
0x4: {  	_ = 	snop  }
0x5: {  	_ = 	snop  }
0x6: {  	_ = 	snop  }
0x7: {  	_ = 	snop  }
__scs_overlays_trampoline_lowered:
0x8: {  	[smem:$0x3FAD] =	sst s0  }
0x9: {  	[smem:$0x3FAE] =	sst s1  }
0xa: {  	[smem:$0x3FAF] =	sst s2  }
0xb: {  	[smem:$0x3FB0] =	sst s3  }
0xc: {  	[smem:$0x3FB1] =	sst s4  }
0xd: {  	[smem:$0x3FB2] =	sst s5  }
0xe: {  	[smem:$0x3FB3] =	sst s6  }
0xf: {  	[smem:$0x3FB4] =	sst s7  }
0x10: {  	[smem:$0x3FB5] =	sst s8  }
0x11: {  	[smem:$0x3FB6] =	sst s9;
	s0 =	simm.s32 @!p0 $0x0  }
0x12: {  	s1 =	sld [smem:$0x3F9C];
	s0 =	simm.s32 @p0 $0x1  }
0x13: {  	[smem:$0x3FB7] =	sst s0;
	s0 =	simm.s32 @!p1 $0x0  }
0x14: {  	s2 =	sld [smem:$0x3F9B];
	s0 =	simm.s32 @p1 $0x1  }
0x15: {  	[smem:$0x3FB8] =	sst s0;
	s0 =	simm.s32 @!p2 $0x0  }
0x16: {  	s3 =	sld [smem:$0x3FDB];
	s0 =	simm.s32 @p2 $0x1  }
0x17: {  	s4 =	simm.s32 $0x1BF5;
	[smem:$0x3FBA] =	sst s0  }
0x18: {  	s0 =	sld [smem:$0x3F9D];
	_ =	swait.ge [sflag:s4], $0x0  }
0x19: {  	s7 =	sld [smem:$0x3F9E]  }
0x1a: {  	s8 =	sadd.s32 $0xFFFFE003, lr  }
0x1b: {  	s9 =	sadd.s32 $0xFFFFFEF7, lr;
	s5 =	simm.s32 $0xFFFFFFFF;
	p2 =	slt.u32 s8, $0xFFFFF086  }
0x1c: {  	p1 =	slt.u32 s9, $0xF7A;
	s5 =	simm.s32 @!p2 $0x0  }
0x1d: {  	s5 =	simm.s32 @p1 $0x1;
	p0 =	seq.s32 s7, s2  }
0x1e: {  	s7 =	smul.u32 @!p0 $0xF7A, s2;
	p2 =	seq.s32 @!p0 s5, $0x0  }
0x1f: {  	s9 =	smul.u32 $0xF7A, s1;
	s8 =	simm.s32 @!p0 $0x1BF5;
	p2 =	por !p2, p0  }
0x20: {  	[sflag:s8] =	ssyncset.s32 @!p0 $0xFFFFF086;
	s6 =	sadd.s32 @!p0 s3, s7;
	s7 =	simm.s32 @!p0 $0x108  }
0x21: {  	s3 =	sadd.s32 s3, s9;
	s6 =	sadd.s32 @!p0 $0x88, s6;
	s7 =	simm.s32 @p2 $0x1082  }
0x22: {  	[simem:s7], [sflag:s8] =	dma.local @!p0 [hbm:s6], $0xF7A  }
0x23: {  	s9 =	sor.u32 $0xD0000000, s2;
	s6 =	simm.s32 $0x108;
	_ =	swait.ge @!p0 [sflag:s8], $0x0  }
0x24: {  	s3 =	sadd.s32 $0x88, s3;
	s6 =	simm.s32 @!p1 $0x1082;
	[sflag:s4] =	ssyncset.s32 $0xFFFFF086  }
0x25: {  	[simem:s6], [sflag:s4] =	dma.local [hbm:s3], $0xF7A  }
0x26: {  	[smem:$0x3F9E] =	sst s1;
	(tag) =	ssettag s2;
	_ =	strace s9  }
0x27: {  	s1 =	sld [smem:$0x3FAE]  }
0x28: {  	s2 =	sld [smem:$0x3FAF]  }
0x29: {  	s4 =	sld [smem:$0x3FB1]  }
0x2a: {  	p0 =	seq.s32 s5, $0x0;
	s5 =	sld [smem:$0x3FB2]  }
0x2b: {  	s6 =	sld [smem:$0x3FB3]  }
0x2c: {  	s7 =	sld [smem:$0x3FB4]  }
0x2d: {  	s3 =	simm.s32 $0x108;
	s8 =	sld [smem:$0x3FB5]  }
0x2e: {  	s3 =	simm.s32 @!p0 $0x1082;
	s9 =	sld [smem:$0x3FB6]  }
0x2f: {  	lr =	sadd.s32 s0, s3;
	s0 =	sld [smem:$0x3FAD]  }
0x30: {  	s3 =	sld [smem:$0x3FB0]  }
0x31: {  	[smem:$0x3FB9] =	sst s10  }
0x32: {  	s10 =	sld [smem:$0x3FB7];
	_ =	sdelay $0x3  }
0x33: {  	p0 =	seq.s32 s10, $0x1;
	s10 =	sld [smem:$0x3FB9];
	_ =	sdelay $0x3  }
0x34: {  	[smem:$0x3FB9] =	sst s10  }
0x35: {  	s10 =	sld [smem:$0x3FB8];
	_ =	sdelay $0x3  }
0x36: {  	p1 =	seq.s32 s10, $0x1;
	s10 =	sld [smem:$0x3FB9];
	_ =	sdelay $0x3  }
0x37: {  	[smem:$0x3FB9] =	sst s10  }
0x38: {  	s10 =	sld [smem:$0x3FBA]  }
0x39: {  	_ = 	snop;
	(pc) =	sbr.ind lr, $3  }
0x3a: {  	_ = 	snop  }
0x3b: {  	_ = 	snop  }
0x3c: {  	p2 =	seq.s32 s10, $0x1;
	s10 =	sld [smem:$0x3FB9]  }
0x3d: {  	_ =	shalt  }
0x3e: {  	_ =	shalt  }
0x3f: {  	_ =	shalt  }
0x40: {  	_ =	shalt  }
0x41: {  	_ =	shalt  }
0x42: {  	_ =	shalt  }
0x43: {  	_ =	shalt  }
0x44: {  	_ =	shalt  }
0x45: {  	_ =	shalt  }
0x46: {  	_ =	shalt  }
0x47: {  	_ =	shalt  }
0x48: {  	_ =	shalt  }
0x49: {  	_ =	shalt  }
0x4a: {  	_ =	shalt  }
0x4b: {  	_ =	shalt  }
0x4c: {  	_ =	shalt  }
0x4d: {  	_ =	shalt  }
0x4e: {  	_ =	shalt  }
0x4f: {  	_ =	shalt  }
0x50: {  	_ =	shalt  }
0x51: {  	_ =	shalt  }
0x52: {  	_ =	shalt  }
0x53: {  	_ =	shalt  }
0x54: {  	_ =	shalt  }
0x55: {  	_ =	shalt  }
0x56: {  	_ =	shalt  }
0x57: {  	_ =	shalt  }
0x58: {  	_ =	shalt  }
0x59: {  	_ =	shalt  }
0x5a: {  	_ =	shalt  }
0x5b: {  	_ =	shalt  }
0x5c: {  	_ =	shalt  }
0x5d: {  	_ =	shalt  }
0x5e: {  	_ =	shalt  }
0x5f: {  	_ =	shalt  }
0x60: {  	_ =	shalt  }
0x61: {  	_ =	shalt  }
0x62: {  	_ =	shalt  }
0x63: {  	_ =	shalt  }
0x64: {  	_ =	shalt  }
0x65: {  	_ =	shalt  }
0x66: {  	_ =	shalt  }
0x67: {  	_ =	shalt  }
0x68: {  	_ =	shalt  }
0x69: {  	_ =	shalt  }
0x6a: {  	_ =	shalt  }
0x6b: {  	_ =	shalt  }
0x6c: {  	_ =	shalt  }
0x6d: {  	_ =	shalt  }
0x6e: {  	_ =	shalt  }
0x6f: {  	_ =	shalt  }
0x70: {  	_ =	shalt  }
0x71: {  	_ =	shalt  }
0x72: {  	_ =	shalt  }
0x73: {  	_ =	shalt  }
0x74: {  	_ =	shalt  }
0x75: {  	_ =	shalt  }
0x76: {  	_ =	shalt  }
0x77: {  	_ =	shalt  }
0x78: {  	_ =	shalt  }
0x79: {  	_ =	shalt  }
0x7a: {  	_ =	shalt  }
0x7b: {  	_ =	shalt  }
0x7c: {  	_ =	shalt  }
0x7d: {  	_ =	shalt  }
0x7e: {  	_ =	shalt  }
0x7f: {  	_ =	shalt  }
0x80: {  	_ =	shalt  }
0x81: {  	_ =	shalt  }
0x82: {  	_ =	shalt  }
0x83: {  	_ =	shalt  }
0x84: {  	_ =	shalt  }
0x85: {  	_ =	shalt  }
0x86: {  	_ =	shalt  }
0x87: {  	_ =	shalt  }
.Lfunc_end0:
.L_simem_size_0:
called_computation_lowered:
.L_overlay_start_0:
0x88: {  	s2 =	sld [smem:$0x3FD9]  }
0x89: {  	s3 =	sld [smem:$0x3FFE];
	_ =	sdelay $0x1  }
0x8a: {  	s1 =	srdreg.scid  }
0x8b: {  	s0 =	sand.u32 $0x1, s1  }
0x8c: {  	s17 =	sshll.u32 s0, $0xA;
	s2 =	sadd.s32 s3, s2  }
0x8d: {  	s2 =	sadd.s32 s2, s17  }
0x8e: {  	[smem:$0x3FC5] =	sst s2  }
0x8f: {  	_ = 	snop  }
0x90: {  	s2 =	sld [smem:$0x3FC7]  }
0x91: {  	s18 =	sld [smem:$0x3FD0];
	(tm) =	ssettm $0x1  }
0x92: {  	s4 =	sld [smem:$0x3FFB];
	_ =	sdelay $0x3  }
0x93: {  	_ =	strace s4  }
0x94: {  	s4 =	sld [smem:$0x3FFC];
	_ =	sdelay $0x3  }
0x95: {  	_ =	strace s4  }
0x96: {  	s4 =	sld [smem:$0x3FFD];
	_ =	sdelay $0x3  }
0x97: {  	_ =	strace s4  }
0x98: {  	_ =	strace $0x8FFFFFFF  }
0x99: {  	s19 =	sld [smem:$0x3FDB];
	_ =	sdelay $0x1  }
0x9a: {  	s5 =	simm.s32 $_scs_section_size  }
0x9b: {  	s6 =	simm.s32 $_size__tile_overlayer_lowered;
	s7 =	simm.s32 $_tile_overlayer_lowered  }
0x9c: {  	s22 =	simm.s32 $0x1BFF;
	s21 =	sshll.u32 s7, $0x1;
	s4 =	sadd.s32 s5, s19  }
0x9d: {  	s8 =	simm.s32 $0x0;
	s20 =	sshll.u32 s6, $0x1;
	s6 =	sadd.s32 s21, s4  }
0x9e: {  	[timem:s8], [sflag:s22] =	dma.local [hbm:s6], s20  }
0x9f: {  	_ =	swait.ge [sflag:s22], s20  }
0xa0: {  	s5 =	ssub.s32 $0x0, s20;
	[sflag:s22] =	ssyncset.done $0x0  }
0xa1: {  	[sflag:s22] =	ssyncadd.s32 s5;
	_ =	sdelay $0x1  }
0xa2: {  	s23 =	simm.s32 $0x1B8B  }
0xa3: {  	_ =	swait.ge [sflag:s23], $0x1  }
0xa4: {  	[sflag:s23] =	ssyncset.done $0x0  }
0xa5: {  	s25 =	simm.s32 $0x1B8E;
	s24 =	sld [smem:$0x3FFE];
	[sflag:s23] =	ssyncadd.s32 $0xFFFFFFFF  }
0xa6: {  	s26 =	simm.s32 $execute0_lowered;
	[smem:$0x3FD2] =	sst s25  }
0xa7: {  	s6 =	sshll.u32 s26, $0x1;
	_ =	strace $0x80000046;
	[dreg:$0x1] =	wrdreg $0xFFFFFFFF  }
0xa8: {  	s28 =	simm.s32 $_size_execute0_lowered;
	s4 =	sadd.s32 s4, s6;
	[dreg:$0x0] =	wrdreg $0x0  }
0xa9: {  	s6 =	sshll.u32 s28, $0x1;
	[dreg:$0x2] =	wrdreg s4  }
0xaa: {  	[dreg:$0x3] =	wrdreg s6  }
0xab: {  	[dreg:$0x4] =	wrdreg $0xC0  }
0xac: {  	_ =	task [dreg:s8], $0x5FFFF  }
0xad: {  	[dreg:$0x1] =	wrdreg $0xFFFFFFFF  }
0xae: {  	[dreg:$0x0] =	wrdreg $0x60  }
0xaf: {  	[dreg:$0x2] =	wrdreg s18  }
0xb0: {  	[dreg:$0x3] =	wrdreg s24  }
0xb1: {  	[dreg:$0x4] =	wrdreg s2  }
0xb2: {  	[dreg:$0x5] =	wrdreg $0x9  }
0xb3: {  	_ =	task.clear_ibuf [dreg:s8], $0x6FFFF;
	_ =	strace $0x90000046  }
0xb4: {  	s29 =	simm.s32 $0x9;
	_ =	strace $0x80000048  }
0xb5: {  	_ =	swait.ge [sflag:s29], $0x1  }
0xb6: {  	[sflag:s29] =	ssyncadd.s32 $0xFFFFFFFF  }
0xb7: {  	_ =	strace $0x90000048  }
0xb8: {  	_ =	sfence  }
0xb9: {  	s30 =	sld [smem:$0x0];
	_ =	sdelay $0x2  }
0xba: {  	s31 =	sshll.u32 s1, $0xD;
	s1 =	sshrl.u32 s1, $0x2  }
0xbb: {  	s3 =	sand.u32 $0x4000, s31;
	s1 =	sadd.s32 s1, s30  }
0xbc: {  	s0 =	sor.u32 s3, s0;
	s1 =	sshll.u32 s1, $0x11  }
0xbd: {  	s0 =	sor.u32 s1, s0  }
0xbe: {  	s0 =	sadd.s32 $0x8F2B, s0  }
0xbf: {  	[sflag:s0] =	ssyncadd.remote.s32 $0x1  }
0xc0: {  	_ =	sfence.sel $0xFFFF  }
0xc1: {  	[dreg:$0x0] =	wrdreg $0xFFFFFFFF;
	(pc) =	sbr.abs _section_cstart, $3  }
0xc2: {  	[dreg:$0x1] =	wrdreg $0xFFFFFFFF  }
0xc3: {  	_ =	task.clear_ibuf [dreg:s8], $0x2FFFF;
	_ =	strace $0x9FFFFFFF  }
0xc4: {  	(tm) =	ssettm $0x7FFFFFFF  }
0xc5: {  	_ =	shalt  }
tec
execute0_lowered:
.L_overlay_start_1:
0x0: {  	(tag) =	ssettag $0x1  }
0x1: {  	v0 =	vimm.s32 $0xFFEDCBA9;
	v1 =	vimm.s32 $0x87654321;
	v2 =	vimm.f32 $-8.828125000e-01  }
0x2: {  	vm14 =	vcmask $0x300;
	v3 =	vimm.f32 $-7.578125000e-01;
	vm13 =	vcmask $0x704  }
0x3: {  	vm12 =	vcmask $0xB08;
	vm11 =	vcmask $0xF0C;
	vm10 =	vcmask $0x1310  }
0x4: {  	vm9 =	vcmask $0x1714;
	vm8 =	vcmask $0x1B18;
	vm7 =	vcmask $0x1F1C  }
0x5: {  	vm6 =	vcmask $0x2320;
	vm5 =	vcmask $0x2724;
	vm4 =	vcmask $0x2B28  }
0x6: {  	vm3 =	vcmask $0x2F2C;
	vm2 =	vcmask $0x3330;
	vm1 =	vcmask $0x3734  }
0x7: {  	vm0 =	vcmask $0x3B38;
	v5 =	vimm.f32 $-6.328125000e-01;
	v6 =	vimm.f32 $-5.078125000e-01  }
0x8: {  	v7 =	vimm.f32 $-3.828125000e-01;
	v8 =	vimm.f32 $-2.578125000e-01;
	v9 =	vimm.f32 $-1.328125000e-01  }
0x9: {  	v10 =	vimm.f32 $-7.812500000e-03;
	v11 =	vimm.f32 $1.171875000e-01;
	v12 =	vimm.f32 $2.421875000e-01  }
0xa: {  	v13 =	vimm.f32 $3.671875000e-01;
	v14 =	vimm.f32 $4.921875000e-01;
	v15 =	vimm.f32 $6.171875000e-01  }
0xb: {  	v16 =	vimm.f32 $7.421875000e-01;
	v17 =	vimm.f32 $8.671875000e-01;
	v18 =	vimm.f32 $9.921875000e-01  }
0xc: {  	v19 =	vimm.f32 $1.117187500e+00;
	v0 =	vunpack.c.l.s4.s8 v0;
	v1 =	vunpack.c.l.s4.s8 v1  }
0xd: {  	v2 =	vsel vm14, $0xBF800000, v2;
	v3 =	vsel vm14, $0xBF600000, v3;
	v5 =	vsel vm14, $0xBF400000, v5  }
0xe: {  	v6 =	vsel vm14, $0xBF200000, v6;
	v7 =	vsel vm14, $0xBF000000, v7;
	v8 =	vsel vm14, $0xBEC00000, v8  }
0xf: {  	v9 =	vsel vm14, $0xBE800000, v9;
	v10 =	vsel vm14, $0xBE000000, v10;
	v11 =	vsel vm14, $0x0, v11  }
0x10: {  	v12 =	vsel vm14, $0x3E000000, v12;
	v13 =	vsel vm14, $0x3E800000, v13;
	v14 =	vsel vm14, $0x3EC00000, v14  }
0x11: {  	v15 =	vsel vm14, $0x3F000000, v15;
	v16 =	vsel vm14, $0x3F200000, v16;
	v17 =	vsel vm14, $0x3F400000, v17  }
0x12: {  	v18 =	vsel vm14, $0x3F600000, v18;
	v19 =	vsel vm14, $0x3F800000, v19;
	v2 =	vsel vm13, $0xBF7E0000, v2  }
0x13: {  	v3 =	vsel vm13, $0xBF5E0000, v3;
	v5 =	vsel vm13, $0xBF3E0000, v5;
	v6 =	vsel vm13, $0xBF1E0000, v6  }
0x14: {  	v7 =	vsel vm13, $0xBEFC0000, v7;
	v8 =	vsel vm13, $0xBEBC0000, v8;
	v9 =	vsel vm13, $0xBE780000, v9  }
0x15: {  	v10 =	vsel vm13, $0xBDF00000, v10;
	v11 =	vsel vm13, $0x3C000000, v11;
	v12 =	vsel vm13, $0x3E080000, v12  }
0x16: {  	v13 =	vsel vm13, $0x3E840000, v13;
	v14 =	vsel vm13, $0x3EC40000, v14;
	v15 =	vsel vm13, $0x3F020000, v15  }
0x17: {  	v16 =	vsel vm13, $0x3F220000, v16;
	v17 =	vsel vm13, $0x3F420000, v17;
	v18 =	vsel vm13, $0x3F620000, v18  }
0x18: {  	v19 =	vsel vm13, $0x3F810000, v19;
	v0 =	vunpack.c.0.s8.s32 v0;
	v1 =	vunpack.c.0.s8.s32 v1  }
0x19: {  	v2 =	vsel vm12, $0xBF7C0000, v2;
	v3 =	vsel vm12, $0xBF5C0000, v3;
	v5 =	vsel vm12, $0xBF3C0000, v5  }
0x1a: {  	v6 =	vsel vm12, $0xBF1C0000, v6;
	v7 =	vsel vm12, $0xBEF80000, v7;
	v8 =	vsel vm12, $0xBEB80000, v8  }
0x1b: {  	v9 =	vsel vm12, $0xBE700000, v9;
	v10 =	vsel vm12, $0xBDE00000, v10;
	v11 =	vsel vm12, $0x3C800000, v11  }
0x1c: {  	v12 =	vsel vm12, $0x3E100000, v12;
	v13 =	vsel vm12, $0x3E880000, v13;
	v14 =	vsel vm12, $0x3EC80000, v14  }
0x1d: {  	v15 =	vsel vm12, $0x3F040000, v15;
	v16 =	vsel vm12, $0x3F240000, v16;
	v17 =	vsel vm12, $0x3F440000, v17  }
0x1e: {  	v18 =	vsel vm12, $0x3F640000, v18;
	v19 =	vsel vm12, $0x3F820000, v19;
	v2 =	vsel vm11, $0xBF7A0000, v2  }
0x1f: {  	v3 =	vsel vm11, $0xBF5A0000, v3;
	v5 =	vsel vm11, $0xBF3A0000, v5;
	v6 =	vsel vm11, $0xBF1A0000, v6  }
0x20: {  	v7 =	vsel vm11, $0xBEF40000, v7;
	v8 =	vsel vm11, $0xBEB40000, v8;
	v9 =	vsel vm11, $0xBE680000, v9  }
0x21: {  	v10 =	vsel vm11, $0xBDD00000, v10;
	v11 =	vsel vm11, $0x3CC00000, v11;
	v12 =	vsel vm11, $0x3E180000, v12  }
0x22: {  	v13 =	vsel vm11, $0x3E8C0000, v13;
	v14 =	vsel vm11, $0x3ECC0000, v14;
	v15 =	vsel vm11, $0x3F060000, v15  }
0x23: {  	v16 =	vsel vm11, $0x3F260000, v16;
	v17 =	vsel vm11, $0x3F460000, v17;
	v18 =	vsel vm11, $0x3F660000, v18  }
0x24: {  	v19 =	vsel vm11, $0x3F830000, v19;
	v0 =	vcombine.low v1, v0;
	v1 =	vlaneseq.u32  }
0x25: {  	v2 =	vsel vm10, $0xBF780000, v2;
	v3 =	vsel vm10, $0xBF580000, v3;
	v5 =	vsel vm10, $0xBF380000, v5  }
0x26: {  	v6 =	vsel vm10, $0xBF180000, v6;
	v7 =	vsel vm10, $0xBEF00000, v7;
	v8 =	vsel vm10, $0xBEB00000, v8  }
0x27: {  	v9 =	vsel vm10, $0xBE600000, v9;
	v10 =	vsel vm10, $0xBDC00000, v10;
	v11 =	vsel vm10, $0x3D000000, v11  }
0x28: {  	v12 =	vsel vm10, $0x3E200000, v12;
	v13 =	vsel vm10, $0x3E900000, v13;
	v14 =	vsel vm10, $0x3ED00000, v14  }
0x29: {  	v15 =	vsel vm10, $0x3F080000, v15;
	v16 =	vsel vm10, $0x3F280000, v16;
	v17 =	vsel vm10, $0x3F480000, v17  }
0x2a: {  	v18 =	vsel vm10, $0x3F680000, v18;
	v19 =	vsel vm10, $0x3F840000, v19;
	v2 =	vsel vm9, $0xBF760000, v2  }
0x2b: {  	v3 =	vsel vm9, $0xBF560000, v3;
	v5 =	vsel vm9, $0xBF360000, v5;
	v6 =	vsel vm9, $0xBF160000, v6  }
0x2c: {  	v7 =	vsel vm9, $0xBEEC0000, v7;
	v8 =	vsel vm9, $0xBEAC0000, v8;
	v9 =	vsel vm9, $0xBE580000, v9  }
0x2d: {  	v10 =	vsel vm9, $0xBDB00000, v10;
	v11 =	vsel vm9, $0x3D200000, v11;
	v12 =	vsel vm9, $0x3E280000, v12  }
0x2e: {  	v13 =	vsel vm9, $0x3E940000, v13;
	v14 =	vsel vm9, $0x3ED40000, v14;
	v15 =	vsel vm9, $0x3F0A0000, v15  }
0x2f: {  	v16 =	vsel vm9, $0x3F2A0000, v16;
	v17 =	vsel vm9, $0x3F4A0000, v17;
	v18 =	vsel vm9, $0x3F6A0000, v18  }
0x30: {  	v19 =	vsel vm9, $0x3F850000, v19;
	v0 =	vand.u32 $0xF, v0;
	v2 =	vsel vm8, $0xBF740000, v2  }
0x31: {  	v3 =	vsel vm8, $0xBF540000, v3;
	v5 =	vsel vm8, $0xBF340000, v5;
	v6 =	vsel vm8, $0xBF140000, v6  }
0x32: {  	v7 =	vsel vm8, $0xBEE80000, v7;
	v8 =	vsel vm8, $0xBEA80000, v8;
	v9 =	vsel vm8, $0xBE500000, v9  }
0x33: {  	v10 =	vsel vm8, $0xBDA00000, v10;
	v11 =	vsel vm8, $0x3D400000, v11;
	v12 =	vsel vm8, $0x3E300000, v12  }
0x34: {  	v13 =	vsel vm8, $0x3E980000, v13;
	v14 =	vsel vm8, $0x3ED80000, v14;
	v15 =	vsel vm8, $0x3F0C0000, v15  }
0x35: {  	v16 =	vsel vm8, $0x3F2C0000, v16;
	v17 =	vsel vm8, $0x3F4C0000, v17;
	v18 =	vsel vm8, $0x3F6C0000, v18  }
0x36: {  	v19 =	vsel vm8, $0x3F860000, v19;
	v2 =	vsel vm7, $0xBF720000, v2;
	v3 =	vsel vm7, $0xBF520000, v3  }
0x37: {  	v5 =	vsel vm7, $0xBF320000, v5;
	v6 =	vsel vm7, $0xBF120000, v6;
	v7 =	vsel vm7, $0xBEE40000, v7  }
0x38: {  	v8 =	vsel vm7, $0xBEA40000, v8;
	v9 =	vsel vm7, $0xBE480000, v9;
	v10 =	vsel vm7, $0xBD900000, v10  }
0x39: {  	v11 =	vsel vm7, $0x3D600000, v11;
	v12 =	vsel vm7, $0x3E380000, v12;
	v13 =	vsel vm7, $0x3E9C0000, v13  }
0x3a: {  	v14 =	vsel vm7, $0x3EDC0000, v14;
	v15 =	vsel vm7, $0x3F0E0000, v15;
	v16 =	vsel vm7, $0x3F2E0000, v16  }
0x3b: {  	v17 =	vsel vm7, $0x3F4E0000, v17;
	v18 =	vsel vm7, $0x3F6E0000, v18;
	v19 =	vsel vm7, $0x3F870000, v19  }
0x3c: {  	v2 =	vsel vm6, $0xBF700000, v2;
	v3 =	vsel vm6, $0xBF500000, v3;
	v5 =	vsel vm6, $0xBF300000, v5  }
0x3d: {  	v6 =	vsel vm6, $0xBF100000, v6;
	v7 =	vsel vm6, $0xBEE00000, v7;
	v8 =	vsel vm6, $0xBEA00000, v8  }
0x3e: {  	v9 =	vsel vm6, $0xBE400000, v9;
	v10 =	vsel vm6, $0xBD800000, v10;
	v11 =	vsel vm6, $0x3D800000, v11  }
0x3f: {  	v12 =	vsel vm6, $0x3E400000, v12;
	v13 =	vsel vm6, $0x3EA00000, v13;
	v14 =	vsel vm6, $0x3EE00000, v14  }
0x40: {  	v15 =	vsel vm6, $0x3F100000, v15;
	v16 =	vsel vm6, $0x3F300000, v16;
	v17 =	vsel vm6, $0x3F500000, v17  }
0x41: {  	v18 =	vsel vm6, $0x3F700000, v18;
	v19 =	vsel vm6, $0x3F880000, v19;
	v2 =	vsel vm5, $0xBF6E0000, v2  }
0x42: {  	v3 =	vsel vm5, $0xBF4E0000, v3;
	v5 =	vsel vm5, $0xBF2E0000, v5;
	v6 =	vsel vm5, $0xBF0E0000, v6  }
0x43: {  	v7 =	vsel vm5, $0xBEDC0000, v7;
	v8 =	vsel vm5, $0xBE9C0000, v8;
	v9 =	vsel vm5, $0xBE380000, v9  }
0x44: {  	v10 =	vsel vm5, $0xBD600000, v10;
	v11 =	vsel vm5, $0x3D900000, v11;
	v12 =	vsel vm5, $0x3E480000, v12  }
0x45: {  	v13 =	vsel vm5, $0x3EA40000, v13;
	v14 =	vsel vm5, $0x3EE40000, v14;
	v15 =	vsel vm5, $0x3F120000, v15  }
0x46: {  	v16 =	vsel vm5, $0x3F320000, v16;
	v17 =	vsel vm5, $0x3F520000, v17;
	v18 =	vsel vm5, $0x3F720000, v18  }
0x47: {  	v19 =	vsel vm5, $0x3F890000, v19;
	v2 =	vsel vm4, $0xBF6C0000, v2;
	v3 =	vsel vm4, $0xBF4C0000, v3  }
0x48: {  	v5 =	vsel vm4, $0xBF2C0000, v5;
	v6 =	vsel vm4, $0xBF0C0000, v6;
	v7 =	vsel vm4, $0xBED80000, v7  }
0x49: {  	v8 =	vsel vm4, $0xBE980000, v8;
	v9 =	vsel vm4, $0xBE300000, v9;
	v10 =	vsel vm4, $0xBD400000, v10  }
0x4a: {  	v11 =	vsel vm4, $0x3DA00000, v11;
	v12 =	vsel vm4, $0x3E500000, v12;
	v13 =	vsel vm4, $0x3EA80000, v13  }
0x4b: {  	v14 =	vsel vm4, $0x3EE80000, v14;
	v15 =	vsel vm4, $0x3F140000, v15;
	v16 =	vsel vm4, $0x3F340000, v16  }
0x4c: {  	v17 =	vsel vm4, $0x3F540000, v17;
	v18 =	vsel vm4, $0x3F740000, v18;
	v19 =	vsel vm4, $0x3F8A0000, v19  }
0x4d: {  	v2 =	vsel vm3, $0xBF6A0000, v2;
	v3 =	vsel vm3, $0xBF4A0000, v3;
	v5 =	vsel vm3, $0xBF2A0000, v5  }
0x4e: {  	v6 =	vsel vm3, $0xBF0A0000, v6;
	v7 =	vsel vm3, $0xBED40000, v7;
	v8 =	vsel vm3, $0xBE940000, v8  }
0x4f: {  	v9 =	vsel vm3, $0xBE280000, v9;
	v10 =	vsel vm3, $0xBD200000, v10;
	v11 =	vsel vm3, $0x3DB00000, v11  }
0x50: {  	v12 =	vsel vm3, $0x3E580000, v12;
	v13 =	vsel vm3, $0x3EAC0000, v13;
	v14 =	vsel vm3, $0x3EEC0000, v14  }
0x51: {  	v15 =	vsel vm3, $0x3F160000, v15;
	v16 =	vsel vm3, $0x3F360000, v16;
	v17 =	vsel vm3, $0x3F560000, v17  }
0x52: {  	v18 =	vsel vm3, $0x3F760000, v18;
	v19 =	vsel vm3, $0x3F8B0000, v19;
	v2 =	vsel vm2, $0xBF680000, v2  }
0x53: {  	s0 =	rddreg [dreg:$0x0];
	v3 =	vsel vm2, $0xBF480000, v3;
	v5 =	vsel vm2, $0xBF280000, v5;
	v6 =	vsel vm2, $0xBF080000, v6  }
0x54: {  	s1 =	rddreg [dreg:$0x1];
	s2 =	simm.s32 $0x0;
	v7 =	vsel vm2, $0xBED00000, v7;
	v8 =	vsel vm2, $0xBE900000, v8;
	v9 =	vsel vm2, $0xBE200000, v9  }
0x55: {  	s3 =	srdreg.scid;
	s7 =	stileid.u32;
	s22 =	simm.s32 $0x8480;
	v10 =	vsel vm2, $0xBD000000, v10;
	v11 =	vsel vm2, $0x3DC00000, v11;
	v12 =	vsel vm2, $0x3E600000, v12  }
0x56: {  	s23 =	simm.s32 $0x1;
	s25 =	simm.s32 $0x8500;
	s26 =	simm.s32 $0x8000;
	v13 =	vsel vm2, $0x3EB00000, v13;
	v14 =	vsel vm2, $0x3EF00000, v14;
	v15 =	vsel vm2, $0x3F180000, v15  }
0x57: {  	s28 =	simm.s32 $0x8180;
	s29 =	simm.s32 $0x8300;
	s30 =	simm.s32 $0x4000;
	v16 =	vsel vm2, $0x3F380000, v16;
	v17 =	vsel vm2, $0x3F580000, v17;
	v18 =	vsel vm2, $0x3F780000, v18  }
0x58: {  	s31 =	simm.s32 $0x0;
	[smem:$0x7FF] =	sst s2;
	s3 =	sand.u32 $0x1, s3;
	v19 =	vsel vm2, $0x3F8C0000, v19;
	v2 =	vsel vm1, $0xBF660000, v2;
	v4 =	vsel vm1, $0xBF460000, v3  }
0x59: {  	s4 =	sadd.s32 $0x600, s1;
	s7 =	sshll.u32 s7, $0xF;
	s5 =	ssub.s32 $0x2, s3;
	v3 =	vimm.s32 $0x0;
	v5 =	vsel vm1, $0xBF260000, v5;
	v6 =	vsel vm1, $0xBF060000, v6  }
0x5a: {  	s1 =	sadd.s32 $0x800, s1;
	s3 =	sshll.u32 s3, $0xE;
	s6 =	sshrl.u32 s5, $0x1;
	v7 =	vsel vm1, $0xBECC0000, v7;
	v8 =	vsel vm1, $0xBE8C0000, v8;
	v9 =	vsel vm1, $0xBE180000, v9  }
0x5b: {  	_ =	strace $0x80000047;
	s3 =	sor.u32 s3, s7;
	s21 =	ssub.s32 s5, s6;
	v10 =	vsel vm1, $0xBCC00000, v10;
	v11 =	vsel vm1, $0x3DD00000, v11;
	v12 =	vsel vm1, $0x3E680000, v12  }
0x5c: {  	s5 =	sadd.s32 s0, s3;
	s6 =	sadd.s32 s1, s3;
	s8 =	sor.u32 $0x800, s3;
	v13 =	vsel vm1, $0x3EB40000, v13;
	v14 =	vsel vm1, $0x3EF40000, v14;
	v15 =	vsel vm1, $0x3F1A0000, v15  }
0x5d: {  	s10 =	sor.u32 $0x1000, s3;
	s12 =	sor.u32 $0x1800, s3;
	s14 =	sor.u32 $0x2000, s3;
	v16 =	vsel vm1, $0x3F3A0000, v16;
	v17 =	vsel vm1, $0x3F5A0000, v17;
	v18 =	vsel vm1, $0x3F7A0000, v18  }
0x5e: {  	s16 =	sor.u32 $0x2800, s3;
	s18 =	sor.u32 $0x3000, s3;
	s3 =	sor.u32 $0x3800, s3;
	v19 =	vsel vm1, $0x3F8D0000, v19;
	v2 =	vsel vm0, $0xBF640000, v2;
	v4 =	vsel vm0, $0xBF440000, v4  }
0x5f: {  	s7 =	sadd.s32 s0, s8;
	s8 =	sadd.s32 s1, s8;
	s9 =	sadd.s32 s0, s10;
	v5 =	vsel vm0, $0xBF240000, v5;
	v6 =	vsel vm0, $0xBF040000, v6;
	v7 =	vsel vm0, $0xBEC80000, v7  }
0x60: {  	s10 =	sadd.s32 s1, s10;
	s11 =	sadd.s32 s0, s12;
	s12 =	sadd.s32 s1, s12;
	v8 =	vsel vm0, $0xBE880000, v8;
	v9 =	vsel vm0, $0xBE100000, v9;
	v10 =	vsel vm0, $0xBC800000, v10  }
0x61: {  	s13 =	sadd.s32 s0, s14;
	s14 =	sadd.s32 s1, s14;
	s15 =	sadd.s32 s0, s16;
	v11 =	vsel vm0, $0x3DE00000, v11;
	v12 =	vsel vm0, $0x3E700000, v12;
	v13 =	vsel vm0, $0x3EB80000, v13  }
0x62: {  	s16 =	sadd.s32 s1, s16;
	s17 =	sadd.s32 s0, s18;
	s18 =	sadd.s32 s1, s18;
	v14 =	vsel vm0, $0x3EF80000, v14;
	v15 =	vsel vm0, $0x3F1C0000, v15;
	v16 =	vsel vm0, $0x3F3C0000, v16  }
0x63: {  	s19 =	sadd.s32 s0, s3;
	s20 =	sadd.s32 s1, s3;
	s21 =	smax.u32 s21, $0x1;
	v17 =	vsel vm0, $0x3F5C0000, v17;
	v18 =	vsel vm0, $0x3F7C0000, v18;
	v19 =	vsel vm0, $0x3F8E0000, v19  }
.LBB2_1:
0x64: {  	s0 =	rddreg [dreg:$0x2]  }
0x65: {  	[tilespmem:s22], [sflag:$0x1] =	stream.linear.gather [hbm4b:s0+s2], $0x80, $0x38;
	[tilespmem:$0x8600] =	vst v63  }
0x66: {  	_ =	swait.ge [sflag:s23], $0x80  }
0x67: {  	[sflag:s23] =	ssyncset.done $0x0  }
0x68: {  	s24 =	simm.s32 $0x8580;
	[sflag:s23] =	ssyncadd.s32 $0xFFFFFF80  }
0x69: {  	[tilespmem:s24], [sflag:$0x1] =	stream.linear.gather [hbm4b:s4+s2], $0x80, $0x38;
	[tilespmem:$0x8600] =	vst v63  }
0x6a: {  	_ =	swait.ge [sflag:s23], $0x80  }
0x6b: {  	[sflag:s23] =	ssyncset.done $0x0  }
0x6c: {  	[sflag:s23] =	ssyncadd.s32 $0xFFFFFF80  }
0x6d: {  	v20 =	vld [tilespmem:$0x8480]  }
0x6e: {  	v21 =	vld.idx.msk [tilespmem:v0+s22+$0x0], $0xffff;
	_ =	sdelay $0x4  }
0x6f: {  	v20 =	vadd.f32 v21, v20;
	_ =	sdelay $0x1  }
0x70: {  	v20 =	vmul.f32 $5.000000000e-01, v20;
	_ =	sdelay $0x1  }
0x71: {  	v24 =	vbroadcast v20, $0x0  }
0x72: {  	v25 =	vbroadcast v20, $0x1  }
0x73: {  	vm0 =	vlt.f32 v24, v2  }
0x74: {  	v30 =	vld [tilespmem:$0x8580];
	v21 =	vbroadcast v20, $0x2;
	v23 =	vsel vm0, $0x1, v3;
	vm0 =	vlt.f32 v25, v2  }
0x75: {  	v22 =	vbroadcast v20, $0x3;
	v26 =	vsel vm0, $0x1, v3  }
0x76: {  	vm0 =	vlt.f32 v21, v2;
	v26 =	vadd.s32 v26, v23  }
0x77: {  	v27 =	vsel vm0, $0x1, v3;
	v23 =	vbroadcast v20, $0x4;
	vm0 =	vlt.f32 v22, v2  }
0x78: {  	v27 =	vadd.s32 v27, v26;
	v28 =	vsel vm0, $0x1, v3;
	v26 =	vbroadcast v20, $0x5  }
0x79: {  	v33 =	vmul.f32 $1.442695020e+00, v30;
	vm0 =	vlt.f32 v23, v2;
	v28 =	vadd.s32 v28, v27  }
0x7a: {  	v27 =	vbroadcast v20, $0x6;
	v29 =	vsel vm0, $0x1, v3;
	vm0 =	vlt.f32 v26, v2  }
0x7b: {  	v28 =	vadd.s32 v29, v28;
	v31 =	vsel vm0, $0x1, v3;
	v29 =	vbroadcast v20, $0x7  }
0x7c: {  	(erf) = vpow2.f32 v33;
	vm0 =	vlt.f32 v27, v2;
	v31 =	vadd.s32 v31, v28  }
0x7d: {  	v32 =	vsel vm0, $0x1, v3;
	v28 =	vbroadcast v20, $0x8;
	vm0 =	vlt.f32 v29, v2  }
0x7e: {  	v30 =	vbroadcast v20, $0x9;
	v31 =	vadd.s32 v32, v31;
	v54 =	vsel vm0, $0x1, v3  }
0x7f: {  	vm0 =	vlt.f32 v28, v2;
	v32 =	vadd.s32 v54, v31;
	v31 =	vbroadcast v20, $0xA  }
0x80: {  	v33 =	vbroadcast v20, $0xB;
	v34 =	vsel vm0, $0x1, v3;
	vm0 =	vlt.f32 v30, v2  }
0x81: {  	v32 =	vadd.s32 v34, v32;
	v55 =	vsel vm0, $0x1, v3;
	vm0 =	vlt.f32 v31, v2  }
0x82: {  	v34 =	vbroadcast v20, $0xC;
	v32 =	vadd.s32 v55, v32;
	v35 =	vsel vm0, $0x1, v3  }
0x83: {  	vm0 =	vlt.f32 v33, v2;
	v36 =	vadd.s32 v35, v32;
	v35 =	vbroadcast v20, $0xD  }
0x84: {  	v37 =	vsel vm0, $0x1, v3;
	vm0 =	vlt.f32 v34, v2;
	v32 =	vbroadcast v20, $0xE  }
0x85: {  	v36 =	vadd.s32 v37, v36;
	v56 =	vsel vm0, $0x1, v3;
	vm0 =	vlt.f32 v35, v2  }
0x86: {  	v36 =	vadd.s32 v56, v36;
	v57 =	vsel vm0, $0x1, v3;
	vm0 =	vlt.f32 v32, v2  }
0x87: {  	v36 =	vadd.s32 v57, v36;
	v58 =	vsel vm0, $0x1, v3;
	vm0 =	veq.s32 v1, $0xF  }
0x88: {  	v36 =	vadd.s32 v58, v36;
	v20 =	vsel vm0, $0x7149F2CA, v20;
	_ =	sdelay $0x2  }
0x89: {  	[tilespmem:$0x8500] =	vst v20;
	v20 =	vpop (erf)  }
0x8a: {  	vm1 =	vlt.f32 v25, v4;
	vm0 =	vlt.f32 v24, v4;
	[tilespmem:$0x8580] =	vst v20  }
0x8b: {  	v40 =	vsel vm1, $0x1, v3;
	v39 =	vsel vm0, $0x1, v3;
	vm0 =	vlt.f32 v21, v4;
	v37 =	vld.idx.msk [tilespmem:v36+s25+$0x0], $0xffff  }
0x8c: {  	v39 =	vadd.s32 v40, v39;
	v59 =	vsel vm0, $0x1, v3;
	vm0 =	vlt.f32 v22, v4  }
0x8d: {  	v39 =	vadd.s32 v59, v39;
	v60 =	vsel vm0, $0x1, v3;
	vm0 =	vlt.f32 v23, v4  }
0x8e: {  	v38 =	vmin.u32 v36, $0xE;
	v39 =	vadd.s32 v60, v39;
	v61 =	vsel vm0, $0x1, v3  }
0x8f: {  	v38 =	vadd.s32 $0x1, v38;
	vm0 =	vlt.f32 v26, v4;
	v39 =	vadd.s32 v61, v39  }
0x90: {  	v62 =	vsel vm0, $0x1, v3;
	vm0 =	vlt.f32 v27, v4;
	v37 =	vmul.f32 $1.280000000e+02, v37  }
0x91: {  	v39 =	vadd.s32 v62, v39;
	v63 =	vsel vm0, $0x1, v3;
	vm0 =	vlt.f32 v29, v4  }
0x92: {  	v43 =	vadd.s32 v63, v39;
	v44 =	vsel vm0, $0x1, v3;
	vm0 =	vlt.f32 v28, v4;
	[tilespmem:$0x8000] =	vst v37  }
0x93: {  	v45 =	vsel vm0, $0x1, v3;
	vm0 =	vlt.f32 v30, v4;
	v37 =	vadd.s32 v44, v43;
	v36 =	vld.idx.msk [tilespmem:v36+s22+$0x0], $0xffff  }
0x94: {  	v46 =	vsel vm0, $0x1, v3;
	vm0 =	vlt.f32 v31, v4;
	v37 =	vadd.s32 v45, v37  }
0x95: {  	v47 =	vsel vm0, $0x1, v3;
	vm0 =	vlt.f32 v33, v4;
	v37 =	vadd.s32 v46, v37  }
0x96: {  	v48 =	vsel vm0, $0x1, v3;
	vm0 =	vlt.f32 v34, v4;
	v37 =	vadd.s32 v47, v37  }
0x97: {  	v49 =	vsel vm0, $0x1, v3;
	vm0 =	vlt.f32 v35, v4;
	v37 =	vadd.s32 v48, v37  }
0x98: {  	v51 =	vsel vm0, $0x1, v3;
	vm0 =	vlt.f32 v32, v4;
	v50 =	vadd.s32 v49, v37;
	[tilespmem:$0x8180] =	vst v36  }
0x99: {  	v52 =	vsel vm0, $0x1, v3;
	v36 =	vadd.s32 v51, v50;
	v38 =	vld.idx.msk [tilespmem:v38+s22+$0x0], $0xffff  }
0x9a: {  	v36 =	vadd.s32 v52, v36;
	_ =	sdelay $0x3  }
0x9b: {  	vm1 =	vlt.f32 v25, v5;
	vm0 =	vlt.f32 v24, v5;
	[tilespmem:$0x8300] =	vst v38  }
0x9c: {  	v55 =	vsel vm1, $0x1, v3;
	v54 =	vsel vm0, $0x1, v3;
	vm0 =	vlt.f32 v21, v5;
	v37 =	vld.idx.msk [tilespmem:v36+s25+$0x0], $0xffff  }
0x9d: {  	v39 =	vadd.s32 v55, v54;
	v56 =	vsel vm0, $0x1, v3;
	vm0 =	vlt.f32 v22, v5  }
0x9e: {  	v39 =	vadd.s32 v56, v39;
	v57 =	vsel vm0, $0x1, v3;
	vm0 =	vlt.f32 v23, v5  }
0x9f: {  	v39 =	vadd.s32 v57, v39;
	v58 =	vsel vm0, $0x1, v3;
	vm0 =	vlt.f32 v26, v5  }
0xa0: {  	v39 =	vadd.s32 v58, v39;
	v59 =	vsel vm0, $0x1, v3;
	vm0 =	vlt.f32 v27, v5  }
0xa1: {  	v60 =	vsel vm0, $0x1, v3;
	vm0 =	vlt.f32 v29, v5;
	v37 =	vmul.f32 $1.280000000e+02, v37  }
0xa2: {  	v39 =	vadd.s32 v59, v39;
	v62 =	vsel vm0, $0x1, v3;
	vm0 =	vlt.f32 v28, v5  }
0xa3: {  	v61 =	vadd.s32 v60, v39;
	v63 =	vsel vm0, $0x1, v3;
	vm0 =	vlt.f32 v30, v5;
	[tilespmem:$0x8010] =	vst v37  }
0xa4: {  	v53 =	vmin.u32 v36, $0xE;
	v42 =	vsel vm0, $0x1, v3;
	v37 =	vadd.s32 v62, v61;
	v36 =	vld.idx.msk [tilespmem:v36+s22+$0x0], $0xffff  }
0xa5: {  	vm0 =	vlt.f32 v31, v5;
	v38 =	vadd.s32 $0x1, v53;
	v37 =	vadd.s32 v63, v37  }
0xa6: {  	v43 =	vsel vm0, $0x1, v3;
	vm0 =	vlt.f32 v33, v5;
	v37 =	vadd.s32 v42, v37  }
0xa7: {  	v44 =	vsel vm0, $0x1, v3;
	vm0 =	vlt.f32 v34, v5;
	v37 =	vadd.s32 v43, v37  }
0xa8: {  	v45 =	vsel vm0, $0x1, v3;
	vm0 =	vlt.f32 v35, v5;
	v37 =	vadd.s32 v44, v37  }
0xa9: {  	v47 =	vsel vm0, $0x1, v3;
	vm0 =	vlt.f32 v32, v5;
	v46 =	vadd.s32 v45, v37;
	[tilespmem:$0x8190] =	vst v36  }
0xaa: {  	v48 =	vsel vm0, $0x1, v3;
	v36 =	vadd.s32 v47, v46;
	v38 =	vld.idx.msk [tilespmem:v38+s22+$0x0], $0xffff  }
0xab: {  	v36 =	vadd.s32 v48, v36;
	_ =	sdelay $0x3  }
0xac: {  	vm1 =	vlt.f32 v25, v6;
	vm0 =	vlt.f32 v24, v6;
	[tilespmem:$0x8310] =	vst v38  }
0xad: {  	v51 =	vsel vm1, $0x1, v3;
	v50 =	vsel vm0, $0x1, v3;
	vm0 =	vlt.f32 v21, v6;
	v37 =	vld.idx.msk [tilespmem:v36+s25+$0x0], $0xffff  }
0xae: {  	v39 =	vadd.s32 v51, v50;
	v52 =	vsel vm0, $0x1, v3;
	vm0 =	vlt.f32 v22, v6  }
0xaf: {  	v39 =	vadd.s32 v52, v39;
	v53 =	vsel vm0, $0x1, v3;
	vm0 =	vlt.f32 v23, v6  }
0xb0: {  	v39 =	vadd.s32 v53, v39;
	v54 =	vsel vm0, $0x1, v3;
	vm0 =	vlt.f32 v26, v6  }
0xb1: {  	v39 =	vadd.s32 v54, v39;
	v55 =	vsel vm0, $0x1, v3;
	vm0 =	vlt.f32 v27, v6  }
0xb2: {  	v56 =	vsel vm0, $0x1, v3;
	vm0 =	vlt.f32 v29, v6;
	v37 =	vmul.f32 $1.280000000e+02, v37  }
0xb3: {  	v39 =	vadd.s32 v55, v39;
	v58 =	vsel vm0, $0x1, v3;
	vm0 =	vlt.f32 v28, v6  }
0xb4: {  	v57 =	vadd.s32 v56, v39;
	v59 =	vsel vm0, $0x1, v3;
	vm0 =	vlt.f32 v30, v6;
	[tilespmem:$0x8020] =	vst v37  }
0xb5: {  	v60 =	vsel vm0, $0x1, v3;
	v49 =	vmin.u32 v36, $0xE;
	v37 =	vadd.s32 v58, v57;
	v36 =	vld.idx.msk [tilespmem:v36+s22+$0x0], $0xffff  }
0xb6: {  	vm0 =	vlt.f32 v31, v6;
	v38 =	vadd.s32 $0x1, v49;
	v37 =	vadd.s32 v59, v37  }
0xb7: {  	v61 =	vsel vm0, $0x1, v3;
	vm0 =	vlt.f32 v33, v6;
	v37 =	vadd.s32 v60, v37  }
0xb8: {  	v62 =	vsel vm0, $0x1, v3;
	vm0 =	vlt.f32 v34, v6;
	v37 =	vadd.s32 v61, v37  }
0xb9: {  	v63 =	vsel vm0, $0x1, v3;
	vm0 =	vlt.f32 v35, v6;
	v37 =	vadd.s32 v62, v37  }
0xba: {  	v42 =	vsel vm0, $0x1, v3;
	vm0 =	vlt.f32 v32, v6;
	v41 =	vadd.s32 v63, v37;
	[tilespmem:$0x81A0] =	vst v36  }
0xbb: {  	v43 =	vsel vm0, $0x1, v3;
	v36 =	vadd.s32 v42, v41;
	v38 =	vld.idx.msk [tilespmem:v38+s22+$0x0], $0xffff  }
0xbc: {  	v36 =	vadd.s32 v43, v36;
	_ =	sdelay $0x3  }
0xbd: {  	vm1 =	vlt.f32 v25, v7;
	vm0 =	vlt.f32 v24, v7;
	[tilespmem:$0x8320] =	vst v38  }
0xbe: {  	v46 =	vsel vm1, $0x1, v3;
	v45 =	vsel vm0, $0x1, v3;
	vm0 =	vlt.f32 v21, v7;
	v37 =	vld.idx.msk [tilespmem:v36+s25+$0x0], $0xffff  }
0xbf: {  	v39 =	vadd.s32 v46, v45;
	v47 =	vsel vm0, $0x1, v3;
	vm0 =	vlt.f32 v22, v7  }
0xc0: {  	v39 =	vadd.s32 v47, v39;
	v48 =	vsel vm0, $0x1, v3;
	vm0 =	vlt.f32 v23, v7  }
0xc1: {  	v39 =	vadd.s32 v48, v39;
	v49 =	vsel vm0, $0x1, v3;
	vm0 =	vlt.f32 v26, v7  }
0xc2: {  	v39 =	vadd.s32 v49, v39;
	v50 =	vsel vm0, $0x1, v3;
	vm0 =	vlt.f32 v27, v7  }
0xc3: {  	v51 =	vsel vm0, $0x1, v3;
	vm0 =	vlt.f32 v29, v7;
	v37 =	vmul.f32 $1.280000000e+02, v37  }
0xc4: {  	v39 =	vadd.s32 v50, v39;
	v53 =	vsel vm0, $0x1, v3;
	vm0 =	vlt.f32 v28, v7  }
0xc5: {  	v52 =	vadd.s32 v51, v39;
	v54 =	vsel vm0, $0x1, v3;
	vm0 =	vlt.f32 v30, v7;
	[tilespmem:$0x8030] =	vst v37  }
0xc6: {  	v55 =	vsel vm0, $0x1, v3;
	v44 =	vmin.u32 v36, $0xE;
	v37 =	vadd.s32 v53, v52;
	v36 =	vld.idx.msk [tilespmem:v36+s22+$0x0], $0xffff  }
0xc7: {  	vm0 =	vlt.f32 v31, v7;
	v38 =	vadd.s32 $0x1, v44;
	v37 =	vadd.s32 v54, v37  }
0xc8: {  	v56 =	vsel vm0, $0x1, v3;
	vm0 =	vlt.f32 v33, v7;
	v37 =	vadd.s32 v55, v37  }
0xc9: {  	v57 =	vsel vm0, $0x1, v3;
	vm0 =	vlt.f32 v34, v7;
	v37 =	vadd.s32 v56, v37  }
0xca: {  	v58 =	vsel vm0, $0x1, v3;
	vm0 =	vlt.f32 v35, v7;
	v37 =	vadd.s32 v57, v37  }
0xcb: {  	v60 =	vsel vm0, $0x1, v3;
	vm0 =	vlt.f32 v32, v7;
	v59 =	vadd.s32 v58, v37;
	[tilespmem:$0x81B0] =	vst v36  }
0xcc: {  	v61 =	vsel vm0, $0x1, v3;
	v36 =	vadd.s32 v60, v59;
	v38 =	vld.idx.msk [tilespmem:v38+s22+$0x0], $0xffff  }
0xcd: {  	v36 =	vadd.s32 v61, v36;
	_ =	sdelay $0x2  }
0xce: {  	vm0 =	vlt.f32 v24, v8  }
0xcf: {  	v63 =	vsel vm0, $0x1, v3;
	vm0 =	vlt.f32 v21, v8;
	[tilespmem:$0x8330] =	vst v38  }
0xd0: {  	vm1 =	vlt.f32 v25, v8;
	v45 =	vsel vm0, $0x1, v3;
	vm0 =	vlt.f32 v22, v8;
	v37 =	vld.idx.msk [tilespmem:v36+s25+$0x0], $0xffff  }
0xd1: {  	v46 =	vsel vm0, $0x1, v3;
	vm0 =	vlt.f32 v23, v8;
	v44 =	vsel vm1, $0x1, v3  }
0xd2: {  	v47 =	vsel vm0, $0x1, v3;
	vm0 =	vlt.f32 v26, v8;
	v39 =	vadd.s32 v44, v63  }
0xd3: {  	v48 =	vsel vm0, $0x1, v3;
	vm0 =	vlt.f32 v27, v8;
	v39 =	vadd.s32 v45, v39  }
0xd4: {  	v49 =	vsel vm0, $0x1, v3;
	v39 =	vadd.s32 v46, v39  }
0xd5: {  	vm0 =	vlt.f32 v29, v8;
	v39 =	vadd.s32 v47, v39;
	v37 =	vmul.f32 $1.280000000e+02, v37  }
0xd6: {  	v51 =	vsel vm0, $0x1, v3;
	vm0 =	vlt.f32 v28, v8;
	v39 =	vadd.s32 v48, v39  }
0xd7: {  	v50 =	vadd.s32 v49, v39;
	v52 =	vsel vm0, $0x1, v3;
	vm0 =	vlt.f32 v30, v8;
	[tilespmem:$0x8040] =	vst v37  }
0xd8: {  	v53 =	vsel vm0, $0x1, v3;
	v62 =	vmin.u32 v36, $0xE;
	v37 =	vadd.s32 v51, v50;
	v36 =	vld.idx.msk [tilespmem:v36+s22+$0x0], $0xffff  }
0xd9: {  	vm0 =	vlt.f32 v31, v8;
	v38 =	vadd.s32 $0x1, v62;
	v37 =	vadd.s32 v52, v37  }
0xda: {  	v54 =	vsel vm0, $0x1, v3;
	vm0 =	vlt.f32 v33, v8;
	v37 =	vadd.s32 v53, v37  }
0xdb: {  	v55 =	vsel vm0, $0x1, v3;
	vm0 =	vlt.f32 v34, v8;
	v37 =	vadd.s32 v54, v37  }
0xdc: {  	v56 =	vsel vm0, $0x1, v3;
	vm0 =	vlt.f32 v35, v8;
	v37 =	vadd.s32 v55, v37  }
0xdd: {  	v58 =	vsel vm0, $0x1, v3;
	vm0 =	vlt.f32 v32, v8;
	v57 =	vadd.s32 v56, v37;
	[tilespmem:$0x81C0] =	vst v36  }
0xde: {  	v59 =	vsel vm0, $0x1, v3;
	v36 =	vadd.s32 v58, v57;
	v38 =	vld.idx.msk [tilespmem:v38+s22+$0x0], $0xffff  }
0xdf: {  	v36 =	vadd.s32 v59, v36;
	_ =	sdelay $0x2  }
0xe0: {  	vm0 =	vlt.f32 v24, v9  }
0xe1: {  	v61 =	vsel vm0, $0x1, v3;
	vm0 =	vlt.f32 v21, v9;
	[tilespmem:$0x8340] =	vst v38  }
0xe2: {  	vm1 =	vlt.f32 v25, v9;
	v63 =	vsel vm0, $0x1, v3;
	vm0 =	vlt.f32 v22, v9;
	v37 =	vld.idx.msk [tilespmem:v36+s25+$0x0], $0xffff  }
0xe3: {  	v44 =	vsel vm0, $0x1, v3;
	vm0 =	vlt.f32 v23, v9;
	v62 =	vsel vm1, $0x1, v3  }
0xe4: {  	v45 =	vsel vm0, $0x1, v3;
	vm0 =	vlt.f32 v26, v9;
	v39 =	vadd.s32 v62, v61  }
0xe5: {  	v46 =	vsel vm0, $0x1, v3;
	vm0 =	vlt.f32 v27, v9;
	v39 =	vadd.s32 v63, v39  }
0xe6: {  	v47 =	vsel vm0, $0x1, v3;
	v39 =	vadd.s32 v44, v39  }
0xe7: {  	vm0 =	vlt.f32 v29, v9;
	v39 =	vadd.s32 v45, v39;
	v37 =	vmul.f32 $1.280000000e+02, v37  }
0xe8: {  	v49 =	vsel vm0, $0x1, v3;
	vm0 =	vlt.f32 v28, v9;
	v39 =	vadd.s32 v46, v39  }
0xe9: {  	v48 =	vadd.s32 v47, v39;
	v50 =	vsel vm0, $0x1, v3;
	vm0 =	vlt.f32 v30, v9;
	[tilespmem:$0x8050] =	vst v37  }
0xea: {  	v51 =	vsel vm0, $0x1, v3;
	v60 =	vmin.u32 v36, $0xE;
	v37 =	vadd.s32 v49, v48;
	v36 =	vld.idx.msk [tilespmem:v36+s22+$0x0], $0xffff  }
0xeb: {  	vm0 =	vlt.f32 v31, v9;
	v38 =	vadd.s32 $0x1, v60;
	v37 =	vadd.s32 v50, v37  }
0xec: {  	v52 =	vsel vm0, $0x1, v3;
	vm0 =	vlt.f32 v33, v9;
	v37 =	vadd.s32 v51, v37  }
0xed: {  	v53 =	vsel vm0, $0x1, v3;
	vm0 =	vlt.f32 v34, v9;
	v37 =	vadd.s32 v52, v37  }
0xee: {  	v54 =	vsel vm0, $0x1, v3;
	vm0 =	vlt.f32 v35, v9;
	v37 =	vadd.s32 v53, v37  }
0xef: {  	v56 =	vsel vm0, $0x1, v3;
	vm0 =	vlt.f32 v32, v9;
	v55 =	vadd.s32 v54, v37;
	[tilespmem:$0x81D0] =	vst v36  }
0xf0: {  	v57 =	vsel vm0, $0x1, v3;
	v36 =	vadd.s32 v56, v55;
	v38 =	vld.idx.msk [tilespmem:v38+s22+$0x0], $0xffff  }
0xf1: {  	v36 =	vadd.s32 v57, v36;
	_ =	sdelay $0x2  }
0xf2: {  	vm0 =	vlt.f32 v24, v10  }
0xf3: {  	v59 =	vsel vm0, $0x1, v3;
	vm0 =	vlt.f32 v21, v10;
	[tilespmem:$0x8350] =	vst v38  }
0xf4: {  	vm1 =	vlt.f32 v25, v10;
	v61 =	vsel vm0, $0x1, v3;
	vm0 =	vlt.f32 v22, v10;
	v37 =	vld.idx.msk [tilespmem:v36+s25+$0x0], $0xffff  }
0xf5: {  	v62 =	vsel vm0, $0x1, v3;
	vm0 =	vlt.f32 v23, v10;
	v60 =	vsel vm1, $0x1, v3  }
0xf6: {  	v63 =	vsel vm0, $0x1, v3;
	vm0 =	vlt.f32 v26, v10;
	v39 =	vadd.s32 v60, v59  }
0xf7: {  	v44 =	vsel vm0, $0x1, v3;
	vm0 =	vlt.f32 v27, v10;
	v39 =	vadd.s32 v61, v39  }
0xf8: {  	v45 =	vsel vm0, $0x1, v3;
	v39 =	vadd.s32 v62, v39  }
0xf9: {  	vm0 =	vlt.f32 v29, v10;
	v39 =	vadd.s32 v63, v39;
	v37 =	vmul.f32 $1.280000000e+02, v37  }
0xfa: {  	v47 =	vsel vm0, $0x1, v3;
	vm0 =	vlt.f32 v28, v10;
	v39 =	vadd.s32 v44, v39  }
0xfb: {  	v46 =	vadd.s32 v45, v39;
	v48 =	vsel vm0, $0x1, v3;
	vm0 =	vlt.f32 v30, v10;
	[tilespmem:$0x8060] =	vst v37  }
0xfc: {  	v49 =	vsel vm0, $0x1, v3;
	v58 =	vmin.u32 v36, $0xE;
	v37 =	vadd.s32 v47, v46;
	v36 =	vld.idx.msk [tilespmem:v36+s22+$0x0], $0xffff  }
0xfd: {  	vm0 =	vlt.f32 v31, v10;
	v38 =	vadd.s32 $0x1, v58;
	v37 =	vadd.s32 v48, v37  }
0xfe: {  	v50 =	vsel vm0, $0x1, v3;
	vm0 =	vlt.f32 v33, v10;
	v37 =	vadd.s32 v49, v37  }
0xff: {  	v51 =	vsel vm0, $0x1, v3;
	vm0 =	vlt.f32 v34, v10;
	v37 =	vadd.s32 v50, v37  }
0x100: {  	v52 =	vsel vm0, $0x1, v3;
	vm0 =	vlt.f32 v35, v10;
	v37 =	vadd.s32 v51, v37  }
0x101: {  	v54 =	vsel vm0, $0x1, v3;
	vm0 =	vlt.f32 v32, v10;
	v53 =	vadd.s32 v52, v37;
	[tilespmem:$0x81E0] =	vst v36  }
0x102: {  	v55 =	vsel vm0, $0x1, v3;
	v36 =	vadd.s32 v54, v53;
	v38 =	vld.idx.msk [tilespmem:v38+s22+$0x0], $0xffff  }
0x103: {  	v36 =	vadd.s32 v55, v36;
	_ =	sdelay $0x2  }
0x104: {  	vm0 =	vlt.f32 v24, v11  }
0x105: {  	v57 =	vsel vm0, $0x1, v3;
	vm0 =	vlt.f32 v21, v11;
	[tilespmem:$0x8360] =	vst v38  }
0x106: {  	vm1 =	vlt.f32 v25, v11;
	v59 =	vsel vm0, $0x1, v3;
	vm0 =	vlt.f32 v22, v11;
	v37 =	vld.idx.msk [tilespmem:v36+s25+$0x0], $0xffff  }
0x107: {  	v60 =	vsel vm0, $0x1, v3;
	vm0 =	vlt.f32 v23, v11;
	v58 =	vsel vm1, $0x1, v3  }
0x108: {  	v61 =	vsel vm0, $0x1, v3;
	vm0 =	vlt.f32 v26, v11;
	v39 =	vadd.s32 v58, v57  }
0x109: {  	v62 =	vsel vm0, $0x1, v3;
	vm0 =	vlt.f32 v27, v11;
	v39 =	vadd.s32 v59, v39  }
0x10a: {  	v63 =	vsel vm0, $0x1, v3;
	v39 =	vadd.s32 v60, v39  }
0x10b: {  	vm0 =	vlt.f32 v29, v11;
	v39 =	vadd.s32 v61, v39;
	v37 =	vmul.f32 $1.280000000e+02, v37  }
0x10c: {  	v44 =	vsel vm0, $0x1, v3;
	vm0 =	vlt.f32 v28, v11;
	v39 =	vadd.s32 v62, v39  }
0x10d: {  	v45 =	vsel vm0, $0x1, v3;
	vm0 =	vlt.f32 v30, v11;
	v43 =	vadd.s32 v63, v39;
	[tilespmem:$0x8070] =	vst v37  }
0x10e: {  	v46 =	vsel vm0, $0x1, v3;
	v56 =	vmin.u32 v36, $0xE;
	v37 =	vadd.s32 v44, v43;
	v36 =	vld.idx.msk [tilespmem:v36+s22+$0x0], $0xffff  }
0x10f: {  	vm0 =	vlt.f32 v31, v11;
	v38 =	vadd.s32 $0x1, v56;
	v37 =	vadd.s32 v45, v37  }
0x110: {  	v47 =	vsel vm0, $0x1, v3;
	vm0 =	vlt.f32 v33, v11;
	v37 =	vadd.s32 v46, v37  }
0x111: {  	v48 =	vsel vm0, $0x1, v3;
	vm0 =	vlt.f32 v34, v11;
	v37 =	vadd.s32 v47, v37  }
0x112: {  	v49 =	vsel vm0, $0x1, v3;
	vm0 =	vlt.f32 v35, v11;
	v37 =	vadd.s32 v48, v37  }
0x113: {  	v51 =	vsel vm0, $0x1, v3;
	vm0 =	vlt.f32 v32, v11;
	v50 =	vadd.s32 v49, v37;
	[tilespmem:$0x81F0] =	vst v36  }
0x114: {  	v52 =	vsel vm0, $0x1, v3;
	v36 =	vadd.s32 v51, v50;
	v38 =	vld.idx.msk [tilespmem:v38+s22+$0x0], $0xffff  }
0x115: {  	v36 =	vadd.s32 v52, v36;
	_ =	sdelay $0x3  }
0x116: {  	vm1 =	vlt.f32 v25, v12;
	vm0 =	vlt.f32 v24, v12;
	[tilespmem:$0x8370] =	vst v38  }
0x117: {  	v54 =	vsel vm0, $0x1, v3;
	vm0 =	vlt.f32 v21, v12;
	v55 =	vsel vm1, $0x1, v3;
	v37 =	vld.idx.msk [tilespmem:v36+s25+$0x0], $0xffff  }
0x118: {  	v39 =	vadd.s32 v55, v54;
	v56 =	vsel vm0, $0x1, v3;
	vm0 =	vlt.f32 v22, v12  }
0x119: {  	v39 =	vadd.s32 v56, v39;
	v57 =	vsel vm0, $0x1, v3;
	vm0 =	vlt.f32 v23, v12  }
0x11a: {  	v39 =	vadd.s32 v57, v39;
	v58 =	vsel vm0, $0x1, v3;
	vm0 =	vlt.f32 v26, v12  }
0x11b: {  	v39 =	vadd.s32 v58, v39;
	v59 =	vsel vm0, $0x1, v3;
	vm0 =	vlt.f32 v27, v12  }
0x11c: {  	v60 =	vsel vm0, $0x1, v3;
	vm0 =	vlt.f32 v29, v12;
	v37 =	vmul.f32 $1.280000000e+02, v37  }
0x11d: {  	v39 =	vadd.s32 v59, v39;
	v62 =	vsel vm0, $0x1, v3;
	vm0 =	vlt.f32 v28, v12  }
0x11e: {  	v61 =	vadd.s32 v60, v39;
	v63 =	vsel vm0, $0x1, v3;
	vm0 =	vlt.f32 v30, v12;
	[tilespmem:$0x8080] =	vst v37  }
0x11f: {  	v42 =	vsel vm0, $0x1, v3;
	v53 =	vmin.u32 v36, $0xE;
	v37 =	vadd.s32 v62, v61;
	v36 =	vld.idx.msk [tilespmem:v36+s22+$0x0], $0xffff  }
0x120: {  	vm0 =	vlt.f32 v31, v12;
	v38 =	vadd.s32 $0x1, v53;
	v37 =	vadd.s32 v63, v37  }
0x121: {  	v43 =	vsel vm0, $0x1, v3;
	vm0 =	vlt.f32 v33, v12;
	v37 =	vadd.s32 v42, v37  }
0x122: {  	v44 =	vsel vm0, $0x1, v3;
	vm0 =	vlt.f32 v34, v12;
	v37 =	vadd.s32 v43, v37  }
0x123: {  	v45 =	vsel vm0, $0x1, v3;
	vm0 =	vlt.f32 v35, v12;
	v37 =	vadd.s32 v44, v37  }
0x124: {  	v47 =	vsel vm0, $0x1, v3;
	vm0 =	vlt.f32 v32, v12;
	v46 =	vadd.s32 v45, v37;
	[tilespmem:$0x8200] =	vst v36  }
0x125: {  	v48 =	vsel vm0, $0x1, v3;
	v36 =	vadd.s32 v47, v46;
	v38 =	vld.idx.msk [tilespmem:v38+s22+$0x0], $0xffff  }
0x126: {  	v36 =	vadd.s32 v48, v36;
	_ =	sdelay $0x3  }
0x127: {  	vm1 =	vlt.f32 v25, v13;
	vm0 =	vlt.f32 v24, v13;
	[tilespmem:$0x8380] =	vst v38  }
0x128: {  	v50 =	vsel vm0, $0x1, v3;
	v51 =	vsel vm1, $0x1, v3;
	vm0 =	vlt.f32 v21, v13;
	v37 =	vld.idx.msk [tilespmem:v36+s25+$0x0], $0xffff  }
0x129: {  	v39 =	vadd.s32 v51, v50;
	v52 =	vsel vm0, $0x1, v3;
	vm0 =	vlt.f32 v22, v13  }
0x12a: {  	v39 =	vadd.s32 v52, v39;
	v53 =	vsel vm0, $0x1, v3;
	vm0 =	vlt.f32 v23, v13  }
0x12b: {  	v39 =	vadd.s32 v53, v39;
	v54 =	vsel vm0, $0x1, v3;
	vm0 =	vlt.f32 v26, v13  }
0x12c: {  	v39 =	vadd.s32 v54, v39;
	v55 =	vsel vm0, $0x1, v3;
	vm0 =	vlt.f32 v27, v13  }
0x12d: {  	v56 =	vsel vm0, $0x1, v3;
	vm0 =	vlt.f32 v29, v13;
	v37 =	vmul.f32 $1.280000000e+02, v37  }
0x12e: {  	v39 =	vadd.s32 v55, v39;
	v58 =	vsel vm0, $0x1, v3;
	vm0 =	vlt.f32 v28, v13  }
0x12f: {  	v57 =	vadd.s32 v56, v39;
	v59 =	vsel vm0, $0x1, v3;
	vm0 =	vlt.f32 v30, v13;
	[tilespmem:$0x8090] =	vst v37  }
0x130: {  	v60 =	vsel vm0, $0x1, v3;
	v49 =	vmin.u32 v36, $0xE;
	v37 =	vadd.s32 v58, v57;
	v36 =	vld.idx.msk [tilespmem:v36+s22+$0x0], $0xffff  }
0x131: {  	vm0 =	vlt.f32 v31, v13;
	v38 =	vadd.s32 $0x1, v49;
	v37 =	vadd.s32 v59, v37  }
0x132: {  	v61 =	vsel vm0, $0x1, v3;
	vm0 =	vlt.f32 v33, v13;
	v37 =	vadd.s32 v60, v37  }
0x133: {  	v62 =	vsel vm0, $0x1, v3;
	vm0 =	vlt.f32 v34, v13;
	v37 =	vadd.s32 v61, v37  }
0x134: {  	v63 =	vsel vm0, $0x1, v3;
	vm0 =	vlt.f32 v35, v13;
	v37 =	vadd.s32 v62, v37  }
0x135: {  	v42 =	vsel vm0, $0x1, v3;
	vm0 =	vlt.f32 v32, v13;
	v41 =	vadd.s32 v63, v37;
	[tilespmem:$0x8210] =	vst v36  }
0x136: {  	v43 =	vsel vm0, $0x1, v3;
	v36 =	vadd.s32 v42, v41;
	v38 =	vld.idx.msk [tilespmem:v38+s22+$0x0], $0xffff  }
0x137: {  	v36 =	vadd.s32 v43, v36;
	_ =	sdelay $0x3  }
0x138: {  	vm1 =	vlt.f32 v25, v14;
	vm0 =	vlt.f32 v24, v14;
	[tilespmem:$0x8390] =	vst v38  }
0x139: {  	v45 =	vsel vm0, $0x1, v3;
	vm0 =	vlt.f32 v21, v14;
	v46 =	vsel vm1, $0x1, v3;
	v37 =	vld.idx.msk [tilespmem:v36+s25+$0x0], $0xffff  }
0x13a: {  	v47 =	vsel vm0, $0x1, v3;
	vm0 =	vlt.f32 v22, v14;
	v39 =	vadd.s32 v46, v45  }
0x13b: {  	v48 =	vsel vm0, $0x1, v3;
	vm0 =	vlt.f32 v23, v14;
	v39 =	vadd.s32 v47, v39  }
0x13c: {  	v39 =	vadd.s32 v48, v39;
	v49 =	vsel vm0, $0x1, v3;
	vm0 =	vlt.f32 v26, v14  }
0x13d: {  	v39 =	vadd.s32 v49, v39;
	v50 =	vsel vm0, $0x1, v3;
	vm0 =	vlt.f32 v27, v14  }
0x13e: {  	v51 =	vsel vm0, $0x1, v3;
	vm0 =	vlt.f32 v29, v14;
	v37 =	vmul.f32 $1.280000000e+02, v37  }
0x13f: {  	v39 =	vadd.s32 v50, v39;
	v53 =	vsel vm0, $0x1, v3;
	vm0 =	vlt.f32 v28, v14  }
0x140: {  	v52 =	vadd.s32 v51, v39;
	v54 =	vsel vm0, $0x1, v3;
	vm0 =	vlt.f32 v30, v14;
	[tilespmem:$0x80A0] =	vst v37  }
0x141: {  	v55 =	vsel vm0, $0x1, v3;
	v44 =	vmin.u32 v36, $0xE;
	v37 =	vadd.s32 v53, v52;
	v36 =	vld.idx.msk [tilespmem:v36+s22+$0x0], $0xffff  }
0x142: {  	vm0 =	vlt.f32 v31, v14;
	v38 =	vadd.s32 $0x1, v44;
	v37 =	vadd.s32 v54, v37  }
0x143: {  	v56 =	vsel vm0, $0x1, v3;
	vm0 =	vlt.f32 v33, v14;
	v37 =	vadd.s32 v55, v37  }
0x144: {  	v57 =	vsel vm0, $0x1, v3;
	vm0 =	vlt.f32 v34, v14;
	v37 =	vadd.s32 v56, v37  }
0x145: {  	v58 =	vsel vm0, $0x1, v3;
	vm0 =	vlt.f32 v35, v14;
	v37 =	vadd.s32 v57, v37  }
0x146: {  	v60 =	vsel vm0, $0x1, v3;
	vm0 =	vlt.f32 v32, v14;
	v59 =	vadd.s32 v58, v37;
	[tilespmem:$0x8220] =	vst v36  }
0x147: {  	v61 =	vsel vm0, $0x1, v3;
	v36 =	vadd.s32 v60, v59;
	v38 =	vld.idx.msk [tilespmem:v38+s22+$0x0], $0xffff  }
0x148: {  	v36 =	vadd.s32 v61, v36;
	_ =	sdelay $0x2  }
0x149: {  	vm0 =	vlt.f32 v24, v15  }
0x14a: {  	v63 =	vsel vm0, $0x1, v3;
	vm0 =	vlt.f32 v21, v15;
	[tilespmem:$0x83A0] =	vst v38  }
0x14b: {  	vm1 =	vlt.f32 v25, v15;
	v45 =	vsel vm0, $0x1, v3;
	vm0 =	vlt.f32 v22, v15;
	v37 =	vld.idx.msk [tilespmem:v36+s25+$0x0], $0xffff  }
0x14c: {  	v46 =	vsel vm0, $0x1, v3;
	vm0 =	vlt.f32 v23, v15;
	v44 =	vsel vm1, $0x1, v3  }
0x14d: {  	v47 =	vsel vm0, $0x1, v3;
	vm0 =	vlt.f32 v26, v15;
	v39 =	vadd.s32 v44, v63  }
0x14e: {  	v48 =	vsel vm0, $0x1, v3;
	vm0 =	vlt.f32 v27, v15;
	v39 =	vadd.s32 v45, v39  }
0x14f: {  	v49 =	vsel vm0, $0x1, v3;
	v39 =	vadd.s32 v46, v39  }
0x150: {  	vm0 =	vlt.f32 v29, v15;
	v39 =	vadd.s32 v47, v39;
	v37 =	vmul.f32 $1.280000000e+02, v37  }
0x151: {  	v51 =	vsel vm0, $0x1, v3;
	vm0 =	vlt.f32 v28, v15;
	v39 =	vadd.s32 v48, v39  }
0x152: {  	v50 =	vadd.s32 v49, v39;
	v52 =	vsel vm0, $0x1, v3;
	vm0 =	vlt.f32 v30, v15;
	[tilespmem:$0x80B0] =	vst v37  }
0x153: {  	v53 =	vsel vm0, $0x1, v3;
	v62 =	vmin.u32 v36, $0xE;
	v37 =	vadd.s32 v51, v50;
	v36 =	vld.idx.msk [tilespmem:v36+s22+$0x0], $0xffff  }
0x154: {  	vm0 =	vlt.f32 v31, v15;
	v38 =	vadd.s32 $0x1, v62;
	v37 =	vadd.s32 v52, v37  }
0x155: {  	v54 =	vsel vm0, $0x1, v3;
	vm0 =	vlt.f32 v33, v15;
	v37 =	vadd.s32 v53, v37  }
0x156: {  	v55 =	vsel vm0, $0x1, v3;
	vm0 =	vlt.f32 v34, v15;
	v37 =	vadd.s32 v54, v37  }
0x157: {  	v56 =	vsel vm0, $0x1, v3;
	vm0 =	vlt.f32 v35, v15;
	v37 =	vadd.s32 v55, v37  }
0x158: {  	v58 =	vsel vm0, $0x1, v3;
	vm0 =	vlt.f32 v32, v15;
	v57 =	vadd.s32 v56, v37;
	[tilespmem:$0x8230] =	vst v36  }
0x159: {  	v59 =	vsel vm0, $0x1, v3;
	v36 =	vadd.s32 v58, v57;
	v38 =	vld.idx.msk [tilespmem:v38+s22+$0x0], $0xffff  }
0x15a: {  	v36 =	vadd.s32 v59, v36;
	_ =	sdelay $0x2  }
0x15b: {  	vm0 =	vlt.f32 v24, v16  }
0x15c: {  	v61 =	vsel vm0, $0x1, v3;
	vm0 =	vlt.f32 v21, v16;
	[tilespmem:$0x83B0] =	vst v38  }
0x15d: {  	vm1 =	vlt.f32 v25, v16;
	v63 =	vsel vm0, $0x1, v3;
	vm0 =	vlt.f32 v22, v16;
	v37 =	vld.idx.msk [tilespmem:v36+s25+$0x0], $0xffff  }
0x15e: {  	v44 =	vsel vm0, $0x1, v3;
	vm0 =	vlt.f32 v23, v16;
	v62 =	vsel vm1, $0x1, v3  }
0x15f: {  	v45 =	vsel vm0, $0x1, v3;
	vm0 =	vlt.f32 v26, v16;
	v39 =	vadd.s32 v62, v61  }
0x160: {  	v46 =	vsel vm0, $0x1, v3;
	vm0 =	vlt.f32 v27, v16;
	v39 =	vadd.s32 v63, v39  }
0x161: {  	v47 =	vsel vm0, $0x1, v3;
	v39 =	vadd.s32 v44, v39  }
0x162: {  	vm0 =	vlt.f32 v29, v16;
	v39 =	vadd.s32 v45, v39;
	v37 =	vmul.f32 $1.280000000e+02, v37  }
0x163: {  	v49 =	vsel vm0, $0x1, v3;
	vm0 =	vlt.f32 v28, v16;
	v39 =	vadd.s32 v46, v39  }
0x164: {  	v48 =	vadd.s32 v47, v39;
	v50 =	vsel vm0, $0x1, v3;
	vm0 =	vlt.f32 v30, v16;
	[tilespmem:$0x80C0] =	vst v37  }
0x165: {  	v51 =	vsel vm0, $0x1, v3;
	v60 =	vmin.u32 v36, $0xE;
	v37 =	vadd.s32 v49, v48;
	v36 =	vld.idx.msk [tilespmem:v36+s22+$0x0], $0xffff  }
0x166: {  	vm0 =	vlt.f32 v31, v16;
	v38 =	vadd.s32 $0x1, v60;
	v37 =	vadd.s32 v50, v37  }
0x167: {  	v52 =	vsel vm0, $0x1, v3;
	vm0 =	vlt.f32 v33, v16;
	v37 =	vadd.s32 v51, v37  }
0x168: {  	v53 =	vsel vm0, $0x1, v3;
	vm0 =	vlt.f32 v34, v16;
	v37 =	vadd.s32 v52, v37  }
0x169: {  	v54 =	vsel vm0, $0x1, v3;
	vm0 =	vlt.f32 v35, v16;
	v37 =	vadd.s32 v53, v37  }
0x16a: {  	v56 =	vsel vm0, $0x1, v3;
	vm0 =	vlt.f32 v32, v16;
	v55 =	vadd.s32 v54, v37;
	[tilespmem:$0x8240] =	vst v36  }
0x16b: {  	v57 =	vsel vm0, $0x1, v3;
	v36 =	vadd.s32 v56, v55;
	v38 =	vld.idx.msk [tilespmem:v38+s22+$0x0], $0xffff  }
0x16c: {  	v36 =	vadd.s32 v57, v36;
	_ =	sdelay $0x2  }
0x16d: {  	vm0 =	vlt.f32 v24, v17  }
0x16e: {  	v59 =	vsel vm0, $0x1, v3;
	vm0 =	vlt.f32 v21, v17;
	[tilespmem:$0x83C0] =	vst v38  }
0x16f: {  	vm1 =	vlt.f32 v25, v17;
	v61 =	vsel vm0, $0x1, v3;
	vm0 =	vlt.f32 v22, v17;
	v37 =	vld.idx.msk [tilespmem:v36+s25+$0x0], $0xffff  }
0x170: {  	v62 =	vsel vm0, $0x1, v3;
	vm0 =	vlt.f32 v23, v17;
	v60 =	vsel vm1, $0x1, v3  }
0x171: {  	v63 =	vsel vm0, $0x1, v3;
	vm0 =	vlt.f32 v26, v17;
	v39 =	vadd.s32 v60, v59  }
0x172: {  	v44 =	vsel vm0, $0x1, v3;
	vm0 =	vlt.f32 v27, v17;
	v39 =	vadd.s32 v61, v39  }
0x173: {  	v45 =	vsel vm0, $0x1, v3;
	v39 =	vadd.s32 v62, v39  }
0x174: {  	vm0 =	vlt.f32 v29, v17;
	v39 =	vadd.s32 v63, v39;
	v37 =	vmul.f32 $1.280000000e+02, v37  }
0x175: {  	v47 =	vsel vm0, $0x1, v3;
	vm0 =	vlt.f32 v28, v17;
	v39 =	vadd.s32 v44, v39  }
0x176: {  	v46 =	vadd.s32 v45, v39;
	v48 =	vsel vm0, $0x1, v3;
	vm0 =	vlt.f32 v30, v17;
	[tilespmem:$0x80D0] =	vst v37  }
0x177: {  	v49 =	vsel vm0, $0x1, v3;
	v58 =	vmin.u32 v36, $0xE;
	v37 =	vadd.s32 v47, v46;
	v36 =	vld.idx.msk [tilespmem:v36+s22+$0x0], $0xffff  }
0x178: {  	vm0 =	vlt.f32 v31, v17;
	v38 =	vadd.s32 $0x1, v58;
	v37 =	vadd.s32 v48, v37  }
0x179: {  	v50 =	vsel vm0, $0x1, v3;
	vm0 =	vlt.f32 v33, v17;
	v37 =	vadd.s32 v49, v37  }
0x17a: {  	v51 =	vsel vm0, $0x1, v3;
	vm0 =	vlt.f32 v34, v17;
	v37 =	vadd.s32 v50, v37  }
0x17b: {  	v52 =	vsel vm0, $0x1, v3;
	vm0 =	vlt.f32 v35, v17;
	v37 =	vadd.s32 v51, v37  }
0x17c: {  	v54 =	vsel vm0, $0x1, v3;
	vm0 =	vlt.f32 v32, v17;
	v53 =	vadd.s32 v52, v37;
	[tilespmem:$0x8250] =	vst v36  }
0x17d: {  	v55 =	vsel vm0, $0x1, v3;
	v36 =	vadd.s32 v54, v53;
	v38 =	vld.idx.msk [tilespmem:v38+s22+$0x0], $0xffff  }
0x17e: {  	v36 =	vadd.s32 v55, v36;
	_ =	sdelay $0x2  }
0x17f: {  	vm0 =	vlt.f32 v24, v18  }
0x180: {  	v57 =	vsel vm0, $0x1, v3;
	vm0 =	vlt.f32 v21, v18;
	[tilespmem:$0x83D0] =	vst v38  }
0x181: {  	vm1 =	vlt.f32 v25, v18;
	v59 =	vsel vm0, $0x1, v3;
	vm0 =	vlt.f32 v22, v18;
	v37 =	vld.idx.msk [tilespmem:v36+s25+$0x0], $0xffff  }
0x182: {  	v60 =	vsel vm0, $0x1, v3;
	vm0 =	vlt.f32 v23, v18;
	v58 =	vsel vm1, $0x1, v3  }
0x183: {  	v61 =	vsel vm0, $0x1, v3;
	vm0 =	vlt.f32 v26, v18;
	v39 =	vadd.s32 v58, v57  }
0x184: {  	v62 =	vsel vm0, $0x1, v3;
	vm0 =	vlt.f32 v27, v18;
	v39 =	vadd.s32 v59, v39  }
0x185: {  	v63 =	vsel vm0, $0x1, v3;
	v39 =	vadd.s32 v60, v39  }
0x186: {  	vm0 =	vlt.f32 v29, v18;
	v39 =	vadd.s32 v61, v39;
	v37 =	vmul.f32 $1.280000000e+02, v37  }
0x187: {  	v44 =	vsel vm0, $0x1, v3;
	vm0 =	vlt.f32 v28, v18;
	v39 =	vadd.s32 v62, v39  }
0x188: {  	v45 =	vsel vm0, $0x1, v3;
	vm0 =	vlt.f32 v30, v18;
	v43 =	vadd.s32 v63, v39;
	[tilespmem:$0x80E0] =	vst v37  }
0x189: {  	v46 =	vsel vm0, $0x1, v3;
	v56 =	vmin.u32 v36, $0xE;
	v37 =	vadd.s32 v44, v43;
	v36 =	vld.idx.msk [tilespmem:v36+s22+$0x0], $0xffff  }
0x18a: {  	vm0 =	vlt.f32 v31, v18;
	v38 =	vadd.s32 $0x1, v56;
	v37 =	vadd.s32 v45, v37  }
0x18b: {  	v47 =	vsel vm0, $0x1, v3;
	vm0 =	vlt.f32 v33, v18;
	v37 =	vadd.s32 v46, v37  }
0x18c: {  	v48 =	vsel vm0, $0x1, v3;
	vm0 =	vlt.f32 v34, v18;
	v37 =	vadd.s32 v47, v37  }
0x18d: {  	v49 =	vsel vm0, $0x1, v3;
	vm0 =	vlt.f32 v35, v18;
	v37 =	vadd.s32 v48, v37  }
0x18e: {  	v51 =	vsel vm0, $0x1, v3;
	vm0 =	vlt.f32 v32, v18;
	v50 =	vadd.s32 v49, v37;
	[tilespmem:$0x8260] =	vst v36  }
0x18f: {  	v53 =	vsel vm0, $0x1, v3;
	v36 =	vadd.s32 v51, v50;
	v52 =	vld.idx.msk [tilespmem:v38+s22+$0x0], $0xffff  }
0x190: {  	v36 =	vadd.s32 v53, v36;
	_ =	sdelay $0x2  }
0x191: {  	vm1 =	vlt.f32 v25, v19;
	vm0 =	vlt.f32 v24, v19  }
0x192: {  	v54 =	vsel vm1, $0x1, v3;
	v24 =	vsel vm0, $0x1, v3;
	vm0 =	vlt.f32 v21, v19;
	[tilespmem:$0x83E0] =	vst v52  }
0x193: {  	v24 =	vadd.s32 v54, v24;
	v56 =	vsel vm0, $0x1, v3;
	vm0 =	vlt.f32 v22, v19;
	v37 =	vld.idx.msk [tilespmem:v36+s25+$0x0], $0xffff  }
0x194: {  	v22 =	vadd.s32 v56, v24;
	v24 =	vsel vm0, $0x1, v3;
	vm0 =	vlt.f32 v23, v19  }
0x195: {  	v22 =	vadd.s32 v24, v22;
	v23 =	vsel vm0, $0x1, v3;
	vm0 =	vlt.f32 v26, v19  }
0x196: {  	v22 =	vadd.s32 v23, v22;
	v23 =	vsel vm0, $0x1, v3  }
0x197: {  	vm0 =	vlt.f32 v27, v19;
	v22 =	vadd.s32 v23, v22  }
0x198: {  	v23 =	vsel vm0, $0x1, v3;
	vm0 =	vlt.f32 v29, v19;
	v25 =	vmul.f32 $1.280000000e+02, v37  }
0x199: {  	v22 =	vadd.s32 v23, v22;
	v23 =	vsel vm0, $0x1, v3;
	vm0 =	vlt.f32 v28, v19  }
0x19a: {  	v22 =	vadd.s32 v23, v22;
	v23 =	vsel vm0, $0x1, v3;
	[tilespmem:$0x80F0] =	vst v25  }
0x19b: {  	vm0 =	vlt.f32 v30, v19;
	v22 =	vadd.s32 v23, v22;
	v55 =	vmin.u32 v36, $0xE;
	v24 =	vld.idx.msk [tilespmem:v36+s22+$0x0], $0xffff  }
0x19c: {  	v23 =	vsel vm0, $0x1, v3;
	vm0 =	vlt.f32 v31, v19;
	v21 =	vadd.s32 $0x1, v55  }
0x19d: {  	v22 =	vadd.s32 v23, v22;
	v23 =	vsel vm0, $0x1, v3;
	vm0 =	vlt.f32 v33, v19  }
0x19e: {  	v22 =	vadd.s32 v23, v22;
	v23 =	vsel vm0, $0x1, v3;
	vm0 =	vlt.f32 v34, v19  }
0x19f: {  	v22 =	vadd.s32 v23, v22;
	v23 =	vsel vm0, $0x1, v3;
	vm0 =	vlt.f32 v35, v19  }
0x1a0: {  	v22 =	vadd.s32 v23, v22;
	v23 =	vsel vm0, $0x1, v3;
	vm0 =	vlt.f32 v32, v19;
	[tilespmem:$0x8270] =	vst v24  }
0x1a1: {  	v22 =	vadd.s32 v23, v22;
	v23 =	vsel vm0, $0x1, v3;
	v21 =	vld.idx.msk [tilespmem:v21+s22+$0x0], $0xffff  }
0x1a2: {  	v22 =	vadd.s32 v23, v22;
	_ =	sdelay $0x3  }
0x1a3: {  	[tilespmem:$0x83F0] =	vst v21  }
0x1a4: {  	v21 =	vld.idx.msk [tilespmem:v22+s25+$0x0], $0xffff;
	_ =	sdelay $0x4  }
0x1a5: {  	v21 =	vmul.f32 $1.280000000e+02, v21;
	_ =	sdelay $0x1  }
0x1a6: {  	[tilespmem:$0x8100] =	vst v21  }
0x1a7: {  	v21 =	vld.idx.msk [tilespmem:v22+s22+$0x0], $0xffff;
	v22 =	vmin.u32 v22, $0xE  }
0x1a8: {  	v22 =	vadd.s32 $0x1, v22;
	_ =	sdelay $0x3  }
0x1a9: {  	[tilespmem:$0x8280] =	vst v21  }
0x1aa: {  	v21 =	vld.idx.msk [tilespmem:v22+s22+$0x0], $0xffff;
	_ =	sdelay $0x4  }
0x1ab: {  	[tilespmem:$0x8400] =	vst v21  }
0x1ac: {  	[tilespmem:s2], [sflag:$0x1] =	stream.linear.gather [hbm4b:s5+s2], $0x4000, $0x38;
	[tilespmem:$0x8600] =	vst v63  }
0x1ad: {  	_ =	swait.ge [sflag:s23], $0x4000  }
0x1ae: {  	[sflag:s23] =	ssyncset.done $0x0  }
0x1af: {  	s3 =	simm.s32 $0x0;
	[sflag:s23] =	ssyncadd.s32 $0xFFFFC000  }
0x1b0: {  	v24 =	vld [tilespmem:s3+$0x10]  }
0x1b1: {  	v25 =	vld [tilespmem:s3+$0x30]  }
0x1b2: {  	v21 =	vld [tilespmem:s3+$0x0]  }
0x1b3: {  	v26 =	vld [tilespmem:s3+$0x20];
	_ =	sdelay $0x3  }
0x1b4: {  	v22 =	vand.u32 $0x7FFFFFFF, v25  }
0x1b5: {  	v23 =	vand.u32 $0x7FFFFFFF, v24;
	v27 =	vand.u32 $0x7FFFFFFF, v21;
	v28 =	vand.u32 $0x7FFFFFFF, v26  }
0x1b6: {  	v23 =	vmax.f32 v27, v23;
	v22 =	vmax.f32 v28, v22  }
0x1b7: {  	v22 =	vmax.f32 v23, v22  }
0x1b8: {  	(xrf0) =	vmax.scan.msk.f32 $0xffff, v22;
	_ =	sdelay $0x1  }
0x1b9: {  	s0 =	simm.s32 $0x40  }
0x1ba: {  	v30 =	vld [tilespmem:s0+$0x10]  }
0x1bb: {  	v31 =	vld [tilespmem:s0+$0x0]  }
0x1bc: {  	v57 =	vld [tilespmem:s0+$0x20]  }
0x1bd: {  	v22 =	vld [tilespmem:s0+$0x30];
	v23, _, _ =	vpop (xrf0)  }
0x1be: {  	v23 =	vbroadcast v23, $0xF;
	_ =	sdelay $0x1  }
0x1bf: {  	v23 =	vmul.f32 v23, v20  }
0x1c0: {  	v29 =	vand.u32 $0x7FFFFFFF, v31;
	v58 =	vand.u32 $0x7FFFFFFF, v57  }
0x1c1: {  	v28 =	vand.u32 $0x7FFFFFFF, v30;
	v27 =	vand.u32 $0x7FFFFFFF, v22;
	v23 =	vmax.f32 v23, $9.999999970e-07  }
0x1c2: {  	v28 =	vmax.f32 v29, v28;
	v27 =	vmax.f32 v58, v27;
	(erf) = vrcp.f32 v23  }
0x1c3: {  	v27 =	vmax.f32 v28, v27  }
0x1c4: {  	(xrf0) =	vmax.scan.msk.f32 $0xffff, v27;
	_ =	sdelay $0x5  }
0x1c5: {  	v28, _, _ =	vpop (xrf0)  }
0x1c6: {  	v27 =	vpop (erf)  }
0x1c7: {  	v28 =	vbroadcast v28, $0xF;
	v27 =	vmul.f32 $1.280000000e+02, v27;
	_ =	sdelay $0x1  }
0x1c8: {  	v28 =	vmul.f32 v28, v20;
	v21 =	vmul.f32 v27, v21;
	_ =	sdelay $0x1  }
0x1c9: {  	v29 =	vmax.f32 v21, $-1.280000000e+02;
	v21 =	vmax.f32 v28, $9.999999970e-07  }
0x1ca: {  	v59 =	vmin.f32 v29, $1.280000000e+02;
	(erf) = vrcp.f32 v21  }
0x1cb: {  	v28 =	vadd.f32 $1.280000000e+02, v59;
	_ =	sdelay $0x1  }
0x1cc: {  	v28 =	vtrunc.f32 v28  }
0x1cd: {  	v60 =	vcvt.f32.s32 v28;
	_ =	sdelay $0x3  }
0x1ce: {  	v24 =	vmul.f32 v27, v24  }
0x1cf: {  	v28 =	vpop (erf)  }
0x1d0: {  	v24 =	vmax.f32 v24, $-1.280000000e+02;
	v61 =	vld.idx.msk [tilespmem:v60+s26+$0x0], $0xffff;
	v28 =	vmul.f32 $1.280000000e+02, v28  }
0x1d1: {  	v26 =	vmul.f32 v27, v26;
	v29 =	vmin.f32 v24, $1.280000000e+02;
	v33 =	vld.idx.msk [tilespmem:v60+s28+$0x0], $0xffff  }
0x1d2: {  	v24 =	vmul.f32 v27, v25;
	v25 =	vadd.f32 $1.280000000e+02, v29;
	v62 =	vmul.f32 v28, v31;
	v31 =	vld.idx.msk [tilespmem:v60+s29+$0x0], $0xffff  }
0x1d3: {  	v27 =	vmax.f32 v26, $-1.280000000e+02;
	v30 =	vmul.f32 v28, v30  }
0x1d4: {  	v26 =	vmax.f32 v24, $-1.280000000e+02;
	v24 =	vtrunc.f32 v25;
	v63 =	vmul.f32 v28, v57  }
0x1d5: {  	v32 =	vcvt.f32.s32 v24;
	v36 =	vmax.f32 v62, $-1.280000000e+02;
	v25 =	vmax.f32 v30, $-1.280000000e+02  }
0x1d6: {  	s1 =	simm.s32 $0x200;
	v30 =	vmax.f32 v63, $-1.280000000e+02;
	v24 =	vmin.f32 v36, $1.280000000e+02;
	vm0 =	vgt.f32 v59, v61  }
.LBB2_2:
0x1d7: {  	p0 =	sne.s32 s1, $0xFF00;
	v22 =	vmul.f32 v28, v22;
	v28 =	vsel vm0, v31, v33;
	s24 =	smov.u32 s1;
	s1 =	sadd.s32 $0x100, s1  }
0x1d8: {  	v28 =	vmul.f32 v28, v23  }
0x1d9: {  	v31 =	vmax.f32 v22, $-1.280000000e+02  }
0x1da: {  	[tilespmem:s3+$0x4000] =	vst v28  }
0x1db: {  	v28 =	vld.idx.msk [tilespmem:v32+s28+$0x0], $0xffff  }
0x1dc: {  	v33 =	vld.idx.msk [tilespmem:v32+s26+$0x0], $0xffff  }
0x1dd: {  	v34 =	vmin.f32 v27, $1.280000000e+02;
	v27 =	vmov v30;
	v32 =	vld.idx.msk [tilespmem:v32+s29+$0x0], $0xffff  }
0x1de: {  	s24 =	sshra.s32 s24, $0x2;
	v22 =	vadd.f32 $1.280000000e+02, v34;
	_ =	sdelay $0x1  }
0x1df: {  	v35 =	vtrunc.f32 v22;
	v30 =	vld [tilespmem:s24+$0x10]  }
0x1e0: {  	v35 =	vcvt.f32.s32 v35;
	v22 =	vld [tilespmem:s24+$0x30]  }
0x1e1: {  	vm0 =	vgt.f32 v29, v33;
	v36 =	vld [tilespmem:s24+$0x0]  }
0x1e2: {  	v28 =	vsel vm0, v32, v28;
	v37 =	vld [tilespmem:s24+$0x20]  }
0x1e3: {  	v28 =	vmul.f32 v28, v23;
	_ =	sdelay $0x1  }
0x1e4: {  	v29 =	vand.u32 $0x7FFFFFFF, v22;
	[tilespmem:s3+$0x4010] =	vst v28  }
0x1e5: {  	v28 =	vand.u32 $0x7FFFFFFF, v30;
	v32 =	vld.idx.msk [tilespmem:v35+s26+$0x0], $0xffff  }
0x1e6: {  	v33 =	vand.u32 $0x7FFFFFFF, v36;
	v38 =	vand.u32 $0x7FFFFFFF, v37;
	v39 =	vld.idx.msk [tilespmem:v35+s28+$0x0], $0xffff  }
0x1e7: {  	v28 =	vmax.f32 v33, v28;
	v29 =	vmax.f32 v38, v29;
	v33 =	vld.idx.msk [tilespmem:v35+s29+$0x0], $0xffff;
	v35 =	vmin.f32 v26, $1.280000000e+02;
	v26 =	vmovc v31  }
0x1e8: {  	v28 =	vmax.f32 v28, v29;
	v29 =	vadd.f32 $1.280000000e+02, v35  }
0x1e9: {  	(xrf0) =	vmax.scan.msk.f32 $0xffff, v28  }
0x1ea: {  	v28 =	vtrunc.f32 v29  }
0x1eb: {  	v28 =	vcvt.f32.s32 v28  }
0x1ec: {  	vm0 =	vgt.f32 v34, v32  }
0x1ed: {  	v29 =	vsel vm0, v33, v39  }
0x1ee: {  	v29 =	vmul.f32 v29, v23  }
0x1ef: {  	v31, _, _ =	vpop (xrf0)  }
0x1f0: {  	v31 =	vbroadcast v31, $0xF;
	[tilespmem:s3+$0x4020] =	vst v29  }
0x1f1: {  	v29 =	vadd.f32 $1.280000000e+02, v24;
	v32 =	vld.idx.msk [tilespmem:v28+s26+$0x0], $0xffff  }
0x1f2: {  	v31 =	vmul.f32 v31, v20;
	v33 =	vld.idx.msk [tilespmem:v28+s28+$0x0], $0xffff  }
0x1f3: {  	v29 =	vtrunc.f32 v29;
	v28 =	vld.idx.msk [tilespmem:v28+s29+$0x0], $0xffff  }
0x1f4: {  	v29 =	vcvt.f32.s32 v29;
	v31 =	vmax.f32 v31, $9.999999970e-07  }
0x1f5: {  	(erf) = vrcp.f32 v31;
	_ =	sdelay $0x2  }
0x1f6: {  	vm0 =	vgt.f32 v35, v32  }
0x1f7: {  	v28 =	vsel vm0, v28, v33  }
0x1f8: {  	v28 =	vmul.f32 v28, v23;
	v23 =	vmov v21;
	v21 =	vmov v31;
	_ =	sdelay $0x1  }
0x1f9: {  	[tilespmem:s3+$0x4030] =	vst v28;
	s3 =	smov.u32 s0;
	s0 =	smov.u32 s24  }
0x1fa: {  	v31 =	vld.idx.msk [tilespmem:v29+s29+$0x0], $0xffff  }
0x1fb: {  	v28 =	vpop (erf);
	v34 =	vld.idx.msk [tilespmem:v29+s26+$0x0], $0xffff  }
0x1fc: {  	v28 =	vmul.f32 $1.280000000e+02, v28;
	v33 =	vld.idx.msk [tilespmem:v29+s28+$0x0], $0xffff;
	v29 =	vmin.f32 v25, $1.280000000e+02  }
.Ltmp0:
0x1fd: {  	v25 =	vadd.f32 $1.280000000e+02, v29;
	(pc) =	sbr.rel @p0 .LBB2_2-.Ltmp0, $4  }
0x1fe: {  	v32 =	vmul.f32 v28, v36;
	v30 =	vmul.f32 v28, v30  }
0x1ff: {  	v35 =	vmul.f32 v28, v37;
	v36 =	vtrunc.f32 v25  }
0x200: {  	v37 =	vmax.f32 v32, $-1.280000000e+02;
	v25 =	vmax.f32 v30, $-1.280000000e+02;
	v32 =	vcvt.f32.s32 v36  }
0x201: {  	v30 =	vmax.f32 v35, $-1.280000000e+02;
	vm0 =	vgt.f32 v24, v34;
	v24 =	vmin.f32 v37, $1.280000000e+02  }
0x202: {  	v31 =	vsel vm0, v31, v33  }
0x203: {  	v31 =	vmul.f32 v31, v23;
	_ =	sdelay $0x1  }
0x204: {  	[tilespmem:s3+$0x4000] =	vst v31  }
0x205: {  	v31 =	vld.idx.msk [tilespmem:v32+s28+$0x0], $0xffff  }
0x206: {  	v27 =	vmin.f32 v27, $1.280000000e+02;
	v55 =	vld.idx.msk [tilespmem:v32+s26+$0x0], $0xffff  }
0x207: {  	v34 =	vadd.f32 $1.280000000e+02, v27;
	v56 =	vld.idx.msk [tilespmem:v32+s29+$0x0], $0xffff;
	_ =	sdelay $0x1  }
0x208: {  	v34 =	vtrunc.f32 v34  }
0x209: {  	v34 =	vcvt.f32.s32 v34  }
0x20a: {  	vm0 =	vgt.f32 v29, v55  }
0x20b: {  	v29 =	vsel vm0, v56, v31  }
0x20c: {  	v29 =	vmul.f32 v29, v23;
	_ =	sdelay $0x1  }
0x20d: {  	[tilespmem:s3+$0x4010] =	vst v29  }
0x20e: {  	v29 =	vld.idx.msk [tilespmem:v34+s26+$0x0], $0xffff  }
0x20f: {  	v26 =	vmin.f32 v26, $1.280000000e+02;
	v31 =	vld.idx.msk [tilespmem:v34+s28+$0x0], $0xffff  }
0x210: {  	v58 =	vadd.f32 $1.280000000e+02, v26;
	v57 =	vld.idx.msk [tilespmem:v34+s29+$0x0], $0xffff;
	_ =	sdelay $0x1  }
0x211: {  	v33 =	vtrunc.f32 v58  }
0x212: {  	v33 =	vcvt.f32.s32 v33  }
0x213: {  	vm0 =	vgt.f32 v27, v29  }
0x214: {  	v27 =	vsel vm0, v57, v31  }
0x215: {  	v27 =	vmul.f32 v27, v23;
	_ =	sdelay $0x1  }
0x216: {  	[tilespmem:s3+$0x4020] =	vst v27  }
0x217: {  	v27 =	vld.idx.msk [tilespmem:v33+s26+$0x0], $0xffff  }
0x218: {  	v29 =	vld.idx.msk [tilespmem:v33+s28+$0x0], $0xffff  }
0x219: {  	v31 =	vadd.f32 $1.280000000e+02, v24;
	v59 =	vld.idx.msk [tilespmem:v33+s29+$0x0], $0xffff;
	_ =	sdelay $0x1  }
0x21a: {  	v31 =	vtrunc.f32 v31  }
0x21b: {  	v31 =	vcvt.f32.s32 v31  }
0x21c: {  	vm0 =	vgt.f32 v26, v27  }
0x21d: {  	v26 =	vsel vm0, v59, v29  }
0x21e: {  	v23 =	vmul.f32 v26, v23;
	_ =	sdelay $0x1  }
0x21f: {  	[tilespmem:s3+$0x4030] =	vst v23  }
0x220: {  	v23 =	vld.idx.msk [tilespmem:v31+s29+$0x0], $0xffff  }
0x221: {  	v25 =	vmin.f32 v25, $1.280000000e+02;
	v26 =	vld.idx.msk [tilespmem:v31+s26+$0x0], $0xffff  }
0x222: {  	v29 =	vadd.f32 $1.280000000e+02, v25;
	v27 =	vld.idx.msk [tilespmem:v31+s28+$0x0], $0xffff;
	_ =	sdelay $0x1  }
0x223: {  	v29 =	vtrunc.f32 v29  }
0x224: {  	v29 =	vcvt.f32.s32 v29  }
0x225: {  	vm0 =	vgt.f32 v24, v26  }
0x226: {  	v23 =	vsel vm0, v23, v27  }
0x227: {  	v23 =	vmul.f32 v23, v21;
	_ =	sdelay $0x1  }
0x228: {  	[tilespmem:s0+$0x4000] =	vst v23  }
0x229: {  	v23 =	vld.idx.msk [tilespmem:v29+s28+$0x0], $0xffff  }
0x22a: {  	v26 =	vmin.f32 v30, $1.280000000e+02;
	v24 =	vld.idx.msk [tilespmem:v29+s26+$0x0], $0xffff  }
0x22b: {  	v27 =	vld.idx.msk [tilespmem:v29+s29+$0x0], $0xffff;
	v29 =	vadd.f32 $1.280000000e+02, v26;
	_ =	sdelay $0x1  }
0x22c: {  	v29 =	vtrunc.f32 v29  }
0x22d: {  	v29 =	vcvt.f32.s32 v29  }
0x22e: {  	vm0 =	vgt.f32 v25, v24  }
0x22f: {  	v23 =	vsel vm0, v27, v23  }
0x230: {  	v23 =	vmul.f32 v23, v21  }
0x231: {  	v22 =	vmul.f32 v28, v22  }
0x232: {  	[tilespmem:s0+$0x4010] =	vst v23  }
0x233: {  	v22 =	vmax.f32 v22, $-1.280000000e+02;
	v23 =	vld.idx.msk [tilespmem:v29+s26+$0x0], $0xffff  }
0x234: {  	v22 =	vmin.f32 v22, $1.280000000e+02;
	v24 =	vld.idx.msk [tilespmem:v29+s28+$0x0], $0xffff  }
0x235: {  	v27 =	vadd.f32 $1.280000000e+02, v22;
	v25 =	vld.idx.msk [tilespmem:v29+s29+$0x0], $0xffff;
	_ =	sdelay $0x1  }
0x236: {  	v27 =	vtrunc.f32 v27  }
0x237: {  	v27 =	vcvt.f32.s32 v27  }
0x238: {  	vm0 =	vgt.f32 v26, v23  }
0x239: {  	v23 =	vsel vm0, v25, v24  }
0x23a: {  	v23 =	vmul.f32 v23, v21;
	_ =	sdelay $0x1  }
0x23b: {  	[tilespmem:s0+$0x4020] =	vst v23  }
0x23c: {  	v23 =	vld.idx.msk [tilespmem:v27+s26+$0x0], $0xffff  }
0x23d: {  	v24 =	vld.idx.msk [tilespmem:v27+s28+$0x0], $0xffff  }
0x23e: {  	v25 =	vld.idx.msk [tilespmem:v27+s29+$0x0], $0xffff;
	_ =	sdelay $0x3  }
0x23f: {  	vm0 =	vgt.f32 v22, v23  }
0x240: {  	v22 =	vsel vm0, v25, v24  }
0x241: {  	v21 =	vmul.f32 v22, v21;
	_ =	sdelay $0x1  }
0x242: {  	s24 =	simm.s32 $0x0;
	[tilespmem:s0+$0x4030] =	vst v21  }
0x243: {  	[hbm4b:s6+s24] =	stream.linear.scatter [tilespmem:s30], [sflag:$0x1], $0x4000, $0x38;
	[tilespmem:$0x8600] =	vst v63  }
0x244: {  	_ =	swait.ge [sflag:s23], $0x4000  }
0x245: {  	[sflag:s23] =	ssyncset.done $0x0  }
0x246: {  	[sflag:s23] =	ssyncadd.s32 $0xFFFFC000  }
0x247: {  	[tilespmem:s24], [sflag:$0x1] =	stream.linear.gather [hbm4b:s7+s24], $0x4000, $0x38;
	[tilespmem:$0x8600] =	vst v63  }
0x248: {  	_ =	swait.ge [sflag:s23], $0x4000  }
0x249: {  	[sflag:s23] =	ssyncset.done $0x0  }
0x24a: {  	s3 =	simm.s32 $0x0;
	[sflag:s23] =	ssyncadd.s32 $0xFFFFC000  }
0x24b: {  	v24 =	vld [tilespmem:s3+$0x10]  }
0x24c: {  	v25 =	vld [tilespmem:s3+$0x30]  }
0x24d: {  	v21 =	vld [tilespmem:s3+$0x0]  }
0x24e: {  	v26 =	vld [tilespmem:s3+$0x20];
	_ =	sdelay $0x3  }
0x24f: {  	v22 =	vand.u32 $0x7FFFFFFF, v25  }
0x250: {  	v23 =	vand.u32 $0x7FFFFFFF, v24;
	v27 =	vand.u32 $0x7FFFFFFF, v21;
	v28 =	vand.u32 $0x7FFFFFFF, v26  }
0x251: {  	v23 =	vmax.f32 v27, v23;
	v22 =	vmax.f32 v28, v22  }
0x252: {  	v22 =	vmax.f32 v23, v22  }
0x253: {  	(xrf0) =	vmax.scan.msk.f32 $0xffff, v22;
	_ =	sdelay $0x1  }
0x254: {  	s0 =	simm.s32 $0x40  }
0x255: {  	v30 =	vld [tilespmem:s0+$0x10]  }
0x256: {  	v31 =	vld [tilespmem:s0+$0x0]  }
0x257: {  	v60 =	vld [tilespmem:s0+$0x20]  }
0x258: {  	v22 =	vld [tilespmem:s0+$0x30];
	v23, _, _ =	vpop (xrf0)  }
0x259: {  	v23 =	vbroadcast v23, $0xF;
	_ =	sdelay $0x1  }
0x25a: {  	v23 =	vmul.f32 v23, v20  }
0x25b: {  	v29 =	vand.u32 $0x7FFFFFFF, v31;
	v61 =	vand.u32 $0x7FFFFFFF, v60  }
0x25c: {  	v28 =	vand.u32 $0x7FFFFFFF, v30;
	v27 =	vand.u32 $0x7FFFFFFF, v22;
	v23 =	vmax.f32 v23, $9.999999970e-07  }
0x25d: {  	v28 =	vmax.f32 v29, v28;
	v27 =	vmax.f32 v61, v27;
	(erf) = vrcp.f32 v23  }
0x25e: {  	v27 =	vmax.f32 v28, v27  }
0x25f: {  	(xrf0) =	vmax.scan.msk.f32 $0xffff, v27;
	_ =	sdelay $0x5  }
0x260: {  	v28, _, _ =	vpop (xrf0)  }
0x261: {  	v27 =	vpop (erf)  }
0x262: {  	v28 =	vbroadcast v28, $0xF;
	v27 =	vmul.f32 $1.280000000e+02, v27;
	_ =	sdelay $0x1  }
0x263: {  	v28 =	vmul.f32 v28, v20;
	v21 =	vmul.f32 v27, v21;
	_ =	sdelay $0x1  }
0x264: {  	v29 =	vmax.f32 v21, $-1.280000000e+02;
	v21 =	vmax.f32 v28, $9.999999970e-07  }
0x265: {  	v62 =	vmin.f32 v29, $1.280000000e+02;
	(erf) = vrcp.f32 v21  }
0x266: {  	v28 =	vadd.f32 $1.280000000e+02, v62;
	_ =	sdelay $0x1  }
0x267: {  	v28 =	vtrunc.f32 v28  }
0x268: {  	v63 =	vcvt.f32.s32 v28;
	_ =	sdelay $0x3  }
0x269: {  	v24 =	vmul.f32 v27, v24  }
0x26a: {  	v28 =	vpop (erf)  }
0x26b: {  	v24 =	vmax.f32 v24, $-1.280000000e+02;
	v35 =	vld.idx.msk [tilespmem:v63+s26+$0x0], $0xffff;
	v28 =	vmul.f32 $1.280000000e+02, v28  }
0x26c: {  	v26 =	vmul.f32 v27, v26;
	v29 =	vmin.f32 v24, $1.280000000e+02;
	v33 =	vld.idx.msk [tilespmem:v63+s28+$0x0], $0xffff  }
0x26d: {  	v24 =	vmul.f32 v27, v25;
	v25 =	vadd.f32 $1.280000000e+02, v29;
	v36 =	vmul.f32 v28, v31;
	v31 =	vld.idx.msk [tilespmem:v63+s29+$0x0], $0xffff  }
0x26e: {  	v27 =	vmax.f32 v26, $-1.280000000e+02;
	v30 =	vmul.f32 v28, v30  }
0x26f: {  	v26 =	vmax.f32 v24, $-1.280000000e+02;
	v24 =	vtrunc.f32 v25;
	v37 =	vmul.f32 v28, v60  }
0x270: {  	v32 =	vcvt.f32.s32 v24;
	v36 =	vmax.f32 v36, $-1.280000000e+02;
	v25 =	vmax.f32 v30, $-1.280000000e+02  }
0x271: {  	s1 =	simm.s32 $0x200;
	v30 =	vmax.f32 v37, $-1.280000000e+02;
	v24 =	vmin.f32 v36, $1.280000000e+02;
	vm0 =	vgt.f32 v62, v35  }
.LBB2_4:
0x272: {  	p0 =	sne.s32 s1, $0xFF00;
	v22 =	vmul.f32 v28, v22;
	v28 =	vsel vm0, v31, v33;
	s24 =	smov.u32 s1;
	s1 =	sadd.s32 $0x100, s1  }
0x273: {  	v28 =	vmul.f32 v28, v23  }
0x274: {  	v31 =	vmax.f32 v22, $-1.280000000e+02  }
0x275: {  	[tilespmem:s3+$0x4000] =	vst v28  }
0x276: {  	v28 =	vld.idx.msk [tilespmem:v32+s28+$0x0], $0xffff  }
0x277: {  	v33 =	vld.idx.msk [tilespmem:v32+s26+$0x0], $0xffff  }
0x278: {  	v34 =	vmin.f32 v27, $1.280000000e+02;
	v27 =	vmov v30;
	v32 =	vld.idx.msk [tilespmem:v32+s29+$0x0], $0xffff  }
0x279: {  	s24 =	sshra.s32 s24, $0x2;
	v22 =	vadd.f32 $1.280000000e+02, v34;
	_ =	sdelay $0x1  }
0x27a: {  	v35 =	vtrunc.f32 v22;
	v30 =	vld [tilespmem:s24+$0x10]  }
0x27b: {  	v35 =	vcvt.f32.s32 v35;
	v22 =	vld [tilespmem:s24+$0x30]  }
0x27c: {  	vm0 =	vgt.f32 v29, v33;
	v36 =	vld [tilespmem:s24+$0x0]  }
0x27d: {  	v28 =	vsel vm0, v32, v28;
	v37 =	vld [tilespmem:s24+$0x20]  }
0x27e: {  	v28 =	vmul.f32 v28, v23;
	_ =	sdelay $0x1  }
0x27f: {  	v29 =	vand.u32 $0x7FFFFFFF, v22;
	[tilespmem:s3+$0x4010] =	vst v28  }
0x280: {  	v28 =	vand.u32 $0x7FFFFFFF, v30;
	v32 =	vld.idx.msk [tilespmem:v35+s26+$0x0], $0xffff  }
0x281: {  	v33 =	vand.u32 $0x7FFFFFFF, v36;
	v38 =	vand.u32 $0x7FFFFFFF, v37;
	v39 =	vld.idx.msk [tilespmem:v35+s28+$0x0], $0xffff  }
0x282: {  	v28 =	vmax.f32 v33, v28;
	v29 =	vmax.f32 v38, v29;
	v33 =	vld.idx.msk [tilespmem:v35+s29+$0x0], $0xffff;
	v35 =	vmin.f32 v26, $1.280000000e+02;
	v26 =	vmovc v31  }
0x283: {  	v28 =	vmax.f32 v28, v29;
	v29 =	vadd.f32 $1.280000000e+02, v35  }
0x284: {  	(xrf0) =	vmax.scan.msk.f32 $0xffff, v28  }
0x285: {  	v28 =	vtrunc.f32 v29  }
0x286: {  	v28 =	vcvt.f32.s32 v28  }
0x287: {  	vm0 =	vgt.f32 v34, v32  }
0x288: {  	v29 =	vsel vm0, v33, v39  }
0x289: {  	v29 =	vmul.f32 v29, v23  }
0x28a: {  	v31, _, _ =	vpop (xrf0)  }
0x28b: {  	v31 =	vbroadcast v31, $0xF;
	[tilespmem:s3+$0x4020] =	vst v29  }
0x28c: {  	v29 =	vadd.f32 $1.280000000e+02, v24;
	v32 =	vld.idx.msk [tilespmem:v28+s26+$0x0], $0xffff  }
0x28d: {  	v31 =	vmul.f32 v31, v20;
	v33 =	vld.idx.msk [tilespmem:v28+s28+$0x0], $0xffff  }
0x28e: {  	v29 =	vtrunc.f32 v29;
	v28 =	vld.idx.msk [tilespmem:v28+s29+$0x0], $0xffff  }
0x28f: {  	v29 =	vcvt.f32.s32 v29;
	v31 =	vmax.f32 v31, $9.999999970e-07  }
0x290: {  	(erf) = vrcp.f32 v31;
	_ =	sdelay $0x2  }
0x291: {  	vm0 =	vgt.f32 v35, v32  }
0x292: {  	v28 =	vsel vm0, v28, v33  }
0x293: {  	v28 =	vmul.f32 v28, v23;
	v23 =	vmov v21;
	v21 =	vmov v31;
	_ =	sdelay $0x1  }
0x294: {  	[tilespmem:s3+$0x4030] =	vst v28;
	s3 =	smov.u32 s0;
	s0 =	smov.u32 s24  }
0x295: {  	v31 =	vld.idx.msk [tilespmem:v29+s29+$0x0], $0xffff  }
0x296: {  	v28 =	vpop (erf);
	v34 =	vld.idx.msk [tilespmem:v29+s26+$0x0], $0xffff  }
0x297: {  	v28 =	vmul.f32 $1.280000000e+02, v28;
	v33 =	vld.idx.msk [tilespmem:v29+s28+$0x0], $0xffff;
	v29 =	vmin.f32 v25, $1.280000000e+02  }
.Ltmp1:
0x298: {  	v25 =	vadd.f32 $1.280000000e+02, v29;
	(pc) =	sbr.rel @p0 .LBB2_4-.Ltmp1, $4  }
0x299: {  	v32 =	vmul.f32 v28, v36;
	v30 =	vmul.f32 v28, v30  }
0x29a: {  	v35 =	vmul.f32 v28, v37;
	v36 =	vtrunc.f32 v25  }
0x29b: {  	v37 =	vmax.f32 v32, $-1.280000000e+02;
	v25 =	vmax.f32 v30, $-1.280000000e+02;
	v32 =	vcvt.f32.s32 v36  }
0x29c: {  	v30 =	vmax.f32 v35, $-1.280000000e+02;
	vm0 =	vgt.f32 v24, v34;
	v24 =	vmin.f32 v37, $1.280000000e+02  }
0x29d: {  	v31 =	vsel vm0, v31, v33  }
0x29e: {  	v31 =	vmul.f32 v31, v23;
	_ =	sdelay $0x1  }
0x29f: {  	[tilespmem:s3+$0x4000] =	vst v31  }
0x2a0: {  	v31 =	vld.idx.msk [tilespmem:v32+s28+$0x0], $0xffff  }
0x2a1: {  	v27 =	vmin.f32 v27, $1.280000000e+02;
	v55 =	vld.idx.msk [tilespmem:v32+s26+$0x0], $0xffff  }
0x2a2: {  	v34 =	vadd.f32 $1.280000000e+02, v27;
	v56 =	vld.idx.msk [tilespmem:v32+s29+$0x0], $0xffff;
	_ =	sdelay $0x1  }
0x2a3: {  	v34 =	vtrunc.f32 v34  }
0x2a4: {  	v34 =	vcvt.f32.s32 v34  }
0x2a5: {  	vm0 =	vgt.f32 v29, v55  }
0x2a6: {  	v29 =	vsel vm0, v56, v31  }
0x2a7: {  	v29 =	vmul.f32 v29, v23;
	_ =	sdelay $0x1  }
0x2a8: {  	[tilespmem:s3+$0x4010] =	vst v29  }
0x2a9: {  	v29 =	vld.idx.msk [tilespmem:v34+s26+$0x0], $0xffff  }
0x2aa: {  	v26 =	vmin.f32 v26, $1.280000000e+02;
	v31 =	vld.idx.msk [tilespmem:v34+s28+$0x0], $0xffff  }
0x2ab: {  	v58 =	vadd.f32 $1.280000000e+02, v26;
	v57 =	vld.idx.msk [tilespmem:v34+s29+$0x0], $0xffff;
	_ =	sdelay $0x1  }
0x2ac: {  	v33 =	vtrunc.f32 v58  }
0x2ad: {  	v33 =	vcvt.f32.s32 v33  }
0x2ae: {  	vm0 =	vgt.f32 v27, v29  }
0x2af: {  	v27 =	vsel vm0, v57, v31  }
0x2b0: {  	v27 =	vmul.f32 v27, v23;
	_ =	sdelay $0x1  }
0x2b1: {  	[tilespmem:s3+$0x4020] =	vst v27  }
0x2b2: {  	v27 =	vld.idx.msk [tilespmem:v33+s26+$0x0], $0xffff  }
0x2b3: {  	v29 =	vld.idx.msk [tilespmem:v33+s28+$0x0], $0xffff  }
0x2b4: {  	v31 =	vadd.f32 $1.280000000e+02, v24;
	v59 =	vld.idx.msk [tilespmem:v33+s29+$0x0], $0xffff;
	_ =	sdelay $0x1  }
0x2b5: {  	v31 =	vtrunc.f32 v31  }
0x2b6: {  	v31 =	vcvt.f32.s32 v31  }
0x2b7: {  	vm0 =	vgt.f32 v26, v27  }
0x2b8: {  	v26 =	vsel vm0, v59, v29  }
0x2b9: {  	v23 =	vmul.f32 v26, v23;
	_ =	sdelay $0x1  }
0x2ba: {  	[tilespmem:s3+$0x4030] =	vst v23  }
0x2bb: {  	v23 =	vld.idx.msk [tilespmem:v31+s29+$0x0], $0xffff  }
0x2bc: {  	v25 =	vmin.f32 v25, $1.280000000e+02;
	v26 =	vld.idx.msk [tilespmem:v31+s26+$0x0], $0xffff  }
0x2bd: {  	v29 =	vadd.f32 $1.280000000e+02, v25;
	v27 =	vld.idx.msk [tilespmem:v31+s28+$0x0], $0xffff;
	_ =	sdelay $0x1  }
0x2be: {  	v29 =	vtrunc.f32 v29  }
0x2bf: {  	v29 =	vcvt.f32.s32 v29  }
0x2c0: {  	vm0 =	vgt.f32 v24, v26  }
0x2c1: {  	v23 =	vsel vm0, v23, v27  }
0x2c2: {  	v23 =	vmul.f32 v23, v21;
	_ =	sdelay $0x1  }
0x2c3: {  	[tilespmem:s0+$0x4000] =	vst v23  }
0x2c4: {  	v23 =	vld.idx.msk [tilespmem:v29+s28+$0x0], $0xffff  }
0x2c5: {  	v26 =	vmin.f32 v30, $1.280000000e+02;
	v24 =	vld.idx.msk [tilespmem:v29+s26+$0x0], $0xffff  }
0x2c6: {  	v27 =	vld.idx.msk [tilespmem:v29+s29+$0x0], $0xffff;
	v29 =	vadd.f32 $1.280000000e+02, v26;
	_ =	sdelay $0x1  }
0x2c7: {  	v29 =	vtrunc.f32 v29  }
0x2c8: {  	v29 =	vcvt.f32.s32 v29  }
0x2c9: {  	vm0 =	vgt.f32 v25, v24  }
0x2ca: {  	v23 =	vsel vm0, v27, v23  }
0x2cb: {  	v23 =	vmul.f32 v23, v21  }
0x2cc: {  	v22 =	vmul.f32 v28, v22  }
0x2cd: {  	[tilespmem:s0+$0x4010] =	vst v23  }
0x2ce: {  	v22 =	vmax.f32 v22, $-1.280000000e+02;
	v23 =	vld.idx.msk [tilespmem:v29+s26+$0x0], $0xffff  }
0x2cf: {  	v22 =	vmin.f32 v22, $1.280000000e+02;
	v24 =	vld.idx.msk [tilespmem:v29+s28+$0x0], $0xffff  }
0x2d0: {  	v27 =	vadd.f32 $1.280000000e+02, v22;
	v25 =	vld.idx.msk [tilespmem:v29+s29+$0x0], $0xffff;
	_ =	sdelay $0x1  }
0x2d1: {  	v27 =	vtrunc.f32 v27  }
0x2d2: {  	v27 =	vcvt.f32.s32 v27  }
0x2d3: {  	vm0 =	vgt.f32 v26, v23  }
0x2d4: {  	v23 =	vsel vm0, v25, v24  }
0x2d5: {  	v23 =	vmul.f32 v23, v21;
	_ =	sdelay $0x1  }
0x2d6: {  	[tilespmem:s0+$0x4020] =	vst v23  }
0x2d7: {  	v23 =	vld.idx.msk [tilespmem:v27+s26+$0x0], $0xffff  }
0x2d8: {  	v24 =	vld.idx.msk [tilespmem:v27+s28+$0x0], $0xffff  }
0x2d9: {  	v25 =	vld.idx.msk [tilespmem:v27+s29+$0x0], $0xffff;
	_ =	sdelay $0x3  }
0x2da: {  	vm0 =	vgt.f32 v22, v23  }
0x2db: {  	v22 =	vsel vm0, v25, v24  }
0x2dc: {  	v21 =	vmul.f32 v22, v21;
	_ =	sdelay $0x1  }
0x2dd: {  	s24 =	simm.s32 $0x0;
	[tilespmem:s0+$0x4030] =	vst v21  }
0x2de: {  	[hbm4b:s8+s24] =	stream.linear.scatter [tilespmem:s30], [sflag:$0x1], $0x4000, $0x38;
	[tilespmem:$0x8600] =	vst v63  }
0x2df: {  	_ =	swait.ge [sflag:s23], $0x4000  }
0x2e0: {  	[sflag:s23] =	ssyncset.done $0x0  }
0x2e1: {  	[sflag:s23] =	ssyncadd.s32 $0xFFFFC000  }
0x2e2: {  	[tilespmem:s24], [sflag:$0x1] =	stream.linear.gather [hbm4b:s9+s24], $0x4000, $0x38;
	[tilespmem:$0x8600] =	vst v63  }
0x2e3: {  	_ =	swait.ge [sflag:s23], $0x4000  }
0x2e4: {  	[sflag:s23] =	ssyncset.done $0x0  }
0x2e5: {  	s3 =	simm.s32 $0x0;
	[sflag:s23] =	ssyncadd.s32 $0xFFFFC000  }
0x2e6: {  	v24 =	vld [tilespmem:s3+$0x10]  }
0x2e7: {  	v25 =	vld [tilespmem:s3+$0x30]  }
0x2e8: {  	v21 =	vld [tilespmem:s3+$0x0]  }
0x2e9: {  	v26 =	vld [tilespmem:s3+$0x20];
	_ =	sdelay $0x3  }
0x2ea: {  	v22 =	vand.u32 $0x7FFFFFFF, v25  }
0x2eb: {  	v23 =	vand.u32 $0x7FFFFFFF, v24;
	v27 =	vand.u32 $0x7FFFFFFF, v21;
	v28 =	vand.u32 $0x7FFFFFFF, v26  }
0x2ec: {  	v23 =	vmax.f32 v27, v23;
	v22 =	vmax.f32 v28, v22  }
0x2ed: {  	v22 =	vmax.f32 v23, v22  }
0x2ee: {  	(xrf0) =	vmax.scan.msk.f32 $0xffff, v22;
	_ =	sdelay $0x1  }
0x2ef: {  	s0 =	simm.s32 $0x40  }
0x2f0: {  	v30 =	vld [tilespmem:s0+$0x10]  }
0x2f1: {  	v31 =	vld [tilespmem:s0+$0x0]  }
0x2f2: {  	v60 =	vld [tilespmem:s0+$0x20]  }
0x2f3: {  	v22 =	vld [tilespmem:s0+$0x30];
	v23, _, _ =	vpop (xrf0)  }
0x2f4: {  	v23 =	vbroadcast v23, $0xF;
	_ =	sdelay $0x1  }
0x2f5: {  	v23 =	vmul.f32 v23, v20  }
0x2f6: {  	v29 =	vand.u32 $0x7FFFFFFF, v31;
	v61 =	vand.u32 $0x7FFFFFFF, v60  }
0x2f7: {  	v28 =	vand.u32 $0x7FFFFFFF, v30;
	v27 =	vand.u32 $0x7FFFFFFF, v22;
	v23 =	vmax.f32 v23, $9.999999970e-07  }
0x2f8: {  	v28 =	vmax.f32 v29, v28;
	v27 =	vmax.f32 v61, v27;
	(erf) = vrcp.f32 v23  }
0x2f9: {  	v27 =	vmax.f32 v28, v27  }
0x2fa: {  	(xrf0) =	vmax.scan.msk.f32 $0xffff, v27;
	_ =	sdelay $0x5  }
0x2fb: {  	v28, _, _ =	vpop (xrf0)  }
0x2fc: {  	v27 =	vpop (erf)  }
0x2fd: {  	v28 =	vbroadcast v28, $0xF;
	v27 =	vmul.f32 $1.280000000e+02, v27;
	_ =	sdelay $0x1  }
0x2fe: {  	v28 =	vmul.f32 v28, v20;
	v21 =	vmul.f32 v27, v21;
	_ =	sdelay $0x1  }
0x2ff: {  	v29 =	vmax.f32 v21, $-1.280000000e+02;
	v21 =	vmax.f32 v28, $9.999999970e-07  }
0x300: {  	v62 =	vmin.f32 v29, $1.280000000e+02;
	(erf) = vrcp.f32 v21  }
0x301: {  	v28 =	vadd.f32 $1.280000000e+02, v62;
	_ =	sdelay $0x1  }
0x302: {  	v28 =	vtrunc.f32 v28  }
0x303: {  	v63 =	vcvt.f32.s32 v28;
	_ =	sdelay $0x3  }
0x304: {  	v24 =	vmul.f32 v27, v24  }
0x305: {  	v28 =	vpop (erf)  }
0x306: {  	v24 =	vmax.f32 v24, $-1.280000000e+02;
	v35 =	vld.idx.msk [tilespmem:v63+s26+$0x0], $0xffff;
	v28 =	vmul.f32 $1.280000000e+02, v28  }
0x307: {  	v26 =	vmul.f32 v27, v26;
	v29 =	vmin.f32 v24, $1.280000000e+02;
	v33 =	vld.idx.msk [tilespmem:v63+s28+$0x0], $0xffff  }
0x308: {  	v24 =	vmul.f32 v27, v25;
	v25 =	vadd.f32 $1.280000000e+02, v29;
	v36 =	vmul.f32 v28, v31;
	v31 =	vld.idx.msk [tilespmem:v63+s29+$0x0], $0xffff  }
0x309: {  	v27 =	vmax.f32 v26, $-1.280000000e+02;
	v30 =	vmul.f32 v28, v30  }
0x30a: {  	v26 =	vmax.f32 v24, $-1.280000000e+02;
	v24 =	vtrunc.f32 v25;
	v37 =	vmul.f32 v28, v60  }
0x30b: {  	v32 =	vcvt.f32.s32 v24;
	v36 =	vmax.f32 v36, $-1.280000000e+02;
	v25 =	vmax.f32 v30, $-1.280000000e+02  }
0x30c: {  	s1 =	simm.s32 $0x200;
	v30 =	vmax.f32 v37, $-1.280000000e+02;
	v24 =	vmin.f32 v36, $1.280000000e+02;
	vm0 =	vgt.f32 v62, v35  }
.LBB2_6:
0x30d: {  	p0 =	sne.s32 s1, $0xFF00;
	v22 =	vmul.f32 v28, v22;
	v28 =	vsel vm0, v31, v33;
	s24 =	smov.u32 s1;
	s1 =	sadd.s32 $0x100, s1  }
0x30e: {  	v28 =	vmul.f32 v28, v23  }
0x30f: {  	v31 =	vmax.f32 v22, $-1.280000000e+02  }
0x310: {  	[tilespmem:s3+$0x4000] =	vst v28  }
0x311: {  	v28 =	vld.idx.msk [tilespmem:v32+s28+$0x0], $0xffff  }
0x312: {  	v33 =	vld.idx.msk [tilespmem:v32+s26+$0x0], $0xffff  }
0x313: {  	v34 =	vmin.f32 v27, $1.280000000e+02;
	v27 =	vmov v30;
	v32 =	vld.idx.msk [tilespmem:v32+s29+$0x0], $0xffff  }
0x314: {  	s24 =	sshra.s32 s24, $0x2;
	v22 =	vadd.f32 $1.280000000e+02, v34;
	_ =	sdelay $0x1  }
0x315: {  	v35 =	vtrunc.f32 v22;
	v30 =	vld [tilespmem:s24+$0x10]  }
0x316: {  	v35 =	vcvt.f32.s32 v35;
	v22 =	vld [tilespmem:s24+$0x30]  }
0x317: {  	vm0 =	vgt.f32 v29, v33;
	v36 =	vld [tilespmem:s24+$0x0]  }
0x318: {  	v28 =	vsel vm0, v32, v28;
	v37 =	vld [tilespmem:s24+$0x20]  }
0x319: {  	v28 =	vmul.f32 v28, v23;
	_ =	sdelay $0x1  }
0x31a: {  	v29 =	vand.u32 $0x7FFFFFFF, v22;
	[tilespmem:s3+$0x4010] =	vst v28  }
0x31b: {  	v28 =	vand.u32 $0x7FFFFFFF, v30;
	v32 =	vld.idx.msk [tilespmem:v35+s26+$0x0], $0xffff  }
0x31c: {  	v33 =	vand.u32 $0x7FFFFFFF, v36;
	v38 =	vand.u32 $0x7FFFFFFF, v37;
	v39 =	vld.idx.msk [tilespmem:v35+s28+$0x0], $0xffff  }
0x31d: {  	v28 =	vmax.f32 v33, v28;
	v29 =	vmax.f32 v38, v29;
	v33 =	vld.idx.msk [tilespmem:v35+s29+$0x0], $0xffff;
	v35 =	vmin.f32 v26, $1.280000000e+02;
	v26 =	vmovc v31  }
0x31e: {  	v28 =	vmax.f32 v28, v29;
	v29 =	vadd.f32 $1.280000000e+02, v35  }
0x31f: {  	(xrf0) =	vmax.scan.msk.f32 $0xffff, v28  }
0x320: {  	v28 =	vtrunc.f32 v29  }
0x321: {  	v28 =	vcvt.f32.s32 v28  }
0x322: {  	vm0 =	vgt.f32 v34, v32  }
0x323: {  	v29 =	vsel vm0, v33, v39  }
0x324: {  	v29 =	vmul.f32 v29, v23  }
0x325: {  	v31, _, _ =	vpop (xrf0)  }
0x326: {  	v31 =	vbroadcast v31, $0xF;
	[tilespmem:s3+$0x4020] =	vst v29  }
0x327: {  	v29 =	vadd.f32 $1.280000000e+02, v24;
	v32 =	vld.idx.msk [tilespmem:v28+s26+$0x0], $0xffff  }
0x328: {  	v31 =	vmul.f32 v31, v20;
	v33 =	vld.idx.msk [tilespmem:v28+s28+$0x0], $0xffff  }
0x329: {  	v29 =	vtrunc.f32 v29;
	v28 =	vld.idx.msk [tilespmem:v28+s29+$0x0], $0xffff  }
0x32a: {  	v29 =	vcvt.f32.s32 v29;
	v31 =	vmax.f32 v31, $9.999999970e-07  }
0x32b: {  	(erf) = vrcp.f32 v31;
	_ =	sdelay $0x2  }
0x32c: {  	vm0 =	vgt.f32 v35, v32  }
0x32d: {  	v28 =	vsel vm0, v28, v33  }
0x32e: {  	v28 =	vmul.f32 v28, v23;
	v23 =	vmov v21;
	v21 =	vmov v31;
	_ =	sdelay $0x1  }
0x32f: {  	[tilespmem:s3+$0x4030] =	vst v28;
	s3 =	smov.u32 s0;
	s0 =	smov.u32 s24  }
0x330: {  	v31 =	vld.idx.msk [tilespmem:v29+s29+$0x0], $0xffff  }
0x331: {  	v28 =	vpop (erf);
	v34 =	vld.idx.msk [tilespmem:v29+s26+$0x0], $0xffff  }
0x332: {  	v28 =	vmul.f32 $1.280000000e+02, v28;
	v33 =	vld.idx.msk [tilespmem:v29+s28+$0x0], $0xffff;
	v29 =	vmin.f32 v25, $1.280000000e+02  }
.Ltmp2:
0x333: {  	v25 =	vadd.f32 $1.280000000e+02, v29;
	(pc) =	sbr.rel @p0 .LBB2_6-.Ltmp2, $4  }
0x334: {  	v32 =	vmul.f32 v28, v36;
	v30 =	vmul.f32 v28, v30  }
0x335: {  	v35 =	vmul.f32 v28, v37;
	v36 =	vtrunc.f32 v25  }
0x336: {  	v37 =	vmax.f32 v32, $-1.280000000e+02;
	v25 =	vmax.f32 v30, $-1.280000000e+02;
	v32 =	vcvt.f32.s32 v36  }
0x337: {  	v30 =	vmax.f32 v35, $-1.280000000e+02;
	vm0 =	vgt.f32 v24, v34;
	v24 =	vmin.f32 v37, $1.280000000e+02  }
0x338: {  	v31 =	vsel vm0, v31, v33  }
0x339: {  	v31 =	vmul.f32 v31, v23;
	_ =	sdelay $0x1  }
0x33a: {  	[tilespmem:s3+$0x4000] =	vst v31  }
0x33b: {  	v31 =	vld.idx.msk [tilespmem:v32+s28+$0x0], $0xffff  }
0x33c: {  	v27 =	vmin.f32 v27, $1.280000000e+02;
	v55 =	vld.idx.msk [tilespmem:v32+s26+$0x0], $0xffff  }
0x33d: {  	v34 =	vadd.f32 $1.280000000e+02, v27;
	v56 =	vld.idx.msk [tilespmem:v32+s29+$0x0], $0xffff;
	_ =	sdelay $0x1  }
0x33e: {  	v34 =	vtrunc.f32 v34  }
0x33f: {  	v34 =	vcvt.f32.s32 v34  }
0x340: {  	vm0 =	vgt.f32 v29, v55  }
0x341: {  	v29 =	vsel vm0, v56, v31  }
0x342: {  	v29 =	vmul.f32 v29, v23;
	_ =	sdelay $0x1  }
0x343: {  	[tilespmem:s3+$0x4010] =	vst v29  }
0x344: {  	v29 =	vld.idx.msk [tilespmem:v34+s26+$0x0], $0xffff  }
0x345: {  	v26 =	vmin.f32 v26, $1.280000000e+02;
	v31 =	vld.idx.msk [tilespmem:v34+s28+$0x0], $0xffff  }
0x346: {  	v58 =	vadd.f32 $1.280000000e+02, v26;
	v57 =	vld.idx.msk [tilespmem:v34+s29+$0x0], $0xffff;
	_ =	sdelay $0x1  }
0x347: {  	v33 =	vtrunc.f32 v58  }
0x348: {  	v33 =	vcvt.f32.s32 v33  }
0x349: {  	vm0 =	vgt.f32 v27, v29  }
0x34a: {  	v27 =	vsel vm0, v57, v31  }
0x34b: {  	v27 =	vmul.f32 v27, v23;
	_ =	sdelay $0x1  }
0x34c: {  	[tilespmem:s3+$0x4020] =	vst v27  }
0x34d: {  	v27 =	vld.idx.msk [tilespmem:v33+s26+$0x0], $0xffff  }
0x34e: {  	v29 =	vld.idx.msk [tilespmem:v33+s28+$0x0], $0xffff  }
0x34f: {  	v31 =	vadd.f32 $1.280000000e+02, v24;
	v59 =	vld.idx.msk [tilespmem:v33+s29+$0x0], $0xffff;
	_ =	sdelay $0x1  }
0x350: {  	v31 =	vtrunc.f32 v31  }
0x351: {  	v31 =	vcvt.f32.s32 v31  }
0x352: {  	vm0 =	vgt.f32 v26, v27  }
0x353: {  	v26 =	vsel vm0, v59, v29  }
0x354: {  	v23 =	vmul.f32 v26, v23;
	_ =	sdelay $0x1  }
0x355: {  	[tilespmem:s3+$0x4030] =	vst v23  }
0x356: {  	v23 =	vld.idx.msk [tilespmem:v31+s29+$0x0], $0xffff  }
0x357: {  	v25 =	vmin.f32 v25, $1.280000000e+02;
	v26 =	vld.idx.msk [tilespmem:v31+s26+$0x0], $0xffff  }
0x358: {  	v29 =	vadd.f32 $1.280000000e+02, v25;
	v27 =	vld.idx.msk [tilespmem:v31+s28+$0x0], $0xffff;
	_ =	sdelay $0x1  }
0x359: {  	v29 =	vtrunc.f32 v29  }
0x35a: {  	v29 =	vcvt.f32.s32 v29  }
0x35b: {  	vm0 =	vgt.f32 v24, v26  }
0x35c: {  	v23 =	vsel vm0, v23, v27  }
0x35d: {  	v23 =	vmul.f32 v23, v21;
	_ =	sdelay $0x1  }
0x35e: {  	[tilespmem:s0+$0x4000] =	vst v23  }
0x35f: {  	v23 =	vld.idx.msk [tilespmem:v29+s28+$0x0], $0xffff  }
0x360: {  	v26 =	vmin.f32 v30, $1.280000000e+02;
	v24 =	vld.idx.msk [tilespmem:v29+s26+$0x0], $0xffff  }
0x361: {  	v27 =	vld.idx.msk [tilespmem:v29+s29+$0x0], $0xffff;
	v29 =	vadd.f32 $1.280000000e+02, v26;
	_ =	sdelay $0x1  }
0x362: {  	v29 =	vtrunc.f32 v29  }
0x363: {  	v29 =	vcvt.f32.s32 v29  }
0x364: {  	vm0 =	vgt.f32 v25, v24  }
0x365: {  	v23 =	vsel vm0, v27, v23  }
0x366: {  	v23 =	vmul.f32 v23, v21  }
0x367: {  	v22 =	vmul.f32 v28, v22  }
0x368: {  	[tilespmem:s0+$0x4010] =	vst v23  }
0x369: {  	v22 =	vmax.f32 v22, $-1.280000000e+02;
	v23 =	vld.idx.msk [tilespmem:v29+s26+$0x0], $0xffff  }
0x36a: {  	v22 =	vmin.f32 v22, $1.280000000e+02;
	v24 =	vld.idx.msk [tilespmem:v29+s28+$0x0], $0xffff  }
0x36b: {  	v27 =	vadd.f32 $1.280000000e+02, v22;
	v25 =	vld.idx.msk [tilespmem:v29+s29+$0x0], $0xffff;
	_ =	sdelay $0x1  }
0x36c: {  	v27 =	vtrunc.f32 v27  }
0x36d: {  	v27 =	vcvt.f32.s32 v27  }
0x36e: {  	vm0 =	vgt.f32 v26, v23  }
0x36f: {  	v23 =	vsel vm0, v25, v24  }
0x370: {  	v23 =	vmul.f32 v23, v21;
	_ =	sdelay $0x1  }
0x371: {  	[tilespmem:s0+$0x4020] =	vst v23  }
0x372: {  	v23 =	vld.idx.msk [tilespmem:v27+s26+$0x0], $0xffff  }
0x373: {  	v24 =	vld.idx.msk [tilespmem:v27+s28+$0x0], $0xffff  }
0x374: {  	v25 =	vld.idx.msk [tilespmem:v27+s29+$0x0], $0xffff;
	_ =	sdelay $0x3  }
0x375: {  	vm0 =	vgt.f32 v22, v23  }
0x376: {  	v22 =	vsel vm0, v25, v24  }
0x377: {  	v21 =	vmul.f32 v22, v21;
	_ =	sdelay $0x1  }
0x378: {  	s24 =	simm.s32 $0x0;
	[tilespmem:s0+$0x4030] =	vst v21  }
0x379: {  	[hbm4b:s10+s24] =	stream.linear.scatter [tilespmem:s30], [sflag:$0x1], $0x4000, $0x38;
	[tilespmem:$0x8600] =	vst v63  }
0x37a: {  	_ =	swait.ge [sflag:s23], $0x4000  }
0x37b: {  	[sflag:s23] =	ssyncset.done $0x0  }
0x37c: {  	[sflag:s23] =	ssyncadd.s32 $0xFFFFC000  }
0x37d: {  	[tilespmem:s24], [sflag:$0x1] =	stream.linear.gather [hbm4b:s11+s24], $0x4000, $0x38;
	[tilespmem:$0x8600] =	vst v63  }
0x37e: {  	_ =	swait.ge [sflag:s23], $0x4000  }
0x37f: {  	[sflag:s23] =	ssyncset.done $0x0  }
0x380: {  	s3 =	simm.s32 $0x0;
	[sflag:s23] =	ssyncadd.s32 $0xFFFFC000  }
0x381: {  	v24 =	vld [tilespmem:s3+$0x10]  }
0x382: {  	v25 =	vld [tilespmem:s3+$0x30]  }
0x383: {  	v21 =	vld [tilespmem:s3+$0x0]  }
0x384: {  	v26 =	vld [tilespmem:s3+$0x20];
	_ =	sdelay $0x3  }
0x385: {  	v22 =	vand.u32 $0x7FFFFFFF, v25  }
0x386: {  	v23 =	vand.u32 $0x7FFFFFFF, v24;
	v27 =	vand.u32 $0x7FFFFFFF, v21;
	v28 =	vand.u32 $0x7FFFFFFF, v26  }
0x387: {  	v23 =	vmax.f32 v27, v23;
	v22 =	vmax.f32 v28, v22  }
0x388: {  	v22 =	vmax.f32 v23, v22  }
0x389: {  	(xrf0) =	vmax.scan.msk.f32 $0xffff, v22;
	_ =	sdelay $0x1  }
0x38a: {  	s0 =	simm.s32 $0x40  }
0x38b: {  	v30 =	vld [tilespmem:s0+$0x10]  }
0x38c: {  	v31 =	vld [tilespmem:s0+$0x0]  }
0x38d: {  	v60 =	vld [tilespmem:s0+$0x20]  }
0x38e: {  	v22 =	vld [tilespmem:s0+$0x30];
	v23, _, _ =	vpop (xrf0)  }
0x38f: {  	v23 =	vbroadcast v23, $0xF;
	_ =	sdelay $0x1  }
0x390: {  	v23 =	vmul.f32 v23, v20  }
0x391: {  	v29 =	vand.u32 $0x7FFFFFFF, v31;
	v61 =	vand.u32 $0x7FFFFFFF, v60  }
0x392: {  	v28 =	vand.u32 $0x7FFFFFFF, v30;
	v27 =	vand.u32 $0x7FFFFFFF, v22;
	v23 =	vmax.f32 v23, $9.999999970e-07  }
0x393: {  	v28 =	vmax.f32 v29, v28;
	v27 =	vmax.f32 v61, v27;
	(erf) = vrcp.f32 v23  }
0x394: {  	v27 =	vmax.f32 v28, v27  }
0x395: {  	(xrf0) =	vmax.scan.msk.f32 $0xffff, v27;
	_ =	sdelay $0x5  }
0x396: {  	v28, _, _ =	vpop (xrf0)  }
0x397: {  	v27 =	vpop (erf)  }
0x398: {  	v28 =	vbroadcast v28, $0xF;
	v27 =	vmul.f32 $1.280000000e+02, v27;
	_ =	sdelay $0x1  }
0x399: {  	v28 =	vmul.f32 v28, v20;
	v21 =	vmul.f32 v27, v21;
	_ =	sdelay $0x1  }
0x39a: {  	v29 =	vmax.f32 v21, $-1.280000000e+02;
	v21 =	vmax.f32 v28, $9.999999970e-07  }
0x39b: {  	v62 =	vmin.f32 v29, $1.280000000e+02;
	(erf) = vrcp.f32 v21  }
0x39c: {  	v28 =	vadd.f32 $1.280000000e+02, v62;
	_ =	sdelay $0x1  }
0x39d: {  	v28 =	vtrunc.f32 v28  }
0x39e: {  	v63 =	vcvt.f32.s32 v28;
	_ =	sdelay $0x3  }
0x39f: {  	v24 =	vmul.f32 v27, v24  }
0x3a0: {  	v28 =	vpop (erf)  }
0x3a1: {  	v24 =	vmax.f32 v24, $-1.280000000e+02;
	v35 =	vld.idx.msk [tilespmem:v63+s26+$0x0], $0xffff;
	v28 =	vmul.f32 $1.280000000e+02, v28  }
0x3a2: {  	v26 =	vmul.f32 v27, v26;
	v29 =	vmin.f32 v24, $1.280000000e+02;
	v33 =	vld.idx.msk [tilespmem:v63+s28+$0x0], $0xffff  }
0x3a3: {  	v24 =	vmul.f32 v27, v25;
	v25 =	vadd.f32 $1.280000000e+02, v29;
	v36 =	vmul.f32 v28, v31;
	v31 =	vld.idx.msk [tilespmem:v63+s29+$0x0], $0xffff  }
0x3a4: {  	v27 =	vmax.f32 v26, $-1.280000000e+02;
	v30 =	vmul.f32 v28, v30  }
0x3a5: {  	v26 =	vmax.f32 v24, $-1.280000000e+02;
	v24 =	vtrunc.f32 v25;
	v37 =	vmul.f32 v28, v60  }
0x3a6: {  	v32 =	vcvt.f32.s32 v24;
	v36 =	vmax.f32 v36, $-1.280000000e+02;
	v25 =	vmax.f32 v30, $-1.280000000e+02  }
0x3a7: {  	s1 =	simm.s32 $0x200;
	v30 =	vmax.f32 v37, $-1.280000000e+02;
	v24 =	vmin.f32 v36, $1.280000000e+02;
	vm0 =	vgt.f32 v62, v35  }
.LBB2_8:
0x3a8: {  	p0 =	sne.s32 s1, $0xFF00;
	v22 =	vmul.f32 v28, v22;
	v28 =	vsel vm0, v31, v33;
	s24 =	smov.u32 s1;
	s1 =	sadd.s32 $0x100, s1  }
0x3a9: {  	v28 =	vmul.f32 v28, v23  }
0x3aa: {  	v31 =	vmax.f32 v22, $-1.280000000e+02  }
0x3ab: {  	[tilespmem:s3+$0x4000] =	vst v28  }
0x3ac: {  	v28 =	vld.idx.msk [tilespmem:v32+s28+$0x0], $0xffff  }
0x3ad: {  	v33 =	vld.idx.msk [tilespmem:v32+s26+$0x0], $0xffff  }
0x3ae: {  	v34 =	vmin.f32 v27, $1.280000000e+02;
	v27 =	vmov v30;
	v32 =	vld.idx.msk [tilespmem:v32+s29+$0x0], $0xffff  }
0x3af: {  	s24 =	sshra.s32 s24, $0x2;
	v22 =	vadd.f32 $1.280000000e+02, v34;
	_ =	sdelay $0x1  }
0x3b0: {  	v35 =	vtrunc.f32 v22;
	v30 =	vld [tilespmem:s24+$0x10]  }
0x3b1: {  	v35 =	vcvt.f32.s32 v35;
	v22 =	vld [tilespmem:s24+$0x30]  }
0x3b2: {  	vm0 =	vgt.f32 v29, v33;
	v36 =	vld [tilespmem:s24+$0x0]  }
0x3b3: {  	v28 =	vsel vm0, v32, v28;
	v37 =	vld [tilespmem:s24+$0x20]  }
0x3b4: {  	v28 =	vmul.f32 v28, v23;
	_ =	sdelay $0x1  }
0x3b5: {  	v29 =	vand.u32 $0x7FFFFFFF, v22;
	[tilespmem:s3+$0x4010] =	vst v28  }
0x3b6: {  	v28 =	vand.u32 $0x7FFFFFFF, v30;
	v32 =	vld.idx.msk [tilespmem:v35+s26+$0x0], $0xffff  }
0x3b7: {  	v33 =	vand.u32 $0x7FFFFFFF, v36;
	v38 =	vand.u32 $0x7FFFFFFF, v37;
	v39 =	vld.idx.msk [tilespmem:v35+s28+$0x0], $0xffff  }
0x3b8: {  	v28 =	vmax.f32 v33, v28;
	v29 =	vmax.f32 v38, v29;
	v33 =	vld.idx.msk [tilespmem:v35+s29+$0x0], $0xffff;
	v35 =	vmin.f32 v26, $1.280000000e+02;
	v26 =	vmovc v31  }
0x3b9: {  	v28 =	vmax.f32 v28, v29;
	v29 =	vadd.f32 $1.280000000e+02, v35  }
0x3ba: {  	(xrf0) =	vmax.scan.msk.f32 $0xffff, v28  }
0x3bb: {  	v28 =	vtrunc.f32 v29  }
0x3bc: {  	v28 =	vcvt.f32.s32 v28  }
0x3bd: {  	vm0 =	vgt.f32 v34, v32  }
0x3be: {  	v29 =	vsel vm0, v33, v39  }
0x3bf: {  	v29 =	vmul.f32 v29, v23  }
0x3c0: {  	v31, _, _ =	vpop (xrf0)  }
0x3c1: {  	v31 =	vbroadcast v31, $0xF;
	[tilespmem:s3+$0x4020] =	vst v29  }
0x3c2: {  	v29 =	vadd.f32 $1.280000000e+02, v24;
	v32 =	vld.idx.msk [tilespmem:v28+s26+$0x0], $0xffff  }
0x3c3: {  	v31 =	vmul.f32 v31, v20;
	v33 =	vld.idx.msk [tilespmem:v28+s28+$0x0], $0xffff  }
0x3c4: {  	v29 =	vtrunc.f32 v29;
	v28 =	vld.idx.msk [tilespmem:v28+s29+$0x0], $0xffff  }
0x3c5: {  	v29 =	vcvt.f32.s32 v29;
	v31 =	vmax.f32 v31, $9.999999970e-07  }
0x3c6: {  	(erf) = vrcp.f32 v31;
	_ =	sdelay $0x2  }
0x3c7: {  	vm0 =	vgt.f32 v35, v32  }
0x3c8: {  	v28 =	vsel vm0, v28, v33  }
0x3c9: {  	v28 =	vmul.f32 v28, v23;
	v23 =	vmov v21;
	v21 =	vmov v31;
	_ =	sdelay $0x1  }
0x3ca: {  	[tilespmem:s3+$0x4030] =	vst v28;
	s3 =	smov.u32 s0;
	s0 =	smov.u32 s24  }
0x3cb: {  	v31 =	vld.idx.msk [tilespmem:v29+s29+$0x0], $0xffff  }
0x3cc: {  	v28 =	vpop (erf);
	v34 =	vld.idx.msk [tilespmem:v29+s26+$0x0], $0xffff  }
0x3cd: {  	v28 =	vmul.f32 $1.280000000e+02, v28;
	v33 =	vld.idx.msk [tilespmem:v29+s28+$0x0], $0xffff;
	v29 =	vmin.f32 v25, $1.280000000e+02  }
.Ltmp3:
0x3ce: {  	v25 =	vadd.f32 $1.280000000e+02, v29;
	(pc) =	sbr.rel @p0 .LBB2_8-.Ltmp3, $4  }
0x3cf: {  	v32 =	vmul.f32 v28, v36;
	v30 =	vmul.f32 v28, v30  }
0x3d0: {  	v35 =	vmul.f32 v28, v37;
	v36 =	vtrunc.f32 v25  }
0x3d1: {  	v37 =	vmax.f32 v32, $-1.280000000e+02;
	v25 =	vmax.f32 v30, $-1.280000000e+02;
	v32 =	vcvt.f32.s32 v36  }
0x3d2: {  	v30 =	vmax.f32 v35, $-1.280000000e+02;
	vm0 =	vgt.f32 v24, v34;
	v24 =	vmin.f32 v37, $1.280000000e+02  }
0x3d3: {  	v31 =	vsel vm0, v31, v33  }
0x3d4: {  	v31 =	vmul.f32 v31, v23;
	_ =	sdelay $0x1  }
0x3d5: {  	[tilespmem:s3+$0x4000] =	vst v31  }
0x3d6: {  	v31 =	vld.idx.msk [tilespmem:v32+s28+$0x0], $0xffff  }
0x3d7: {  	v27 =	vmin.f32 v27, $1.280000000e+02;
	v55 =	vld.idx.msk [tilespmem:v32+s26+$0x0], $0xffff  }
0x3d8: {  	v34 =	vadd.f32 $1.280000000e+02, v27;
	v56 =	vld.idx.msk [tilespmem:v32+s29+$0x0], $0xffff;
	_ =	sdelay $0x1  }
0x3d9: {  	v34 =	vtrunc.f32 v34  }
0x3da: {  	v34 =	vcvt.f32.s32 v34  }
0x3db: {  	vm0 =	vgt.f32 v29, v55  }
0x3dc: {  	v29 =	vsel vm0, v56, v31  }
0x3dd: {  	v29 =	vmul.f32 v29, v23;
	_ =	sdelay $0x1  }
0x3de: {  	[tilespmem:s3+$0x4010] =	vst v29  }
0x3df: {  	v29 =	vld.idx.msk [tilespmem:v34+s26+$0x0], $0xffff  }
0x3e0: {  	v26 =	vmin.f32 v26, $1.280000000e+02;
	v31 =	vld.idx.msk [tilespmem:v34+s28+$0x0], $0xffff  }
0x3e1: {  	v58 =	vadd.f32 $1.280000000e+02, v26;
	v57 =	vld.idx.msk [tilespmem:v34+s29+$0x0], $0xffff;
	_ =	sdelay $0x1  }
0x3e2: {  	v33 =	vtrunc.f32 v58  }
0x3e3: {  	v33 =	vcvt.f32.s32 v33  }
0x3e4: {  	vm0 =	vgt.f32 v27, v29  }
0x3e5: {  	v27 =	vsel vm0, v57, v31  }
0x3e6: {  	v27 =	vmul.f32 v27, v23;
	_ =	sdelay $0x1  }
0x3e7: {  	[tilespmem:s3+$0x4020] =	vst v27  }
0x3e8: {  	v27 =	vld.idx.msk [tilespmem:v33+s26+$0x0], $0xffff  }
0x3e9: {  	v29 =	vld.idx.msk [tilespmem:v33+s28+$0x0], $0xffff  }
0x3ea: {  	v31 =	vadd.f32 $1.280000000e+02, v24;
	v59 =	vld.idx.msk [tilespmem:v33+s29+$0x0], $0xffff;
	_ =	sdelay $0x1  }
0x3eb: {  	v31 =	vtrunc.f32 v31  }
0x3ec: {  	v31 =	vcvt.f32.s32 v31  }
0x3ed: {  	vm0 =	vgt.f32 v26, v27  }
0x3ee: {  	v26 =	vsel vm0, v59, v29  }
0x3ef: {  	v23 =	vmul.f32 v26, v23;
	_ =	sdelay $0x1  }
0x3f0: {  	[tilespmem:s3+$0x4030] =	vst v23  }
0x3f1: {  	v23 =	vld.idx.msk [tilespmem:v31+s29+$0x0], $0xffff  }
0x3f2: {  	v25 =	vmin.f32 v25, $1.280000000e+02;
	v26 =	vld.idx.msk [tilespmem:v31+s26+$0x0], $0xffff  }
0x3f3: {  	v29 =	vadd.f32 $1.280000000e+02, v25;
	v27 =	vld.idx.msk [tilespmem:v31+s28+$0x0], $0xffff;
	_ =	sdelay $0x1  }
0x3f4: {  	v29 =	vtrunc.f32 v29  }
0x3f5: {  	v29 =	vcvt.f32.s32 v29  }
0x3f6: {  	vm0 =	vgt.f32 v24, v26  }
0x3f7: {  	v23 =	vsel vm0, v23, v27  }
0x3f8: {  	v23 =	vmul.f32 v23, v21;
	_ =	sdelay $0x1  }
0x3f9: {  	[tilespmem:s0+$0x4000] =	vst v23  }
0x3fa: {  	v23 =	vld.idx.msk [tilespmem:v29+s28+$0x0], $0xffff  }
0x3fb: {  	v26 =	vmin.f32 v30, $1.280000000e+02;
	v24 =	vld.idx.msk [tilespmem:v29+s26+$0x0], $0xffff  }
0x3fc: {  	v27 =	vld.idx.msk [tilespmem:v29+s29+$0x0], $0xffff;
	v29 =	vadd.f32 $1.280000000e+02, v26;
	_ =	sdelay $0x1  }
0x3fd: {  	v29 =	vtrunc.f32 v29  }
0x3fe: {  	v29 =	vcvt.f32.s32 v29  }
0x3ff: {  	vm0 =	vgt.f32 v25, v24  }
0x400: {  	v23 =	vsel vm0, v27, v23  }
0x401: {  	v23 =	vmul.f32 v23, v21  }
0x402: {  	v22 =	vmul.f32 v28, v22  }
0x403: {  	[tilespmem:s0+$0x4010] =	vst v23  }
0x404: {  	v22 =	vmax.f32 v22, $-1.280000000e+02;
	v23 =	vld.idx.msk [tilespmem:v29+s26+$0x0], $0xffff  }
0x405: {  	v22 =	vmin.f32 v22, $1.280000000e+02;
	v24 =	vld.idx.msk [tilespmem:v29+s28+$0x0], $0xffff  }
0x406: {  	v27 =	vadd.f32 $1.280000000e+02, v22;
	v25 =	vld.idx.msk [tilespmem:v29+s29+$0x0], $0xffff;
	_ =	sdelay $0x1  }
0x407: {  	v27 =	vtrunc.f32 v27  }
0x408: {  	v27 =	vcvt.f32.s32 v27  }
0x409: {  	vm0 =	vgt.f32 v26, v23  }
0x40a: {  	v23 =	vsel vm0, v25, v24  }
0x40b: {  	v23 =	vmul.f32 v23, v21;
	_ =	sdelay $0x1  }
0x40c: {  	[tilespmem:s0+$0x4020] =	vst v23  }
0x40d: {  	v23 =	vld.idx.msk [tilespmem:v27+s26+$0x0], $0xffff  }
0x40e: {  	v24 =	vld.idx.msk [tilespmem:v27+s28+$0x0], $0xffff  }
0x40f: {  	v25 =	vld.idx.msk [tilespmem:v27+s29+$0x0], $0xffff;
	_ =	sdelay $0x3  }
0x410: {  	vm0 =	vgt.f32 v22, v23  }
0x411: {  	v22 =	vsel vm0, v25, v24  }
0x412: {  	v21 =	vmul.f32 v22, v21;
	_ =	sdelay $0x1  }
0x413: {  	s24 =	simm.s32 $0x0;
	[tilespmem:s0+$0x4030] =	vst v21  }
0x414: {  	[hbm4b:s12+s24] =	stream.linear.scatter [tilespmem:s30], [sflag:$0x1], $0x4000, $0x38;
	[tilespmem:$0x8600] =	vst v63  }
0x415: {  	_ =	swait.ge [sflag:s23], $0x4000  }
0x416: {  	[sflag:s23] =	ssyncset.done $0x0  }
0x417: {  	[sflag:s23] =	ssyncadd.s32 $0xFFFFC000  }
0x418: {  	[tilespmem:s24], [sflag:$0x1] =	stream.linear.gather [hbm4b:s13+s24], $0x4000, $0x38;
	[tilespmem:$0x8600] =	vst v63  }
0x419: {  	_ =	swait.ge [sflag:s23], $0x4000  }
0x41a: {  	[sflag:s23] =	ssyncset.done $0x0  }
0x41b: {  	s3 =	simm.s32 $0x0;
	[sflag:s23] =	ssyncadd.s32 $0xFFFFC000  }
0x41c: {  	v24 =	vld [tilespmem:s3+$0x10]  }
0x41d: {  	v25 =	vld [tilespmem:s3+$0x30]  }
0x41e: {  	v21 =	vld [tilespmem:s3+$0x0]  }
0x41f: {  	v26 =	vld [tilespmem:s3+$0x20];
	_ =	sdelay $0x3  }
0x420: {  	v22 =	vand.u32 $0x7FFFFFFF, v25  }
0x421: {  	v23 =	vand.u32 $0x7FFFFFFF, v24;
	v27 =	vand.u32 $0x7FFFFFFF, v21;
	v28 =	vand.u32 $0x7FFFFFFF, v26  }
0x422: {  	v23 =	vmax.f32 v27, v23;
	v22 =	vmax.f32 v28, v22  }
0x423: {  	v22 =	vmax.f32 v23, v22  }
0x424: {  	(xrf0) =	vmax.scan.msk.f32 $0xffff, v22;
	_ =	sdelay $0x1  }
0x425: {  	s0 =	simm.s32 $0x40  }
0x426: {  	v30 =	vld [tilespmem:s0+$0x10]  }
0x427: {  	v31 =	vld [tilespmem:s0+$0x0]  }
0x428: {  	v60 =	vld [tilespmem:s0+$0x20]  }
0x429: {  	v22 =	vld [tilespmem:s0+$0x30];
	v23, _, _ =	vpop (xrf0)  }
0x42a: {  	v23 =	vbroadcast v23, $0xF;
	_ =	sdelay $0x1  }
0x42b: {  	v23 =	vmul.f32 v23, v20  }
0x42c: {  	v29 =	vand.u32 $0x7FFFFFFF, v31;
	v61 =	vand.u32 $0x7FFFFFFF, v60  }
0x42d: {  	v28 =	vand.u32 $0x7FFFFFFF, v30;
	v27 =	vand.u32 $0x7FFFFFFF, v22;
	v23 =	vmax.f32 v23, $9.999999970e-07  }
0x42e: {  	v28 =	vmax.f32 v29, v28;
	v27 =	vmax.f32 v61, v27;
	(erf) = vrcp.f32 v23  }
0x42f: {  	v27 =	vmax.f32 v28, v27  }
0x430: {  	(xrf0) =	vmax.scan.msk.f32 $0xffff, v27;
	_ =	sdelay $0x5  }
0x431: {  	v28, _, _ =	vpop (xrf0)  }
0x432: {  	v27 =	vpop (erf)  }
0x433: {  	v28 =	vbroadcast v28, $0xF;
	v27 =	vmul.f32 $1.280000000e+02, v27;
	_ =	sdelay $0x1  }
0x434: {  	v28 =	vmul.f32 v28, v20;
	v21 =	vmul.f32 v27, v21;
	_ =	sdelay $0x1  }
0x435: {  	v29 =	vmax.f32 v21, $-1.280000000e+02;
	v21 =	vmax.f32 v28, $9.999999970e-07  }
0x436: {  	v62 =	vmin.f32 v29, $1.280000000e+02;
	(erf) = vrcp.f32 v21  }
0x437: {  	v28 =	vadd.f32 $1.280000000e+02, v62;
	_ =	sdelay $0x1  }
0x438: {  	v28 =	vtrunc.f32 v28  }
0x439: {  	v63 =	vcvt.f32.s32 v28;
	_ =	sdelay $0x3  }
0x43a: {  	v24 =	vmul.f32 v27, v24  }
0x43b: {  	v28 =	vpop (erf)  }
0x43c: {  	v24 =	vmax.f32 v24, $-1.280000000e+02;
	v35 =	vld.idx.msk [tilespmem:v63+s26+$0x0], $0xffff;
	v28 =	vmul.f32 $1.280000000e+02, v28  }
0x43d: {  	v26 =	vmul.f32 v27, v26;
	v29 =	vmin.f32 v24, $1.280000000e+02;
	v33 =	vld.idx.msk [tilespmem:v63+s28+$0x0], $0xffff  }
0x43e: {  	v24 =	vmul.f32 v27, v25;
	v25 =	vadd.f32 $1.280000000e+02, v29;
	v36 =	vmul.f32 v28, v31;
	v31 =	vld.idx.msk [tilespmem:v63+s29+$0x0], $0xffff  }
0x43f: {  	v27 =	vmax.f32 v26, $-1.280000000e+02;
	v30 =	vmul.f32 v28, v30  }
0x440: {  	v26 =	vmax.f32 v24, $-1.280000000e+02;
	v24 =	vtrunc.f32 v25;
	v37 =	vmul.f32 v28, v60  }
0x441: {  	v32 =	vcvt.f32.s32 v24;
	v36 =	vmax.f32 v36, $-1.280000000e+02;
	v25 =	vmax.f32 v30, $-1.280000000e+02  }
0x442: {  	s1 =	simm.s32 $0x200;
	v30 =	vmax.f32 v37, $-1.280000000e+02;
	v24 =	vmin.f32 v36, $1.280000000e+02;
	vm0 =	vgt.f32 v62, v35  }
.LBB2_10:
0x443: {  	p0 =	sne.s32 s1, $0xFF00;
	v22 =	vmul.f32 v28, v22;
	v28 =	vsel vm0, v31, v33;
	s24 =	smov.u32 s1;
	s1 =	sadd.s32 $0x100, s1  }
0x444: {  	v28 =	vmul.f32 v28, v23  }
0x445: {  	v31 =	vmax.f32 v22, $-1.280000000e+02  }
0x446: {  	[tilespmem:s3+$0x4000] =	vst v28  }
0x447: {  	v28 =	vld.idx.msk [tilespmem:v32+s28+$0x0], $0xffff  }
0x448: {  	v33 =	vld.idx.msk [tilespmem:v32+s26+$0x0], $0xffff  }
0x449: {  	v34 =	vmin.f32 v27, $1.280000000e+02;
	v27 =	vmov v30;
	v32 =	vld.idx.msk [tilespmem:v32+s29+$0x0], $0xffff  }
0x44a: {  	s24 =	sshra.s32 s24, $0x2;
	v22 =	vadd.f32 $1.280000000e+02, v34;
	_ =	sdelay $0x1  }
0x44b: {  	v35 =	vtrunc.f32 v22;
	v30 =	vld [tilespmem:s24+$0x10]  }
0x44c: {  	v35 =	vcvt.f32.s32 v35;
	v22 =	vld [tilespmem:s24+$0x30]  }
0x44d: {  	vm0 =	vgt.f32 v29, v33;
	v36 =	vld [tilespmem:s24+$0x0]  }
0x44e: {  	v28 =	vsel vm0, v32, v28;
	v37 =	vld [tilespmem:s24+$0x20]  }
0x44f: {  	v28 =	vmul.f32 v28, v23;
	_ =	sdelay $0x1  }
0x450: {  	v29 =	vand.u32 $0x7FFFFFFF, v22;
	[tilespmem:s3+$0x4010] =	vst v28  }
0x451: {  	v28 =	vand.u32 $0x7FFFFFFF, v30;
	v32 =	vld.idx.msk [tilespmem:v35+s26+$0x0], $0xffff  }
0x452: {  	v33 =	vand.u32 $0x7FFFFFFF, v36;
	v38 =	vand.u32 $0x7FFFFFFF, v37;
	v39 =	vld.idx.msk [tilespmem:v35+s28+$0x0], $0xffff  }
0x453: {  	v28 =	vmax.f32 v33, v28;
	v29 =	vmax.f32 v38, v29;
	v33 =	vld.idx.msk [tilespmem:v35+s29+$0x0], $0xffff;
	v35 =	vmin.f32 v26, $1.280000000e+02;
	v26 =	vmovc v31  }
0x454: {  	v28 =	vmax.f32 v28, v29;
	v29 =	vadd.f32 $1.280000000e+02, v35  }
0x455: {  	(xrf0) =	vmax.scan.msk.f32 $0xffff, v28  }
0x456: {  	v28 =	vtrunc.f32 v29  }
0x457: {  	v28 =	vcvt.f32.s32 v28  }
0x458: {  	vm0 =	vgt.f32 v34, v32  }
0x459: {  	v29 =	vsel vm0, v33, v39  }
0x45a: {  	v29 =	vmul.f32 v29, v23  }
0x45b: {  	v31, _, _ =	vpop (xrf0)  }
0x45c: {  	v31 =	vbroadcast v31, $0xF;
	[tilespmem:s3+$0x4020] =	vst v29  }
0x45d: {  	v29 =	vadd.f32 $1.280000000e+02, v24;
	v32 =	vld.idx.msk [tilespmem:v28+s26+$0x0], $0xffff  }
0x45e: {  	v31 =	vmul.f32 v31, v20;
	v33 =	vld.idx.msk [tilespmem:v28+s28+$0x0], $0xffff  }
0x45f: {  	v29 =	vtrunc.f32 v29;
	v28 =	vld.idx.msk [tilespmem:v28+s29+$0x0], $0xffff  }
0x460: {  	v29 =	vcvt.f32.s32 v29;
	v31 =	vmax.f32 v31, $9.999999970e-07  }
0x461: {  	(erf) = vrcp.f32 v31;
	_ =	sdelay $0x2  }
0x462: {  	vm0 =	vgt.f32 v35, v32  }
0x463: {  	v28 =	vsel vm0, v28, v33  }
0x464: {  	v28 =	vmul.f32 v28, v23;
	v23 =	vmov v21;
	v21 =	vmov v31;
	_ =	sdelay $0x1  }
0x465: {  	[tilespmem:s3+$0x4030] =	vst v28;
	s3 =	smov.u32 s0;
	s0 =	smov.u32 s24  }
0x466: {  	v31 =	vld.idx.msk [tilespmem:v29+s29+$0x0], $0xffff  }
0x467: {  	v28 =	vpop (erf);
	v34 =	vld.idx.msk [tilespmem:v29+s26+$0x0], $0xffff  }
0x468: {  	v28 =	vmul.f32 $1.280000000e+02, v28;
	v33 =	vld.idx.msk [tilespmem:v29+s28+$0x0], $0xffff;
	v29 =	vmin.f32 v25, $1.280000000e+02  }
.Ltmp4:
0x469: {  	v25 =	vadd.f32 $1.280000000e+02, v29;
	(pc) =	sbr.rel @p0 .LBB2_10-.Ltmp4, $4  }
0x46a: {  	v32 =	vmul.f32 v28, v36;
	v30 =	vmul.f32 v28, v30  }
0x46b: {  	v35 =	vmul.f32 v28, v37;
	v36 =	vtrunc.f32 v25  }
0x46c: {  	v37 =	vmax.f32 v32, $-1.280000000e+02;
	v25 =	vmax.f32 v30, $-1.280000000e+02;
	v32 =	vcvt.f32.s32 v36  }
0x46d: {  	v30 =	vmax.f32 v35, $-1.280000000e+02;
	vm0 =	vgt.f32 v24, v34;
	v24 =	vmin.f32 v37, $1.280000000e+02  }
0x46e: {  	v31 =	vsel vm0, v31, v33  }
0x46f: {  	v31 =	vmul.f32 v31, v23;
	_ =	sdelay $0x1  }
0x470: {  	[tilespmem:s3+$0x4000] =	vst v31  }
0x471: {  	v31 =	vld.idx.msk [tilespmem:v32+s28+$0x0], $0xffff  }
0x472: {  	v27 =	vmin.f32 v27, $1.280000000e+02;
	v55 =	vld.idx.msk [tilespmem:v32+s26+$0x0], $0xffff  }
0x473: {  	v34 =	vadd.f32 $1.280000000e+02, v27;
	v56 =	vld.idx.msk [tilespmem:v32+s29+$0x0], $0xffff;
	_ =	sdelay $0x1  }
0x474: {  	v34 =	vtrunc.f32 v34  }
0x475: {  	v34 =	vcvt.f32.s32 v34  }
0x476: {  	vm0 =	vgt.f32 v29, v55  }
0x477: {  	v29 =	vsel vm0, v56, v31  }
0x478: {  	v29 =	vmul.f32 v29, v23;
	_ =	sdelay $0x1  }
0x479: {  	[tilespmem:s3+$0x4010] =	vst v29  }
0x47a: {  	v29 =	vld.idx.msk [tilespmem:v34+s26+$0x0], $0xffff  }
0x47b: {  	v26 =	vmin.f32 v26, $1.280000000e+02;
	v31 =	vld.idx.msk [tilespmem:v34+s28+$0x0], $0xffff  }
0x47c: {  	v58 =	vadd.f32 $1.280000000e+02, v26;
	v57 =	vld.idx.msk [tilespmem:v34+s29+$0x0], $0xffff;
	_ =	sdelay $0x1  }
0x47d: {  	v33 =	vtrunc.f32 v58  }
0x47e: {  	v33 =	vcvt.f32.s32 v33  }
0x47f: {  	vm0 =	vgt.f32 v27, v29  }
0x480: {  	v27 =	vsel vm0, v57, v31  }
0x481: {  	v27 =	vmul.f32 v27, v23;
	_ =	sdelay $0x1  }
0x482: {  	[tilespmem:s3+$0x4020] =	vst v27  }
0x483: {  	v27 =	vld.idx.msk [tilespmem:v33+s26+$0x0], $0xffff  }
0x484: {  	v29 =	vld.idx.msk [tilespmem:v33+s28+$0x0], $0xffff  }
0x485: {  	v31 =	vadd.f32 $1.280000000e+02, v24;
	v59 =	vld.idx.msk [tilespmem:v33+s29+$0x0], $0xffff;
	_ =	sdelay $0x1  }
0x486: {  	v31 =	vtrunc.f32 v31  }
0x487: {  	v31 =	vcvt.f32.s32 v31  }
0x488: {  	vm0 =	vgt.f32 v26, v27  }
0x489: {  	v26 =	vsel vm0, v59, v29  }
0x48a: {  	v23 =	vmul.f32 v26, v23;
	_ =	sdelay $0x1  }
0x48b: {  	[tilespmem:s3+$0x4030] =	vst v23  }
0x48c: {  	v23 =	vld.idx.msk [tilespmem:v31+s29+$0x0], $0xffff  }
0x48d: {  	v25 =	vmin.f32 v25, $1.280000000e+02;
	v26 =	vld.idx.msk [tilespmem:v31+s26+$0x0], $0xffff  }
0x48e: {  	v29 =	vadd.f32 $1.280000000e+02, v25;
	v27 =	vld.idx.msk [tilespmem:v31+s28+$0x0], $0xffff;
	_ =	sdelay $0x1  }
0x48f: {  	v29 =	vtrunc.f32 v29  }
0x490: {  	v29 =	vcvt.f32.s32 v29  }
0x491: {  	vm0 =	vgt.f32 v24, v26  }
0x492: {  	v23 =	vsel vm0, v23, v27  }
0x493: {  	v23 =	vmul.f32 v23, v21;
	_ =	sdelay $0x1  }
0x494: {  	[tilespmem:s0+$0x4000] =	vst v23  }
0x495: {  	v23 =	vld.idx.msk [tilespmem:v29+s28+$0x0], $0xffff  }
0x496: {  	v26 =	vmin.f32 v30, $1.280000000e+02;
	v24 =	vld.idx.msk [tilespmem:v29+s26+$0x0], $0xffff  }
0x497: {  	v27 =	vld.idx.msk [tilespmem:v29+s29+$0x0], $0xffff;
	v29 =	vadd.f32 $1.280000000e+02, v26;
	_ =	sdelay $0x1  }
0x498: {  	v29 =	vtrunc.f32 v29  }
0x499: {  	v29 =	vcvt.f32.s32 v29  }
0x49a: {  	vm0 =	vgt.f32 v25, v24  }
0x49b: {  	v23 =	vsel vm0, v27, v23  }
0x49c: {  	v23 =	vmul.f32 v23, v21  }
0x49d: {  	v22 =	vmul.f32 v28, v22  }
0x49e: {  	[tilespmem:s0+$0x4010] =	vst v23  }
0x49f: {  	v22 =	vmax.f32 v22, $-1.280000000e+02;
	v23 =	vld.idx.msk [tilespmem:v29+s26+$0x0], $0xffff  }
0x4a0: {  	v22 =	vmin.f32 v22, $1.280000000e+02;
	v24 =	vld.idx.msk [tilespmem:v29+s28+$0x0], $0xffff  }
0x4a1: {  	v27 =	vadd.f32 $1.280000000e+02, v22;
	v25 =	vld.idx.msk [tilespmem:v29+s29+$0x0], $0xffff;
	_ =	sdelay $0x1  }
0x4a2: {  	v27 =	vtrunc.f32 v27  }
0x4a3: {  	v27 =	vcvt.f32.s32 v27  }
0x4a4: {  	vm0 =	vgt.f32 v26, v23  }
0x4a5: {  	v23 =	vsel vm0, v25, v24  }
0x4a6: {  	v23 =	vmul.f32 v23, v21;
	_ =	sdelay $0x1  }
0x4a7: {  	[tilespmem:s0+$0x4020] =	vst v23  }
0x4a8: {  	v23 =	vld.idx.msk [tilespmem:v27+s26+$0x0], $0xffff  }
0x4a9: {  	v24 =	vld.idx.msk [tilespmem:v27+s28+$0x0], $0xffff  }
0x4aa: {  	v25 =	vld.idx.msk [tilespmem:v27+s29+$0x0], $0xffff;
	_ =	sdelay $0x3  }
0x4ab: {  	vm0 =	vgt.f32 v22, v23  }
0x4ac: {  	v22 =	vsel vm0, v25, v24  }
0x4ad: {  	v21 =	vmul.f32 v22, v21;
	_ =	sdelay $0x1  }
0x4ae: {  	s24 =	simm.s32 $0x0;
	[tilespmem:s0+$0x4030] =	vst v21  }
0x4af: {  	[hbm4b:s14+s24] =	stream.linear.scatter [tilespmem:s30], [sflag:$0x1], $0x4000, $0x38;
	[tilespmem:$0x8600] =	vst v63  }
0x4b0: {  	_ =	swait.ge [sflag:s23], $0x4000  }
0x4b1: {  	[sflag:s23] =	ssyncset.done $0x0  }
0x4b2: {  	[sflag:s23] =	ssyncadd.s32 $0xFFFFC000  }
0x4b3: {  	[tilespmem:s24], [sflag:$0x1] =	stream.linear.gather [hbm4b:s15+s24], $0x4000, $0x38;
	[tilespmem:$0x8600] =	vst v63  }
0x4b4: {  	_ =	swait.ge [sflag:s23], $0x4000  }
0x4b5: {  	[sflag:s23] =	ssyncset.done $0x0  }
0x4b6: {  	s3 =	simm.s32 $0x0;
	[sflag:s23] =	ssyncadd.s32 $0xFFFFC000  }
0x4b7: {  	v24 =	vld [tilespmem:s3+$0x10]  }
0x4b8: {  	v25 =	vld [tilespmem:s3+$0x30]  }
0x4b9: {  	v21 =	vld [tilespmem:s3+$0x0]  }
0x4ba: {  	v26 =	vld [tilespmem:s3+$0x20];
	_ =	sdelay $0x3  }
0x4bb: {  	v22 =	vand.u32 $0x7FFFFFFF, v25  }
0x4bc: {  	v23 =	vand.u32 $0x7FFFFFFF, v24;
	v27 =	vand.u32 $0x7FFFFFFF, v21;
	v28 =	vand.u32 $0x7FFFFFFF, v26  }
0x4bd: {  	v23 =	vmax.f32 v27, v23;
	v22 =	vmax.f32 v28, v22  }
0x4be: {  	v22 =	vmax.f32 v23, v22  }
0x4bf: {  	(xrf0) =	vmax.scan.msk.f32 $0xffff, v22;
	_ =	sdelay $0x1  }
0x4c0: {  	s0 =	simm.s32 $0x40  }
0x4c1: {  	v30 =	vld [tilespmem:s0+$0x10]  }
0x4c2: {  	v31 =	vld [tilespmem:s0+$0x0]  }
0x4c3: {  	v60 =	vld [tilespmem:s0+$0x20]  }
0x4c4: {  	v22 =	vld [tilespmem:s0+$0x30];
	v23, _, _ =	vpop (xrf0)  }
0x4c5: {  	v23 =	vbroadcast v23, $0xF;
	_ =	sdelay $0x1  }
0x4c6: {  	v23 =	vmul.f32 v23, v20  }
0x4c7: {  	v29 =	vand.u32 $0x7FFFFFFF, v31;
	v61 =	vand.u32 $0x7FFFFFFF, v60  }
0x4c8: {  	v28 =	vand.u32 $0x7FFFFFFF, v30;
	v27 =	vand.u32 $0x7FFFFFFF, v22;
	v23 =	vmax.f32 v23, $9.999999970e-07  }
0x4c9: {  	v28 =	vmax.f32 v29, v28;
	v27 =	vmax.f32 v61, v27;
	(erf) = vrcp.f32 v23  }
0x4ca: {  	v27 =	vmax.f32 v28, v27  }
0x4cb: {  	(xrf0) =	vmax.scan.msk.f32 $0xffff, v27;
	_ =	sdelay $0x5  }
0x4cc: {  	v28, _, _ =	vpop (xrf0)  }
0x4cd: {  	v27 =	vpop (erf)  }
0x4ce: {  	v28 =	vbroadcast v28, $0xF;
	v27 =	vmul.f32 $1.280000000e+02, v27;
	_ =	sdelay $0x1  }
0x4cf: {  	v28 =	vmul.f32 v28, v20;
	v21 =	vmul.f32 v27, v21;
	_ =	sdelay $0x1  }
0x4d0: {  	v29 =	vmax.f32 v21, $-1.280000000e+02;
	v21 =	vmax.f32 v28, $9.999999970e-07  }
0x4d1: {  	v62 =	vmin.f32 v29, $1.280000000e+02;
	(erf) = vrcp.f32 v21  }
0x4d2: {  	v28 =	vadd.f32 $1.280000000e+02, v62;
	_ =	sdelay $0x1  }
0x4d3: {  	v28 =	vtrunc.f32 v28  }
0x4d4: {  	v63 =	vcvt.f32.s32 v28;
	_ =	sdelay $0x3  }
0x4d5: {  	v24 =	vmul.f32 v27, v24  }
0x4d6: {  	v28 =	vpop (erf)  }
0x4d7: {  	v24 =	vmax.f32 v24, $-1.280000000e+02;
	v35 =	vld.idx.msk [tilespmem:v63+s26+$0x0], $0xffff;
	v28 =	vmul.f32 $1.280000000e+02, v28  }
0x4d8: {  	v26 =	vmul.f32 v27, v26;
	v29 =	vmin.f32 v24, $1.280000000e+02;
	v33 =	vld.idx.msk [tilespmem:v63+s28+$0x0], $0xffff  }
0x4d9: {  	v24 =	vmul.f32 v27, v25;
	v25 =	vadd.f32 $1.280000000e+02, v29;
	v36 =	vmul.f32 v28, v31;
	v31 =	vld.idx.msk [tilespmem:v63+s29+$0x0], $0xffff  }
0x4da: {  	v27 =	vmax.f32 v26, $-1.280000000e+02;
	v30 =	vmul.f32 v28, v30  }
0x4db: {  	v26 =	vmax.f32 v24, $-1.280000000e+02;
	v24 =	vtrunc.f32 v25;
	v37 =	vmul.f32 v28, v60  }
0x4dc: {  	v32 =	vcvt.f32.s32 v24;
	v36 =	vmax.f32 v36, $-1.280000000e+02;
	v25 =	vmax.f32 v30, $-1.280000000e+02  }
0x4dd: {  	s1 =	simm.s32 $0x200;
	v30 =	vmax.f32 v37, $-1.280000000e+02;
	v24 =	vmin.f32 v36, $1.280000000e+02;
	vm0 =	vgt.f32 v62, v35  }
.LBB2_12:
0x4de: {  	p0 =	sne.s32 s1, $0xFF00;
	v22 =	vmul.f32 v28, v22;
	v28 =	vsel vm0, v31, v33;
	s24 =	smov.u32 s1;
	s1 =	sadd.s32 $0x100, s1  }
0x4df: {  	v28 =	vmul.f32 v28, v23  }
0x4e0: {  	v31 =	vmax.f32 v22, $-1.280000000e+02  }
0x4e1: {  	[tilespmem:s3+$0x4000] =	vst v28  }
0x4e2: {  	v28 =	vld.idx.msk [tilespmem:v32+s28+$0x0], $0xffff  }
0x4e3: {  	v33 =	vld.idx.msk [tilespmem:v32+s26+$0x0], $0xffff  }
0x4e4: {  	v34 =	vmin.f32 v27, $1.280000000e+02;
	v27 =	vmov v30;
	v32 =	vld.idx.msk [tilespmem:v32+s29+$0x0], $0xffff  }
0x4e5: {  	s24 =	sshra.s32 s24, $0x2;
	v22 =	vadd.f32 $1.280000000e+02, v34;
	_ =	sdelay $0x1  }
0x4e6: {  	v35 =	vtrunc.f32 v22;
	v30 =	vld [tilespmem:s24+$0x10]  }
0x4e7: {  	v35 =	vcvt.f32.s32 v35;
	v22 =	vld [tilespmem:s24+$0x30]  }
0x4e8: {  	vm0 =	vgt.f32 v29, v33;
	v36 =	vld [tilespmem:s24+$0x0]  }
0x4e9: {  	v28 =	vsel vm0, v32, v28;
	v37 =	vld [tilespmem:s24+$0x20]  }
0x4ea: {  	v28 =	vmul.f32 v28, v23;
	_ =	sdelay $0x1  }
0x4eb: {  	v29 =	vand.u32 $0x7FFFFFFF, v22;
	[tilespmem:s3+$0x4010] =	vst v28  }
0x4ec: {  	v28 =	vand.u32 $0x7FFFFFFF, v30;
	v32 =	vld.idx.msk [tilespmem:v35+s26+$0x0], $0xffff  }
0x4ed: {  	v33 =	vand.u32 $0x7FFFFFFF, v36;
	v38 =	vand.u32 $0x7FFFFFFF, v37;
	v39 =	vld.idx.msk [tilespmem:v35+s28+$0x0], $0xffff  }
0x4ee: {  	v28 =	vmax.f32 v33, v28;
	v29 =	vmax.f32 v38, v29;
	v33 =	vld.idx.msk [tilespmem:v35+s29+$0x0], $0xffff;
	v35 =	vmin.f32 v26, $1.280000000e+02;
	v26 =	vmovc v31  }
0x4ef: {  	v28 =	vmax.f32 v28, v29;
	v29 =	vadd.f32 $1.280000000e+02, v35  }
0x4f0: {  	(xrf0) =	vmax.scan.msk.f32 $0xffff, v28  }
0x4f1: {  	v28 =	vtrunc.f32 v29  }
0x4f2: {  	v28 =	vcvt.f32.s32 v28  }
0x4f3: {  	vm0 =	vgt.f32 v34, v32  }
0x4f4: {  	v29 =	vsel vm0, v33, v39  }
0x4f5: {  	v29 =	vmul.f32 v29, v23  }
0x4f6: {  	v31, _, _ =	vpop (xrf0)  }
0x4f7: {  	v31 =	vbroadcast v31, $0xF;
	[tilespmem:s3+$0x4020] =	vst v29  }
0x4f8: {  	v29 =	vadd.f32 $1.280000000e+02, v24;
	v32 =	vld.idx.msk [tilespmem:v28+s26+$0x0], $0xffff  }
0x4f9: {  	v31 =	vmul.f32 v31, v20;
	v33 =	vld.idx.msk [tilespmem:v28+s28+$0x0], $0xffff  }
0x4fa: {  	v29 =	vtrunc.f32 v29;
	v28 =	vld.idx.msk [tilespmem:v28+s29+$0x0], $0xffff  }
0x4fb: {  	v29 =	vcvt.f32.s32 v29;
	v31 =	vmax.f32 v31, $9.999999970e-07  }
0x4fc: {  	(erf) = vrcp.f32 v31;
	_ =	sdelay $0x2  }
0x4fd: {  	vm0 =	vgt.f32 v35, v32  }
0x4fe: {  	v28 =	vsel vm0, v28, v33  }
0x4ff: {  	v28 =	vmul.f32 v28, v23;
	v23 =	vmov v21;
	v21 =	vmov v31;
	_ =	sdelay $0x1  }
0x500: {  	[tilespmem:s3+$0x4030] =	vst v28;
	s3 =	smov.u32 s0;
	s0 =	smov.u32 s24  }
0x501: {  	v31 =	vld.idx.msk [tilespmem:v29+s29+$0x0], $0xffff  }
0x502: {  	v28 =	vpop (erf);
	v34 =	vld.idx.msk [tilespmem:v29+s26+$0x0], $0xffff  }
0x503: {  	v28 =	vmul.f32 $1.280000000e+02, v28;
	v33 =	vld.idx.msk [tilespmem:v29+s28+$0x0], $0xffff;
	v29 =	vmin.f32 v25, $1.280000000e+02  }
.Ltmp5:
0x504: {  	v25 =	vadd.f32 $1.280000000e+02, v29;
	(pc) =	sbr.rel @p0 .LBB2_12-.Ltmp5, $4  }
0x505: {  	v32 =	vmul.f32 v28, v36;
	v30 =	vmul.f32 v28, v30  }
0x506: {  	v35 =	vmul.f32 v28, v37;
	v36 =	vtrunc.f32 v25  }
0x507: {  	v37 =	vmax.f32 v32, $-1.280000000e+02;
	v25 =	vmax.f32 v30, $-1.280000000e+02;
	v32 =	vcvt.f32.s32 v36  }
0x508: {  	v30 =	vmax.f32 v35, $-1.280000000e+02;
	vm0 =	vgt.f32 v24, v34;
	v24 =	vmin.f32 v37, $1.280000000e+02  }
0x509: {  	v31 =	vsel vm0, v31, v33  }
0x50a: {  	v31 =	vmul.f32 v31, v23;
	_ =	sdelay $0x1  }
0x50b: {  	[tilespmem:s3+$0x4000] =	vst v31  }
0x50c: {  	v31 =	vld.idx.msk [tilespmem:v32+s28+$0x0], $0xffff  }
0x50d: {  	v27 =	vmin.f32 v27, $1.280000000e+02;
	v55 =	vld.idx.msk [tilespmem:v32+s26+$0x0], $0xffff  }
0x50e: {  	v34 =	vadd.f32 $1.280000000e+02, v27;
	v56 =	vld.idx.msk [tilespmem:v32+s29+$0x0], $0xffff;
	_ =	sdelay $0x1  }
0x50f: {  	v34 =	vtrunc.f32 v34  }
0x510: {  	v34 =	vcvt.f32.s32 v34  }
0x511: {  	vm0 =	vgt.f32 v29, v55  }
0x512: {  	v29 =	vsel vm0, v56, v31  }
0x513: {  	v29 =	vmul.f32 v29, v23;
	_ =	sdelay $0x1  }
0x514: {  	[tilespmem:s3+$0x4010] =	vst v29  }
0x515: {  	v29 =	vld.idx.msk [tilespmem:v34+s26+$0x0], $0xffff  }
0x516: {  	v26 =	vmin.f32 v26, $1.280000000e+02;
	v31 =	vld.idx.msk [tilespmem:v34+s28+$0x0], $0xffff  }
0x517: {  	v58 =	vadd.f32 $1.280000000e+02, v26;
	v57 =	vld.idx.msk [tilespmem:v34+s29+$0x0], $0xffff;
	_ =	sdelay $0x1  }
0x518: {  	v33 =	vtrunc.f32 v58  }
0x519: {  	v33 =	vcvt.f32.s32 v33  }
0x51a: {  	vm0 =	vgt.f32 v27, v29  }
0x51b: {  	v27 =	vsel vm0, v57, v31  }
0x51c: {  	v27 =	vmul.f32 v27, v23;
	_ =	sdelay $0x1  }
0x51d: {  	[tilespmem:s3+$0x4020] =	vst v27  }
0x51e: {  	v27 =	vld.idx.msk [tilespmem:v33+s26+$0x0], $0xffff  }
0x51f: {  	v29 =	vld.idx.msk [tilespmem:v33+s28+$0x0], $0xffff  }
0x520: {  	v31 =	vadd.f32 $1.280000000e+02, v24;
	v59 =	vld.idx.msk [tilespmem:v33+s29+$0x0], $0xffff;
	_ =	sdelay $0x1  }
0x521: {  	v31 =	vtrunc.f32 v31  }
0x522: {  	v31 =	vcvt.f32.s32 v31  }
0x523: {  	vm0 =	vgt.f32 v26, v27  }
0x524: {  	v26 =	vsel vm0, v59, v29  }
0x525: {  	v23 =	vmul.f32 v26, v23;
	_ =	sdelay $0x1  }
0x526: {  	[tilespmem:s3+$0x4030] =	vst v23  }
0x527: {  	v23 =	vld.idx.msk [tilespmem:v31+s29+$0x0], $0xffff  }
0x528: {  	v25 =	vmin.f32 v25, $1.280000000e+02;
	v26 =	vld.idx.msk [tilespmem:v31+s26+$0x0], $0xffff  }
0x529: {  	v29 =	vadd.f32 $1.280000000e+02, v25;
	v27 =	vld.idx.msk [tilespmem:v31+s28+$0x0], $0xffff;
	_ =	sdelay $0x1  }
0x52a: {  	v29 =	vtrunc.f32 v29  }
0x52b: {  	v29 =	vcvt.f32.s32 v29  }
0x52c: {  	vm0 =	vgt.f32 v24, v26  }
0x52d: {  	v23 =	vsel vm0, v23, v27  }
0x52e: {  	v23 =	vmul.f32 v23, v21;
	_ =	sdelay $0x1  }
0x52f: {  	[tilespmem:s0+$0x4000] =	vst v23  }
0x530: {  	v23 =	vld.idx.msk [tilespmem:v29+s28+$0x0], $0xffff  }
0x531: {  	v26 =	vmin.f32 v30, $1.280000000e+02;
	v24 =	vld.idx.msk [tilespmem:v29+s26+$0x0], $0xffff  }
0x532: {  	v27 =	vld.idx.msk [tilespmem:v29+s29+$0x0], $0xffff;
	v29 =	vadd.f32 $1.280000000e+02, v26;
	_ =	sdelay $0x1  }
0x533: {  	v29 =	vtrunc.f32 v29  }
0x534: {  	v29 =	vcvt.f32.s32 v29  }
0x535: {  	vm0 =	vgt.f32 v25, v24  }
0x536: {  	v23 =	vsel vm0, v27, v23  }
0x537: {  	v23 =	vmul.f32 v23, v21  }
0x538: {  	v22 =	vmul.f32 v28, v22  }
0x539: {  	[tilespmem:s0+$0x4010] =	vst v23  }
0x53a: {  	v22 =	vmax.f32 v22, $-1.280000000e+02;
	v23 =	vld.idx.msk [tilespmem:v29+s26+$0x0], $0xffff  }
0x53b: {  	v22 =	vmin.f32 v22, $1.280000000e+02;
	v24 =	vld.idx.msk [tilespmem:v29+s28+$0x0], $0xffff  }
0x53c: {  	v27 =	vadd.f32 $1.280000000e+02, v22;
	v25 =	vld.idx.msk [tilespmem:v29+s29+$0x0], $0xffff;
	_ =	sdelay $0x1  }
0x53d: {  	v27 =	vtrunc.f32 v27  }
0x53e: {  	v27 =	vcvt.f32.s32 v27  }
0x53f: {  	vm0 =	vgt.f32 v26, v23  }
0x540: {  	v23 =	vsel vm0, v25, v24  }
0x541: {  	v23 =	vmul.f32 v23, v21;
	_ =	sdelay $0x1  }
0x542: {  	[tilespmem:s0+$0x4020] =	vst v23  }
0x543: {  	v23 =	vld.idx.msk [tilespmem:v27+s26+$0x0], $0xffff  }
0x544: {  	v24 =	vld.idx.msk [tilespmem:v27+s28+$0x0], $0xffff  }
0x545: {  	v25 =	vld.idx.msk [tilespmem:v27+s29+$0x0], $0xffff;
	_ =	sdelay $0x3  }
0x546: {  	vm0 =	vgt.f32 v22, v23  }
0x547: {  	v22 =	vsel vm0, v25, v24  }
0x548: {  	v21 =	vmul.f32 v22, v21;
	_ =	sdelay $0x1  }
0x549: {  	s24 =	simm.s32 $0x0;
	[tilespmem:s0+$0x4030] =	vst v21  }
0x54a: {  	[hbm4b:s16+s24] =	stream.linear.scatter [tilespmem:s30], [sflag:$0x1], $0x4000, $0x38;
	[tilespmem:$0x8600] =	vst v63  }
0x54b: {  	_ =	swait.ge [sflag:s23], $0x4000  }
0x54c: {  	[sflag:s23] =	ssyncset.done $0x0  }
0x54d: {  	[sflag:s23] =	ssyncadd.s32 $0xFFFFC000  }
0x54e: {  	[tilespmem:s24], [sflag:$0x1] =	stream.linear.gather [hbm4b:s17+s24], $0x4000, $0x38;
	[tilespmem:$0x8600] =	vst v63  }
0x54f: {  	_ =	swait.ge [sflag:s23], $0x4000  }
0x550: {  	[sflag:s23] =	ssyncset.done $0x0  }
0x551: {  	s3 =	simm.s32 $0x0;
	[sflag:s23] =	ssyncadd.s32 $0xFFFFC000  }
0x552: {  	v24 =	vld [tilespmem:s3+$0x10]  }
0x553: {  	v25 =	vld [tilespmem:s3+$0x30]  }
0x554: {  	v21 =	vld [tilespmem:s3+$0x0]  }
0x555: {  	v26 =	vld [tilespmem:s3+$0x20];
	_ =	sdelay $0x3  }
0x556: {  	v22 =	vand.u32 $0x7FFFFFFF, v25  }
0x557: {  	v23 =	vand.u32 $0x7FFFFFFF, v24;
	v27 =	vand.u32 $0x7FFFFFFF, v21;
	v28 =	vand.u32 $0x7FFFFFFF, v26  }
0x558: {  	v23 =	vmax.f32 v27, v23;
	v22 =	vmax.f32 v28, v22  }
0x559: {  	v22 =	vmax.f32 v23, v22  }
0x55a: {  	(xrf0) =	vmax.scan.msk.f32 $0xffff, v22;
	_ =	sdelay $0x1  }
0x55b: {  	s0 =	simm.s32 $0x40  }
0x55c: {  	v30 =	vld [tilespmem:s0+$0x10]  }
0x55d: {  	v31 =	vld [tilespmem:s0+$0x0]  }
0x55e: {  	v60 =	vld [tilespmem:s0+$0x20]  }
0x55f: {  	v22 =	vld [tilespmem:s0+$0x30];
	v23, _, _ =	vpop (xrf0)  }
0x560: {  	v23 =	vbroadcast v23, $0xF;
	_ =	sdelay $0x1  }
0x561: {  	v23 =	vmul.f32 v23, v20  }
0x562: {  	v29 =	vand.u32 $0x7FFFFFFF, v31;
	v61 =	vand.u32 $0x7FFFFFFF, v60  }
0x563: {  	v28 =	vand.u32 $0x7FFFFFFF, v30;
	v27 =	vand.u32 $0x7FFFFFFF, v22;
	v23 =	vmax.f32 v23, $9.999999970e-07  }
0x564: {  	v28 =	vmax.f32 v29, v28;
	v27 =	vmax.f32 v61, v27;
	(erf) = vrcp.f32 v23  }
0x565: {  	v27 =	vmax.f32 v28, v27  }
0x566: {  	(xrf0) =	vmax.scan.msk.f32 $0xffff, v27;
	_ =	sdelay $0x5  }
0x567: {  	v28, _, _ =	vpop (xrf0)  }
0x568: {  	v27 =	vpop (erf)  }
0x569: {  	v28 =	vbroadcast v28, $0xF;
	v27 =	vmul.f32 $1.280000000e+02, v27;
	_ =	sdelay $0x1  }
0x56a: {  	v28 =	vmul.f32 v28, v20;
	v21 =	vmul.f32 v27, v21;
	_ =	sdelay $0x1  }
0x56b: {  	v29 =	vmax.f32 v21, $-1.280000000e+02;
	v21 =	vmax.f32 v28, $9.999999970e-07  }
0x56c: {  	v62 =	vmin.f32 v29, $1.280000000e+02;
	(erf) = vrcp.f32 v21  }
0x56d: {  	v28 =	vadd.f32 $1.280000000e+02, v62;
	_ =	sdelay $0x1  }
0x56e: {  	v28 =	vtrunc.f32 v28  }
0x56f: {  	v63 =	vcvt.f32.s32 v28;
	_ =	sdelay $0x3  }
0x570: {  	v24 =	vmul.f32 v27, v24  }
0x571: {  	v28 =	vpop (erf)  }
0x572: {  	v24 =	vmax.f32 v24, $-1.280000000e+02;
	v35 =	vld.idx.msk [tilespmem:v63+s26+$0x0], $0xffff;
	v28 =	vmul.f32 $1.280000000e+02, v28  }
0x573: {  	v26 =	vmul.f32 v27, v26;
	v29 =	vmin.f32 v24, $1.280000000e+02;
	v33 =	vld.idx.msk [tilespmem:v63+s28+$0x0], $0xffff  }
0x574: {  	v24 =	vmul.f32 v27, v25;
	v25 =	vadd.f32 $1.280000000e+02, v29;
	v36 =	vmul.f32 v28, v31;
	v31 =	vld.idx.msk [tilespmem:v63+s29+$0x0], $0xffff  }
0x575: {  	v27 =	vmax.f32 v26, $-1.280000000e+02;
	v30 =	vmul.f32 v28, v30  }
0x576: {  	v26 =	vmax.f32 v24, $-1.280000000e+02;
	v24 =	vtrunc.f32 v25;
	v37 =	vmul.f32 v28, v60  }
0x577: {  	v32 =	vcvt.f32.s32 v24;
	v36 =	vmax.f32 v36, $-1.280000000e+02;
	v25 =	vmax.f32 v30, $-1.280000000e+02  }
0x578: {  	s1 =	simm.s32 $0x200;
	v30 =	vmax.f32 v37, $-1.280000000e+02;
	v24 =	vmin.f32 v36, $1.280000000e+02;
	vm0 =	vgt.f32 v62, v35  }
.LBB2_14:
0x579: {  	p0 =	sne.s32 s1, $0xFF00;
	v22 =	vmul.f32 v28, v22;
	v28 =	vsel vm0, v31, v33;
	s24 =	smov.u32 s1;
	s1 =	sadd.s32 $0x100, s1  }
0x57a: {  	v28 =	vmul.f32 v28, v23  }
0x57b: {  	v31 =	vmax.f32 v22, $-1.280000000e+02  }
0x57c: {  	[tilespmem:s3+$0x4000] =	vst v28  }
0x57d: {  	v28 =	vld.idx.msk [tilespmem:v32+s28+$0x0], $0xffff  }
0x57e: {  	v33 =	vld.idx.msk [tilespmem:v32+s26+$0x0], $0xffff  }
0x57f: {  	v34 =	vmin.f32 v27, $1.280000000e+02;
	v27 =	vmov v30;
	v32 =	vld.idx.msk [tilespmem:v32+s29+$0x0], $0xffff  }
0x580: {  	s24 =	sshra.s32 s24, $0x2;
	v22 =	vadd.f32 $1.280000000e+02, v34;
	_ =	sdelay $0x1  }
0x581: {  	v35 =	vtrunc.f32 v22;
	v30 =	vld [tilespmem:s24+$0x10]  }
0x582: {  	v35 =	vcvt.f32.s32 v35;
	v22 =	vld [tilespmem:s24+$0x30]  }
0x583: {  	vm0 =	vgt.f32 v29, v33;
	v36 =	vld [tilespmem:s24+$0x0]  }
0x584: {  	v28 =	vsel vm0, v32, v28;
	v37 =	vld [tilespmem:s24+$0x20]  }
0x585: {  	v28 =	vmul.f32 v28, v23;
	_ =	sdelay $0x1  }
0x586: {  	v29 =	vand.u32 $0x7FFFFFFF, v22;
	[tilespmem:s3+$0x4010] =	vst v28  }
0x587: {  	v28 =	vand.u32 $0x7FFFFFFF, v30;
	v32 =	vld.idx.msk [tilespmem:v35+s26+$0x0], $0xffff  }
0x588: {  	v33 =	vand.u32 $0x7FFFFFFF, v36;
	v38 =	vand.u32 $0x7FFFFFFF, v37;
	v39 =	vld.idx.msk [tilespmem:v35+s28+$0x0], $0xffff  }
0x589: {  	v28 =	vmax.f32 v33, v28;
	v29 =	vmax.f32 v38, v29;
	v33 =	vld.idx.msk [tilespmem:v35+s29+$0x0], $0xffff;
	v35 =	vmin.f32 v26, $1.280000000e+02;
	v26 =	vmovc v31  }
0x58a: {  	v28 =	vmax.f32 v28, v29;
	v29 =	vadd.f32 $1.280000000e+02, v35  }
0x58b: {  	(xrf0) =	vmax.scan.msk.f32 $0xffff, v28  }
0x58c: {  	v28 =	vtrunc.f32 v29  }
0x58d: {  	v28 =	vcvt.f32.s32 v28  }
0x58e: {  	vm0 =	vgt.f32 v34, v32  }
0x58f: {  	v29 =	vsel vm0, v33, v39  }
0x590: {  	v29 =	vmul.f32 v29, v23  }
0x591: {  	v31, _, _ =	vpop (xrf0)  }
0x592: {  	v31 =	vbroadcast v31, $0xF;
	[tilespmem:s3+$0x4020] =	vst v29  }
0x593: {  	v29 =	vadd.f32 $1.280000000e+02, v24;
	v32 =	vld.idx.msk [tilespmem:v28+s26+$0x0], $0xffff  }
0x594: {  	v31 =	vmul.f32 v31, v20;
	v33 =	vld.idx.msk [tilespmem:v28+s28+$0x0], $0xffff  }
0x595: {  	v29 =	vtrunc.f32 v29;
	v28 =	vld.idx.msk [tilespmem:v28+s29+$0x0], $0xffff  }
0x596: {  	v29 =	vcvt.f32.s32 v29;
	v31 =	vmax.f32 v31, $9.999999970e-07  }
0x597: {  	(erf) = vrcp.f32 v31;
	_ =	sdelay $0x2  }
0x598: {  	vm0 =	vgt.f32 v35, v32  }
0x599: {  	v28 =	vsel vm0, v28, v33  }
0x59a: {  	v28 =	vmul.f32 v28, v23;
	v23 =	vmov v21;
	v21 =	vmov v31;
	_ =	sdelay $0x1  }
0x59b: {  	[tilespmem:s3+$0x4030] =	vst v28;
	s3 =	smov.u32 s0;
	s0 =	smov.u32 s24  }
0x59c: {  	v31 =	vld.idx.msk [tilespmem:v29+s29+$0x0], $0xffff  }
0x59d: {  	v28 =	vpop (erf);
	v34 =	vld.idx.msk [tilespmem:v29+s26+$0x0], $0xffff  }
0x59e: {  	v28 =	vmul.f32 $1.280000000e+02, v28;
	v33 =	vld.idx.msk [tilespmem:v29+s28+$0x0], $0xffff;
	v29 =	vmin.f32 v25, $1.280000000e+02  }
.Ltmp6:
0x59f: {  	v25 =	vadd.f32 $1.280000000e+02, v29;
	(pc) =	sbr.rel @p0 .LBB2_14-.Ltmp6, $4  }
0x5a0: {  	v32 =	vmul.f32 v28, v36;
	v30 =	vmul.f32 v28, v30  }
0x5a1: {  	v35 =	vmul.f32 v28, v37;
	v36 =	vtrunc.f32 v25  }
0x5a2: {  	v37 =	vmax.f32 v32, $-1.280000000e+02;
	v25 =	vmax.f32 v30, $-1.280000000e+02;
	v32 =	vcvt.f32.s32 v36  }
0x5a3: {  	v30 =	vmax.f32 v35, $-1.280000000e+02;
	vm0 =	vgt.f32 v24, v34;
	v24 =	vmin.f32 v37, $1.280000000e+02  }
0x5a4: {  	v31 =	vsel vm0, v31, v33  }
0x5a5: {  	v31 =	vmul.f32 v31, v23;
	_ =	sdelay $0x1  }
0x5a6: {  	[tilespmem:s3+$0x4000] =	vst v31  }
0x5a7: {  	v31 =	vld.idx.msk [tilespmem:v32+s28+$0x0], $0xffff  }
0x5a8: {  	v27 =	vmin.f32 v27, $1.280000000e+02;
	v55 =	vld.idx.msk [tilespmem:v32+s26+$0x0], $0xffff  }
0x5a9: {  	v34 =	vadd.f32 $1.280000000e+02, v27;
	v56 =	vld.idx.msk [tilespmem:v32+s29+$0x0], $0xffff;
	_ =	sdelay $0x1  }
0x5aa: {  	v34 =	vtrunc.f32 v34  }
0x5ab: {  	v34 =	vcvt.f32.s32 v34  }
0x5ac: {  	vm0 =	vgt.f32 v29, v55  }
0x5ad: {  	v29 =	vsel vm0, v56, v31  }
0x5ae: {  	v29 =	vmul.f32 v29, v23;
	_ =	sdelay $0x1  }
0x5af: {  	[tilespmem:s3+$0x4010] =	vst v29  }
0x5b0: {  	v29 =	vld.idx.msk [tilespmem:v34+s26+$0x0], $0xffff  }
0x5b1: {  	v26 =	vmin.f32 v26, $1.280000000e+02;
	v31 =	vld.idx.msk [tilespmem:v34+s28+$0x0], $0xffff  }
0x5b2: {  	v58 =	vadd.f32 $1.280000000e+02, v26;
	v57 =	vld.idx.msk [tilespmem:v34+s29+$0x0], $0xffff;
	_ =	sdelay $0x1  }
0x5b3: {  	v33 =	vtrunc.f32 v58  }
0x5b4: {  	v33 =	vcvt.f32.s32 v33  }
0x5b5: {  	vm0 =	vgt.f32 v27, v29  }
0x5b6: {  	v27 =	vsel vm0, v57, v31  }
0x5b7: {  	v27 =	vmul.f32 v27, v23;
	_ =	sdelay $0x1  }
0x5b8: {  	[tilespmem:s3+$0x4020] =	vst v27  }
0x5b9: {  	v27 =	vld.idx.msk [tilespmem:v33+s26+$0x0], $0xffff  }
0x5ba: {  	v29 =	vld.idx.msk [tilespmem:v33+s28+$0x0], $0xffff  }
0x5bb: {  	v31 =	vadd.f32 $1.280000000e+02, v24;
	v59 =	vld.idx.msk [tilespmem:v33+s29+$0x0], $0xffff;
	_ =	sdelay $0x1  }
0x5bc: {  	v31 =	vtrunc.f32 v31  }
0x5bd: {  	v31 =	vcvt.f32.s32 v31  }
0x5be: {  	vm0 =	vgt.f32 v26, v27  }
0x5bf: {  	v26 =	vsel vm0, v59, v29  }
0x5c0: {  	v23 =	vmul.f32 v26, v23;
	_ =	sdelay $0x1  }
0x5c1: {  	[tilespmem:s3+$0x4030] =	vst v23  }
0x5c2: {  	v23 =	vld.idx.msk [tilespmem:v31+s29+$0x0], $0xffff  }
0x5c3: {  	v25 =	vmin.f32 v25, $1.280000000e+02;
	v26 =	vld.idx.msk [tilespmem:v31+s26+$0x0], $0xffff  }
0x5c4: {  	v29 =	vadd.f32 $1.280000000e+02, v25;
	v27 =	vld.idx.msk [tilespmem:v31+s28+$0x0], $0xffff;
	_ =	sdelay $0x1  }
0x5c5: {  	v29 =	vtrunc.f32 v29  }
0x5c6: {  	v29 =	vcvt.f32.s32 v29  }
0x5c7: {  	vm0 =	vgt.f32 v24, v26  }
0x5c8: {  	v23 =	vsel vm0, v23, v27  }
0x5c9: {  	v23 =	vmul.f32 v23, v21;
	_ =	sdelay $0x1  }
0x5ca: {  	[tilespmem:s0+$0x4000] =	vst v23  }
0x5cb: {  	v23 =	vld.idx.msk [tilespmem:v29+s28+$0x0], $0xffff  }
0x5cc: {  	v26 =	vmin.f32 v30, $1.280000000e+02;
	v24 =	vld.idx.msk [tilespmem:v29+s26+$0x0], $0xffff  }
0x5cd: {  	v27 =	vld.idx.msk [tilespmem:v29+s29+$0x0], $0xffff;
	v29 =	vadd.f32 $1.280000000e+02, v26;
	_ =	sdelay $0x1  }
0x5ce: {  	v29 =	vtrunc.f32 v29  }
0x5cf: {  	v29 =	vcvt.f32.s32 v29  }
0x5d0: {  	vm0 =	vgt.f32 v25, v24  }
0x5d1: {  	v23 =	vsel vm0, v27, v23  }
0x5d2: {  	v23 =	vmul.f32 v23, v21  }
0x5d3: {  	v22 =	vmul.f32 v28, v22  }
0x5d4: {  	[tilespmem:s0+$0x4010] =	vst v23  }
0x5d5: {  	v22 =	vmax.f32 v22, $-1.280000000e+02;
	v23 =	vld.idx.msk [tilespmem:v29+s26+$0x0], $0xffff  }
0x5d6: {  	v22 =	vmin.f32 v22, $1.280000000e+02;
	v24 =	vld.idx.msk [tilespmem:v29+s28+$0x0], $0xffff  }
0x5d7: {  	v27 =	vadd.f32 $1.280000000e+02, v22;
	v25 =	vld.idx.msk [tilespmem:v29+s29+$0x0], $0xffff;
	_ =	sdelay $0x1  }
0x5d8: {  	v27 =	vtrunc.f32 v27  }
0x5d9: {  	v27 =	vcvt.f32.s32 v27  }
0x5da: {  	vm0 =	vgt.f32 v26, v23  }
0x5db: {  	v23 =	vsel vm0, v25, v24  }
0x5dc: {  	v23 =	vmul.f32 v23, v21;
	_ =	sdelay $0x1  }
0x5dd: {  	[tilespmem:s0+$0x4020] =	vst v23  }
0x5de: {  	v23 =	vld.idx.msk [tilespmem:v27+s26+$0x0], $0xffff  }
0x5df: {  	v24 =	vld.idx.msk [tilespmem:v27+s28+$0x0], $0xffff  }
0x5e0: {  	v25 =	vld.idx.msk [tilespmem:v27+s29+$0x0], $0xffff;
	_ =	sdelay $0x3  }
0x5e1: {  	vm0 =	vgt.f32 v22, v23  }
0x5e2: {  	v22 =	vsel vm0, v25, v24  }
0x5e3: {  	v21 =	vmul.f32 v22, v21;
	_ =	sdelay $0x1  }
0x5e4: {  	s24 =	simm.s32 $0x0;
	[tilespmem:s0+$0x4030] =	vst v21  }
0x5e5: {  	[hbm4b:s18+s24] =	stream.linear.scatter [tilespmem:s30], [sflag:$0x1], $0x4000, $0x38;
	[tilespmem:$0x8600] =	vst v63  }
0x5e6: {  	_ =	swait.ge [sflag:s23], $0x4000  }
0x5e7: {  	[sflag:s23] =	ssyncset.done $0x0  }
0x5e8: {  	[sflag:s23] =	ssyncadd.s32 $0xFFFFC000  }
0x5e9: {  	[tilespmem:s24], [sflag:$0x1] =	stream.linear.gather [hbm4b:s19+s24], $0x4000, $0x38;
	[tilespmem:$0x8600] =	vst v63  }
0x5ea: {  	_ =	swait.ge [sflag:s23], $0x4000  }
0x5eb: {  	[sflag:s23] =	ssyncset.done $0x0  }
0x5ec: {  	s3 =	simm.s32 $0x0;
	[sflag:s23] =	ssyncadd.s32 $0xFFFFC000  }
0x5ed: {  	v24 =	vld [tilespmem:s3+$0x10]  }
0x5ee: {  	v25 =	vld [tilespmem:s3+$0x30]  }
0x5ef: {  	v21 =	vld [tilespmem:s3+$0x0]  }
0x5f0: {  	v26 =	vld [tilespmem:s3+$0x20];
	_ =	sdelay $0x3  }
0x5f1: {  	v22 =	vand.u32 $0x7FFFFFFF, v25  }
0x5f2: {  	v23 =	vand.u32 $0x7FFFFFFF, v24;
	v27 =	vand.u32 $0x7FFFFFFF, v21;
	v28 =	vand.u32 $0x7FFFFFFF, v26  }
0x5f3: {  	v23 =	vmax.f32 v27, v23;
	v22 =	vmax.f32 v28, v22  }
0x5f4: {  	v22 =	vmax.f32 v23, v22  }
0x5f5: {  	(xrf0) =	vmax.scan.msk.f32 $0xffff, v22;
	_ =	sdelay $0x1  }
0x5f6: {  	s0 =	simm.s32 $0x40  }
0x5f7: {  	v30 =	vld [tilespmem:s0+$0x10]  }
0x5f8: {  	v31 =	vld [tilespmem:s0+$0x0]  }
0x5f9: {  	v60 =	vld [tilespmem:s0+$0x20]  }
0x5fa: {  	v22 =	vld [tilespmem:s0+$0x30];
	v23, _, _ =	vpop (xrf0)  }
0x5fb: {  	v23 =	vbroadcast v23, $0xF;
	_ =	sdelay $0x1  }
0x5fc: {  	v23 =	vmul.f32 v23, v20  }
0x5fd: {  	v29 =	vand.u32 $0x7FFFFFFF, v31;
	v61 =	vand.u32 $0x7FFFFFFF, v60  }
0x5fe: {  	v28 =	vand.u32 $0x7FFFFFFF, v30;
	v27 =	vand.u32 $0x7FFFFFFF, v22;
	v23 =	vmax.f32 v23, $9.999999970e-07  }
0x5ff: {  	v28 =	vmax.f32 v29, v28;
	v27 =	vmax.f32 v61, v27;
	(erf) = vrcp.f32 v23  }
0x600: {  	v27 =	vmax.f32 v28, v27  }
0x601: {  	(xrf0) =	vmax.scan.msk.f32 $0xffff, v27;
	_ =	sdelay $0x5  }
0x602: {  	v28, _, _ =	vpop (xrf0)  }
0x603: {  	v27 =	vpop (erf)  }
0x604: {  	v28 =	vbroadcast v28, $0xF;
	v27 =	vmul.f32 $1.280000000e+02, v27;
	_ =	sdelay $0x1  }
0x605: {  	v28 =	vmul.f32 v28, v20;
	v21 =	vmul.f32 v27, v21;
	_ =	sdelay $0x1  }
0x606: {  	v29 =	vmax.f32 v21, $-1.280000000e+02;
	v21 =	vmax.f32 v28, $9.999999970e-07  }
0x607: {  	v62 =	vmin.f32 v29, $1.280000000e+02;
	(erf) = vrcp.f32 v21  }
0x608: {  	v28 =	vadd.f32 $1.280000000e+02, v62;
	_ =	sdelay $0x1  }
0x609: {  	v28 =	vtrunc.f32 v28  }
0x60a: {  	v63 =	vcvt.f32.s32 v28;
	_ =	sdelay $0x3  }
0x60b: {  	v24 =	vmul.f32 v27, v24  }
0x60c: {  	v28 =	vpop (erf)  }
0x60d: {  	v24 =	vmax.f32 v24, $-1.280000000e+02;
	v35 =	vld.idx.msk [tilespmem:v63+s26+$0x0], $0xffff;
	v28 =	vmul.f32 $1.280000000e+02, v28  }
0x60e: {  	v26 =	vmul.f32 v27, v26;
	v29 =	vmin.f32 v24, $1.280000000e+02;
	v33 =	vld.idx.msk [tilespmem:v63+s28+$0x0], $0xffff  }
0x60f: {  	v24 =	vmul.f32 v27, v25;
	v25 =	vadd.f32 $1.280000000e+02, v29;
	v36 =	vmul.f32 v28, v31;
	v31 =	vld.idx.msk [tilespmem:v63+s29+$0x0], $0xffff  }
0x610: {  	v27 =	vmax.f32 v26, $-1.280000000e+02;
	v30 =	vmul.f32 v28, v30  }
0x611: {  	v26 =	vmax.f32 v24, $-1.280000000e+02;
	v24 =	vtrunc.f32 v25;
	v37 =	vmul.f32 v28, v60  }
0x612: {  	v32 =	vcvt.f32.s32 v24;
	v36 =	vmax.f32 v36, $-1.280000000e+02;
	v25 =	vmax.f32 v30, $-1.280000000e+02  }
0x613: {  	s1 =	simm.s32 $0x200;
	v30 =	vmax.f32 v37, $-1.280000000e+02;
	v24 =	vmin.f32 v36, $1.280000000e+02;
	vm0 =	vgt.f32 v62, v35  }
.LBB2_16:
0x614: {  	p0 =	sne.s32 s1, $0xFF00;
	v22 =	vmul.f32 v28, v22;
	v28 =	vsel vm0, v31, v33;
	s24 =	smov.u32 s1;
	s1 =	sadd.s32 $0x100, s1  }
0x615: {  	v28 =	vmul.f32 v28, v23  }
0x616: {  	v31 =	vmax.f32 v22, $-1.280000000e+02  }
0x617: {  	[tilespmem:s3+$0x4000] =	vst v28  }
0x618: {  	v28 =	vld.idx.msk [tilespmem:v32+s28+$0x0], $0xffff  }
0x619: {  	v33 =	vld.idx.msk [tilespmem:v32+s26+$0x0], $0xffff  }
0x61a: {  	v34 =	vmin.f32 v27, $1.280000000e+02;
	v27 =	vmov v30;
	v32 =	vld.idx.msk [tilespmem:v32+s29+$0x0], $0xffff  }
0x61b: {  	s24 =	sshra.s32 s24, $0x2;
	v22 =	vadd.f32 $1.280000000e+02, v34;
	_ =	sdelay $0x1  }
0x61c: {  	v35 =	vtrunc.f32 v22;
	v30 =	vld [tilespmem:s24+$0x10]  }
0x61d: {  	v35 =	vcvt.f32.s32 v35;
	v22 =	vld [tilespmem:s24+$0x30]  }
0x61e: {  	vm0 =	vgt.f32 v29, v33;
	v36 =	vld [tilespmem:s24+$0x0]  }
0x61f: {  	v28 =	vsel vm0, v32, v28;
	v37 =	vld [tilespmem:s24+$0x20]  }
0x620: {  	v28 =	vmul.f32 v28, v23;
	_ =	sdelay $0x1  }
0x621: {  	v29 =	vand.u32 $0x7FFFFFFF, v22;
	[tilespmem:s3+$0x4010] =	vst v28  }
0x622: {  	v28 =	vand.u32 $0x7FFFFFFF, v30;
	v32 =	vld.idx.msk [tilespmem:v35+s26+$0x0], $0xffff  }
0x623: {  	v33 =	vand.u32 $0x7FFFFFFF, v36;
	v38 =	vand.u32 $0x7FFFFFFF, v37;
	v39 =	vld.idx.msk [tilespmem:v35+s28+$0x0], $0xffff  }
0x624: {  	v28 =	vmax.f32 v33, v28;
	v29 =	vmax.f32 v38, v29;
	v33 =	vld.idx.msk [tilespmem:v35+s29+$0x0], $0xffff;
	v35 =	vmin.f32 v26, $1.280000000e+02;
	v26 =	vmovc v31  }
0x625: {  	v28 =	vmax.f32 v28, v29;
	v29 =	vadd.f32 $1.280000000e+02, v35  }
0x626: {  	(xrf0) =	vmax.scan.msk.f32 $0xffff, v28  }
0x627: {  	v28 =	vtrunc.f32 v29  }
0x628: {  	v28 =	vcvt.f32.s32 v28  }
0x629: {  	vm0 =	vgt.f32 v34, v32  }
0x62a: {  	v29 =	vsel vm0, v33, v39  }
0x62b: {  	v29 =	vmul.f32 v29, v23  }
0x62c: {  	v31, _, _ =	vpop (xrf0)  }
0x62d: {  	v31 =	vbroadcast v31, $0xF;
	[tilespmem:s3+$0x4020] =	vst v29  }
0x62e: {  	v29 =	vadd.f32 $1.280000000e+02, v24;
	v32 =	vld.idx.msk [tilespmem:v28+s26+$0x0], $0xffff  }
0x62f: {  	v31 =	vmul.f32 v31, v20;
	v33 =	vld.idx.msk [tilespmem:v28+s28+$0x0], $0xffff  }
0x630: {  	v29 =	vtrunc.f32 v29;
	v28 =	vld.idx.msk [tilespmem:v28+s29+$0x0], $0xffff  }
0x631: {  	v29 =	vcvt.f32.s32 v29;
	v31 =	vmax.f32 v31, $9.999999970e-07  }
0x632: {  	(erf) = vrcp.f32 v31;
	_ =	sdelay $0x2  }
0x633: {  	vm0 =	vgt.f32 v35, v32  }
0x634: {  	v28 =	vsel vm0, v28, v33  }
0x635: {  	v28 =	vmul.f32 v28, v23;
	v23 =	vmov v21;
	v21 =	vmov v31;
	_ =	sdelay $0x1  }
0x636: {  	[tilespmem:s3+$0x4030] =	vst v28;
	s3 =	smov.u32 s0;
	s0 =	smov.u32 s24  }
0x637: {  	v31 =	vld.idx.msk [tilespmem:v29+s29+$0x0], $0xffff  }
0x638: {  	v28 =	vpop (erf);
	v34 =	vld.idx.msk [tilespmem:v29+s26+$0x0], $0xffff  }
0x639: {  	v28 =	vmul.f32 $1.280000000e+02, v28;
	v33 =	vld.idx.msk [tilespmem:v29+s28+$0x0], $0xffff;
	v29 =	vmin.f32 v25, $1.280000000e+02  }
.Ltmp7:
0x63a: {  	v25 =	vadd.f32 $1.280000000e+02, v29;
	(pc) =	sbr.rel @p0 .LBB2_16-.Ltmp7, $4  }
0x63b: {  	v32 =	vmul.f32 v28, v36;
	v30 =	vmul.f32 v28, v30  }
0x63c: {  	v35 =	vmul.f32 v28, v37;
	v36 =	vtrunc.f32 v25  }
0x63d: {  	v37 =	vmax.f32 v32, $-1.280000000e+02;
	v25 =	vmax.f32 v30, $-1.280000000e+02;
	v32 =	vcvt.f32.s32 v36  }
0x63e: {  	v30 =	vmax.f32 v35, $-1.280000000e+02;
	vm0 =	vgt.f32 v24, v34;
	v24 =	vmin.f32 v37, $1.280000000e+02  }
0x63f: {  	v20 =	vsel vm0, v31, v33  }
0x640: {  	v20 =	vmul.f32 v20, v23;
	_ =	sdelay $0x1  }
0x641: {  	[tilespmem:s3+$0x4000] =	vst v20  }
0x642: {  	v20 =	vld.idx.msk [tilespmem:v32+s28+$0x0], $0xffff  }
0x643: {  	v27 =	vmin.f32 v27, $1.280000000e+02;
	v42 =	vld.idx.msk [tilespmem:v32+s26+$0x0], $0xffff  }
0x644: {  	v44 =	vadd.f32 $1.280000000e+02, v27;
	v43 =	vld.idx.msk [tilespmem:v32+s29+$0x0], $0xffff;
	_ =	sdelay $0x1  }
0x645: {  	v33 =	vtrunc.f32 v44  }
0x646: {  	v33 =	vcvt.f32.s32 v33  }
0x647: {  	vm9 =	vgt.f32 v29, v42  }
0x648: {  	v20 =	vsel vm9, v43, v20  }
0x649: {  	v20 =	vmul.f32 v20, v23;
	_ =	sdelay $0x1  }
0x64a: {  	[tilespmem:s3+$0x4010] =	vst v20  }
0x64b: {  	v20 =	vld.idx.msk [tilespmem:v33+s26+$0x0], $0xffff  }
0x64c: {  	v26 =	vmin.f32 v26, $1.280000000e+02;
	v45 =	vld.idx.msk [tilespmem:v33+s28+$0x0], $0xffff  }
0x64d: {  	v47 =	vadd.f32 $1.280000000e+02, v26;
	v46 =	vld.idx.msk [tilespmem:v33+s29+$0x0], $0xffff;
	_ =	sdelay $0x1  }
0x64e: {  	v32 =	vtrunc.f32 v47  }
0x64f: {  	v32 =	vcvt.f32.s32 v32  }
0x650: {  	vm10 =	vgt.f32 v27, v20  }
0x651: {  	v20 =	vsel vm10, v46, v45  }
0x652: {  	v20 =	vmul.f32 v20, v23;
	_ =	sdelay $0x1  }
0x653: {  	[tilespmem:s3+$0x4020] =	vst v20  }
0x654: {  	v20 =	vld.idx.msk [tilespmem:v32+s26+$0x0], $0xffff  }
0x655: {  	v48 =	vld.idx.msk [tilespmem:v32+s28+$0x0], $0xffff  }
0x656: {  	v49 =	vadd.f32 $1.280000000e+02, v24;
	v50 =	vld.idx.msk [tilespmem:v32+s29+$0x0], $0xffff;
	_ =	sdelay $0x1  }
0x657: {  	v29 =	vtrunc.f32 v49  }
0x658: {  	v29 =	vcvt.f32.s32 v29  }
0x659: {  	vm11 =	vgt.f32 v26, v20  }
0x65a: {  	v20 =	vsel vm11, v50, v48  }
0x65b: {  	v20 =	vmul.f32 v20, v23;
	_ =	sdelay $0x1  }
0x65c: {  	[tilespmem:s3+$0x4030] =	vst v20  }
0x65d: {  	v20 =	vld.idx.msk [tilespmem:v29+s29+$0x0], $0xffff  }
0x65e: {  	v25 =	vmin.f32 v25, $1.280000000e+02;
	v51 =	vld.idx.msk [tilespmem:v29+s26+$0x0], $0xffff  }
0x65f: {  	v53 =	vadd.f32 $1.280000000e+02, v25;
	v52 =	vld.idx.msk [tilespmem:v29+s28+$0x0], $0xffff;
	_ =	sdelay $0x1  }
0x660: {  	v27 =	vtrunc.f32 v53  }
0x661: {  	v27 =	vcvt.f32.s32 v27  }
0x662: {  	vm12 =	vgt.f32 v24, v51  }
0x663: {  	v20 =	vsel vm12, v20, v52  }
0x664: {  	v20 =	vmul.f32 v20, v21;
	_ =	sdelay $0x1  }
0x665: {  	[tilespmem:s0+$0x4000] =	vst v20  }
0x666: {  	v20 =	vld.idx.msk [tilespmem:v27+s28+$0x0], $0xffff  }
0x667: {  	v55 =	vmin.f32 v30, $1.280000000e+02;
	v54 =	vld.idx.msk [tilespmem:v27+s26+$0x0], $0xffff  }
0x668: {  	v57 =	vadd.f32 $1.280000000e+02, v55;
	v56 =	vld.idx.msk [tilespmem:v27+s29+$0x0], $0xffff;
	_ =	sdelay $0x1  }
0x669: {  	v27 =	vtrunc.f32 v57  }
0x66a: {  	v27 =	vcvt.f32.s32 v27  }
0x66b: {  	vm13 =	vgt.f32 v25, v54  }
0x66c: {  	v20 =	vsel vm13, v56, v20  }
0x66d: {  	v20 =	vmul.f32 v20, v21  }
0x66e: {  	v22 =	vmul.f32 v28, v22  }
0x66f: {  	[tilespmem:s0+$0x4010] =	vst v20  }
0x670: {  	v20 =	vmax.f32 v22, $-1.280000000e+02;
	v58 =	vld.idx.msk [tilespmem:v27+s26+$0x0], $0xffff  }
0x671: {  	v59 =	vld.idx.msk [tilespmem:v27+s28+$0x0], $0xffff;
	v20 =	vmin.f32 v20, $1.280000000e+02  }
0x672: {  	v60 =	vld.idx.msk [tilespmem:v27+s29+$0x0], $0xffff;
	v61 =	vadd.f32 $1.280000000e+02, v20;
	_ =	sdelay $0x1  }
0x673: {  	v26 =	vtrunc.f32 v61  }
0x674: {  	v26 =	vcvt.f32.s32 v26  }
0x675: {  	vm14 =	vgt.f32 v55, v58  }
0x676: {  	v22 =	vsel vm14, v60, v59  }
0x677: {  	v22 =	vmul.f32 v22, v21;
	_ =	sdelay $0x1  }
0x678: {  	[tilespmem:s0+$0x4020] =	vst v22  }
0x679: {  	v22 =	vld.idx.msk [tilespmem:v26+s26+$0x0], $0xffff  }
0x67a: {  	v62 =	vld.idx.msk [tilespmem:v26+s28+$0x0], $0xffff  }
0x67b: {  	v63 =	vld.idx.msk [tilespmem:v26+s29+$0x0], $0xffff;
	_ =	sdelay $0x3  }
0x67c: {  	vm15 =	vgt.f32 v20, v22  }
0x67d: {  	v20 =	vsel vm15, v63, v62  }
0x67e: {  	s31 =	sadd.s32 $0x1, s31;
	v20 =	vmul.f32 v20, v21  }
0x67f: {  	p0 =	sne.s32 s31, s21  }
.Ltmp8:
0x680: {  	[tilespmem:s0+$0x4030] =	vst v20;
	(pc) =	sbr.rel @p0 .LBB2_1-.Ltmp8, $4  }
0x681: {  	[hbm4b:s20+s2] =	stream.linear.scatter [tilespmem:s30], [sflag:$0x1], $0x4000, $0x38;
	[tilespmem:$0x8600] =	vst v63  }
0x682: {  	_ =	swait.ge [sflag:s23], $0x4000  }
0x683: {  	[sflag:s23] =	ssyncset.done $0x0  }
0x684: {  	[sflag:s23] =	ssyncadd.s32 $0xFFFFC000  }
0x685: {  	_ =	sfence.sel $0x180000  }
0x686: {  	[bflag:$0x0] =	sbarrier.arrive $0xFFFF  }
0x687: {  	_ =	strace $0x90000047  }
0x688: {  	s0 =	stileid.u32;
	[bflag:$0x2] =	sbarrier.arrive $0xFFFF  }
0x689: {  	p0 =	sne.s32 s0, $0x0;
	s0 =	rddreg [dreg:$0x3]  }
0x68a: {  	s0 =	sadd.s32 @!p0 $0x100000, s0  }
0x68b: {  	[sflag:s0] =	ssyncadd.tile.s32 @!p0 $0x1;
	_ =	shalt  }
.Lfunc_end2:
_tile_overlayer_lowered:
.L_overlay_start_2:
0x68c: {  	(tag) =	ssettag $0x2  }
0x68d: {  	s0 =	rddreg [dreg:$0x0];
	s2 =	stileid.u32  }
0x68e: {  	s1 =	rddreg [dreg:$0x1];
	p0 =	sne.s32 s2, $0x0  }
0x68f: {  	s3 =	rddreg [dreg:$0x2];
	[bflag:$0x3] =	sbarrier.arrive $0xFFFF;
	s2 =	simm.s32 @!p0 $0x1C01  }
0x690: {  	[timem:s3], [sflag:s2] =	dma.local @!p0 [hbm:s0], s1  }
0x691: {  	s0 =	simm.s32 @!p0 $0x1  }
0x692: {  	_ =	swait.ge @!p0 [sflag:s0], s1  }
0x693: {  	s1 =	ssub.s32 @!p0 $0x0, s1;
	[sflag:s0] =	ssyncset.done @!p0 $0x0  }
0x694: {  	[sflag:s0] =	ssyncadd.s32 @!p0 s1  }
0x695: {  	[bflag:$0x3] =	sbarrier.arrive $0xFFFF  }
0x696: {  	_ =	shalt  }

</sc_bundles>
